<compile_context>
chip_gen: v7x
topology: tpu7x:2x2x1
jax: 0.10.2.dev20260603
libtpu: 0.0.44.dev20260713+nightly
codegen_flags: <defaults>
</compile_context>

<pallas_src>
import jax
import jax.numpy as jnp
from jax import lax
from jax.experimental import pallas as pl
from jax.experimental.pallas import tpu as pltpu
from jax.experimental.pallas import tpu_sc as plsc

B = 16384
NF = 26
NN = 13
NR = NF + NN
K = 64

NC, NS = 2, 16
NW = NC * NS
BPW = B // NW
NBB = BPW // 128
FS = 2
NCATC = NBB * (NF // FS)
NNUMC = NBB * NN
IDX_ROWS = NF * NBB
NF_PW = NN * BPW
ROW_RUN = 8 * 128
OUT_STRIDE = 128 * ROW_RUN


def _transpose_block(rows_v, stage4, frel):
    iota = lax.iota(jnp.int32, 16)
    i_frel = jnp.full((16,), frel, jnp.int32)
    i_k8 = [(kc * 16 + iota) // 8 for kc in range(K // 16)]
    i_k0 = iota % 8

    def body(i, carry):
        b0 = i * 4
        for u in range(4):
            i_b = jnp.full((16,), b0 + u, jnp.int32)
            for kc in range(K // 16):
                v = rows_v[frel * 128 + b0 + u, pl.ds(kc * 16, 16)]
                plsc.store_scatter(stage4, [i_frel, i_k8[kc], i_k0, i_b], v)
        return carry

    lax.fori_loop(0, 32, body, 0)


def _sc_body(idx_hbm, nf_hbm, table_hbm, net_hbm, out_hbm,
             idx_v, nf_v, net_v, rows0, rows1, stage0, stage1,
             gs0, gs1, os0, os1):
    wid = lax.axis_index("s") * NC + lax.axis_index("c")
    pltpu.sync_copy(net_hbm, net_v)
    pltpu.sync_copy(idx_hbm.at[:, pl.ds(wid * BPW, BPW)], idx_v)
    pltpu.sync_copy(nf_hbm.at[:, pl.ds(wid * BPW, BPW)], nf_v)
    rows = (rows0, rows1)
    stages = (stage0, stage1)
    gsems = (gs0, gs1)
    osems = (os0, os1)

    def cat_gathers(t, slot):
        bbl = t // (NF // FS)
        fc = t % (NF // FS)
        return [
            pltpu.make_async_copy(
                table_hbm.at[idx_v.at[fc * FS + frel,
                                      pl.ds(bbl * 128, 128)]],
                rows[slot].at[pl.ds(frel * 128, 128), :],
                gsems[slot],
            )
            for frel in range(FS)
        ]

    def cat_out(f0, bbg, stage4, osem):
        return pltpu.make_async_copy(
            stage4.at[:, :, :, pl.ds(0, 128)],
            out_hbm.at[pl.ds(f0, FS), :, bbg, :, :],
            osem,
        )

    for cp in cat_gathers(0, 0):
        cp.start()
    for cp in cat_gathers(1, 1):
        cp.start()

    def cat_chunk(i, slot):
        t = 2 * i + slot
        bbl = t // (NF // FS)
        fc = t % (NF // FS)
        f0 = fc * FS
        bbg = wid * NBB + bbl
        for cp in cat_gathers(t, slot):
            cp.wait()

        @pl.when(i >= 1)
        def _():
            pltpu.make_async_copy(
                out_hbm.at[pl.ds(0, FS), :, 0, :, :],
                stages[slot].at[:, :, :, pl.ds(0, 128)],
                osems[slot]).wait()

        for frel in range(FS):
            _transpose_block(rows[slot], stages[slot], frel)
        cat_out(f0, bbg, stages[slot], osems[slot]).start()

        @pl.when(t + 2 < NCATC)
        def _():
            for cp in cat_gathers(t + 2, slot):
                cp.start()

    def cat_loop(i, carry):
        cat_chunk(i, 0)
        cat_chunk(i, 1)
        return carry

    lax.fori_loop(0, NCATC // 2, cat_loop, 0)
    for slot in range(2):
        pltpu.make_async_copy(
            out_hbm.at[pl.ds(0, FS), :, 0, :, :],
            stages[slot].at[:, :, :, pl.ds(0, 128)],
            osems[slot]).wait()

    def num_chunk(i, slot):
        t = 2 * i + slot
        bbl = t // NN
        j = t % NN
        bbg = wid * NBB + bbl
        stage2 = stages[slot]

        @pl.when(i >= 1)
        def _():
            pltpu.make_async_copy(
                out_hbm.at[0, :, 0, :, :],
                stage2.at[0, :, :, pl.ds(0, 128)], osems[slot]).wait()

        netws = [net_v[pl.ds(j * K + kc * 16, 16)] for kc in range(K // 16)]

        def nbody(b16, carry):
            nfvec = nf_v[j, pl.ds(bbl * 128 + b16 * 16, 16)]
            for k in range(K):
                stage2[0, k // 8, k % 8, pl.ds(b16 * 16, 16)] = (
                    netws[k // 16][k % 16] * nfvec)
            return carry

        lax.fori_loop(0, 8, nbody, 0)
        pltpu.make_async_copy(
            stage2.at[0, :, :, pl.ds(0, 128)],
            out_hbm.at[NF + j, :, bbg, :, :],
            osems[slot]).start()

    def num_loop(i, carry):
        num_chunk(i, 0)
        num_chunk(i, 1)
        return carry

    lax.fori_loop(0, NNUMC // 2, num_loop, 0)
    for slot in range(2):
        pltpu.make_async_copy(
            out_hbm.at[0, :, 0, :, :],
            stages[slot].at[0, :, :, pl.ds(0, 128)], osems[slot]).wait()


def kernel(cat_features, num_features, cat_table, num_embedding):
    idx = cat_features.astype(jnp.int32).T
    nf = num_features.T
    net = num_embedding.T.reshape(NN * K)
    mesh = plsc.VectorSubcoreMesh(core_axis_name="c", subcore_axis_name="s")
    f = pl.kernel(
        _sc_body,
        out_type=jax.ShapeDtypeStruct((NR, 8, B // 128, 8, 128),
                                      jnp.float32),
        mesh=mesh,
        compiler_params=pltpu.CompilerParams(
            use_tc_tiling_on_sc=False, needs_layout_passes=False),
        scratch_types=[
            pltpu.VMEM((NF, BPW), jnp.int32),
            pltpu.VMEM((NN, BPW), jnp.float32),
            pltpu.VMEM((NN * K,), jnp.float32),
            pltpu.VMEM((FS * 128, K), jnp.float32),
            pltpu.VMEM((FS * 128, K), jnp.float32),
            pltpu.VMEM((FS, 8, 8, 130), jnp.float32),
            pltpu.VMEM((FS, 8, 8, 130), jnp.float32),
            pltpu.SemaphoreType.DMA,
            pltpu.SemaphoreType.DMA,
            pltpu.SemaphoreType.DMA,
            pltpu.SemaphoreType.DMA,
        ],
    )
    out5 = f(idx, nf, cat_table, net)
    return out5.transpose(2, 4, 0, 1, 3).reshape(B, NR, K)

# --- scband reference (transcript-rebuilt; emitter-appended) ---
"""Pipeline reference for scband-feature-embedding-57234734186670 (READ-ONLY COPY).

The authoritative reference and input builder live on the scoring server;
editing this copy changes nothing except your own understanding.
"""

import jax, jax.numpy as jnp
import numpy as np

B = 16384
N_FIELDS = 26
VOCAB = 1000000
K = 64
N_NUM = 13


def setup_inputs(seed: int = 0) -> dict:
    key = jax.random.key(seed)
    k1, k2, k3, k4 = jax.random.split(key, 4)
    cat_features = jax.random.randint(k1, (B, N_FIELDS), 0, VOCAB, dtype=jnp.int64)
    num_features = jax.random.normal(k2, (B, N_NUM), dtype=jnp.float32)
    cat_table = jax.random.normal(k3, (VOCAB, K), dtype=jnp.float32) * 0.02
    # xavier_uniform for (K, N_NUM)
    bound = float(np.sqrt(6.0 / (K + N_NUM)))
    num_embedding = jax.random.uniform(k4, (K, N_NUM), dtype=jnp.float32, minval=-bound, maxval=bound)
    return {
        "cat_features": cat_features,
        "num_features": num_features,
        "cat_table": cat_table,
        "num_embedding": num_embedding,
    }


def reference(cat_features, num_features, cat_table, num_embedding):
    # embedding lookup: [B, N_FIELDS, K]
    embds = jnp.take(cat_table, cat_features, axis=0)
    # einsum 'ik,jk->ikj': [B, N_NUM] x [K, N_NUM] -> [B, N_NUM, K]
    num_embds = jnp.einsum('ik,jk->ikj', num_features, num_embedding)
    out = jnp.concatenate([embds, num_embds], axis=1)  # [B, N_FIELDS + N_NUM, K]
    return out

if __name__ == "__main__":
    import jax
    _d = setup_inputs()
    print(jax.jit(kernel)(*tuple(_d.values())))

</pallas_src>

<mosaic_0001>
#map = affine_map<(d0, d1) -> (0, 0)>
#map1 = affine_map<(d0, d1) -> (0)>
#map2 = affine_map<(d0, d1) -> (0, 0, 0, 0, 0)>
module attributes {stable_mosaic.version = 14 : i64} {
  func.func @_sc_body(%arg0: i32, %arg1: i32, %arg2: memref<26x16384xi32, #tpu.memory_space<hbm>>, %arg3: memref<13x16384xf32, #tpu.memory_space<hbm>>, %arg4: memref<1000000x64xf32, #tpu.memory_space<hbm>>, %arg5: memref<832xf32, #tpu.memory_space<hbm>>, %arg6: memref<39x8x128x8x128xf32, #tpu.memory_space<hbm>>, %arg7: memref<26x512xi32, #tpu.memory_space<vmem>>, %arg8: memref<13x512xf32, #tpu.memory_space<vmem>>, %arg9: memref<832xf32, #tpu.memory_space<vmem>>, %arg10: memref<256x64xf32, #tpu.memory_space<vmem>>, %arg11: memref<256x64xf32, #tpu.memory_space<vmem>>, %arg12: memref<2x8x8x130xf32, #tpu.memory_space<vmem>>, %arg13: memref<2x8x8x130xf32, #tpu.memory_space<vmem>>, %arg14: memref<!tpu.dma_semaphore, #tpu.memory_space<semaphore_mem>>, %arg15: memref<!tpu.dma_semaphore, #tpu.memory_space<semaphore_mem>>, %arg16: memref<!tpu.dma_semaphore, #tpu.memory_space<semaphore_mem>>, %arg17: memref<!tpu.dma_semaphore, #tpu.memory_space<semaphore_mem>>) attributes {dimension_semantics = [#tpu.dimension_semantics<core_parallel>, #tpu.dimension_semantics<subcore_parallel>], iteration_bounds = array<i64: 2, 16>, scalar_prefetch = 0 : i64, scratch_operands = 11 : i64, tpu.core_type = #tpu.core_type<sc_vector_subcore>, window_params = [{transform_indices = #map}, {transform_indices = #map}, {transform_indices = #map}, {transform_indices = #map1}, {transform_indices = #map2}]} {
    %mul3A = arith.constant 2 : i32
    %mul3A_0 = arith.muli %arg1, %mul3A : i32
    %add3A = arith.addi %mul3A_0, %arg0 : i32
    "tpu.region"() ({
      %run_scoped3A = tpu.sem_alloc : memref<!tpu.dma_semaphore, #tpu.memory_space<semaphore_mem>>
      tpu.enqueue_dma source(%arg5 : memref<832xf32, #tpu.memory_space<hbm>>) target(%arg9 : memref<832xf32, #tpu.memory_space<vmem>>) target_semaphore(%run_scoped3A : memref<!tpu.dma_semaphore, #tpu.memory_space<semaphore_mem>>)
      tpu.wait_dma2 semaphore(%run_scoped3A : memref<!tpu.dma_semaphore, #tpu.memory_space<semaphore_mem>>) src(%arg5 : memref<832xf32, #tpu.memory_space<hbm>>) dst(%arg9 : memref<832xf32, #tpu.memory_space<vmem>>)
      tpu.yield
    }) : () -> ()
    %mul3A_1 = arith.constant 512 : i32
    %mul3A_2 = arith.muli %add3A, %mul3A_1 : i32
    "tpu.region"() ({
      %run_scoped3A = tpu.sem_alloc : memref<!tpu.dma_semaphore, #tpu.memory_space<semaphore_mem>>
      %dma_start3A_146 = arith.constant 0 : i32
      %dma_start3A_147 = tpu.memref_slice %arg2[%dma_start3A_146, %mul3A_2] : memref<26x16384xi32, #tpu.memory_space<hbm>> -> memref<26x512xi32, #tpu.memory_space<hbm>>
      %dma_start3A_148 = arith.constant 0 : i32
      %dma_start3A_149 = tpu.memref_slice %arg2[%dma_start3A_148, %mul3A_2] : memref<26x16384xi32, #tpu.memory_space<hbm>> -> memref<26x512xi32, #tpu.memory_space<hbm>>
      tpu.enqueue_dma source(%dma_start3A_149 : memref<26x512xi32, #tpu.memory_space<hbm>>) target(%arg7 : memref<26x512xi32, #tpu.memory_space<vmem>>) target_semaphore(%run_scoped3A : memref<!tpu.dma_semaphore, #tpu.memory_space<semaphore_mem>>)
      %dma_wait3A_150 = arith.constant 0 : i32
      %dma_wait3A_151 = tpu.memref_slice %arg2[%dma_wait3A_150, %mul3A_2] : memref<26x16384xi32, #tpu.memory_space<hbm>> -> memref<26x512xi32, #tpu.memory_space<hbm>>
      %dma_wait3A_152 = arith.constant 0 : i32
      %dma_wait3A_153 = tpu.memref_slice %arg2[%dma_wait3A_152, %mul3A_2] : memref<26x16384xi32, #tpu.memory_space<hbm>> -> memref<26x512xi32, #tpu.memory_space<hbm>>
      tpu.wait_dma2 semaphore(%run_scoped3A : memref<!tpu.dma_semaphore, #tpu.memory_space<semaphore_mem>>) src(%dma_wait3A_153 : memref<26x512xi32, #tpu.memory_space<hbm>>) dst(%arg7 : memref<26x512xi32, #tpu.memory_space<vmem>>)
      tpu.yield
    }) : () -> ()
    %mul3A_3 = arith.constant 512 : i32
    %mul3A_4 = arith.muli %add3A, %mul3A_3 : i32
    "tpu.region"() ({
      %run_scoped3A = tpu.sem_alloc : memref<!tpu.dma_semaphore, #tpu.memory_space<semaphore_mem>>
      %dma_start3A_146 = arith.constant 0 : i32
      %dma_start3A_147 = tpu.memref_slice %arg3[%dma_start3A_146, %mul3A_4] : memref<13x16384xf32, #tpu.memory_space<hbm>> -> memref<13x512xf32, #tpu.memory_space<hbm>>
      %dma_start3A_148 = arith.constant 0 : i32
      %dma_start3A_149 = tpu.memref_slice %arg3[%dma_start3A_148, %mul3A_4] : memref<13x16384xf32, #tpu.memory_space<hbm>> -> memref<13x512xf32, #tpu.memory_space<hbm>>
      tpu.enqueue_dma source(%dma_start3A_149 : memref<13x512xf32, #tpu.memory_space<hbm>>) target(%arg8 : memref<13x512xf32, #tpu.memory_space<vmem>>) target_semaphore(%run_scoped3A : memref<!tpu.dma_semaphore, #tpu.memory_space<semaphore_mem>>)
      %dma_wait3A_150 = arith.constant 0 : i32
      %dma_wait3A_151 = tpu.memref_slice %arg3[%dma_wait3A_150, %mul3A_4] : memref<13x16384xf32, #tpu.memory_space<hbm>> -> memref<13x512xf32, #tpu.memory_space<hbm>>
      %dma_wait3A_152 = arith.constant 0 : i32
      %dma_wait3A_153 = tpu.memref_slice %arg3[%dma_wait3A_152, %mul3A_4] : memref<13x16384xf32, #tpu.memory_space<hbm>> -> memref<13x512xf32, #tpu.memory_space<hbm>>
      tpu.wait_dma2 semaphore(%run_scoped3A : memref<!tpu.dma_semaphore, #tpu.memory_space<semaphore_mem>>) src(%dma_wait3A_153 : memref<13x512xf32, #tpu.memory_space<hbm>>) dst(%arg8 : memref<13x512xf32, #tpu.memory_space<vmem>>)
      tpu.yield
    }) : () -> ()
    %dma_start3A = arith.constant 0 : i32
    %dma_start3A_5 = arith.constant 0 : i32
    %dma_start3A_6 = arith.constant 0 : i32
    %dma_start3A_7 = tpu.memref_slice %arg10[%dma_start3A_5, %dma_start3A_6] : memref<256x64xf32, #tpu.memory_space<vmem>> -> memref<128x64xf32, #tpu.memory_space<vmem>>
    %dma_start3A_8 = arith.constant 0 : i32
    %dma_start3A_9 = tpu.memref_slice %arg7[%dma_start3A, %dma_start3A_8] : memref<26x512xi32, #tpu.memory_space<vmem>> -> memref<1x128xi32, #tpu.memory_space<vmem>>
    %dma_start3A_10 = tpu.memref_squeeze %dma_start3A_9 : memref<1x128xi32, #tpu.memory_space<vmem>> -> memref<128xi32, #tpu.memory_space<vmem>>
    %dma_start3A_11 = arith.constant 0 : i32
    %dma_start3A_12 = arith.constant 0 : i32
    %dma_start3A_13 = tpu.memref_slice %arg4[%dma_start3A_11, %dma_start3A_12] : memref<1000000x64xf32, #tpu.memory_space<hbm>> -> memref<1000000x64xf32, #tpu.memory_space<hbm>>
    tpu.enqueue_indirect_dma source(%dma_start3A_13 : memref<1000000x64xf32, #tpu.memory_space<hbm>>) target(%dma_start3A_7 : memref<128x64xf32, #tpu.memory_space<vmem>>) offsets(%dma_start3A_10 : memref<128xi32, #tpu.memory_space<vmem>>) semaphore(%arg14 : memref<!tpu.dma_semaphore, #tpu.memory_space<semaphore_mem>>)
    %dma_start3A_14 = arith.constant 1 : i32
    %dma_start3A_15 = arith.constant 128 : i32
    %dma_start3A_16 = arith.constant 0 : i32
    %dma_start3A_17 = tpu.memref_slice %arg10[%dma_start3A_15, %dma_start3A_16] : memref<256x64xf32, #tpu.memory_space<vmem>> -> memref<128x64xf32, #tpu.memory_space<vmem>>
    %dma_start3A_18 = arith.constant 0 : i32
    %dma_start3A_19 = tpu.memref_slice %arg7[%dma_start3A_14, %dma_start3A_18] : memref<26x512xi32, #tpu.memory_space<vmem>> -> memref<1x128xi32, #tpu.memory_space<vmem>>
    %dma_start3A_20 = tpu.memref_squeeze %dma_start3A_19 : memref<1x128xi32, #tpu.memory_space<vmem>> -> memref<128xi32, #tpu.memory_space<vmem>>
    %dma_start3A_21 = arith.constant 0 : i32
    %dma_start3A_22 = arith.constant 0 : i32
    %dma_start3A_23 = tpu.memref_slice %arg4[%dma_start3A_21, %dma_start3A_22] : memref<1000000x64xf32, #tpu.memory_space<hbm>> -> memref<1000000x64xf32, #tpu.memory_space<hbm>>
    tpu.enqueue_indirect_dma source(%dma_start3A_23 : memref<1000000x64xf32, #tpu.memory_space<hbm>>) target(%dma_start3A_17 : memref<128x64xf32, #tpu.memory_space<vmem>>) offsets(%dma_start3A_20 : memref<128xi32, #tpu.memory_space<vmem>>) semaphore(%arg14 : memref<!tpu.dma_semaphore, #tpu.memory_space<semaphore_mem>>)
    %dma_start3A_24 = arith.constant 2 : i32
    %dma_start3A_25 = arith.constant 0 : i32
    %dma_start3A_26 = arith.constant 0 : i32
    %dma_start3A_27 = tpu.memref_slice %arg11[%dma_start3A_25, %dma_start3A_26] : memref<256x64xf32, #tpu.memory_space<vmem>> -> memref<128x64xf32, #tpu.memory_space<vmem>>
    %dma_start3A_28 = arith.constant 0 : i32
    %dma_start3A_29 = tpu.memref_slice %arg7[%dma_start3A_24, %dma_start3A_28] : memref<26x512xi32, #tpu.memory_space<vmem>> -> memref<1x128xi32, #tpu.memory_space<vmem>>
    %dma_start3A_30 = tpu.memref_squeeze %dma_start3A_29 : memref<1x128xi32, #tpu.memory_space<vmem>> -> memref<128xi32, #tpu.memory_space<vmem>>
    %dma_start3A_31 = arith.constant 0 : i32
    %dma_start3A_32 = arith.constant 0 : i32
    %dma_start3A_33 = tpu.memref_slice %arg4[%dma_start3A_31, %dma_start3A_32] : memref<1000000x64xf32, #tpu.memory_space<hbm>> -> memref<1000000x64xf32, #tpu.memory_space<hbm>>
    tpu.enqueue_indirect_dma source(%dma_start3A_33 : memref<1000000x64xf32, #tpu.memory_space<hbm>>) target(%dma_start3A_27 : memref<128x64xf32, #tpu.memory_space<vmem>>) offsets(%dma_start3A_30 : memref<128xi32, #tpu.memory_space<vmem>>) semaphore(%arg15 : memref<!tpu.dma_semaphore, #tpu.memory_space<semaphore_mem>>)
    %dma_start3A_34 = arith.constant 3 : i32
    %dma_start3A_35 = arith.constant 128 : i32
    %dma_start3A_36 = arith.constant 0 : i32
    %dma_start3A_37 = tpu.memref_slice %arg11[%dma_start3A_35, %dma_start3A_36] : memref<256x64xf32, #tpu.memory_space<vmem>> -> memref<128x64xf32, #tpu.memory_space<vmem>>
    %dma_start3A_38 = arith.constant 0 : i32
    %dma_start3A_39 = tpu.memref_slice %arg7[%dma_start3A_34, %dma_start3A_38] : memref<26x512xi32, #tpu.memory_space<vmem>> -> memref<1x128xi32, #tpu.memory_space<vmem>>
    %dma_start3A_40 = tpu.memref_squeeze %dma_start3A_39 : memref<1x128xi32, #tpu.memory_space<vmem>> -> memref<128xi32, #tpu.memory_space<vmem>>
    %dma_start3A_41 = arith.constant 0 : i32
    %dma_start3A_42 = arith.constant 0 : i32
    %dma_start3A_43 = tpu.memref_slice %arg4[%dma_start3A_41, %dma_start3A_42] : memref<1000000x64xf32, #tpu.memory_space<hbm>> -> memref<1000000x64xf32, #tpu.memory_space<hbm>>
    tpu.enqueue_indirect_dma source(%dma_start3A_43 : memref<1000000x64xf32, #tpu.memory_space<hbm>>) target(%dma_start3A_37 : memref<128x64xf32, #tpu.memory_space<vmem>>) offsets(%dma_start3A_40 : memref<128xi32, #tpu.memory_space<vmem>>) semaphore(%arg15 : memref<!tpu.dma_semaphore, #tpu.memory_space<semaphore_mem>>)
    %scan3A = arith.constant 0 : i32
    %scan3A_44 = arith.constant 0 : i32
    %scan3A_45 = arith.constant 26 : i32
    %scan3A_46 = arith.addi %scan3A_44, %scan3A_45 : i32
    %scan3A_47 = arith.constant 1 : i32
    scf.for %scan3A_146 = %scan3A_44 to %scan3A_46 step %scan3A_47  : i32 {
      %mul3A_147 = arith.constant 2 : i32
      %mul3A_148 = arith.muli %mul3A_147, %scan3A_146 : i32
      %add3A_149 = arith.constant 0 : i32
      %add3A_150 = arith.addi %mul3A_148, %add3A_149 : i32
      %jit3A = arith.constant 13 : i32
      %div3A = arith.divsi %add3A_150, %jit3A : i32
      %sign3A = arith.constant 0 : i32
      %sign3A_151 = arith.cmpi sgt, %add3A_150, %sign3A : i32
      %sign3A_152 = arith.extui %sign3A_151 : i1 to i32
      %sign3A_153 = arith.constant 0 : i32
      %sign3A_154 = arith.cmpi slt, %add3A_150, %sign3A_153 : i32
      %sign3A_155 = arith.extui %sign3A_154 : i1 to i32
      %sign3A_156 = arith.subi %sign3A_152, %sign3A_155 : i32
      %sign3A_157 = arith.constant 0 : i32
      %sign3A_158 = arith.cmpi sgt, %jit3A, %sign3A_157 : i32
      %sign3A_159 = arith.extui %sign3A_158 : i1 to i32
      %sign3A_160 = arith.constant 0 : i32
      %sign3A_161 = arith.cmpi slt, %jit3A, %sign3A_160 : i32
      %sign3A_162 = arith.extui %sign3A_161 : i1 to i32
      %sign3A_163 = arith.subi %sign3A_159, %sign3A_162 : i32
      %ne3A = arith.cmpi ne, %sign3A_156, %sign3A_163 : i32
      %rem3A = arith.remsi %add3A_150, %jit3A : i32
      %ne3A_164 = arith.constant 0 : i32
      %ne3A_165 = arith.cmpi ne, %rem3A, %ne3A_164 : i32
      %and3A = arith.andi %ne3A, %ne3A_165 : i1
      %sub3A = arith.constant 1 : i32
      %sub3A_166 = arith.subi %div3A, %sub3A : i32
      %select_n3A = arith.select %and3A, %sub3A_166, %div3A : i32
      %jit3A_167 = arith.constant 13 : i32
      %eq3A = arith.constant 0 : i32
      %eq3A_168 = arith.cmpi eq, %jit3A_167, %eq3A : i32
      %jit3A_169 = arith.constant 1 : i32
      %select_n3A_170 = arith.select %eq3A_168, %jit3A_169, %jit3A_167 : i32
      %rem3A_171 = arith.remsi %add3A_150, %select_n3A_170 : i32
      %ne3A_172 = arith.constant 0 : i32
      %ne3A_173 = arith.cmpi ne, %rem3A_171, %ne3A_172 : i32
      %lt3A = arith.constant 0 : i32
      %lt3A_174 = arith.cmpi slt, %rem3A_171, %lt3A : i32
      %lt3A_175 = arith.constant 0 : i32
      %lt3A_176 = arith.cmpi slt, %select_n3A_170, %lt3A_175 : i32
      %ne3A_177 = arith.xori %lt3A_174, %lt3A_176 : i1
      %and3A_178 = arith.andi %ne3A_177, %ne3A_173 : i1
      %add3A_179 = arith.addi %rem3A_171, %select_n3A_170 : i32
      %select_n3A_180 = arith.select %and3A_178, %add3A_179, %rem3A_171 : i32
      %mul3A_181 = arith.constant 2 : i32
      %mul3A_182 = arith.muli %select_n3A_180, %mul3A_181 : i32
      %mul3A_183 = arith.constant 4 : i32
      %mul3A_184 = arith.muli %add3A, %mul3A_183 : i32
      %add3A_185 = arith.addi %mul3A_184, %select_n3A : i32
      %jit3A_186 = arith.constant 13 : i32
      %div3A_187 = arith.divsi %add3A_150, %jit3A_186 : i32
      %sign3A_188 = arith.constant 0 : i32
      %sign3A_189 = arith.cmpi sgt, %add3A_150, %sign3A_188 : i32
      %sign3A_190 = arith.extui %sign3A_189 : i1 to i32
      %sign3A_191 = arith.constant 0 : i32
      %sign3A_192 = arith.cmpi slt, %add3A_150, %sign3A_191 : i32
      %sign3A_193 = arith.extui %sign3A_192 : i1 to i32
      %sign3A_194 = arith.subi %sign3A_190, %sign3A_193 : i32
      %sign3A_195 = arith.constant 0 : i32
      %sign3A_196 = arith.cmpi sgt, %jit3A_186, %sign3A_195 : i32
      %sign3A_197 = arith.extui %sign3A_196 : i1 to i32
      %sign3A_198 = arith.constant 0 : i32
      %sign3A_199 = arith.cmpi slt, %jit3A_186, %sign3A_198 : i32
      %sign3A_200 = arith.extui %sign3A_199 : i1 to i32
      %sign3A_201 = arith.subi %sign3A_197, %sign3A_200 : i32
      %ne3A_202 = arith.cmpi ne, %sign3A_194, %sign3A_201 : i32
      %rem3A_203 = arith.remsi %add3A_150, %jit3A_186 : i32
      %ne3A_204 = arith.constant 0 : i32
      %ne3A_205 = arith.cmpi ne, %rem3A_203, %ne3A_204 : i32
      %and3A_206 = arith.andi %ne3A_202, %ne3A_205 : i1
      %sub3A_207 = arith.constant 1 : i32
      %sub3A_208 = arith.subi %div3A_187, %sub3A_207 : i32
      %select_n3A_209 = arith.select %and3A_206, %sub3A_208, %div3A_187 : i32
      %jit3A_210 = arith.constant 13 : i32
      %eq3A_211 = arith.constant 0 : i32
      %eq3A_212 = arith.cmpi eq, %jit3A_210, %eq3A_211 : i32
      %jit3A_213 = arith.constant 1 : i32
      %select_n3A_214 = arith.select %eq3A_212, %jit3A_213, %jit3A_210 : i32
      %rem3A_215 = arith.remsi %add3A_150, %select_n3A_214 : i32
      %ne3A_216 = arith.constant 0 : i32
      %ne3A_217 = arith.cmpi ne, %rem3A_215, %ne3A_216 : i32
      %lt3A_218 = arith.constant 0 : i32
      %lt3A_219 = arith.cmpi slt, %rem3A_215, %lt3A_218 : i32
      %lt3A_220 = arith.constant 0 : i32
      %lt3A_221 = arith.cmpi slt, %select_n3A_214, %lt3A_220 : i32
      %ne3A_222 = arith.xori %lt3A_219, %lt3A_221 : i1
      %and3A_223 = arith.andi %ne3A_222, %ne3A_217 : i1
      %add3A_224 = arith.addi %rem3A_215, %select_n3A_214 : i32
      %select_n3A_225 = arith.select %and3A_223, %add3A_224, %rem3A_215 : i32
      %mul3A_226 = arith.constant 2 : i32
      %mul3A_227 = arith.muli %select_n3A_225, %mul3A_226 : i32
      %add3A_228 = arith.constant 0 : i32
      %add3A_229 = arith.addi %mul3A_227, %add3A_228 : i32
      %mul3A_230 = arith.constant 128 : i32
      %mul3A_231 = arith.muli %select_n3A_209, %mul3A_230 : i32
      %mul3A_232 = arith.constant 2 : i32
      %mul3A_233 = arith.muli %select_n3A_225, %mul3A_232 : i32
      %add3A_234 = arith.constant 1 : i32
      %add3A_235 = arith.addi %mul3A_233, %add3A_234 : i32
      %mul3A_236 = arith.constant 128 : i32
      %mul3A_237 = arith.muli %select_n3A_209, %mul3A_236 : i32
      %dma_wait3A_238 = arith.constant 0 : i32
      %dma_wait3A_239 = arith.constant 0 : i32
      %dma_wait3A_240 = tpu.memref_slice %arg10[%dma_wait3A_238, %dma_wait3A_239] : memref<256x64xf32, #tpu.memory_space<vmem>> -> memref<128x64xf32, #tpu.memory_space<vmem>>
      %dma_wait3A_241 = tpu.memref_slice %arg7[%add3A_229, %mul3A_231] : memref<26x512xi32, #tpu.memory_space<vmem>> -> memref<1x128xi32, #tpu.memory_space<vmem>>
      %dma_wait3A_242 = tpu.memref_squeeze %dma_wait3A_241 : memref<1x128xi32, #tpu.memory_space<vmem>> -> memref<128xi32, #tpu.memory_space<vmem>>
      %dma_wait3A_243 = arith.constant 0 : i32
      %dma_wait3A_244 = arith.constant 0 : i32
      %dma_wait3A_245 = tpu.memref_slice %arg4[%dma_wait3A_243, %dma_wait3A_244] : memref<1000000x64xf32, #tpu.memory_space<hbm>> -> memref<1000000x64xf32, #tpu.memory_space<hbm>>
      tpu.wait_indirect_dma semaphore(%arg14 : memref<!tpu.dma_semaphore, #tpu.memory_space<semaphore_mem>>) src(%dma_wait3A_245 : memref<1000000x64xf32, #tpu.memory_space<hbm>>) dst(%dma_wait3A_240 : memref<128x64xf32, #tpu.memory_space<vmem>>)
      %dma_wait3A_246 = arith.constant 128 : i32
      %dma_wait3A_247 = arith.constant 0 : i32
      %dma_wait3A_248 = tpu.memref_slice %arg10[%dma_wait3A_246, %dma_wait3A_247] : memref<256x64xf32, #tpu.memory_space<vmem>> -> memref<128x64xf32, #tpu.memory_space<vmem>>
      %dma_wait3A_249 = tpu.memref_slice %arg7[%add3A_235, %mul3A_237] : memref<26x512xi32, #tpu.memory_space<vmem>> -> memref<1x128xi32, #tpu.memory_space<vmem>>
      %dma_wait3A_250 = tpu.memref_squeeze %dma_wait3A_249 : memref<1x128xi32, #tpu.memory_space<vmem>> -> memref<128xi32, #tpu.memory_space<vmem>>
      %dma_wait3A_251 = arith.constant 0 : i32
      %dma_wait3A_252 = arith.constant 0 : i32
      %dma_wait3A_253 = tpu.memref_slice %arg4[%dma_wait3A_251, %dma_wait3A_252] : memref<1000000x64xf32, #tpu.memory_space<hbm>> -> memref<1000000x64xf32, #tpu.memory_space<hbm>>
      tpu.wait_indirect_dma semaphore(%arg14 : memref<!tpu.dma_semaphore, #tpu.memory_space<semaphore_mem>>) src(%dma_wait3A_253 : memref<1000000x64xf32, #tpu.memory_space<hbm>>) dst(%dma_wait3A_248 : memref<128x64xf32, #tpu.memory_space<vmem>>)
      %ge3A = arith.constant 1 : i32
      %ge3A_254 = arith.cmpi sge, %scan3A_146, %ge3A : i32
      %convert_element_type3A = arith.extui %ge3A_254 : i1 to i32
      %cond3A = arith.constant 0 : i32
      %cond3A_255 = arith.cmpi ne, %convert_element_type3A, %cond3A : i32
      scf.if %cond3A_255 {
        %dma_wait3A_1098 = arith.constant 0 : i32
        %dma_wait3A_1099 = arith.constant 0 : i32
        %dma_wait3A_1100 = arith.constant 0 : i32
        %dma_wait3A_1101 = arith.constant 0 : i32
        %dma_wait3A_1102 = arith.constant 0 : i32
        %dma_wait3A_1103 = tpu.memref_slice %arg12[%dma_wait3A_1099, %dma_wait3A_1100, %dma_wait3A_1101, %dma_wait3A_1102] : memref<2x8x8x130xf32, #tpu.memory_space<vmem>> -> memref<2x8x8x128xf32, #tpu.memory_space<vmem>>
        %dma_wait3A_1104 = arith.constant 0 : i32
        %dma_wait3A_1105 = arith.constant 0 : i32
        %dma_wait3A_1106 = arith.constant 0 : i32
        %dma_wait3A_1107 = arith.constant 0 : i32
        %dma_wait3A_1108 = tpu.memref_slice %arg6[%dma_wait3A_1104, %dma_wait3A_1105, %dma_wait3A_1098, %dma_wait3A_1106, %dma_wait3A_1107] : memref<39x8x128x8x128xf32, #tpu.memory_space<hbm>> -> memref<2x8x1x8x128xf32, #tpu.memory_space<hbm>>
        %dma_wait3A_1109 = tpu.memref_squeeze %dma_wait3A_1108 : memref<2x8x1x8x128xf32, #tpu.memory_space<hbm>> -> memref<2x8x8x128xf32, #tpu.memory_space<hbm>>
        %dma_wait3A_1110 = arith.constant 0 : i32
        %dma_wait3A_1111 = arith.constant 0 : i32
        %dma_wait3A_1112 = arith.constant 0 : i32
        %dma_wait3A_1113 = arith.constant 0 : i32
        %dma_wait3A_1114 = tpu.memref_slice %arg12[%dma_wait3A_1110, %dma_wait3A_1111, %dma_wait3A_1112, %dma_wait3A_1113] : memref<2x8x8x130xf32, #tpu.memory_space<vmem>> -> memref<2x8x8x128xf32, #tpu.memory_space<vmem>>
        %dma_wait3A_1115 = arith.constant 0 : i32
        %dma_wait3A_1116 = arith.constant 0 : i32
        %dma_wait3A_1117 = arith.constant 0 : i32
        %dma_wait3A_1118 = arith.constant 0 : i32
        %dma_wait3A_1119 = tpu.memref_slice %arg6[%dma_wait3A_1115, %dma_wait3A_1116, %dma_wait3A_1098, %dma_wait3A_1117, %dma_wait3A_1118] : memref<39x8x128x8x128xf32, #tpu.memory_space<hbm>> -> memref<2x8x1x8x128xf32, #tpu.memory_space<hbm>>
        %dma_wait3A_1120 = tpu.memref_squeeze %dma_wait3A_1119 : memref<2x8x1x8x128xf32, #tpu.memory_space<hbm>> -> memref<2x8x8x128xf32, #tpu.memory_space<hbm>>
        tpu.wait_dma2 semaphore(%arg16 : memref<!tpu.dma_semaphore, #tpu.memory_space<semaphore_mem>>) src(%dma_wait3A_1120 : memref<2x8x8x128xf32, #tpu.memory_space<hbm>>) dst(%dma_wait3A_1114 : memref<2x8x8x128xf32, #tpu.memory_space<vmem>>)
      } else {
      }
      %iota3A = tpu.iota {dimensions = array<i32: 0>} : vector<16xi32>
      %broadcast_in_dim3A = arith.constant 0 : i32
      %broadcast_in_dim3A_256 = vector.broadcast %broadcast_in_dim3A : i32 to vector<16xi32>
      %add3A_257 = arith.constant 0 : i32
      %add3A_258 = vector.broadcast %add3A_257 : i32 to vector<16xi32>
      %add3A_259 = arith.addi %add3A_258, %iota3A : vector<16xi32>
      %jit3A_260 = arith.constant 8 : i32
      %div3A_261 = vector.broadcast %jit3A_260 : i32 to vector<16xi32>
      %div3A_262 = arith.divsi %add3A_259, %div3A_261 : vector<16xi32>
      %sign3A_263 = arith.constant 0 : i32
      %sign3A_264 = vector.broadcast %sign3A_263 : i32 to vector<16xi32>
      %sign3A_265 = arith.cmpi sgt, %add3A_259, %sign3A_264 : vector<16xi32>
      %sign3A_266 = arith.extui %sign3A_265 : vector<16xi1> to vector<16xi32>
      %sign3A_267 = arith.constant 0 : i32
      %sign3A_268 = vector.broadcast %sign3A_267 : i32 to vector<16xi32>
      %sign3A_269 = arith.cmpi slt, %add3A_259, %sign3A_268 : vector<16xi32>
      %sign3A_270 = arith.extui %sign3A_269 : vector<16xi1> to vector<16xi32>
      %sign3A_271 = arith.subi %sign3A_266, %sign3A_270 : vector<16xi32>
      %sign3A_272 = arith.constant 0 : i32
      %sign3A_273 = arith.cmpi sgt, %jit3A_260, %sign3A_272 : i32
      %sign3A_274 = arith.extui %sign3A_273 : i1 to i32
      %sign3A_275 = arith.constant 0 : i32
      %sign3A_276 = arith.cmpi slt, %jit3A_260, %sign3A_275 : i32
      %sign3A_277 = arith.extui %sign3A_276 : i1 to i32
      %sign3A_278 = arith.subi %sign3A_274, %sign3A_277 : i32
      %ne3A_279 = vector.broadcast %sign3A_278 : i32 to vector<16xi32>
      %ne3A_280 = arith.cmpi ne, %sign3A_271, %ne3A_279 : vector<16xi32>
      %rem3A_281 = vector.broadcast %jit3A_260 : i32 to vector<16xi32>
      %rem3A_282 = arith.remsi %add3A_259, %rem3A_281 : vector<16xi32>
      %ne3A_283 = arith.constant 0 : i32
      %ne3A_284 = vector.broadcast %ne3A_283 : i32 to vector<16xi32>
      %ne3A_285 = arith.cmpi ne, %rem3A_282, %ne3A_284 : vector<16xi32>
      %and3A_286 = arith.andi %ne3A_280, %ne3A_285 : vector<16xi1>
      %sub3A_287 = arith.constant 1 : i32
      %sub3A_288 = vector.broadcast %sub3A_287 : i32 to vector<16xi32>
      %sub3A_289 = arith.subi %div3A_262, %sub3A_288 : vector<16xi32>
      %select_n3A_290 = arith.select %and3A_286, %sub3A_289, %div3A_262 : vector<16xi1>, vector<16xi32>
      %add3A_291 = arith.constant 16 : i32
      %add3A_292 = vector.broadcast %add3A_291 : i32 to vector<16xi32>
      %add3A_293 = arith.addi %add3A_292, %iota3A : vector<16xi32>
      %jit3A_294 = arith.constant 8 : i32
      %div3A_295 = vector.broadcast %jit3A_294 : i32 to vector<16xi32>
      %div3A_296 = arith.divsi %add3A_293, %div3A_295 : vector<16xi32>
      %sign3A_297 = arith.constant 0 : i32
      %sign3A_298 = vector.broadcast %sign3A_297 : i32 to vector<16xi32>
      %sign3A_299 = arith.cmpi sgt, %add3A_293, %sign3A_298 : vector<16xi32>
      %sign3A_300 = arith.extui %sign3A_299 : vector<16xi1> to vector<16xi32>
      %sign3A_301 = arith.constant 0 : i32
      %sign3A_302 = vector.broadcast %sign3A_301 : i32 to vector<16xi32>
      %sign3A_303 = arith.cmpi slt, %add3A_293, %sign3A_302 : vector<16xi32>
      %sign3A_304 = arith.extui %sign3A_303 : vector<16xi1> to vector<16xi32>
      %sign3A_305 = arith.subi %sign3A_300, %sign3A_304 : vector<16xi32>
      %sign3A_306 = arith.constant 0 : i32
      %sign3A_307 = arith.cmpi sgt, %jit3A_294, %sign3A_306 : i32
      %sign3A_308 = arith.extui %sign3A_307 : i1 to i32
      %sign3A_309 = arith.constant 0 : i32
      %sign3A_310 = arith.cmpi slt, %jit3A_294, %sign3A_309 : i32
      %sign3A_311 = arith.extui %sign3A_310 : i1 to i32
      %sign3A_312 = arith.subi %sign3A_308, %sign3A_311 : i32
      %ne3A_313 = vector.broadcast %sign3A_312 : i32 to vector<16xi32>
      %ne3A_314 = arith.cmpi ne, %sign3A_305, %ne3A_313 : vector<16xi32>
      %rem3A_315 = vector.broadcast %jit3A_294 : i32 to vector<16xi32>
      %rem3A_316 = arith.remsi %add3A_293, %rem3A_315 : vector<16xi32>
      %ne3A_317 = arith.constant 0 : i32
      %ne3A_318 = vector.broadcast %ne3A_317 : i32 to vector<16xi32>
      %ne3A_319 = arith.cmpi ne, %rem3A_316, %ne3A_318 : vector<16xi32>
      %and3A_320 = arith.andi %ne3A_314, %ne3A_319 : vector<16xi1>
      %sub3A_321 = arith.constant 1 : i32
      %sub3A_322 = vector.broadcast %sub3A_321 : i32 to vector<16xi32>
      %sub3A_323 = arith.subi %div3A_296, %sub3A_322 : vector<16xi32>
      %select_n3A_324 = arith.select %and3A_320, %sub3A_323, %div3A_296 : vector<16xi1>, vector<16xi32>
      %add3A_325 = arith.constant 32 : i32
      %add3A_326 = vector.broadcast %add3A_325 : i32 to vector<16xi32>
      %add3A_327 = arith.addi %add3A_326, %iota3A : vector<16xi32>
      %jit3A_328 = arith.constant 8 : i32
      %div3A_329 = vector.broadcast %jit3A_328 : i32 to vector<16xi32>
      %div3A_330 = arith.divsi %add3A_327, %div3A_329 : vector<16xi32>
      %sign3A_331 = arith.constant 0 : i32
      %sign3A_332 = vector.broadcast %sign3A_331 : i32 to vector<16xi32>
      %sign3A_333 = arith.cmpi sgt, %add3A_327, %sign3A_332 : vector<16xi32>
      %sign3A_334 = arith.extui %sign3A_333 : vector<16xi1> to vector<16xi32>
      %sign3A_335 = arith.constant 0 : i32
      %sign3A_336 = vector.broadcast %sign3A_335 : i32 to vector<16xi32>
      %sign3A_337 = arith.cmpi slt, %add3A_327, %sign3A_336 : vector<16xi32>
      %sign3A_338 = arith.extui %sign3A_337 : vector<16xi1> to vector<16xi32>
      %sign3A_339 = arith.subi %sign3A_334, %sign3A_338 : vector<16xi32>
      %sign3A_340 = arith.constant 0 : i32
      %sign3A_341 = arith.cmpi sgt, %jit3A_328, %sign3A_340 : i32
      %sign3A_342 = arith.extui %sign3A_341 : i1 to i32
      %sign3A_343 = arith.constant 0 : i32
      %sign3A_344 = arith.cmpi slt, %jit3A_328, %sign3A_343 : i32
      %sign3A_345 = arith.extui %sign3A_344 : i1 to i32
      %sign3A_346 = arith.subi %sign3A_342, %sign3A_345 : i32
      %ne3A_347 = vector.broadcast %sign3A_346 : i32 to vector<16xi32>
      %ne3A_348 = arith.cmpi ne, %sign3A_339, %ne3A_347 : vector<16xi32>
      %rem3A_349 = vector.broadcast %jit3A_328 : i32 to vector<16xi32>
      %rem3A_350 = arith.remsi %add3A_327, %rem3A_349 : vector<16xi32>
      %ne3A_351 = arith.constant 0 : i32
      %ne3A_352 = vector.broadcast %ne3A_351 : i32 to vector<16xi32>
      %ne3A_353 = arith.cmpi ne, %rem3A_350, %ne3A_352 : vector<16xi32>
      %and3A_354 = arith.andi %ne3A_348, %ne3A_353 : vector<16xi1>
      %sub3A_355 = arith.constant 1 : i32
      %sub3A_356 = vector.broadcast %sub3A_355 : i32 to vector<16xi32>
      %sub3A_357 = arith.subi %div3A_330, %sub3A_356 : vector<16xi32>
      %select_n3A_358 = arith.select %and3A_354, %sub3A_357, %div3A_330 : vector<16xi1>, vector<16xi32>
      %add3A_359 = arith.constant 48 : i32
      %add3A_360 = vector.broadcast %add3A_359 : i32 to vector<16xi32>
      %add3A_361 = arith.addi %add3A_360, %iota3A : vector<16xi32>
      %jit3A_362 = arith.constant 8 : i32
      %div3A_363 = vector.broadcast %jit3A_362 : i32 to vector<16xi32>
      %div3A_364 = arith.divsi %add3A_361, %div3A_363 : vector<16xi32>
      %sign3A_365 = arith.constant 0 : i32
      %sign3A_366 = vector.broadcast %sign3A_365 : i32 to vector<16xi32>
      %sign3A_367 = arith.cmpi sgt, %add3A_361, %sign3A_366 : vector<16xi32>
      %sign3A_368 = arith.extui %sign3A_367 : vector<16xi1> to vector<16xi32>
      %sign3A_369 = arith.constant 0 : i32
      %sign3A_370 = vector.broadcast %sign3A_369 : i32 to vector<16xi32>
      %sign3A_371 = arith.cmpi slt, %add3A_361, %sign3A_370 : vector<16xi32>
      %sign3A_372 = arith.extui %sign3A_371 : vector<16xi1> to vector<16xi32>
      %sign3A_373 = arith.subi %sign3A_368, %sign3A_372 : vector<16xi32>
      %sign3A_374 = arith.constant 0 : i32
      %sign3A_375 = arith.cmpi sgt, %jit3A_362, %sign3A_374 : i32
      %sign3A_376 = arith.extui %sign3A_375 : i1 to i32
      %sign3A_377 = arith.constant 0 : i32
      %sign3A_378 = arith.cmpi slt, %jit3A_362, %sign3A_377 : i32
      %sign3A_379 = arith.extui %sign3A_378 : i1 to i32
      %sign3A_380 = arith.subi %sign3A_376, %sign3A_379 : i32
      %ne3A_381 = vector.broadcast %sign3A_380 : i32 to vector<16xi32>
      %ne3A_382 = arith.cmpi ne, %sign3A_373, %ne3A_381 : vector<16xi32>
      %rem3A_383 = vector.broadcast %jit3A_362 : i32 to vector<16xi32>
      %rem3A_384 = arith.remsi %add3A_361, %rem3A_383 : vector<16xi32>
      %ne3A_385 = arith.constant 0 : i32
      %ne3A_386 = vector.broadcast %ne3A_385 : i32 to vector<16xi32>
      %ne3A_387 = arith.cmpi ne, %rem3A_384, %ne3A_386 : vector<16xi32>
      %and3A_388 = arith.andi %ne3A_382, %ne3A_387 : vector<16xi1>
      %sub3A_389 = arith.constant 1 : i32
      %sub3A_390 = vector.broadcast %sub3A_389 : i32 to vector<16xi32>
      %sub3A_391 = arith.subi %div3A_364, %sub3A_390 : vector<16xi32>
      %select_n3A_392 = arith.select %and3A_388, %sub3A_391, %div3A_364 : vector<16xi1>, vector<16xi32>
      %jit3A_393 = arith.constant 8 : i32
      %eq3A_394 = arith.constant 0 : i32
      %eq3A_395 = arith.cmpi eq, %jit3A_393, %eq3A_394 : i32
      %jit3A_396 = arith.constant 1 : i32
      %select_n3A_397 = arith.select %eq3A_395, %jit3A_396, %jit3A_393 : i32
      %rem3A_398 = vector.broadcast %select_n3A_397 : i32 to vector<16xi32>
      %rem3A_399 = arith.remsi %iota3A, %rem3A_398 : vector<16xi32>
      %ne3A_400 = arith.constant 0 : i32
      %ne3A_401 = vector.broadcast %ne3A_400 : i32 to vector<16xi32>
      %ne3A_402 = arith.cmpi ne, %rem3A_399, %ne3A_401 : vector<16xi32>
      %lt3A_403 = arith.constant 0 : i32
      %lt3A_404 = vector.broadcast %lt3A_403 : i32 to vector<16xi32>
      %lt3A_405 = arith.cmpi slt, %rem3A_399, %lt3A_404 : vector<16xi32>
      %lt3A_406 = arith.constant 0 : i32
      %lt3A_407 = arith.cmpi slt, %select_n3A_397, %lt3A_406 : i32
      %ne3A_408 = vector.broadcast %lt3A_407 : i1 to vector<16xi1>
      %ne3A_409 = vector.broadcast %ne3A_408 : vector<16xi1> to vector<16xi1>
      %ne3A_410 = arith.xori %lt3A_405, %ne3A_409 : vector<16xi1>
      %and3A_411 = arith.andi %ne3A_410, %ne3A_402 : vector<16xi1>
      %add3A_412 = vector.broadcast %select_n3A_397 : i32 to vector<16xi32>
      %add3A_413 = arith.addi %rem3A_399, %add3A_412 : vector<16xi32>
      %select_n3A_414 = arith.select %and3A_411, %add3A_413, %rem3A_399 : vector<16xi1>, vector<16xi32>
      %scan3A_415 = arith.constant 0 : i32
      %scan3A_416 = arith.constant 0 : i32
      %scan3A_417 = arith.constant 32 : i32
      %scan3A_418 = arith.addi %scan3A_416, %scan3A_417 : i32
      %scan3A_419 = arith.constant 1 : i32
      scf.for %scan3A_1098 = %scan3A_416 to %scan3A_418 step %scan3A_419  : i32 {
        %mul3A_1099 = arith.constant 4 : i32
        %mul3A_1100 = arith.muli %scan3A_1098, %mul3A_1099 : i32
        %add3A_1101 = arith.constant 0 : i32
        %add3A_1102 = arith.addi %mul3A_1100, %add3A_1101 : i32
        %broadcast_in_dim3A_1103 = vector.broadcast %add3A_1102 : i32 to vector<16xi32>
        %add3A_1104 = arith.constant 0 : i32
        %add3A_1105 = arith.addi %add3A_1104, %mul3A_1100 : i32
        %add3A_1106 = arith.constant 0 : i32
        %add3A_1107 = arith.addi %add3A_1105, %add3A_1106 : i32
        %get3A = arith.index_cast %add3A_1107 : i32 to index
        %get3A_1108 = arith.constant 0 : index
        %get3A_1109 = tpu.vector_load %arg10[%get3A, %get3A_1108] {strides = array<i32>} : memref<256x64xf32, #tpu.memory_space<vmem>>, vector<16xf32>,
        tpu.vector_store_idx %arg12[%broadcast_in_dim3A_256, %select_n3A_290, %select_n3A_414, %broadcast_in_dim3A_1103], %get3A_1109 : memref<2x8x8x130xf32, #tpu.memory_space<vmem>>[vector<16xi32>, vector<16xi32>, vector<16xi32>, vector<16xi32>], vector<16xf32>,
        %add3A_1110 = arith.constant 0 : i32
        %add3A_1111 = arith.addi %add3A_1110, %mul3A_1100 : i32
        %add3A_1112 = arith.constant 0 : i32
        %add3A_1113 = arith.addi %add3A_1111, %add3A_1112 : i32
        %get3A_1114 = arith.index_cast %add3A_1113 : i32 to index
        %get3A_1115 = arith.constant 16 : index
        %get3A_1116 = tpu.vector_load %arg10[%get3A_1114, %get3A_1115] {strides = array<i32>} : memref<256x64xf32, #tpu.memory_space<vmem>>, vector<16xf32>,
        tpu.vector_store_idx %arg12[%broadcast_in_dim3A_256, %select_n3A_324, %select_n3A_414, %broadcast_in_dim3A_1103], %get3A_1116 : memref<2x8x8x130xf32, #tpu.memory_space<vmem>>[vector<16xi32>, vector<16xi32>, vector<16xi32>, vector<16xi32>], vector<16xf32>,
        %add3A_1117 = arith.constant 0 : i32
        %add3A_1118 = arith.addi %add3A_1117, %mul3A_1100 : i32
        %add3A_1119 = arith.constant 0 : i32
        %add3A_1120 = arith.addi %add3A_1118, %add3A_1119 : i32
        %get3A_1121 = arith.index_cast %add3A_1120 : i32 to index
        %get3A_1122 = arith.constant 32 : index
        %get3A_1123 = tpu.vector_load %arg10[%get3A_1121, %get3A_1122] {strides = array<i32>} : memref<256x64xf32, #tpu.memory_space<vmem>>, vector<16xf32>,
        tpu.vector_store_idx %arg12[%broadcast_in_dim3A_256, %select_n3A_358, %select_n3A_414, %broadcast_in_dim3A_1103], %get3A_1123 : memref<2x8x8x130xf32, #tpu.memory_space<vmem>>[vector<16xi32>, vector<16xi32>, vector<16xi32>, vector<16xi32>], vector<16xf32>,
        %add3A_1124 = arith.constant 0 : i32
        %add3A_1125 = arith.addi %add3A_1124, %mul3A_1100 : i32
        %add3A_1126 = arith.constant 0 : i32
        %add3A_1127 = arith.addi %add3A_1125, %add3A_1126 : i32
        %get3A_1128 = arith.index_cast %add3A_1127 : i32 to index
        %get3A_1129 = arith.constant 48 : index
        %get3A_1130 = tpu.vector_load %arg10[%get3A_1128, %get3A_1129] {strides = array<i32>} : memref<256x64xf32, #tpu.memory_space<vmem>>, vector<16xf32>,
        tpu.vector_store_idx %arg12[%broadcast_in_dim3A_256, %select_n3A_392, %select_n3A_414, %broadcast_in_dim3A_1103], %get3A_1130 : memref<2x8x8x130xf32, #tpu.memory_space<vmem>>[vector<16xi32>, vector<16xi32>, vector<16xi32>, vector<16xi32>], vector<16xf32>,
        %add3A_1131 = arith.constant 1 : i32
        %add3A_1132 = arith.addi %mul3A_1100, %add3A_1131 : i32
        %broadcast_in_dim3A_1133 = vector.broadcast %add3A_1132 : i32 to vector<16xi32>
        %add3A_1134 = arith.constant 0 : i32
        %add3A_1135 = arith.addi %add3A_1134, %mul3A_1100 : i32
        %add3A_1136 = arith.constant 1 : i32
        %add3A_1137 = arith.addi %add3A_1135, %add3A_1136 : i32
        %get3A_1138 = arith.index_cast %add3A_1137 : i32 to index
        %get3A_1139 = arith.constant 0 : index
        %get3A_1140 = tpu.vector_load %arg10[%get3A_1138, %get3A_1139] {strides = array<i32>} : memref<256x64xf32, #tpu.memory_space<vmem>>, vector<16xf32>,
        tpu.vector_store_idx %arg12[%broadcast_in_dim3A_256, %select_n3A_290, %select_n3A_414, %broadcast_in_dim3A_1133], %get3A_1140 : memref<2x8x8x130xf32, #tpu.memory_space<vmem>>[vector<16xi32>, vector<16xi32>, vector<16xi32>, vector<16xi32>], vector<16xf32>,
        %add3A_1141 = arith.constant 0 : i32
        %add3A_1142 = arith.addi %add3A_1141, %mul3A_1100 : i32
        %add3A_1143 = arith.constant 1 : i32
        %add3A_1144 = arith.addi %add3A_1142, %add3A_1143 : i32
        %get3A_1145 = arith.index_cast %add3A_1144 : i32 to index
        %get3A_1146 = arith.constant 16 : index
        %get3A_1147 = tpu.vector_load %arg10[%get3A_1145, %get3A_1146] {strides = array<i32>} : memref<256x64xf32, #tpu.memory_space<vmem>>, vector<16xf32>,
        tpu.vector_store_idx %arg12[%broadcast_in_dim3A_256, %select_n3A_324, %select_n3A_414, %broadcast_in_dim3A_1133], %get3A_1147 : memref<2x8x8x130xf32, #tpu.memory_space<vmem>>[vector<16xi32>, vector<16xi32>, vector<16xi32>, vector<16xi32>], vector<16xf32>,
        %add3A_1148 = arith.constant 0 : i32
        %add3A_1149 = arith.addi %add3A_1148, %mul3A_1100 : i32
        %add3A_1150 = arith.constant 1 : i32
        %add3A_1151 = arith.addi %add3A_1149, %add3A_1150 : i32
        %get3A_1152 = arith.index_cast %add3A_1151 : i32 to index
        %get3A_1153 = arith.constant 32 : index
        %get3A_1154 = tpu.vector_load %arg10[%get3A_1152, %get3A_1153] {strides = array<i32>} : memref<256x64xf32, #tpu.memory_space<vmem>>, vector<16xf32>,
        tpu.vector_store_idx %arg12[%broadcast_in_dim3A_256, %select_n3A_358, %select_n3A_414, %broadcast_in_dim3A_1133], %get3A_1154 : memref<2x8x8x130xf32, #tpu.memory_space<vmem>>[vector<16xi32>, vector<16xi32>, vector<16xi32>, vector<16xi32>], vector<16xf32>,
        %add3A_1155 = arith.constant 0 : i32
        %add3A_1156 = arith.addi %add3A_1155, %mul3A_1100 : i32
        %add3A_1157 = arith.constant 1 : i32
        %add3A_1158 = arith.addi %add3A_1156, %add3A_1157 : i32
        %get3A_1159 = arith.index_cast %add3A_1158 : i32 to index
        %get3A_1160 = arith.constant 48 : index
        %get3A_1161 = tpu.vector_load %arg10[%get3A_1159, %get3A_1160] {strides = array<i32>} : memref<256x64xf32, #tpu.memory_space<vmem>>, vector<16xf32>,
        tpu.vector_store_idx %arg12[%broadcast_in_dim3A_256, %select_n3A_392, %select_n3A_414, %broadcast_in_dim3A_1133], %get3A_1161 : memref<2x8x8x130xf32, #tpu.memory_space<vmem>>[vector<16xi32>, vector<16xi32>, vector<16xi32>, vector<16xi32>], vector<16xf32>,
        %add3A_1162 = arith.constant 2 : i32
        %add3A_1163 = arith.addi %mul3A_1100, %add3A_1162 : i32
        %broadcast_in_dim3A_1164 = vector.broadcast %add3A_1163 : i32 to vector<16xi32>
        %add3A_1165 = arith.constant 0 : i32
        %add3A_1166 = arith.addi %add3A_1165, %mul3A_1100 : i32
        %add3A_1167 = arith.constant 2 : i32
        %add3A_1168 = arith.addi %add3A_1166, %add3A_1167 : i32
        %get3A_1169 = arith.index_cast %add3A_1168 : i32 to index
        %get3A_1170 = arith.constant 0 : index
        %get3A_1171 = tpu.vector_load %arg10[%get3A_1169, %get3A_1170] {strides = array<i32>} : memref<256x64xf32, #tpu.memory_space<vmem>>, vector<16xf32>,
        tpu.vector_store_idx %arg12[%broadcast_in_dim3A_256, %select_n3A_290, %select_n3A_414, %broadcast_in_dim3A_1164], %get3A_1171 : memref<2x8x8x130xf32, #tpu.memory_space<vmem>>[vector<16xi32>, vector<16xi32>, vector<16xi32>, vector<16xi32>], vector<16xf32>,
        %add3A_1172 = arith.constant 0 : i32
        %add3A_1173 = arith.addi %add3A_1172, %mul3A_1100 : i32
        %add3A_1174 = arith.constant 2 : i32
        %add3A_1175 = arith.addi %add3A_1173, %add3A_1174 : i32
        %get3A_1176 = arith.index_cast %add3A_1175 : i32 to index
        %get3A_1177 = arith.constant 16 : index
        %get3A_1178 = tpu.vector_load %arg10[%get3A_1176, %get3A_1177] {strides = array<i32>} : memref<256x64xf32, #tpu.memory_space<vmem>>, vector<16xf32>,
        tpu.vector_store_idx %arg12[%broadcast_in_dim3A_256, %select_n3A_324, %select_n3A_414, %broadcast_in_dim3A_1164], %get3A_1178 : memref<2x8x8x130xf32, #tpu.memory_space<vmem>>[vector<16xi32>, vector<16xi32>, vector<16xi32>, vector<16xi32>], vector<16xf32>,
        %add3A_1179 = arith.constant 0 : i32
        %add3A_1180 = arith.addi %add3A_1179, %mul3A_1100 : i32
        %add3A_1181 = arith.constant 2 : i32
        %add3A_1182 = arith.addi %add3A_1180, %add3A_1181 : i32
        %get3A_1183 = arith.index_cast %add3A_1182 : i32 to index
        %get3A_1184 = arith.constant 32 : index
        %get3A_1185 = tpu.vector_load %arg10[%get3A_1183, %get3A_1184] {strides = array<i32>} : memref<256x64xf32, #tpu.memory_space<vmem>>, vector<16xf32>,
        tpu.vector_store_idx %arg12[%broadcast_in_dim3A_256, %select_n3A_358, %select_n3A_414, %broadcast_in_dim3A_1164], %get3A_1185 : memref<2x8x8x130xf32, #tpu.memory_space<vmem>>[vector<16xi32>, vector<16xi32>, vector<16xi32>, vector<16xi32>], vector<16xf32>,
        %add3A_1186 = arith.constant 0 : i32
        %add3A_1187 = arith.addi %add3A_1186, %mul3A_1100 : i32
        %add3A_1188 = arith.constant 2 : i32
        %add3A_1189 = arith.addi %add3A_1187, %add3A_1188 : i32
        %get3A_1190 = arith.index_cast %add3A_1189 : i32 to index
        %get3A_1191 = arith.constant 48 : index
        %get3A_1192 = tpu.vector_load %arg10[%get3A_1190, %get3A_1191] {strides = array<i32>} : memref<256x64xf32, #tpu.memory_space<vmem>>, vector<16xf32>,
        tpu.vector_store_idx %arg12[%broadcast_in_dim3A_256, %select_n3A_392, %select_n3A_414, %broadcast_in_dim3A_1164], %get3A_1192 : memref<2x8x8x130xf32, #tpu.memory_space<vmem>>[vector<16xi32>, vector<16xi32>, vector<16xi32>, vector<16xi32>], vector<16xf32>,
        %add3A_1193 = arith.constant 3 : i32
        %add3A_1194 = arith.addi %mul3A_1100, %add3A_1193 : i32
        %broadcast_in_dim3A_1195 = vector.broadcast %add3A_1194 : i32 to vector<16xi32>
        %add3A_1196 = arith.constant 0 : i32
        %add3A_1197 = arith.addi %add3A_1196, %mul3A_1100 : i32
        %add3A_1198 = arith.constant 3 : i32
        %add3A_1199 = arith.addi %add3A_1197, %add3A_1198 : i32
        %get3A_1200 = arith.index_cast %add3A_1199 : i32 to index
        %get3A_1201 = arith.constant 0 : index
        %get3A_1202 = tpu.vector_load %arg10[%get3A_1200, %get3A_1201] {strides = array<i32>} : memref<256x64xf32, #tpu.memory_space<vmem>>, vector<16xf32>,
        tpu.vector_store_idx %arg12[%broadcast_in_dim3A_256, %select_n3A_290, %select_n3A_414, %broadcast_in_dim3A_1195], %get3A_1202 : memref<2x8x8x130xf32, #tpu.memory_space<vmem>>[vector<16xi32>, vector<16xi32>, vector<16xi32>, vector<16xi32>], vector<16xf32>,
        %add3A_1203 = arith.constant 0 : i32
        %add3A_1204 = arith.addi %add3A_1203, %mul3A_1100 : i32
        %add3A_1205 = arith.constant 3 : i32
        %add3A_1206 = arith.addi %add3A_1204, %add3A_1205 : i32
        %get3A_1207 = arith.index_cast %add3A_1206 : i32 to index
        %get3A_1208 = arith.constant 16 : index
        %get3A_1209 = tpu.vector_load %arg10[%get3A_1207, %get3A_1208] {strides = array<i32>} : memref<256x64xf32, #tpu.memory_space<vmem>>, vector<16xf32>,
        tpu.vector_store_idx %arg12[%broadcast_in_dim3A_256, %select_n3A_324, %select_n3A_414, %broadcast_in_dim3A_1195], %get3A_1209 : memref<2x8x8x130xf32, #tpu.memory_space<vmem>>[vector<16xi32>, vector<16xi32>, vector<16xi32>, vector<16xi32>], vector<16xf32>,
        %add3A_1210 = arith.constant 0 : i32
        %add3A_1211 = arith.addi %add3A_1210, %mul3A_1100 : i32
        %add3A_1212 = arith.constant 3 : i32
        %add3A_1213 = arith.addi %add3A_1211, %add3A_1212 : i32
        %get3A_1214 = arith.index_cast %add3A_1213 : i32 to index
        %get3A_1215 = arith.constant 32 : index
        %get3A_1216 = tpu.vector_load %arg10[%get3A_1214, %get3A_1215] {strides = array<i32>} : memref<256x64xf32, #tpu.memory_space<vmem>>, vector<16xf32>,
        tpu.vector_store_idx %arg12[%broadcast_in_dim3A_256, %select_n3A_358, %select_n3A_414, %broadcast_in_dim3A_1195], %get3A_1216 : memref<2x8x8x130xf32, #tpu.memory_space<vmem>>[vector<16xi32>, vector<16xi32>, vector<16xi32>, vector<16xi32>], vector<16xf32>,
        %add3A_1217 = arith.constant 0 : i32
        %add3A_1218 = arith.addi %add3A_1217, %mul3A_1100 : i32
        %add3A_1219 = arith.constant 3 : i32
        %add3A_1220 = arith.addi %add3A_1218, %add3A_1219 : i32
        %get3A_1221 = arith.index_cast %add3A_1220 : i32 to index
        %get3A_1222 = arith.constant 48 : index
        %get3A_1223 = tpu.vector_load %arg10[%get3A_1221, %get3A_1222] {strides = array<i32>} : memref<256x64xf32, #tpu.memory_space<vmem>>, vector<16xf32>,
        tpu.vector_store_idx %arg12[%broadcast_in_dim3A_256, %select_n3A_392, %select_n3A_414, %broadcast_in_dim3A_1195], %get3A_1223 : memref<2x8x8x130xf32, #tpu.memory_space<vmem>>[vector<16xi32>, vector<16xi32>, vector<16xi32>, vector<16xi32>], vector<16xf32>,
      }
      %scan3A_420 = arith.constant 32 : i32
      %iota3A_421 = tpu.iota {dimensions = array<i32: 0>} : vector<16xi32>
      %broadcast_in_dim3A_422 = arith.constant 1 : i32
      %broadcast_in_dim3A_423 = vector.broadcast %broadcast_in_dim3A_422 : i32 to vector<16xi32>
      %add3A_424 = arith.constant 0 : i32
      %add3A_425 = vector.broadcast %add3A_424 : i32 to vector<16xi32>
      %add3A_426 = arith.addi %add3A_425, %iota3A_421 : vector<16xi32>
      %jit3A_427 = arith.constant 8 : i32
      %div3A_428 = vector.broadcast %jit3A_427 : i32 to vector<16xi32>
      %div3A_429 = arith.divsi %add3A_426, %div3A_428 : vector<16xi32>
      %sign3A_430 = arith.constant 0 : i32
      %sign3A_431 = vector.broadcast %sign3A_430 : i32 to vector<16xi32>
      %sign3A_432 = arith.cmpi sgt, %add3A_426, %sign3A_431 : vector<16xi32>
      %sign3A_433 = arith.extui %sign3A_432 : vector<16xi1> to vector<16xi32>
      %sign3A_434 = arith.constant 0 : i32
      %sign3A_435 = vector.broadcast %sign3A_434 : i32 to vector<16xi32>
      %sign3A_436 = arith.cmpi slt, %add3A_426, %sign3A_435 : vector<16xi32>
      %sign3A_437 = arith.extui %sign3A_436 : vector<16xi1> to vector<16xi32>
      %sign3A_438 = arith.subi %sign3A_433, %sign3A_437 : vector<16xi32>
      %sign3A_439 = arith.constant 0 : i32
      %sign3A_440 = arith.cmpi sgt, %jit3A_427, %sign3A_439 : i32
      %sign3A_441 = arith.extui %sign3A_440 : i1 to i32
      %sign3A_442 = arith.constant 0 : i32
      %sign3A_443 = arith.cmpi slt, %jit3A_427, %sign3A_442 : i32
      %sign3A_444 = arith.extui %sign3A_443 : i1 to i32
      %sign3A_445 = arith.subi %sign3A_441, %sign3A_444 : i32
      %ne3A_446 = vector.broadcast %sign3A_445 : i32 to vector<16xi32>
      %ne3A_447 = arith.cmpi ne, %sign3A_438, %ne3A_446 : vector<16xi32>
      %rem3A_448 = vector.broadcast %jit3A_427 : i32 to vector<16xi32>
      %rem3A_449 = arith.remsi %add3A_426, %rem3A_448 : vector<16xi32>
      %ne3A_450 = arith.constant 0 : i32
      %ne3A_451 = vector.broadcast %ne3A_450 : i32 to vector<16xi32>
      %ne3A_452 = arith.cmpi ne, %rem3A_449, %ne3A_451 : vector<16xi32>
      %and3A_453 = arith.andi %ne3A_447, %ne3A_452 : vector<16xi1>
      %sub3A_454 = arith.constant 1 : i32
      %sub3A_455 = vector.broadcast %sub3A_454 : i32 to vector<16xi32>
      %sub3A_456 = arith.subi %div3A_429, %sub3A_455 : vector<16xi32>
      %select_n3A_457 = arith.select %and3A_453, %sub3A_456, %div3A_429 : vector<16xi1>, vector<16xi32>
      %add3A_458 = arith.constant 16 : i32
      %add3A_459 = vector.broadcast %add3A_458 : i32 to vector<16xi32>
      %add3A_460 = arith.addi %add3A_459, %iota3A_421 : vector<16xi32>
      %jit3A_461 = arith.constant 8 : i32
      %div3A_462 = vector.broadcast %jit3A_461 : i32 to vector<16xi32>
      %div3A_463 = arith.divsi %add3A_460, %div3A_462 : vector<16xi32>
      %sign3A_464 = arith.constant 0 : i32
      %sign3A_465 = vector.broadcast %sign3A_464 : i32 to vector<16xi32>
      %sign3A_466 = arith.cmpi sgt, %add3A_460, %sign3A_465 : vector<16xi32>
      %sign3A_467 = arith.extui %sign3A_466 : vector<16xi1> to vector<16xi32>
      %sign3A_468 = arith.constant 0 : i32
      %sign3A_469 = vector.broadcast %sign3A_468 : i32 to vector<16xi32>
      %sign3A_470 = arith.cmpi slt, %add3A_460, %sign3A_469 : vector<16xi32>
      %sign3A_471 = arith.extui %sign3A_470 : vector<16xi1> to vector<16xi32>
      %sign3A_472 = arith.subi %sign3A_467, %sign3A_471 : vector<16xi32>
      %sign3A_473 = arith.constant 0 : i32
      %sign3A_474 = arith.cmpi sgt, %jit3A_461, %sign3A_473 : i32
      %sign3A_475 = arith.extui %sign3A_474 : i1 to i32
      %sign3A_476 = arith.constant 0 : i32
      %sign3A_477 = arith.cmpi slt, %jit3A_461, %sign3A_476 : i32
      %sign3A_478 = arith.extui %sign3A_477 : i1 to i32
      %sign3A_479 = arith.subi %sign3A_475, %sign3A_478 : i32
      %ne3A_480 = vector.broadcast %sign3A_479 : i32 to vector<16xi32>
      %ne3A_481 = arith.cmpi ne, %sign3A_472, %ne3A_480 : vector<16xi32>
      %rem3A_482 = vector.broadcast %jit3A_461 : i32 to vector<16xi32>
      %rem3A_483 = arith.remsi %add3A_460, %rem3A_482 : vector<16xi32>
      %ne3A_484 = arith.constant 0 : i32
      %ne3A_485 = vector.broadcast %ne3A_484 : i32 to vector<16xi32>
      %ne3A_486 = arith.cmpi ne, %rem3A_483, %ne3A_485 : vector<16xi32>
      %and3A_487 = arith.andi %ne3A_481, %ne3A_486 : vector<16xi1>
      %sub3A_488 = arith.constant 1 : i32
      %sub3A_489 = vector.broadcast %sub3A_488 : i32 to vector<16xi32>
      %sub3A_490 = arith.subi %div3A_463, %sub3A_489 : vector<16xi32>
      %select_n3A_491 = arith.select %and3A_487, %sub3A_490, %div3A_463 : vector<16xi1>, vector<16xi32>
      %add3A_492 = arith.constant 32 : i32
      %add3A_493 = vector.broadcast %add3A_492 : i32 to vector<16xi32>
      %add3A_494 = arith.addi %add3A_493, %iota3A_421 : vector<16xi32>
      %jit3A_495 = arith.constant 8 : i32
      %div3A_496 = vector.broadcast %jit3A_495 : i32 to vector<16xi32>
      %div3A_497 = arith.divsi %add3A_494, %div3A_496 : vector<16xi32>
      %sign3A_498 = arith.constant 0 : i32
      %sign3A_499 = vector.broadcast %sign3A_498 : i32 to vector<16xi32>
      %sign3A_500 = arith.cmpi sgt, %add3A_494, %sign3A_499 : vector<16xi32>
      %sign3A_501 = arith.extui %sign3A_500 : vector<16xi1> to vector<16xi32>
      %sign3A_502 = arith.constant 0 : i32
      %sign3A_503 = vector.broadcast %sign3A_502 : i32 to vector<16xi32>
      %sign3A_504 = arith.cmpi slt, %add3A_494, %sign3A_503 : vector<16xi32>
      %sign3A_505 = arith.extui %sign3A_504 : vector<16xi1> to vector<16xi32>
      %sign3A_506 = arith.subi %sign3A_501, %sign3A_505 : vector<16xi32>
      %sign3A_507 = arith.constant 0 : i32
      %sign3A_508 = arith.cmpi sgt, %jit3A_495, %sign3A_507 : i32
      %sign3A_509 = arith.extui %sign3A_508 : i1 to i32
      %sign3A_510 = arith.constant 0 : i32
      %sign3A_511 = arith.cmpi slt, %jit3A_495, %sign3A_510 : i32
      %sign3A_512 = arith.extui %sign3A_511 : i1 to i32
      %sign3A_513 = arith.subi %sign3A_509, %sign3A_512 : i32
      %ne3A_514 = vector.broadcast %sign3A_513 : i32 to vector<16xi32>
      %ne3A_515 = arith.cmpi ne, %sign3A_506, %ne3A_514 : vector<16xi32>
      %rem3A_516 = vector.broadcast %jit3A_495 : i32 to vector<16xi32>
      %rem3A_517 = arith.remsi %add3A_494, %rem3A_516 : vector<16xi32>
      %ne3A_518 = arith.constant 0 : i32
      %ne3A_519 = vector.broadcast %ne3A_518 : i32 to vector<16xi32>
      %ne3A_520 = arith.cmpi ne, %rem3A_517, %ne3A_519 : vector<16xi32>
      %and3A_521 = arith.andi %ne3A_515, %ne3A_520 : vector<16xi1>
      %sub3A_522 = arith.constant 1 : i32
      %sub3A_523 = vector.broadcast %sub3A_522 : i32 to vector<16xi32>
      %sub3A_524 = arith.subi %div3A_497, %sub3A_523 : vector<16xi32>
      %select_n3A_525 = arith.select %and3A_521, %sub3A_524, %div3A_497 : vector<16xi1>, vector<16xi32>
      %add3A_526 = arith.constant 48 : i32
      %add3A_527 = vector.broadcast %add3A_526 : i32 to vector<16xi32>
      %add3A_528 = arith.addi %add3A_527, %iota3A_421 : vector<16xi32>
      %jit3A_529 = arith.constant 8 : i32
      %div3A_530 = vector.broadcast %jit3A_529 : i32 to vector<16xi32>
      %div3A_531 = arith.divsi %add3A_528, %div3A_530 : vector<16xi32>
      %sign3A_532 = arith.constant 0 : i32
      %sign3A_533 = vector.broadcast %sign3A_532 : i32 to vector<16xi32>
      %sign3A_534 = arith.cmpi sgt, %add3A_528, %sign3A_533 : vector<16xi32>
      %sign3A_535 = arith.extui %sign3A_534 : vector<16xi1> to vector<16xi32>
      %sign3A_536 = arith.constant 0 : i32
      %sign3A_537 = vector.broadcast %sign3A_536 : i32 to vector<16xi32>
      %sign3A_538 = arith.cmpi slt, %add3A_528, %sign3A_537 : vector<16xi32>
      %sign3A_539 = arith.extui %sign3A_538 : vector<16xi1> to vector<16xi32>
      %sign3A_540 = arith.subi %sign3A_535, %sign3A_539 : vector<16xi32>
      %sign3A_541 = arith.constant 0 : i32
      %sign3A_542 = arith.cmpi sgt, %jit3A_529, %sign3A_541 : i32
      %sign3A_543 = arith.extui %sign3A_542 : i1 to i32
      %sign3A_544 = arith.constant 0 : i32
      %sign3A_545 = arith.cmpi slt, %jit3A_529, %sign3A_544 : i32
      %sign3A_546 = arith.extui %sign3A_545 : i1 to i32
      %sign3A_547 = arith.subi %sign3A_543, %sign3A_546 : i32
      %ne3A_548 = vector.broadcast %sign3A_547 : i32 to vector<16xi32>
      %ne3A_549 = arith.cmpi ne, %sign3A_540, %ne3A_548 : vector<16xi32>
      %rem3A_550 = vector.broadcast %jit3A_529 : i32 to vector<16xi32>
      %rem3A_551 = arith.remsi %add3A_528, %rem3A_550 : vector<16xi32>
      %ne3A_552 = arith.constant 0 : i32
      %ne3A_553 = vector.broadcast %ne3A_552 : i32 to vector<16xi32>
      %ne3A_554 = arith.cmpi ne, %rem3A_551, %ne3A_553 : vector<16xi32>
      %and3A_555 = arith.andi %ne3A_549, %ne3A_554 : vector<16xi1>
      %sub3A_556 = arith.constant 1 : i32
      %sub3A_557 = vector.broadcast %sub3A_556 : i32 to vector<16xi32>
      %sub3A_558 = arith.subi %div3A_531, %sub3A_557 : vector<16xi32>
      %select_n3A_559 = arith.select %and3A_555, %sub3A_558, %div3A_531 : vector<16xi1>, vector<16xi32>
      %jit3A_560 = arith.constant 8 : i32
      %eq3A_561 = arith.constant 0 : i32
      %eq3A_562 = arith.cmpi eq, %jit3A_560, %eq3A_561 : i32
      %jit3A_563 = arith.constant 1 : i32
      %select_n3A_564 = arith.select %eq3A_562, %jit3A_563, %jit3A_560 : i32
      %rem3A_565 = vector.broadcast %select_n3A_564 : i32 to vector<16xi32>
      %rem3A_566 = arith.remsi %iota3A_421, %rem3A_565 : vector<16xi32>
      %ne3A_567 = arith.constant 0 : i32
      %ne3A_568 = vector.broadcast %ne3A_567 : i32 to vector<16xi32>
      %ne3A_569 = arith.cmpi ne, %rem3A_566, %ne3A_568 : vector<16xi32>
      %lt3A_570 = arith.constant 0 : i32
      %lt3A_571 = vector.broadcast %lt3A_570 : i32 to vector<16xi32>
      %lt3A_572 = arith.cmpi slt, %rem3A_566, %lt3A_571 : vector<16xi32>
      %lt3A_573 = arith.constant 0 : i32
      %lt3A_574 = arith.cmpi slt, %select_n3A_564, %lt3A_573 : i32
      %ne3A_575 = vector.broadcast %lt3A_574 : i1 to vector<16xi1>
      %ne3A_576 = vector.broadcast %ne3A_575 : vector<16xi1> to vector<16xi1>
      %ne3A_577 = arith.xori %lt3A_572, %ne3A_576 : vector<16xi1>
      %and3A_578 = arith.andi %ne3A_577, %ne3A_569 : vector<16xi1>
      %add3A_579 = vector.broadcast %select_n3A_564 : i32 to vector<16xi32>
      %add3A_580 = arith.addi %rem3A_566, %add3A_579 : vector<16xi32>
      %select_n3A_581 = arith.select %and3A_578, %add3A_580, %rem3A_566 : vector<16xi1>, vector<16xi32>
      %scan3A_582 = arith.constant 0 : i32
      %scan3A_583 = arith.constant 0 : i32
      %scan3A_584 = arith.constant 32 : i32
      %scan3A_585 = arith.addi %scan3A_583, %scan3A_584 : i32
      %scan3A_586 = arith.constant 1 : i32
      scf.for %scan3A_1098 = %scan3A_583 to %scan3A_585 step %scan3A_586  : i32 {
        %mul3A_1099 = arith.constant 4 : i32
        %mul3A_1100 = arith.muli %scan3A_1098, %mul3A_1099 : i32
        %add3A_1101 = arith.constant 0 : i32
        %add3A_1102 = arith.addi %mul3A_1100, %add3A_1101 : i32
        %broadcast_in_dim3A_1103 = vector.broadcast %add3A_1102 : i32 to vector<16xi32>
        %add3A_1104 = arith.constant 128 : i32
        %add3A_1105 = arith.addi %add3A_1104, %mul3A_1100 : i32
        %add3A_1106 = arith.constant 0 : i32
        %add3A_1107 = arith.addi %add3A_1105, %add3A_1106 : i32
        %get3A = arith.index_cast %add3A_1107 : i32 to index
        %get3A_1108 = arith.constant 0 : index
        %get3A_1109 = tpu.vector_load %arg10[%get3A, %get3A_1108] {strides = array<i32>} : memref<256x64xf32, #tpu.memory_space<vmem>>, vector<16xf32>,
        tpu.vector_store_idx %arg12[%broadcast_in_dim3A_423, %select_n3A_457, %select_n3A_581, %broadcast_in_dim3A_1103], %get3A_1109 : memref<2x8x8x130xf32, #tpu.memory_space<vmem>>[vector<16xi32>, vector<16xi32>, vector<16xi32>, vector<16xi32>], vector<16xf32>,
        %add3A_1110 = arith.constant 128 : i32
        %add3A_1111 = arith.addi %add3A_1110, %mul3A_1100 : i32
        %add3A_1112 = arith.constant 0 : i32
        %add3A_1113 = arith.addi %add3A_1111, %add3A_1112 : i32
        %get3A_1114 = arith.index_cast %add3A_1113 : i32 to index
        %get3A_1115 = arith.constant 16 : index
        %get3A_1116 = tpu.vector_load %arg10[%get3A_1114, %get3A_1115] {strides = array<i32>} : memref<256x64xf32, #tpu.memory_space<vmem>>, vector<16xf32>,
        tpu.vector_store_idx %arg12[%broadcast_in_dim3A_423, %select_n3A_491, %select_n3A_581, %broadcast_in_dim3A_1103], %get3A_1116 : memref<2x8x8x130xf32, #tpu.memory_space<vmem>>[vector<16xi32>, vector<16xi32>, vector<16xi32>, vector<16xi32>], vector<16xf32>,
        %add3A_1117 = arith.constant 128 : i32
        %add3A_1118 = arith.addi %add3A_1117, %mul3A_1100 : i32
        %add3A_1119 = arith.constant 0 : i32
        %add3A_1120 = arith.addi %add3A_1118, %add3A_1119 : i32
        %get3A_1121 = arith.index_cast %add3A_1120 : i32 to index
        %get3A_1122 = arith.constant 32 : index
        %get3A_1123 = tpu.vector_load %arg10[%get3A_1121, %get3A_1122] {strides = array<i32>} : memref<256x64xf32, #tpu.memory_space<vmem>>, vector<16xf32>,
        tpu.vector_store_idx %arg12[%broadcast_in_dim3A_423, %select_n3A_525, %select_n3A_581, %broadcast_in_dim3A_1103], %get3A_1123 : memref<2x8x8x130xf32, #tpu.memory_space<vmem>>[vector<16xi32>, vector<16xi32>, vector<16xi32>, vector<16xi32>], vector<16xf32>,
        %add3A_1124 = arith.constant 128 : i32
        %add3A_1125 = arith.addi %add3A_1124, %mul3A_1100 : i32
        %add3A_1126 = arith.constant 0 : i32
        %add3A_1127 = arith.addi %add3A_1125, %add3A_1126 : i32
        %get3A_1128 = arith.index_cast %add3A_1127 : i32 to index
        %get3A_1129 = arith.constant 48 : index
        %get3A_1130 = tpu.vector_load %arg10[%get3A_1128, %get3A_1129] {strides = array<i32>} : memref<256x64xf32, #tpu.memory_space<vmem>>, vector<16xf32>,
        tpu.vector_store_idx %arg12[%broadcast_in_dim3A_423, %select_n3A_559, %select_n3A_581, %broadcast_in_dim3A_1103], %get3A_1130 : memref<2x8x8x130xf32, #tpu.memory_space<vmem>>[vector<16xi32>, vector<16xi32>, vector<16xi32>, vector<16xi32>], vector<16xf32>,
        %add3A_1131 = arith.constant 1 : i32
        %add3A_1132 = arith.addi %mul3A_1100, %add3A_1131 : i32
        %broadcast_in_dim3A_1133 = vector.broadcast %add3A_1132 : i32 to vector<16xi32>
        %add3A_1134 = arith.constant 128 : i32
        %add3A_1135 = arith.addi %add3A_1134, %mul3A_1100 : i32
        %add3A_1136 = arith.constant 1 : i32
        %add3A_1137 = arith.addi %add3A_1135, %add3A_1136 : i32
        %get3A_1138 = arith.index_cast %add3A_1137 : i32 to index
        %get3A_1139 = arith.constant 0 : index
        %get3A_1140 = tpu.vector_load %arg10[%get3A_1138, %get3A_1139] {strides = array<i32>} : memref<256x64xf32, #tpu.memory_space<vmem>>, vector<16xf32>,
        tpu.vector_store_idx %arg12[%broadcast_in_dim3A_423, %select_n3A_457, %select_n3A_581, %broadcast_in_dim3A_1133], %get3A_1140 : memref<2x8x8x130xf32, #tpu.memory_space<vmem>>[vector<16xi32>, vector<16xi32>, vector<16xi32>, vector<16xi32>], vector<16xf32>,
        %add3A_1141 = arith.constant 128 : i32
        %add3A_1142 = arith.addi %add3A_1141, %mul3A_1100 : i32
        %add3A_1143 = arith.constant 1 : i32
        %add3A_1144 = arith.addi %add3A_1142, %add3A_1143 : i32
        %get3A_1145 = arith.index_cast %add3A_1144 : i32 to index
        %get3A_1146 = arith.constant 16 : index
        %get3A_1147 = tpu.vector_load %arg10[%get3A_1145, %get3A_1146] {strides = array<i32>} : memref<256x64xf32, #tpu.memory_space<vmem>>, vector<16xf32>,
        tpu.vector_store_idx %arg12[%broadcast_in_dim3A_423, %select_n3A_491, %select_n3A_581, %broadcast_in_dim3A_1133], %get3A_1147 : memref<2x8x8x130xf32, #tpu.memory_space<vmem>>[vector<16xi32>, vector<16xi32>, vector<16xi32>, vector<16xi32>], vector<16xf32>,
        %add3A_1148 = arith.constant 128 : i32
        %add3A_1149 = arith.addi %add3A_1148, %mul3A_1100 : i32
        %add3A_1150 = arith.constant 1 : i32
        %add3A_1151 = arith.addi %add3A_1149, %add3A_1150 : i32
        %get3A_1152 = arith.index_cast %add3A_1151 : i32 to index
        %get3A_1153 = arith.constant 32 : index
        %get3A_1154 = tpu.vector_load %arg10[%get3A_1152, %get3A_1153] {strides = array<i32>} : memref<256x64xf32, #tpu.memory_space<vmem>>, vector<16xf32>,
        tpu.vector_store_idx %arg12[%broadcast_in_dim3A_423, %select_n3A_525, %select_n3A_581, %broadcast_in_dim3A_1133], %get3A_1154 : memref<2x8x8x130xf32, #tpu.memory_space<vmem>>[vector<16xi32>, vector<16xi32>, vector<16xi32>, vector<16xi32>], vector<16xf32>,
        %add3A_1155 = arith.constant 128 : i32
        %add3A_1156 = arith.addi %add3A_1155, %mul3A_1100 : i32
        %add3A_1157 = arith.constant 1 : i32
        %add3A_1158 = arith.addi %add3A_1156, %add3A_1157 : i32
        %get3A_1159 = arith.index_cast %add3A_1158 : i32 to index
        %get3A_1160 = arith.constant 48 : index
        %get3A_1161 = tpu.vector_load %arg10[%get3A_1159, %get3A_1160] {strides = array<i32>} : memref<256x64xf32, #tpu.memory_space<vmem>>, vector<16xf32>,
        tpu.vector_store_idx %arg12[%broadcast_in_dim3A_423, %select_n3A_559, %select_n3A_581, %broadcast_in_dim3A_1133], %get3A_1161 : memref<2x8x8x130xf32, #tpu.memory_space<vmem>>[vector<16xi32>, vector<16xi32>, vector<16xi32>, vector<16xi32>], vector<16xf32>,
        %add3A_1162 = arith.constant 2 : i32
        %add3A_1163 = arith.addi %mul3A_1100, %add3A_1162 : i32
        %broadcast_in_dim3A_1164 = vector.broadcast %add3A_1163 : i32 to vector<16xi32>
        %add3A_1165 = arith.constant 128 : i32
        %add3A_1166 = arith.addi %add3A_1165, %mul3A_1100 : i32
        %add3A_1167 = arith.constant 2 : i32
        %add3A_1168 = arith.addi %add3A_1166, %add3A_1167 : i32
        %get3A_1169 = arith.index_cast %add3A_1168 : i32 to index
        %get3A_1170 = arith.constant 0 : index
        %get3A_1171 = tpu.vector_load %arg10[%get3A_1169, %get3A_1170] {strides = array<i32>} : memref<256x64xf32, #tpu.memory_space<vmem>>, vector<16xf32>,
        tpu.vector_store_idx %arg12[%broadcast_in_dim3A_423, %select_n3A_457, %select_n3A_581, %broadcast_in_dim3A_1164], %get3A_1171 : memref<2x8x8x130xf32, #tpu.memory_space<vmem>>[vector<16xi32>, vector<16xi32>, vector<16xi32>, vector<16xi32>], vector<16xf32>,
        %add3A_1172 = arith.constant 128 : i32
        %add3A_1173 = arith.addi %add3A_1172, %mul3A_1100 : i32
        %add3A_1174 = arith.constant 2 : i32
        %add3A_1175 = arith.addi %add3A_1173, %add3A_1174 : i32
        %get3A_1176 = arith.index_cast %add3A_1175 : i32 to index
        %get3A_1177 = arith.constant 16 : index
        %get3A_1178 = tpu.vector_load %arg10[%get3A_1176, %get3A_1177] {strides = array<i32>} : memref<256x64xf32, #tpu.memory_space<vmem>>, vector<16xf32>,
        tpu.vector_store_idx %arg12[%broadcast_in_dim3A_423, %select_n3A_491, %select_n3A_581, %broadcast_in_dim3A_1164], %get3A_1178 : memref<2x8x8x130xf32, #tpu.memory_space<vmem>>[vector<16xi32>, vector<16xi32>, vector<16xi32>, vector<16xi32>], vector<16xf32>,
        %add3A_1179 = arith.constant 128 : i32
        %add3A_1180 = arith.addi %add3A_1179, %mul3A_1100 : i32
        %add3A_1181 = arith.constant 2 : i32
        %add3A_1182 = arith.addi %add3A_1180, %add3A_1181 : i32
        %get3A_1183 = arith.index_cast %add3A_1182 : i32 to index
        %get3A_1184 = arith.constant 32 : index
        %get3A_1185 = tpu.vector_load %arg10[%get3A_1183, %get3A_1184] {strides = array<i32>} : memref<256x64xf32, #tpu.memory_space<vmem>>, vector<16xf32>,
        tpu.vector_store_idx %arg12[%broadcast_in_dim3A_423, %select_n3A_525, %select_n3A_581, %broadcast_in_dim3A_1164], %get3A_1185 : memref<2x8x8x130xf32, #tpu.memory_space<vmem>>[vector<16xi32>, vector<16xi32>, vector<16xi32>, vector<16xi32>], vector<16xf32>,
        %add3A_1186 = arith.constant 128 : i32
        %add3A_1187 = arith.addi %add3A_1186, %mul3A_1100 : i32
        %add3A_1188 = arith.constant 2 : i32
        %add3A_1189 = arith.addi %add3A_1187, %add3A_1188 : i32
        %get3A_1190 = arith.index_cast %add3A_1189 : i32 to index
        %get3A_1191 = arith.constant 48 : index
        %get3A_1192 = tpu.vector_load %arg10[%get3A_1190, %get3A_1191] {strides = array<i32>} : memref<256x64xf32, #tpu.memory_space<vmem>>, vector<16xf32>,
        tpu.vector_store_idx %arg12[%broadcast_in_dim3A_423, %select_n3A_559, %select_n3A_581, %broadcast_in_dim3A_1164], %get3A_1192 : memref<2x8x8x130xf32, #tpu.memory_space<vmem>>[vector<16xi32>, vector<16xi32>, vector<16xi32>, vector<16xi32>], vector<16xf32>,
        %add3A_1193 = arith.constant 3 : i32
        %add3A_1194 = arith.addi %mul3A_1100, %add3A_1193 : i32
        %broadcast_in_dim3A_1195 = vector.broadcast %add3A_1194 : i32 to vector<16xi32>
        %add3A_1196 = arith.constant 128 : i32
        %add3A_1197 = arith.addi %add3A_1196, %mul3A_1100 : i32
        %add3A_1198 = arith.constant 3 : i32
        %add3A_1199 = arith.addi %add3A_1197, %add3A_1198 : i32
        %get3A_1200 = arith.index_cast %add3A_1199 : i32 to index
        %get3A_1201 = arith.constant 0 : index
        %get3A_1202 = tpu.vector_load %arg10[%get3A_1200, %get3A_1201] {strides = array<i32>} : memref<256x64xf32, #tpu.memory_space<vmem>>, vector<16xf32>,
        tpu.vector_store_idx %arg12[%broadcast_in_dim3A_423, %select_n3A_457, %select_n3A_581, %broadcast_in_dim3A_1195], %get3A_1202 : memref<2x8x8x130xf32, #tpu.memory_space<vmem>>[vector<16xi32>, vector<16xi32>, vector<16xi32>, vector<16xi32>], vector<16xf32>,
        %add3A_1203 = arith.constant 128 : i32
        %add3A_1204 = arith.addi %add3A_1203, %mul3A_1100 : i32
        %add3A_1205 = arith.constant 3 : i32
        %add3A_1206 = arith.addi %add3A_1204, %add3A_1205 : i32
        %get3A_1207 = arith.index_cast %add3A_1206 : i32 to index
        %get3A_1208 = arith.constant 16 : index
        %get3A_1209 = tpu.vector_load %arg10[%get3A_1207, %get3A_1208] {strides = array<i32>} : memref<256x64xf32, #tpu.memory_space<vmem>>, vector<16xf32>,
        tpu.vector_store_idx %arg12[%broadcast_in_dim3A_423, %select_n3A_491, %select_n3A_581, %broadcast_in_dim3A_1195], %get3A_1209 : memref<2x8x8x130xf32, #tpu.memory_space<vmem>>[vector<16xi32>, vector<16xi32>, vector<16xi32>, vector<16xi32>], vector<16xf32>,
        %add3A_1210 = arith.constant 128 : i32
        %add3A_1211 = arith.addi %add3A_1210, %mul3A_1100 : i32
        %add3A_1212 = arith.constant 3 : i32
        %add3A_1213 = arith.addi %add3A_1211, %add3A_1212 : i32
        %get3A_1214 = arith.index_cast %add3A_1213 : i32 to index
        %get3A_1215 = arith.constant 32 : index
        %get3A_1216 = tpu.vector_load %arg10[%get3A_1214, %get3A_1215] {strides = array<i32>} : memref<256x64xf32, #tpu.memory_space<vmem>>, vector<16xf32>,
        tpu.vector_store_idx %arg12[%broadcast_in_dim3A_423, %select_n3A_525, %select_n3A_581, %broadcast_in_dim3A_1195], %get3A_1216 : memref<2x8x8x130xf32, #tpu.memory_space<vmem>>[vector<16xi32>, vector<16xi32>, vector<16xi32>, vector<16xi32>], vector<16xf32>,
        %add3A_1217 = arith.constant 128 : i32
        %add3A_1218 = arith.addi %add3A_1217, %mul3A_1100 : i32
        %add3A_1219 = arith.constant 3 : i32
        %add3A_1220 = arith.addi %add3A_1218, %add3A_1219 : i32
        %get3A_1221 = arith.index_cast %add3A_1220 : i32 to index
        %get3A_1222 = arith.constant 48 : index
        %get3A_1223 = tpu.vector_load %arg10[%get3A_1221, %get3A_1222] {strides = array<i32>} : memref<256x64xf32, #tpu.memory_space<vmem>>, vector<16xf32>,
        tpu.vector_store_idx %arg12[%broadcast_in_dim3A_423, %select_n3A_559, %select_n3A_581, %broadcast_in_dim3A_1195], %get3A_1223 : memref<2x8x8x130xf32, #tpu.memory_space<vmem>>[vector<16xi32>, vector<16xi32>, vector<16xi32>, vector<16xi32>], vector<16xf32>,
      }
      %scan3A_587 = arith.constant 32 : i32
      %dma_start3A_588 = arith.constant 0 : i32
      %dma_start3A_589 = arith.constant 0 : i32
      %dma_start3A_590 = arith.constant 0 : i32
      %dma_start3A_591 = arith.constant 0 : i32
      %dma_start3A_592 = tpu.memref_slice %arg12[%dma_start3A_588, %dma_start3A_589, %dma_start3A_590, %dma_start3A_591] : memref<2x8x8x130xf32, #tpu.memory_space<vmem>> -> memref<2x8x8x128xf32, #tpu.memory_space<vmem>>
      %dma_start3A_593 = arith.constant 0 : i32
      %dma_start3A_594 = arith.constant 0 : i32
      %dma_start3A_595 = arith.constant 0 : i32
      %dma_start3A_596 = tpu.memref_slice %arg6[%mul3A_182, %dma_start3A_593, %add3A_185, %dma_start3A_594, %dma_start3A_595] : memref<39x8x128x8x128xf32, #tpu.memory_space<hbm>> -> memref<2x8x1x8x128xf32, #tpu.memory_space<hbm>>
      %dma_start3A_597 = tpu.memref_squeeze %dma_start3A_596 : memref<2x8x1x8x128xf32, #tpu.memory_space<hbm>> -> memref<2x8x8x128xf32, #tpu.memory_space<hbm>>
      %dma_start3A_598 = arith.constant 0 : i32
      %dma_start3A_599 = arith.constant 0 : i32
      %dma_start3A_600 = arith.constant 0 : i32
      %dma_start3A_601 = tpu.memref_slice %arg6[%mul3A_182, %dma_start3A_598, %add3A_185, %dma_start3A_599, %dma_start3A_600] : memref<39x8x128x8x128xf32, #tpu.memory_space<hbm>> -> memref<2x8x1x8x128xf32, #tpu.memory_space<hbm>>
      %dma_start3A_602 = tpu.memref_squeeze %dma_start3A_601 : memref<2x8x1x8x128xf32, #tpu.memory_space<hbm>> -> memref<2x8x8x128xf32, #tpu.memory_space<hbm>>
      %dma_start3A_603 = arith.constant 0 : i32
      %dma_start3A_604 = arith.constant 0 : i32
      %dma_start3A_605 = arith.constant 0 : i32
      %dma_start3A_606 = arith.constant 0 : i32
      %dma_start3A_607 = tpu.memref_slice %arg12[%dma_start3A_603, %dma_start3A_604, %dma_start3A_605, %dma_start3A_606] : memref<2x8x8x130xf32, #tpu.memory_space<vmem>> -> memref<2x8x8x128xf32, #tpu.memory_space<vmem>>
      tpu.enqueue_dma source(%dma_start3A_607 : memref<2x8x8x128xf32, #tpu.memory_space<vmem>>) target(%dma_start3A_602 : memref<2x8x8x128xf32, #tpu.memory_space<hbm>>) target_semaphore(%arg16 : memref<!tpu.dma_semaphore, #tpu.memory_space<semaphore_mem>>)
      %add3A_608 = arith.constant 2 : i32
      %add3A_609 = arith.addi %add3A_150, %add3A_608 : i32
      %lt3A_610 = arith.constant 52 : i32
      %lt3A_611 = arith.cmpi slt, %add3A_609, %lt3A_610 : i32
      %convert_element_type3A_612 = arith.extui %lt3A_611 : i1 to i32
      %cond3A_613 = arith.constant 0 : i32
      %cond3A_614 = arith.cmpi ne, %convert_element_type3A_612, %cond3A_613 : i32
      scf.if %cond3A_614 {
        %add3A_1098 = arith.constant 2 : i32
        %add3A_1099 = arith.addi %add3A_150, %add3A_1098 : i32
        %jit3A_1100 = arith.constant 13 : i32
        %div3A_1101 = arith.divsi %add3A_1099, %jit3A_1100 : i32
        %sign3A_1102 = arith.constant 0 : i32
        %sign3A_1103 = arith.cmpi sgt, %add3A_1099, %sign3A_1102 : i32
        %sign3A_1104 = arith.extui %sign3A_1103 : i1 to i32
        %sign3A_1105 = arith.constant 0 : i32
        %sign3A_1106 = arith.cmpi slt, %add3A_1099, %sign3A_1105 : i32
        %sign3A_1107 = arith.extui %sign3A_1106 : i1 to i32
        %sign3A_1108 = arith.subi %sign3A_1104, %sign3A_1107 : i32
        %sign3A_1109 = arith.constant 0 : i32
        %sign3A_1110 = arith.cmpi sgt, %jit3A_1100, %sign3A_1109 : i32
        %sign3A_1111 = arith.extui %sign3A_1110 : i1 to i32
        %sign3A_1112 = arith.constant 0 : i32
        %sign3A_1113 = arith.cmpi slt, %jit3A_1100, %sign3A_1112 : i32
        %sign3A_1114 = arith.extui %sign3A_1113 : i1 to i32
        %sign3A_1115 = arith.subi %sign3A_1111, %sign3A_1114 : i32
        %ne3A_1116 = arith.cmpi ne, %sign3A_1108, %sign3A_1115 : i32
        %rem3A_1117 = arith.remsi %add3A_1099, %jit3A_1100 : i32
        %ne3A_1118 = arith.constant 0 : i32
        %ne3A_1119 = arith.cmpi ne, %rem3A_1117, %ne3A_1118 : i32
        %and3A_1120 = arith.andi %ne3A_1116, %ne3A_1119 : i1
        %sub3A_1121 = arith.constant 1 : i32
        %sub3A_1122 = arith.subi %div3A_1101, %sub3A_1121 : i32
        %select_n3A_1123 = arith.select %and3A_1120, %sub3A_1122, %div3A_1101 : i32
        %jit3A_1124 = arith.constant 13 : i32
        %eq3A_1125 = arith.constant 0 : i32
        %eq3A_1126 = arith.cmpi eq, %jit3A_1124, %eq3A_1125 : i32
        %jit3A_1127 = arith.constant 1 : i32
        %select_n3A_1128 = arith.select %eq3A_1126, %jit3A_1127, %jit3A_1124 : i32
        %rem3A_1129 = arith.remsi %add3A_1099, %select_n3A_1128 : i32
        %ne3A_1130 = arith.constant 0 : i32
        %ne3A_1131 = arith.cmpi ne, %rem3A_1129, %ne3A_1130 : i32
        %lt3A_1132 = arith.constant 0 : i32
        %lt3A_1133 = arith.cmpi slt, %rem3A_1129, %lt3A_1132 : i32
        %lt3A_1134 = arith.constant 0 : i32
        %lt3A_1135 = arith.cmpi slt, %select_n3A_1128, %lt3A_1134 : i32
        %ne3A_1136 = arith.xori %lt3A_1133, %lt3A_1135 : i1
        %and3A_1137 = arith.andi %ne3A_1136, %ne3A_1131 : i1
        %add3A_1138 = arith.addi %rem3A_1129, %select_n3A_1128 : i32
        %select_n3A_1139 = arith.select %and3A_1137, %add3A_1138, %rem3A_1129 : i32
        %mul3A_1140 = arith.constant 2 : i32
        %mul3A_1141 = arith.muli %select_n3A_1139, %mul3A_1140 : i32
        %add3A_1142 = arith.constant 0 : i32
        %add3A_1143 = arith.addi %mul3A_1141, %add3A_1142 : i32
        %mul3A_1144 = arith.constant 128 : i32
        %mul3A_1145 = arith.muli %select_n3A_1123, %mul3A_1144 : i32
        %mul3A_1146 = arith.constant 2 : i32
        %mul3A_1147 = arith.muli %select_n3A_1139, %mul3A_1146 : i32
        %add3A_1148 = arith.constant 1 : i32
        %add3A_1149 = arith.addi %mul3A_1147, %add3A_1148 : i32
        %mul3A_1150 = arith.constant 128 : i32
        %mul3A_1151 = arith.muli %select_n3A_1123, %mul3A_1150 : i32
        %dma_start3A_1152 = arith.constant 0 : i32
        %dma_start3A_1153 = arith.constant 0 : i32
        %dma_start3A_1154 = tpu.memref_slice %arg10[%dma_start3A_1152, %dma_start3A_1153] : memref<256x64xf32, #tpu.memory_space<vmem>> -> memref<128x64xf32, #tpu.memory_space<vmem>>
        %dma_start3A_1155 = tpu.memref_slice %arg7[%add3A_1143, %mul3A_1145] : memref<26x512xi32, #tpu.memory_space<vmem>> -> memref<1x128xi32, #tpu.memory_space<vmem>>
        %dma_start3A_1156 = tpu.memref_squeeze %dma_start3A_1155 : memref<1x128xi32, #tpu.memory_space<vmem>> -> memref<128xi32, #tpu.memory_space<vmem>>
        %dma_start3A_1157 = arith.constant 0 : i32
        %dma_start3A_1158 = arith.constant 0 : i32
        %dma_start3A_1159 = tpu.memref_slice %arg4[%dma_start3A_1157, %dma_start3A_1158] : memref<1000000x64xf32, #tpu.memory_space<hbm>> -> memref<1000000x64xf32, #tpu.memory_space<hbm>>
        tpu.enqueue_indirect_dma source(%dma_start3A_1159 : memref<1000000x64xf32, #tpu.memory_space<hbm>>) target(%dma_start3A_1154 : memref<128x64xf32, #tpu.memory_space<vmem>>) offsets(%dma_start3A_1156 : memref<128xi32, #tpu.memory_space<vmem>>) semaphore(%arg14 : memref<!tpu.dma_semaphore, #tpu.memory_space<semaphore_mem>>)
        %dma_start3A_1160 = arith.constant 128 : i32
        %dma_start3A_1161 = arith.constant 0 : i32
        %dma_start3A_1162 = tpu.memref_slice %arg10[%dma_start3A_1160, %dma_start3A_1161] : memref<256x64xf32, #tpu.memory_space<vmem>> -> memref<128x64xf32, #tpu.memory_space<vmem>>
        %dma_start3A_1163 = tpu.memref_slice %arg7[%add3A_1149, %mul3A_1151] : memref<26x512xi32, #tpu.memory_space<vmem>> -> memref<1x128xi32, #tpu.memory_space<vmem>>
        %dma_start3A_1164 = tpu.memref_squeeze %dma_start3A_1163 : memref<1x128xi32, #tpu.memory_space<vmem>> -> memref<128xi32, #tpu.memory_space<vmem>>
        %dma_start3A_1165 = arith.constant 0 : i32
        %dma_start3A_1166 = arith.constant 0 : i32
        %dma_start3A_1167 = tpu.memref_slice %arg4[%dma_start3A_1165, %dma_start3A_1166] : memref<1000000x64xf32, #tpu.memory_space<hbm>> -> memref<1000000x64xf32, #tpu.memory_space<hbm>>
        tpu.enqueue_indirect_dma source(%dma_start3A_1167 : memref<1000000x64xf32, #tpu.memory_space<hbm>>) target(%dma_start3A_1162 : memref<128x64xf32, #tpu.memory_space<vmem>>) offsets(%dma_start3A_1164 : memref<128xi32, #tpu.memory_space<vmem>>) semaphore(%arg14 : memref<!tpu.dma_semaphore, #tpu.memory_space<semaphore_mem>>)
      } else {
      }
      %mul3A_615 = arith.constant 2 : i32
      %mul3A_616 = arith.muli %mul3A_615, %scan3A_146 : i32
      %add3A_617 = arith.constant 1 : i32
      %add3A_618 = arith.addi %mul3A_616, %add3A_617 : i32
      %jit3A_619 = arith.constant 13 : i32
      %div3A_620 = arith.divsi %add3A_618, %jit3A_619 : i32
      %sign3A_621 = arith.constant 0 : i32
      %sign3A_622 = arith.cmpi sgt, %add3A_618, %sign3A_621 : i32
      %sign3A_623 = arith.extui %sign3A_622 : i1 to i32
      %sign3A_624 = arith.constant 0 : i32
      %sign3A_625 = arith.cmpi slt, %add3A_618, %sign3A_624 : i32
      %sign3A_626 = arith.extui %sign3A_625 : i1 to i32
      %sign3A_627 = arith.subi %sign3A_623, %sign3A_626 : i32
      %sign3A_628 = arith.constant 0 : i32
      %sign3A_629 = arith.cmpi sgt, %jit3A_619, %sign3A_628 : i32
      %sign3A_630 = arith.extui %sign3A_629 : i1 to i32
      %sign3A_631 = arith.constant 0 : i32
      %sign3A_632 = arith.cmpi slt, %jit3A_619, %sign3A_631 : i32
      %sign3A_633 = arith.extui %sign3A_632 : i1 to i32
      %sign3A_634 = arith.subi %sign3A_630, %sign3A_633 : i32
      %ne3A_635 = arith.cmpi ne, %sign3A_627, %sign3A_634 : i32
      %rem3A_636 = arith.remsi %add3A_618, %jit3A_619 : i32
      %ne3A_637 = arith.constant 0 : i32
      %ne3A_638 = arith.cmpi ne, %rem3A_636, %ne3A_637 : i32
      %and3A_639 = arith.andi %ne3A_635, %ne3A_638 : i1
      %sub3A_640 = arith.constant 1 : i32
      %sub3A_641 = arith.subi %div3A_620, %sub3A_640 : i32
      %select_n3A_642 = arith.select %and3A_639, %sub3A_641, %div3A_620 : i32
      %jit3A_643 = arith.constant 13 : i32
      %eq3A_644 = arith.constant 0 : i32
      %eq3A_645 = arith.cmpi eq, %jit3A_643, %eq3A_644 : i32
      %jit3A_646 = arith.constant 1 : i32
      %select_n3A_647 = arith.select %eq3A_645, %jit3A_646, %jit3A_643 : i32
      %rem3A_648 = arith.remsi %add3A_618, %select_n3A_647 : i32
      %ne3A_649 = arith.constant 0 : i32
      %ne3A_650 = arith.cmpi ne, %rem3A_648, %ne3A_649 : i32
      %lt3A_651 = arith.constant 0 : i32
      %lt3A_652 = arith.cmpi slt, %rem3A_648, %lt3A_651 : i32
      %lt3A_653 = arith.constant 0 : i32
      %lt3A_654 = arith.cmpi slt, %select_n3A_647, %lt3A_653 : i32
      %ne3A_655 = arith.xori %lt3A_652, %lt3A_654 : i1
      %and3A_656 = arith.andi %ne3A_655, %ne3A_650 : i1
      %add3A_657 = arith.addi %rem3A_648, %select_n3A_647 : i32
      %select_n3A_658 = arith.select %and3A_656, %add3A_657, %rem3A_648 : i32
      %mul3A_659 = arith.constant 2 : i32
      %mul3A_660 = arith.muli %select_n3A_658, %mul3A_659 : i32
      %mul3A_661 = arith.constant 4 : i32
      %mul3A_662 = arith.muli %add3A, %mul3A_661 : i32
      %add3A_663 = arith.addi %mul3A_662, %select_n3A_642 : i32
      %jit3A_664 = arith.constant 13 : i32
      %div3A_665 = arith.divsi %add3A_618, %jit3A_664 : i32
      %sign3A_666 = arith.constant 0 : i32
      %sign3A_667 = arith.cmpi sgt, %add3A_618, %sign3A_666 : i32
      %sign3A_668 = arith.extui %sign3A_667 : i1 to i32
      %sign3A_669 = arith.constant 0 : i32
      %sign3A_670 = arith.cmpi slt, %add3A_618, %sign3A_669 : i32
      %sign3A_671 = arith.extui %sign3A_670 : i1 to i32
      %sign3A_672 = arith.subi %sign3A_668, %sign3A_671 : i32
      %sign3A_673 = arith.constant 0 : i32
      %sign3A_674 = arith.cmpi sgt, %jit3A_664, %sign3A_673 : i32
      %sign3A_675 = arith.extui %sign3A_674 : i1 to i32
      %sign3A_676 = arith.constant 0 : i32
      %sign3A_677 = arith.cmpi slt, %jit3A_664, %sign3A_676 : i32
      %sign3A_678 = arith.extui %sign3A_677 : i1 to i32
      %sign3A_679 = arith.subi %sign3A_675, %sign3A_678 : i32
      %ne3A_680 = arith.cmpi ne, %sign3A_672, %sign3A_679 : i32
      %rem3A_681 = arith.remsi %add3A_618, %jit3A_664 : i32
      %ne3A_682 = arith.constant 0 : i32
      %ne3A_683 = arith.cmpi ne, %rem3A_681, %ne3A_682 : i32
      %and3A_684 = arith.andi %ne3A_680, %ne3A_683 : i1
      %sub3A_685 = arith.constant 1 : i32
      %sub3A_686 = arith.subi %div3A_665, %sub3A_685 : i32
      %select_n3A_687 = arith.select %and3A_684, %sub3A_686, %div3A_665 : i32
      %jit3A_688 = arith.constant 13 : i32
      %eq3A_689 = arith.constant 0 : i32
      %eq3A_690 = arith.cmpi eq, %jit3A_688, %eq3A_689 : i32
      %jit3A_691 = arith.constant 1 : i32
      %select_n3A_692 = arith.select %eq3A_690, %jit3A_691, %jit3A_688 : i32
      %rem3A_693 = arith.remsi %add3A_618, %select_n3A_692 : i32
      %ne3A_694 = arith.constant 0 : i32
      %ne3A_695 = arith.cmpi ne, %rem3A_693, %ne3A_694 : i32
      %lt3A_696 = arith.constant 0 : i32
      %lt3A_697 = arith.cmpi slt, %rem3A_693, %lt3A_696 : i32
      %lt3A_698 = arith.constant 0 : i32
      %lt3A_699 = arith.cmpi slt, %select_n3A_692, %lt3A_698 : i32
      %ne3A_700 = arith.xori %lt3A_697, %lt3A_699 : i1
      %and3A_701 = arith.andi %ne3A_700, %ne3A_695 : i1
      %add3A_702 = arith.addi %rem3A_693, %select_n3A_692 : i32
      %select_n3A_703 = arith.select %and3A_701, %add3A_702, %rem3A_693 : i32
      %mul3A_704 = arith.constant 2 : i32
      %mul3A_705 = arith.muli %select_n3A_703, %mul3A_704 : i32
      %add3A_706 = arith.constant 0 : i32
      %add3A_707 = arith.addi %mul3A_705, %add3A_706 : i32
      %mul3A_708 = arith.constant 128 : i32
      %mul3A_709 = arith.muli %select_n3A_687, %mul3A_708 : i32
      %mul3A_710 = arith.constant 2 : i32
      %mul3A_711 = arith.muli %select_n3A_703, %mul3A_710 : i32
      %add3A_712 = arith.constant 1 : i32
      %add3A_713 = arith.addi %mul3A_711, %add3A_712 : i32
      %mul3A_714 = arith.constant 128 : i32
      %mul3A_715 = arith.muli %select_n3A_687, %mul3A_714 : i32
      %dma_wait3A_716 = arith.constant 0 : i32
      %dma_wait3A_717 = arith.constant 0 : i32
      %dma_wait3A_718 = tpu.memref_slice %arg11[%dma_wait3A_716, %dma_wait3A_717] : memref<256x64xf32, #tpu.memory_space<vmem>> -> memref<128x64xf32, #tpu.memory_space<vmem>>
      %dma_wait3A_719 = tpu.memref_slice %arg7[%add3A_707, %mul3A_709] : memref<26x512xi32, #tpu.memory_space<vmem>> -> memref<1x128xi32, #tpu.memory_space<vmem>>
      %dma_wait3A_720 = tpu.memref_squeeze %dma_wait3A_719 : memref<1x128xi32, #tpu.memory_space<vmem>> -> memref<128xi32, #tpu.memory_space<vmem>>
      %dma_wait3A_721 = arith.constant 0 : i32
      %dma_wait3A_722 = arith.constant 0 : i32
      %dma_wait3A_723 = tpu.memref_slice %arg4[%dma_wait3A_721, %dma_wait3A_722] : memref<1000000x64xf32, #tpu.memory_space<hbm>> -> memref<1000000x64xf32, #tpu.memory_space<hbm>>
      tpu.wait_indirect_dma semaphore(%arg15 : memref<!tpu.dma_semaphore, #tpu.memory_space<semaphore_mem>>) src(%dma_wait3A_723 : memref<1000000x64xf32, #tpu.memory_space<hbm>>) dst(%dma_wait3A_718 : memref<128x64xf32, #tpu.memory_space<vmem>>)
      %dma_wait3A_724 = arith.constant 128 : i32
      %dma_wait3A_725 = arith.constant 0 : i32
      %dma_wait3A_726 = tpu.memref_slice %arg11[%dma_wait3A_724, %dma_wait3A_725] : memref<256x64xf32, #tpu.memory_space<vmem>> -> memref<128x64xf32, #tpu.memory_space<vmem>>
      %dma_wait3A_727 = tpu.memref_slice %arg7[%add3A_713, %mul3A_715] : memref<26x512xi32, #tpu.memory_space<vmem>> -> memref<1x128xi32, #tpu.memory_space<vmem>>
      %dma_wait3A_728 = tpu.memref_squeeze %dma_wait3A_727 : memref<1x128xi32, #tpu.memory_space<vmem>> -> memref<128xi32, #tpu.memory_space<vmem>>
      %dma_wait3A_729 = arith.constant 0 : i32
      %dma_wait3A_730 = arith.constant 0 : i32
      %dma_wait3A_731 = tpu.memref_slice %arg4[%dma_wait3A_729, %dma_wait3A_730] : memref<1000000x64xf32, #tpu.memory_space<hbm>> -> memref<1000000x64xf32, #tpu.memory_space<hbm>>
      tpu.wait_indirect_dma semaphore(%arg15 : memref<!tpu.dma_semaphore, #tpu.memory_space<semaphore_mem>>) src(%dma_wait3A_731 : memref<1000000x64xf32, #tpu.memory_space<hbm>>) dst(%dma_wait3A_726 : memref<128x64xf32, #tpu.memory_space<vmem>>)
      %ge3A_732 = arith.constant 1 : i32
      %ge3A_733 = arith.cmpi sge, %scan3A_146, %ge3A_732 : i32
      %convert_element_type3A_734 = arith.extui %ge3A_733 : i1 to i32
      %cond3A_735 = arith.constant 0 : i32
      %cond3A_736 = arith.cmpi ne, %convert_element_type3A_734, %cond3A_735 : i32
      scf.if %cond3A_736 {
        %dma_wait3A_1098 = arith.constant 0 : i32
        %dma_wait3A_1099 = arith.constant 0 : i32
        %dma_wait3A_1100 = arith.constant 0 : i32
        %dma_wait3A_1101 = arith.constant 0 : i32
        %dma_wait3A_1102 = arith.constant 0 : i32
        %dma_wait3A_1103 = tpu.memref_slice %arg13[%dma_wait3A_1099, %dma_wait3A_1100, %dma_wait3A_1101, %dma_wait3A_1102] : memref<2x8x8x130xf32, #tpu.memory_space<vmem>> -> memref<2x8x8x128xf32, #tpu.memory_space<vmem>>
        %dma_wait3A_1104 = arith.constant 0 : i32
        %dma_wait3A_1105 = arith.constant 0 : i32
        %dma_wait3A_1106 = arith.constant 0 : i32
        %dma_wait3A_1107 = arith.constant 0 : i32
        %dma_wait3A_1108 = tpu.memref_slice %arg6[%dma_wait3A_1104, %dma_wait3A_1105, %dma_wait3A_1098, %dma_wait3A_1106, %dma_wait3A_1107] : memref<39x8x128x8x128xf32, #tpu.memory_space<hbm>> -> memref<2x8x1x8x128xf32, #tpu.memory_space<hbm>>
        %dma_wait3A_1109 = tpu.memref_squeeze %dma_wait3A_1108 : memref<2x8x1x8x128xf32, #tpu.memory_space<hbm>> -> memref<2x8x8x128xf32, #tpu.memory_space<hbm>>
        %dma_wait3A_1110 = arith.constant 0 : i32
        %dma_wait3A_1111 = arith.constant 0 : i32
        %dma_wait3A_1112 = arith.constant 0 : i32
        %dma_wait3A_1113 = arith.constant 0 : i32
        %dma_wait3A_1114 = tpu.memref_slice %arg13[%dma_wait3A_1110, %dma_wait3A_1111, %dma_wait3A_1112, %dma_wait3A_1113] : memref<2x8x8x130xf32, #tpu.memory_space<vmem>> -> memref<2x8x8x128xf32, #tpu.memory_space<vmem>>
        %dma_wait3A_1115 = arith.constant 0 : i32
        %dma_wait3A_1116 = arith.constant 0 : i32
        %dma_wait3A_1117 = arith.constant 0 : i32
        %dma_wait3A_1118 = arith.constant 0 : i32
        %dma_wait3A_1119 = tpu.memref_slice %arg6[%dma_wait3A_1115, %dma_wait3A_1116, %dma_wait3A_1098, %dma_wait3A_1117, %dma_wait3A_1118] : memref<39x8x128x8x128xf32, #tpu.memory_space<hbm>> -> memref<2x8x1x8x128xf32, #tpu.memory_space<hbm>>
        %dma_wait3A_1120 = tpu.memref_squeeze %dma_wait3A_1119 : memref<2x8x1x8x128xf32, #tpu.memory_space<hbm>> -> memref<2x8x8x128xf32, #tpu.memory_space<hbm>>
        tpu.wait_dma2 semaphore(%arg17 : memref<!tpu.dma_semaphore, #tpu.memory_space<semaphore_mem>>) src(%dma_wait3A_1120 : memref<2x8x8x128xf32, #tpu.memory_space<hbm>>) dst(%dma_wait3A_1114 : memref<2x8x8x128xf32, #tpu.memory_space<vmem>>)
      } else {
      }
      %iota3A_737 = tpu.iota {dimensions = array<i32: 0>} : vector<16xi32>
      %broadcast_in_dim3A_738 = arith.constant 0 : i32
      %broadcast_in_dim3A_739 = vector.broadcast %broadcast_in_dim3A_738 : i32 to vector<16xi32>
      %add3A_740 = arith.constant 0 : i32
      %add3A_741 = vector.broadcast %add3A_740 : i32 to vector<16xi32>
      %add3A_742 = arith.addi %add3A_741, %iota3A_737 : vector<16xi32>
      %jit3A_743 = arith.constant 8 : i32
      %div3A_744 = vector.broadcast %jit3A_743 : i32 to vector<16xi32>
      %div3A_745 = arith.divsi %add3A_742, %div3A_744 : vector<16xi32>
      %sign3A_746 = arith.constant 0 : i32
      %sign3A_747 = vector.broadcast %sign3A_746 : i32 to vector<16xi32>
      %sign3A_748 = arith.cmpi sgt, %add3A_742, %sign3A_747 : vector<16xi32>
      %sign3A_749 = arith.extui %sign3A_748 : vector<16xi1> to vector<16xi32>
      %sign3A_750 = arith.constant 0 : i32
      %sign3A_751 = vector.broadcast %sign3A_750 : i32 to vector<16xi32>
      %sign3A_752 = arith.cmpi slt, %add3A_742, %sign3A_751 : vector<16xi32>
      %sign3A_753 = arith.extui %sign3A_752 : vector<16xi1> to vector<16xi32>
      %sign3A_754 = arith.subi %sign3A_749, %sign3A_753 : vector<16xi32>
      %sign3A_755 = arith.constant 0 : i32
      %sign3A_756 = arith.cmpi sgt, %jit3A_743, %sign3A_755 : i32
      %sign3A_757 = arith.extui %sign3A_756 : i1 to i32
      %sign3A_758 = arith.constant 0 : i32
      %sign3A_759 = arith.cmpi slt, %jit3A_743, %sign3A_758 : i32
      %sign3A_760 = arith.extui %sign3A_759 : i1 to i32
      %sign3A_761 = arith.subi %sign3A_757, %sign3A_760 : i32
      %ne3A_762 = vector.broadcast %sign3A_761 : i32 to vector<16xi32>
      %ne3A_763 = arith.cmpi ne, %sign3A_754, %ne3A_762 : vector<16xi32>
      %rem3A_764 = vector.broadcast %jit3A_743 : i32 to vector<16xi32>
      %rem3A_765 = arith.remsi %add3A_742, %rem3A_764 : vector<16xi32>
      %ne3A_766 = arith.constant 0 : i32
      %ne3A_767 = vector.broadcast %ne3A_766 : i32 to vector<16xi32>
      %ne3A_768 = arith.cmpi ne, %rem3A_765, %ne3A_767 : vector<16xi32>
      %and3A_769 = arith.andi %ne3A_763, %ne3A_768 : vector<16xi1>
      %sub3A_770 = arith.constant 1 : i32
      %sub3A_771 = vector.broadcast %sub3A_770 : i32 to vector<16xi32>
      %sub3A_772 = arith.subi %div3A_745, %sub3A_771 : vector<16xi32>
      %select_n3A_773 = arith.select %and3A_769, %sub3A_772, %div3A_745 : vector<16xi1>, vector<16xi32>
      %add3A_774 = arith.constant 16 : i32
      %add3A_775 = vector.broadcast %add3A_774 : i32 to vector<16xi32>
      %add3A_776 = arith.addi %add3A_775, %iota3A_737 : vector<16xi32>
      %jit3A_777 = arith.constant 8 : i32
      %div3A_778 = vector.broadcast %jit3A_777 : i32 to vector<16xi32>
      %div3A_779 = arith.divsi %add3A_776, %div3A_778 : vector<16xi32>
      %sign3A_780 = arith.constant 0 : i32
      %sign3A_781 = vector.broadcast %sign3A_780 : i32 to vector<16xi32>
      %sign3A_782 = arith.cmpi sgt, %add3A_776, %sign3A_781 : vector<16xi32>
      %sign3A_783 = arith.extui %sign3A_782 : vector<16xi1> to vector<16xi32>
      %sign3A_784 = arith.constant 0 : i32
      %sign3A_785 = vector.broadcast %sign3A_784 : i32 to vector<16xi32>
      %sign3A_786 = arith.cmpi slt, %add3A_776, %sign3A_785 : vector<16xi32>
      %sign3A_787 = arith.extui %sign3A_786 : vector<16xi1> to vector<16xi32>
      %sign3A_788 = arith.subi %sign3A_783, %sign3A_787 : vector<16xi32>
      %sign3A_789 = arith.constant 0 : i32
      %sign3A_790 = arith.cmpi sgt, %jit3A_777, %sign3A_789 : i32
      %sign3A_791 = arith.extui %sign3A_790 : i1 to i32
      %sign3A_792 = arith.constant 0 : i32
      %sign3A_793 = arith.cmpi slt, %jit3A_777, %sign3A_792 : i32
      %sign3A_794 = arith.extui %sign3A_793 : i1 to i32
      %sign3A_795 = arith.subi %sign3A_791, %sign3A_794 : i32
      %ne3A_796 = vector.broadcast %sign3A_795 : i32 to vector<16xi32>
      %ne3A_797 = arith.cmpi ne, %sign3A_788, %ne3A_796 : vector<16xi32>
      %rem3A_798 = vector.broadcast %jit3A_777 : i32 to vector<16xi32>
      %rem3A_799 = arith.remsi %add3A_776, %rem3A_798 : vector<16xi32>
      %ne3A_800 = arith.constant 0 : i32
      %ne3A_801 = vector.broadcast %ne3A_800 : i32 to vector<16xi32>
      %ne3A_802 = arith.cmpi ne, %rem3A_799, %ne3A_801 : vector<16xi32>
      %and3A_803 = arith.andi %ne3A_797, %ne3A_802 : vector<16xi1>
      %sub3A_804 = arith.constant 1 : i32
      %sub3A_805 = vector.broadcast %sub3A_804 : i32 to vector<16xi32>
      %sub3A_806 = arith.subi %div3A_779, %sub3A_805 : vector<16xi32>
      %select_n3A_807 = arith.select %and3A_803, %sub3A_806, %div3A_779 : vector<16xi1>, vector<16xi32>
      %add3A_808 = arith.constant 32 : i32
      %add3A_809 = vector.broadcast %add3A_808 : i32 to vector<16xi32>
      %add3A_810 = arith.addi %add3A_809, %iota3A_737 : vector<16xi32>
      %jit3A_811 = arith.constant 8 : i32
      %div3A_812 = vector.broadcast %jit3A_811 : i32 to vector<16xi32>
      %div3A_813 = arith.divsi %add3A_810, %div3A_812 : vector<16xi32>
      %sign3A_814 = arith.constant 0 : i32
      %sign3A_815 = vector.broadcast %sign3A_814 : i32 to vector<16xi32>
      %sign3A_816 = arith.cmpi sgt, %add3A_810, %sign3A_815 : vector<16xi32>
      %sign3A_817 = arith.extui %sign3A_816 : vector<16xi1> to vector<16xi32>
      %sign3A_818 = arith.constant 0 : i32
      %sign3A_819 = vector.broadcast %sign3A_818 : i32 to vector<16xi32>
      %sign3A_820 = arith.cmpi slt, %add3A_810, %sign3A_819 : vector<16xi32>
      %sign3A_821 = arith.extui %sign3A_820 : vector<16xi1> to vector<16xi32>
      %sign3A_822 = arith.subi %sign3A_817, %sign3A_821 : vector<16xi32>
      %sign3A_823 = arith.constant 0 : i32
      %sign3A_824 = arith.cmpi sgt, %jit3A_811, %sign3A_823 : i32
      %sign3A_825 = arith.extui %sign3A_824 : i1 to i32
      %sign3A_826 = arith.constant 0 : i32
      %sign3A_827 = arith.cmpi slt, %jit3A_811, %sign3A_826 : i32
      %sign3A_828 = arith.extui %sign3A_827 : i1 to i32
      %sign3A_829 = arith.subi %sign3A_825, %sign3A_828 : i32
      %ne3A_830 = vector.broadcast %sign3A_829 : i32 to vector<16xi32>
      %ne3A_831 = arith.cmpi ne, %sign3A_822, %ne3A_830 : vector<16xi32>
      %rem3A_832 = vector.broadcast %jit3A_811 : i32 to vector<16xi32>
      %rem3A_833 = arith.remsi %add3A_810, %rem3A_832 : vector<16xi32>
      %ne3A_834 = arith.constant 0 : i32
      %ne3A_835 = vector.broadcast %ne3A_834 : i32 to vector<16xi32>
      %ne3A_836 = arith.cmpi ne, %rem3A_833, %ne3A_835 : vector<16xi32>
      %and3A_837 = arith.andi %ne3A_831, %ne3A_836 : vector<16xi1>
      %sub3A_838 = arith.constant 1 : i32
      %sub3A_839 = vector.broadcast %sub3A_838 : i32 to vector<16xi32>
      %sub3A_840 = arith.subi %div3A_813, %sub3A_839 : vector<16xi32>
      %select_n3A_841 = arith.select %and3A_837, %sub3A_840, %div3A_813 : vector<16xi1>, vector<16xi32>
      %add3A_842 = arith.constant 48 : i32
      %add3A_843 = vector.broadcast %add3A_842 : i32 to vector<16xi32>
      %add3A_844 = arith.addi %add3A_843, %iota3A_737 : vector<16xi32>
      %jit3A_845 = arith.constant 8 : i32
      %div3A_846 = vector.broadcast %jit3A_845 : i32 to vector<16xi32>
      %div3A_847 = arith.divsi %add3A_844, %div3A_846 : vector<16xi32>
      %sign3A_848 = arith.constant 0 : i32
      %sign3A_849 = vector.broadcast %sign3A_848 : i32 to vector<16xi32>
      %sign3A_850 = arith.cmpi sgt, %add3A_844, %sign3A_849 : vector<16xi32>
      %sign3A_851 = arith.extui %sign3A_850 : vector<16xi1> to vector<16xi32>
      %sign3A_852 = arith.constant 0 : i32
      %sign3A_853 = vector.broadcast %sign3A_852 : i32 to vector<16xi32>
      %sign3A_854 = arith.cmpi slt, %add3A_844, %sign3A_853 : vector<16xi32>
      %sign3A_855 = arith.extui %sign3A_854 : vector<16xi1> to vector<16xi32>
      %sign3A_856 = arith.subi %sign3A_851, %sign3A_855 : vector<16xi32>
      %sign3A_857 = arith.constant 0 : i32
      %sign3A_858 = arith.cmpi sgt, %jit3A_845, %sign3A_857 : i32
      %sign3A_859 = arith.extui %sign3A_858 : i1 to i32
      %sign3A_860 = arith.constant 0 : i32
      %sign3A_861 = arith.cmpi slt, %jit3A_845, %sign3A_860 : i32
      %sign3A_862 = arith.extui %sign3A_861 : i1 to i32
      %sign3A_863 = arith.subi %sign3A_859, %sign3A_862 : i32
      %ne3A_864 = vector.broadcast %sign3A_863 : i32 to vector<16xi32>
      %ne3A_865 = arith.cmpi ne, %sign3A_856, %ne3A_864 : vector<16xi32>
      %rem3A_866 = vector.broadcast %jit3A_845 : i32 to vector<16xi32>
      %rem3A_867 = arith.remsi %add3A_844, %rem3A_866 : vector<16xi32>
      %ne3A_868 = arith.constant 0 : i32
      %ne3A_869 = vector.broadcast %ne3A_868 : i32 to vector<16xi32>
      %ne3A_870 = arith.cmpi ne, %rem3A_867, %ne3A_869 : vector<16xi32>
      %and3A_871 = arith.andi %ne3A_865, %ne3A_870 : vector<16xi1>
      %sub3A_872 = arith.constant 1 : i32
      %sub3A_873 = vector.broadcast %sub3A_872 : i32 to vector<16xi32>
      %sub3A_874 = arith.subi %div3A_847, %sub3A_873 : vector<16xi32>
      %select_n3A_875 = arith.select %and3A_871, %sub3A_874, %div3A_847 : vector<16xi1>, vector<16xi32>
      %jit3A_876 = arith.constant 8 : i32
      %eq3A_877 = arith.constant 0 : i32
      %eq3A_878 = arith.cmpi eq, %jit3A_876, %eq3A_877 : i32
      %jit3A_879 = arith.constant 1 : i32
      %select_n3A_880 = arith.select %eq3A_878, %jit3A_879, %jit3A_876 : i32
      %rem3A_881 = vector.broadcast %select_n3A_880 : i32 to vector<16xi32>
      %rem3A_882 = arith.remsi %iota3A_737, %rem3A_881 : vector<16xi32>
      %ne3A_883 = arith.constant 0 : i32
      %ne3A_884 = vector.broadcast %ne3A_883 : i32 to vector<16xi32>
      %ne3A_885 = arith.cmpi ne, %rem3A_882, %ne3A_884 : vector<16xi32>
      %lt3A_886 = arith.constant 0 : i32
      %lt3A_887 = vector.broadcast %lt3A_886 : i32 to vector<16xi32>
      %lt3A_888 = arith.cmpi slt, %rem3A_882, %lt3A_887 : vector<16xi32>
      %lt3A_889 = arith.constant 0 : i32
      %lt3A_890 = arith.cmpi slt, %select_n3A_880, %lt3A_889 : i32
      %ne3A_891 = vector.broadcast %lt3A_890 : i1 to vector<16xi1>
      %ne3A_892 = vector.broadcast %ne3A_891 : vector<16xi1> to vector<16xi1>
      %ne3A_893 = arith.xori %lt3A_888, %ne3A_892 : vector<16xi1>
      %and3A_894 = arith.andi %ne3A_893, %ne3A_885 : vector<16xi1>
      %add3A_895 = vector.broadcast %select_n3A_880 : i32 to vector<16xi32>
      %add3A_896 = arith.addi %rem3A_882, %add3A_895 : vector<16xi32>
      %select_n3A_897 = arith.select %and3A_894, %add3A_896, %rem3A_882 : vector<16xi1>, vector<16xi32>
      %scan3A_898 = arith.constant 0 : i32
      %scan3A_899 = arith.constant 0 : i32
      %scan3A_900 = arith.constant 32 : i32
      %scan3A_901 = arith.addi %scan3A_899, %scan3A_900 : i32
      %scan3A_902 = arith.constant 1 : i32
      scf.for %scan3A_1098 = %scan3A_899 to %scan3A_901 step %scan3A_902  : i32 {
        %mul3A_1099 = arith.constant 4 : i32
        %mul3A_1100 = arith.muli %scan3A_1098, %mul3A_1099 : i32
        %add3A_1101 = arith.constant 0 : i32
        %add3A_1102 = arith.addi %mul3A_1100, %add3A_1101 : i32
        %broadcast_in_dim3A_1103 = vector.broadcast %add3A_1102 : i32 to vector<16xi32>
        %add3A_1104 = arith.constant 0 : i32
        %add3A_1105 = arith.addi %add3A_1104, %mul3A_1100 : i32
        %add3A_1106 = arith.constant 0 : i32
        %add3A_1107 = arith.addi %add3A_1105, %add3A_1106 : i32
        %get3A = arith.index_cast %add3A_1107 : i32 to index
        %get3A_1108 = arith.constant 0 : index
        %get3A_1109 = tpu.vector_load %arg11[%get3A, %get3A_1108] {strides = array<i32>} : memref<256x64xf32, #tpu.memory_space<vmem>>, vector<16xf32>,
        tpu.vector_store_idx %arg13[%broadcast_in_dim3A_739, %select_n3A_773, %select_n3A_897, %broadcast_in_dim3A_1103], %get3A_1109 : memref<2x8x8x130xf32, #tpu.memory_space<vmem>>[vector<16xi32>, vector<16xi32>, vector<16xi32>, vector<16xi32>], vector<16xf32>,
        %add3A_1110 = arith.constant 0 : i32
        %add3A_1111 = arith.addi %add3A_1110, %mul3A_1100 : i32
        %add3A_1112 = arith.constant 0 : i32
        %add3A_1113 = arith.addi %add3A_1111, %add3A_1112 : i32
        %get3A_1114 = arith.index_cast %add3A_1113 : i32 to index
        %get3A_1115 = arith.constant 16 : index
        %get3A_1116 = tpu.vector_load %arg11[%get3A_1114, %get3A_1115] {strides = array<i32>} : memref<256x64xf32, #tpu.memory_space<vmem>>, vector<16xf32>,
        tpu.vector_store_idx %arg13[%broadcast_in_dim3A_739, %select_n3A_807, %select_n3A_897, %broadcast_in_dim3A_1103], %get3A_1116 : memref<2x8x8x130xf32, #tpu.memory_space<vmem>>[vector<16xi32>, vector<16xi32>, vector<16xi32>, vector<16xi32>], vector<16xf32>,
        %add3A_1117 = arith.constant 0 : i32
        %add3A_1118 = arith.addi %add3A_1117, %mul3A_1100 : i32
        %add3A_1119 = arith.constant 0 : i32
        %add3A_1120 = arith.addi %add3A_1118, %add3A_1119 : i32
        %get3A_1121 = arith.index_cast %add3A_1120 : i32 to index
        %get3A_1122 = arith.constant 32 : index
        %get3A_1123 = tpu.vector_load %arg11[%get3A_1121, %get3A_1122] {strides = array<i32>} : memref<256x64xf32, #tpu.memory_space<vmem>>, vector<16xf32>,
        tpu.vector_store_idx %arg13[%broadcast_in_dim3A_739, %select_n3A_841, %select_n3A_897, %broadcast_in_dim3A_1103], %get3A_1123 : memref<2x8x8x130xf32, #tpu.memory_space<vmem>>[vector<16xi32>, vector<16xi32>, vector<16xi32>, vector<16xi32>], vector<16xf32>,
        %add3A_1124 = arith.constant 0 : i32
        %add3A_1125 = arith.addi %add3A_1124, %mul3A_1100 : i32
        %add3A_1126 = arith.constant 0 : i32
        %add3A_1127 = arith.addi %add3A_1125, %add3A_1126 : i32
        %get3A_1128 = arith.index_cast %add3A_1127 : i32 to index
        %get3A_1129 = arith.constant 48 : index
        %get3A_1130 = tpu.vector_load %arg11[%get3A_1128, %get3A_1129] {strides = array<i32>} : memref<256x64xf32, #tpu.memory_space<vmem>>, vector<16xf32>,
        tpu.vector_store_idx %arg13[%broadcast_in_dim3A_739, %select_n3A_875, %select_n3A_897, %broadcast_in_dim3A_1103], %get3A_1130 : memref<2x8x8x130xf32, #tpu.memory_space<vmem>>[vector<16xi32>, vector<16xi32>, vector<16xi32>, vector<16xi32>], vector<16xf32>,
        %add3A_1131 = arith.constant 1 : i32
        %add3A_1132 = arith.addi %mul3A_1100, %add3A_1131 : i32
        %broadcast_in_dim3A_1133 = vector.broadcast %add3A_1132 : i32 to vector<16xi32>
        %add3A_1134 = arith.constant 0 : i32
        %add3A_1135 = arith.addi %add3A_1134, %mul3A_1100 : i32
        %add3A_1136 = arith.constant 1 : i32
        %add3A_1137 = arith.addi %add3A_1135, %add3A_1136 : i32
        %get3A_1138 = arith.index_cast %add3A_1137 : i32 to index
        %get3A_1139 = arith.constant 0 : index
        %get3A_1140 = tpu.vector_load %arg11[%get3A_1138, %get3A_1139] {strides = array<i32>} : memref<256x64xf32, #tpu.memory_space<vmem>>, vector<16xf32>,
        tpu.vector_store_idx %arg13[%broadcast_in_dim3A_739, %select_n3A_773, %select_n3A_897, %broadcast_in_dim3A_1133], %get3A_1140 : memref<2x8x8x130xf32, #tpu.memory_space<vmem>>[vector<16xi32>, vector<16xi32>, vector<16xi32>, vector<16xi32>], vector<16xf32>,
        %add3A_1141 = arith.constant 0 : i32
        %add3A_1142 = arith.addi %add3A_1141, %mul3A_1100 : i32
        %add3A_1143 = arith.constant 1 : i32
        %add3A_1144 = arith.addi %add3A_1142, %add3A_1143 : i32
        %get3A_1145 = arith.index_cast %add3A_1144 : i32 to index
        %get3A_1146 = arith.constant 16 : index
        %get3A_1147 = tpu.vector_load %arg11[%get3A_1145, %get3A_1146] {strides = array<i32>} : memref<256x64xf32, #tpu.memory_space<vmem>>, vector<16xf32>,
        tpu.vector_store_idx %arg13[%broadcast_in_dim3A_739, %select_n3A_807, %select_n3A_897, %broadcast_in_dim3A_1133], %get3A_1147 : memref<2x8x8x130xf32, #tpu.memory_space<vmem>>[vector<16xi32>, vector<16xi32>, vector<16xi32>, vector<16xi32>], vector<16xf32>,
        %add3A_1148 = arith.constant 0 : i32
        %add3A_1149 = arith.addi %add3A_1148, %mul3A_1100 : i32
        %add3A_1150 = arith.constant 1 : i32
        %add3A_1151 = arith.addi %add3A_1149, %add3A_1150 : i32
        %get3A_1152 = arith.index_cast %add3A_1151 : i32 to index
        %get3A_1153 = arith.constant 32 : index
        %get3A_1154 = tpu.vector_load %arg11[%get3A_1152, %get3A_1153] {strides = array<i32>} : memref<256x64xf32, #tpu.memory_space<vmem>>, vector<16xf32>,
        tpu.vector_store_idx %arg13[%broadcast_in_dim3A_739, %select_n3A_841, %select_n3A_897, %broadcast_in_dim3A_1133], %get3A_1154 : memref<2x8x8x130xf32, #tpu.memory_space<vmem>>[vector<16xi32>, vector<16xi32>, vector<16xi32>, vector<16xi32>], vector<16xf32>,
        %add3A_1155 = arith.constant 0 : i32
        %add3A_1156 = arith.addi %add3A_1155, %mul3A_1100 : i32
        %add3A_1157 = arith.constant 1 : i32
        %add3A_1158 = arith.addi %add3A_1156, %add3A_1157 : i32
        %get3A_1159 = arith.index_cast %add3A_1158 : i32 to index
        %get3A_1160 = arith.constant 48 : index
        %get3A_1161 = tpu.vector_load %arg11[%get3A_1159, %get3A_1160] {strides = array<i32>} : memref<256x64xf32, #tpu.memory_space<vmem>>, vector<16xf32>,
        tpu.vector_store_idx %arg13[%broadcast_in_dim3A_739, %select_n3A_875, %select_n3A_897, %broadcast_in_dim3A_1133], %get3A_1161 : memref<2x8x8x130xf32, #tpu.memory_space<vmem>>[vector<16xi32>, vector<16xi32>, vector<16xi32>, vector<16xi32>], vector<16xf32>,
        %add3A_1162 = arith.constant 2 : i32
        %add3A_1163 = arith.addi %mul3A_1100, %add3A_1162 : i32
        %broadcast_in_dim3A_1164 = vector.broadcast %add3A_1163 : i32 to vector<16xi32>
        %add3A_1165 = arith.constant 0 : i32
        %add3A_1166 = arith.addi %add3A_1165, %mul3A_1100 : i32
        %add3A_1167 = arith.constant 2 : i32
        %add3A_1168 = arith.addi %add3A_1166, %add3A_1167 : i32
        %get3A_1169 = arith.index_cast %add3A_1168 : i32 to index
        %get3A_1170 = arith.constant 0 : index
        %get3A_1171 = tpu.vector_load %arg11[%get3A_1169, %get3A_1170] {strides = array<i32>} : memref<256x64xf32, #tpu.memory_space<vmem>>, vector<16xf32>,
        tpu.vector_store_idx %arg13[%broadcast_in_dim3A_739, %select_n3A_773, %select_n3A_897, %broadcast_in_dim3A_1164], %get3A_1171 : memref<2x8x8x130xf32, #tpu.memory_space<vmem>>[vector<16xi32>, vector<16xi32>, vector<16xi32>, vector<16xi32>], vector<16xf32>,
        %add3A_1172 = arith.constant 0 : i32
        %add3A_1173 = arith.addi %add3A_1172, %mul3A_1100 : i32
        %add3A_1174 = arith.constant 2 : i32
        %add3A_1175 = arith.addi %add3A_1173, %add3A_1174 : i32
        %get3A_1176 = arith.index_cast %add3A_1175 : i32 to index
        %get3A_1177 = arith.constant 16 : index
        %get3A_1178 = tpu.vector_load %arg11[%get3A_1176, %get3A_1177] {strides = array<i32>} : memref<256x64xf32, #tpu.memory_space<vmem>>, vector<16xf32>,
        tpu.vector_store_idx %arg13[%broadcast_in_dim3A_739, %select_n3A_807, %select_n3A_897, %broadcast_in_dim3A_1164], %get3A_1178 : memref<2x8x8x130xf32, #tpu.memory_space<vmem>>[vector<16xi32>, vector<16xi32>, vector<16xi32>, vector<16xi32>], vector<16xf32>,
        %add3A_1179 = arith.constant 0 : i32
        %add3A_1180 = arith.addi %add3A_1179, %mul3A_1100 : i32
        %add3A_1181 = arith.constant 2 : i32
        %add3A_1182 = arith.addi %add3A_1180, %add3A_1181 : i32
        %get3A_1183 = arith.index_cast %add3A_1182 : i32 to index
        %get3A_1184 = arith.constant 32 : index
        %get3A_1185 = tpu.vector_load %arg11[%get3A_1183, %get3A_1184] {strides = array<i32>} : memref<256x64xf32, #tpu.memory_space<vmem>>, vector<16xf32>,
        tpu.vector_store_idx %arg13[%broadcast_in_dim3A_739, %select_n3A_841, %select_n3A_897, %broadcast_in_dim3A_1164], %get3A_1185 : memref<2x8x8x130xf32, #tpu.memory_space<vmem>>[vector<16xi32>, vector<16xi32>, vector<16xi32>, vector<16xi32>], vector<16xf32>,
        %add3A_1186 = arith.constant 0 : i32
        %add3A_1187 = arith.addi %add3A_1186, %mul3A_1100 : i32
        %add3A_1188 = arith.constant 2 : i32
        %add3A_1189 = arith.addi %add3A_1187, %add3A_1188 : i32
        %get3A_1190 = arith.index_cast %add3A_1189 : i32 to index
        %get3A_1191 = arith.constant 48 : index
        %get3A_1192 = tpu.vector_load %arg11[%get3A_1190, %get3A_1191] {strides = array<i32>} : memref<256x64xf32, #tpu.memory_space<vmem>>, vector<16xf32>,
        tpu.vector_store_idx %arg13[%broadcast_in_dim3A_739, %select_n3A_875, %select_n3A_897, %broadcast_in_dim3A_1164], %get3A_1192 : memref<2x8x8x130xf32, #tpu.memory_space<vmem>>[vector<16xi32>, vector<16xi32>, vector<16xi32>, vector<16xi32>], vector<16xf32>,
        %add3A_1193 = arith.constant 3 : i32
        %add3A_1194 = arith.addi %mul3A_1100, %add3A_1193 : i32
        %broadcast_in_dim3A_1195 = vector.broadcast %add3A_1194 : i32 to vector<16xi32>
        %add3A_1196 = arith.constant 0 : i32
        %add3A_1197 = arith.addi %add3A_1196, %mul3A_1100 : i32
        %add3A_1198 = arith.constant 3 : i32
        %add3A_1199 = arith.addi %add3A_1197, %add3A_1198 : i32
        %get3A_1200 = arith.index_cast %add3A_1199 : i32 to index
        %get3A_1201 = arith.constant 0 : index
        %get3A_1202 = tpu.vector_load %arg11[%get3A_1200, %get3A_1201] {strides = array<i32>} : memref<256x64xf32, #tpu.memory_space<vmem>>, vector<16xf32>,
        tpu.vector_store_idx %arg13[%broadcast_in_dim3A_739, %select_n3A_773, %select_n3A_897, %broadcast_in_dim3A_1195], %get3A_1202 : memref<2x8x8x130xf32, #tpu.memory_space<vmem>>[vector<16xi32>, vector<16xi32>, vector<16xi32>, vector<16xi32>], vector<16xf32>,
        %add3A_1203 = arith.constant 0 : i32
        %add3A_1204 = arith.addi %add3A_1203, %mul3A_1100 : i32
        %add3A_1205 = arith.constant 3 : i32
        %add3A_1206 = arith.addi %add3A_1204, %add3A_1205 : i32
        %get3A_1207 = arith.index_cast %add3A_1206 : i32 to index
        %get3A_1208 = arith.constant 16 : index
        %get3A_1209 = tpu.vector_load %arg11[%get3A_1207, %get3A_1208] {strides = array<i32>} : memref<256x64xf32, #tpu.memory_space<vmem>>, vector<16xf32>,
        tpu.vector_store_idx %arg13[%broadcast_in_dim3A_739, %select_n3A_807, %select_n3A_897, %broadcast_in_dim3A_1195], %get3A_1209 : memref<2x8x8x130xf32, #tpu.memory_space<vmem>>[vector<16xi32>, vector<16xi32>, vector<16xi32>, vector<16xi32>], vector<16xf32>,
        %add3A_1210 = arith.constant 0 : i32
        %add3A_1211 = arith.addi %add3A_1210, %mul3A_1100 : i32
        %add3A_1212 = arith.constant 3 : i32
        %add3A_1213 = arith.addi %add3A_1211, %add3A_1212 : i32
        %get3A_1214 = arith.index_cast %add3A_1213 : i32 to index
        %get3A_1215 = arith.constant 32 : index
        %get3A_1216 = tpu.vector_load %arg11[%get3A_1214, %get3A_1215] {strides = array<i32>} : memref<256x64xf32, #tpu.memory_space<vmem>>, vector<16xf32>,
        tpu.vector_store_idx %arg13[%broadcast_in_dim3A_739, %select_n3A_841, %select_n3A_897, %broadcast_in_dim3A_1195], %get3A_1216 : memref<2x8x8x130xf32, #tpu.memory_space<vmem>>[vector<16xi32>, vector<16xi32>, vector<16xi32>, vector<16xi32>], vector<16xf32>,
        %add3A_1217 = arith.constant 0 : i32
        %add3A_1218 = arith.addi %add3A_1217, %mul3A_1100 : i32
        %add3A_1219 = arith.constant 3 : i32
        %add3A_1220 = arith.addi %add3A_1218, %add3A_1219 : i32
        %get3A_1221 = arith.index_cast %add3A_1220 : i32 to index
        %get3A_1222 = arith.constant 48 : index
        %get3A_1223 = tpu.vector_load %arg11[%get3A_1221, %get3A_1222] {strides = array<i32>} : memref<256x64xf32, #tpu.memory_space<vmem>>, vector<16xf32>,
        tpu.vector_store_idx %arg13[%broadcast_in_dim3A_739, %select_n3A_875, %select_n3A_897, %broadcast_in_dim3A_1195], %get3A_1223 : memref<2x8x8x130xf32, #tpu.memory_space<vmem>>[vector<16xi32>, vector<16xi32>, vector<16xi32>, vector<16xi32>], vector<16xf32>,
      }
      %scan3A_903 = arith.constant 32 : i32
      %iota3A_904 = tpu.iota {dimensions = array<i32: 0>} : vector<16xi32>
      %broadcast_in_dim3A_905 = arith.constant 1 : i32
      %broadcast_in_dim3A_906 = vector.broadcast %broadcast_in_dim3A_905 : i32 to vector<16xi32>
      %add3A_907 = arith.constant 0 : i32
      %add3A_908 = vector.broadcast %add3A_907 : i32 to vector<16xi32>
      %add3A_909 = arith.addi %add3A_908, %iota3A_904 : vector<16xi32>
      %jit3A_910 = arith.constant 8 : i32
      %div3A_911 = vector.broadcast %jit3A_910 : i32 to vector<16xi32>
      %div3A_912 = arith.divsi %add3A_909, %div3A_911 : vector<16xi32>
      %sign3A_913 = arith.constant 0 : i32
      %sign3A_914 = vector.broadcast %sign3A_913 : i32 to vector<16xi32>
      %sign3A_915 = arith.cmpi sgt, %add3A_909, %sign3A_914 : vector<16xi32>
      %sign3A_916 = arith.extui %sign3A_915 : vector<16xi1> to vector<16xi32>
      %sign3A_917 = arith.constant 0 : i32
      %sign3A_918 = vector.broadcast %sign3A_917 : i32 to vector<16xi32>
      %sign3A_919 = arith.cmpi slt, %add3A_909, %sign3A_918 : vector<16xi32>
      %sign3A_920 = arith.extui %sign3A_919 : vector<16xi1> to vector<16xi32>
      %sign3A_921 = arith.subi %sign3A_916, %sign3A_920 : vector<16xi32>
      %sign3A_922 = arith.constant 0 : i32
      %sign3A_923 = arith.cmpi sgt, %jit3A_910, %sign3A_922 : i32
      %sign3A_924 = arith.extui %sign3A_923 : i1 to i32
      %sign3A_925 = arith.constant 0 : i32
      %sign3A_926 = arith.cmpi slt, %jit3A_910, %sign3A_925 : i32
      %sign3A_927 = arith.extui %sign3A_926 : i1 to i32
      %sign3A_928 = arith.subi %sign3A_924, %sign3A_927 : i32
      %ne3A_929 = vector.broadcast %sign3A_928 : i32 to vector<16xi32>
      %ne3A_930 = arith.cmpi ne, %sign3A_921, %ne3A_929 : vector<16xi32>
      %rem3A_931 = vector.broadcast %jit3A_910 : i32 to vector<16xi32>
      %rem3A_932 = arith.remsi %add3A_909, %rem3A_931 : vector<16xi32>
      %ne3A_933 = arith.constant 0 : i32
      %ne3A_934 = vector.broadcast %ne3A_933 : i32 to vector<16xi32>
      %ne3A_935 = arith.cmpi ne, %rem3A_932, %ne3A_934 : vector<16xi32>
      %and3A_936 = arith.andi %ne3A_930, %ne3A_935 : vector<16xi1>
      %sub3A_937 = arith.constant 1 : i32
      %sub3A_938 = vector.broadcast %sub3A_937 : i32 to vector<16xi32>
      %sub3A_939 = arith.subi %div3A_912, %sub3A_938 : vector<16xi32>
      %select_n3A_940 = arith.select %and3A_936, %sub3A_939, %div3A_912 : vector<16xi1>, vector<16xi32>
      %add3A_941 = arith.constant 16 : i32
      %add3A_942 = vector.broadcast %add3A_941 : i32 to vector<16xi32>
      %add3A_943 = arith.addi %add3A_942, %iota3A_904 : vector<16xi32>
      %jit3A_944 = arith.constant 8 : i32
      %div3A_945 = vector.broadcast %jit3A_944 : i32 to vector<16xi32>
      %div3A_946 = arith.divsi %add3A_943, %div3A_945 : vector<16xi32>
      %sign3A_947 = arith.constant 0 : i32
      %sign3A_948 = vector.broadcast %sign3A_947 : i32 to vector<16xi32>
      %sign3A_949 = arith.cmpi sgt, %add3A_943, %sign3A_948 : vector<16xi32>
      %sign3A_950 = arith.extui %sign3A_949 : vector<16xi1> to vector<16xi32>
      %sign3A_951 = arith.constant 0 : i32
      %sign3A_952 = vector.broadcast %sign3A_951 : i32 to vector<16xi32>
      %sign3A_953 = arith.cmpi slt, %add3A_943, %sign3A_952 : vector<16xi32>
      %sign3A_954 = arith.extui %sign3A_953 : vector<16xi1> to vector<16xi32>
      %sign3A_955 = arith.subi %sign3A_950, %sign3A_954 : vector<16xi32>
      %sign3A_956 = arith.constant 0 : i32
      %sign3A_957 = arith.cmpi sgt, %jit3A_944, %sign3A_956 : i32
      %sign3A_958 = arith.extui %sign3A_957 : i1 to i32
      %sign3A_959 = arith.constant 0 : i32
      %sign3A_960 = arith.cmpi slt, %jit3A_944, %sign3A_959 : i32
      %sign3A_961 = arith.extui %sign3A_960 : i1 to i32
      %sign3A_962 = arith.subi %sign3A_958, %sign3A_961 : i32
      %ne3A_963 = vector.broadcast %sign3A_962 : i32 to vector<16xi32>
      %ne3A_964 = arith.cmpi ne, %sign3A_955, %ne3A_963 : vector<16xi32>
      %rem3A_965 = vector.broadcast %jit3A_944 : i32 to vector<16xi32>
      %rem3A_966 = arith.remsi %add3A_943, %rem3A_965 : vector<16xi32>
      %ne3A_967 = arith.constant 0 : i32
      %ne3A_968 = vector.broadcast %ne3A_967 : i32 to vector<16xi32>
      %ne3A_969 = arith.cmpi ne, %rem3A_966, %ne3A_968 : vector<16xi32>
      %and3A_970 = arith.andi %ne3A_964, %ne3A_969 : vector<16xi1>
      %sub3A_971 = arith.constant 1 : i32
      %sub3A_972 = vector.broadcast %sub3A_971 : i32 to vector<16xi32>
      %sub3A_973 = arith.subi %div3A_946, %sub3A_972 : vector<16xi32>
      %select_n3A_974 = arith.select %and3A_970, %sub3A_973, %div3A_946 : vector<16xi1>, vector<16xi32>
      %add3A_975 = arith.constant 32 : i32
      %add3A_976 = vector.broadcast %add3A_975 : i32 to vector<16xi32>
      %add3A_977 = arith.addi %add3A_976, %iota3A_904 : vector<16xi32>
      %jit3A_978 = arith.constant 8 : i32
      %div3A_979 = vector.broadcast %jit3A_978 : i32 to vector<16xi32>
      %div3A_980 = arith.divsi %add3A_977, %div3A_979 : vector<16xi32>
      %sign3A_981 = arith.constant 0 : i32
      %sign3A_982 = vector.broadcast %sign3A_981 : i32 to vector<16xi32>
      %sign3A_983 = arith.cmpi sgt, %add3A_977, %sign3A_982 : vector<16xi32>
      %sign3A_984 = arith.extui %sign3A_983 : vector<16xi1> to vector<16xi32>
      %sign3A_985 = arith.constant 0 : i32
      %sign3A_986 = vector.broadcast %sign3A_985 : i32 to vector<16xi32>
      %sign3A_987 = arith.cmpi slt, %add3A_977, %sign3A_986 : vector<16xi32>
      %sign3A_988 = arith.extui %sign3A_987 : vector<16xi1> to vector<16xi32>
      %sign3A_989 = arith.subi %sign3A_984, %sign3A_988 : vector<16xi32>
      %sign3A_990 = arith.constant 0 : i32
      %sign3A_991 = arith.cmpi sgt, %jit3A_978, %sign3A_990 : i32
      %sign3A_992 = arith.extui %sign3A_991 : i1 to i32
      %sign3A_993 = arith.constant 0 : i32
      %sign3A_994 = arith.cmpi slt, %jit3A_978, %sign3A_993 : i32
      %sign3A_995 = arith.extui %sign3A_994 : i1 to i32
      %sign3A_996 = arith.subi %sign3A_992, %sign3A_995 : i32
      %ne3A_997 = vector.broadcast %sign3A_996 : i32 to vector<16xi32>
      %ne3A_998 = arith.cmpi ne, %sign3A_989, %ne3A_997 : vector<16xi32>
      %rem3A_999 = vector.broadcast %jit3A_978 : i32 to vector<16xi32>
      %rem3A_1000 = arith.remsi %add3A_977, %rem3A_999 : vector<16xi32>
      %ne3A_1001 = arith.constant 0 : i32
      %ne3A_1002 = vector.broadcast %ne3A_1001 : i32 to vector<16xi32>
      %ne3A_1003 = arith.cmpi ne, %rem3A_1000, %ne3A_1002 : vector<16xi32>
      %and3A_1004 = arith.andi %ne3A_998, %ne3A_1003 : vector<16xi1>
      %sub3A_1005 = arith.constant 1 : i32
      %sub3A_1006 = vector.broadcast %sub3A_1005 : i32 to vector<16xi32>
      %sub3A_1007 = arith.subi %div3A_980, %sub3A_1006 : vector<16xi32>
      %select_n3A_1008 = arith.select %and3A_1004, %sub3A_1007, %div3A_980 : vector<16xi1>, vector<16xi32>
      %add3A_1009 = arith.constant 48 : i32
      %add3A_1010 = vector.broadcast %add3A_1009 : i32 to vector<16xi32>
      %add3A_1011 = arith.addi %add3A_1010, %iota3A_904 : vector<16xi32>
      %jit3A_1012 = arith.constant 8 : i32
      %div3A_1013 = vector.broadcast %jit3A_1012 : i32 to vector<16xi32>
      %div3A_1014 = arith.divsi %add3A_1011, %div3A_1013 : vector<16xi32>
      %sign3A_1015 = arith.constant 0 : i32
      %sign3A_1016 = vector.broadcast %sign3A_1015 : i32 to vector<16xi32>
      %sign3A_1017 = arith.cmpi sgt, %add3A_1011, %sign3A_1016 : vector<16xi32>
      %sign3A_1018 = arith.extui %sign3A_1017 : vector<16xi1> to vector<16xi32>
      %sign3A_1019 = arith.constant 0 : i32
      %sign3A_1020 = vector.broadcast %sign3A_1019 : i32 to vector<16xi32>
      %sign3A_1021 = arith.cmpi slt, %add3A_1011, %sign3A_1020 : vector<16xi32>
      %sign3A_1022 = arith.extui %sign3A_1021 : vector<16xi1> to vector<16xi32>
      %sign3A_1023 = arith.subi %sign3A_1018, %sign3A_1022 : vector<16xi32>
      %sign3A_1024 = arith.constant 0 : i32
      %sign3A_1025 = arith.cmpi sgt, %jit3A_1012, %sign3A_1024 : i32
      %sign3A_1026 = arith.extui %sign3A_1025 : i1 to i32
      %sign3A_1027 = arith.constant 0 : i32
      %sign3A_1028 = arith.cmpi slt, %jit3A_1012, %sign3A_1027 : i32
      %sign3A_1029 = arith.extui %sign3A_1028 : i1 to i32
      %sign3A_1030 = arith.subi %sign3A_1026, %sign3A_1029 : i32
      %ne3A_1031 = vector.broadcast %sign3A_1030 : i32 to vector<16xi32>
      %ne3A_1032 = arith.cmpi ne, %sign3A_1023, %ne3A_1031 : vector<16xi32>
      %rem3A_1033 = vector.broadcast %jit3A_1012 : i32 to vector<16xi32>
      %rem3A_1034 = arith.remsi %add3A_1011, %rem3A_1033 : vector<16xi32>
      %ne3A_1035 = arith.constant 0 : i32
      %ne3A_1036 = vector.broadcast %ne3A_1035 : i32 to vector<16xi32>
      %ne3A_1037 = arith.cmpi ne, %rem3A_1034, %ne3A_1036 : vector<16xi32>
      %and3A_1038 = arith.andi %ne3A_1032, %ne3A_1037 : vector<16xi1>
      %sub3A_1039 = arith.constant 1 : i32
      %sub3A_1040 = vector.broadcast %sub3A_1039 : i32 to vector<16xi32>
      %sub3A_1041 = arith.subi %div3A_1014, %sub3A_1040 : vector<16xi32>
      %select_n3A_1042 = arith.select %and3A_1038, %sub3A_1041, %div3A_1014 : vector<16xi1>, vector<16xi32>
      %jit3A_1043 = arith.constant 8 : i32
      %eq3A_1044 = arith.constant 0 : i32
      %eq3A_1045 = arith.cmpi eq, %jit3A_1043, %eq3A_1044 : i32
      %jit3A_1046 = arith.constant 1 : i32
      %select_n3A_1047 = arith.select %eq3A_1045, %jit3A_1046, %jit3A_1043 : i32
      %rem3A_1048 = vector.broadcast %select_n3A_1047 : i32 to vector<16xi32>
      %rem3A_1049 = arith.remsi %iota3A_904, %rem3A_1048 : vector<16xi32>
      %ne3A_1050 = arith.constant 0 : i32
      %ne3A_1051 = vector.broadcast %ne3A_1050 : i32 to vector<16xi32>
      %ne3A_1052 = arith.cmpi ne, %rem3A_1049, %ne3A_1051 : vector<16xi32>
      %lt3A_1053 = arith.constant 0 : i32
      %lt3A_1054 = vector.broadcast %lt3A_1053 : i32 to vector<16xi32>
      %lt3A_1055 = arith.cmpi slt, %rem3A_1049, %lt3A_1054 : vector<16xi32>
      %lt3A_1056 = arith.constant 0 : i32
      %lt3A_1057 = arith.cmpi slt, %select_n3A_1047, %lt3A_1056 : i32
      %ne3A_1058 = vector.broadcast %lt3A_1057 : i1 to vector<16xi1>
      %ne3A_1059 = vector.broadcast %ne3A_1058 : vector<16xi1> to vector<16xi1>
      %ne3A_1060 = arith.xori %lt3A_1055, %ne3A_1059 : vector<16xi1>
      %and3A_1061 = arith.andi %ne3A_1060, %ne3A_1052 : vector<16xi1>
      %add3A_1062 = vector.broadcast %select_n3A_1047 : i32 to vector<16xi32>
      %add3A_1063 = arith.addi %rem3A_1049, %add3A_1062 : vector<16xi32>
      %select_n3A_1064 = arith.select %and3A_1061, %add3A_1063, %rem3A_1049 : vector<16xi1>, vector<16xi32>
      %scan3A_1065 = arith.constant 0 : i32
      %scan3A_1066 = arith.constant 0 : i32
      %scan3A_1067 = arith.constant 32 : i32
      %scan3A_1068 = arith.addi %scan3A_1066, %scan3A_1067 : i32
      %scan3A_1069 = arith.constant 1 : i32
      scf.for %scan3A_1098 = %scan3A_1066 to %scan3A_1068 step %scan3A_1069  : i32 {
        %mul3A_1099 = arith.constant 4 : i32
        %mul3A_1100 = arith.muli %scan3A_1098, %mul3A_1099 : i32
        %add3A_1101 = arith.constant 0 : i32
        %add3A_1102 = arith.addi %mul3A_1100, %add3A_1101 : i32
        %broadcast_in_dim3A_1103 = vector.broadcast %add3A_1102 : i32 to vector<16xi32>
        %add3A_1104 = arith.constant 128 : i32
        %add3A_1105 = arith.addi %add3A_1104, %mul3A_1100 : i32
        %add3A_1106 = arith.constant 0 : i32
        %add3A_1107 = arith.addi %add3A_1105, %add3A_1106 : i32
        %get3A = arith.index_cast %add3A_1107 : i32 to index
        %get3A_1108 = arith.constant 0 : index
        %get3A_1109 = tpu.vector_load %arg11[%get3A, %get3A_1108] {strides = array<i32>} : memref<256x64xf32, #tpu.memory_space<vmem>>, vector<16xf32>,
        tpu.vector_store_idx %arg13[%broadcast_in_dim3A_906, %select_n3A_940, %select_n3A_1064, %broadcast_in_dim3A_1103], %get3A_1109 : memref<2x8x8x130xf32, #tpu.memory_space<vmem>>[vector<16xi32>, vector<16xi32>, vector<16xi32>, vector<16xi32>], vector<16xf32>,
        %add3A_1110 = arith.constant 128 : i32
        %add3A_1111 = arith.addi %add3A_1110, %mul3A_1100 : i32
        %add3A_1112 = arith.constant 0 : i32
        %add3A_1113 = arith.addi %add3A_1111, %add3A_1112 : i32
        %get3A_1114 = arith.index_cast %add3A_1113 : i32 to index
        %get3A_1115 = arith.constant 16 : index
        %get3A_1116 = tpu.vector_load %arg11[%get3A_1114, %get3A_1115] {strides = array<i32>} : memref<256x64xf32, #tpu.memory_space<vmem>>, vector<16xf32>,
        tpu.vector_store_idx %arg13[%broadcast_in_dim3A_906, %select_n3A_974, %select_n3A_1064, %broadcast_in_dim3A_1103], %get3A_1116 : memref<2x8x8x130xf32, #tpu.memory_space<vmem>>[vector<16xi32>, vector<16xi32>, vector<16xi32>, vector<16xi32>], vector<16xf32>,
        %add3A_1117 = arith.constant 128 : i32
        %add3A_1118 = arith.addi %add3A_1117, %mul3A_1100 : i32
        %add3A_1119 = arith.constant 0 : i32
        %add3A_1120 = arith.addi %add3A_1118, %add3A_1119 : i32
        %get3A_1121 = arith.index_cast %add3A_1120 : i32 to index
        %get3A_1122 = arith.constant 32 : index
        %get3A_1123 = tpu.vector_load %arg11[%get3A_1121, %get3A_1122] {strides = array<i32>} : memref<256x64xf32, #tpu.memory_space<vmem>>, vector<16xf32>,
        tpu.vector_store_idx %arg13[%broadcast_in_dim3A_906, %select_n3A_1008, %select_n3A_1064, %broadcast_in_dim3A_1103], %get3A_1123 : memref<2x8x8x130xf32, #tpu.memory_space<vmem>>[vector<16xi32>, vector<16xi32>, vector<16xi32>, vector<16xi32>], vector<16xf32>,
        %add3A_1124 = arith.constant 128 : i32
        %add3A_1125 = arith.addi %add3A_1124, %mul3A_1100 : i32
        %add3A_1126 = arith.constant 0 : i32
        %add3A_1127 = arith.addi %add3A_1125, %add3A_1126 : i32
        %get3A_1128 = arith.index_cast %add3A_1127 : i32 to index
        %get3A_1129 = arith.constant 48 : index
        %get3A_1130 = tpu.vector_load %arg11[%get3A_1128, %get3A_1129] {strides = array<i32>} : memref<256x64xf32, #tpu.memory_space<vmem>>, vector<16xf32>,
        tpu.vector_store_idx %arg13[%broadcast_in_dim3A_906, %select_n3A_1042, %select_n3A_1064, %broadcast_in_dim3A_1103], %get3A_1130 : memref<2x8x8x130xf32, #tpu.memory_space<vmem>>[vector<16xi32>, vector<16xi32>, vector<16xi32>, vector<16xi32>], vector<16xf32>,
        %add3A_1131 = arith.constant 1 : i32
        %add3A_1132 = arith.addi %mul3A_1100, %add3A_1131 : i32
        %broadcast_in_dim3A_1133 = vector.broadcast %add3A_1132 : i32 to vector<16xi32>
        %add3A_1134 = arith.constant 128 : i32
        %add3A_1135 = arith.addi %add3A_1134, %mul3A_1100 : i32
        %add3A_1136 = arith.constant 1 : i32
        %add3A_1137 = arith.addi %add3A_1135, %add3A_1136 : i32
        %get3A_1138 = arith.index_cast %add3A_1137 : i32 to index
        %get3A_1139 = arith.constant 0 : index
        %get3A_1140 = tpu.vector_load %arg11[%get3A_1138, %get3A_1139] {strides = array<i32>} : memref<256x64xf32, #tpu.memory_space<vmem>>, vector<16xf32>,
        tpu.vector_store_idx %arg13[%broadcast_in_dim3A_906, %select_n3A_940, %select_n3A_1064, %broadcast_in_dim3A_1133], %get3A_1140 : memref<2x8x8x130xf32, #tpu.memory_space<vmem>>[vector<16xi32>, vector<16xi32>, vector<16xi32>, vector<16xi32>], vector<16xf32>,
        %add3A_1141 = arith.constant 128 : i32
        %add3A_1142 = arith.addi %add3A_1141, %mul3A_1100 : i32
        %add3A_1143 = arith.constant 1 : i32
        %add3A_1144 = arith.addi %add3A_1142, %add3A_1143 : i32
        %get3A_1145 = arith.index_cast %add3A_1144 : i32 to index
        %get3A_1146 = arith.constant 16 : index
        %get3A_1147 = tpu.vector_load %arg11[%get3A_1145, %get3A_1146] {strides = array<i32>} : memref<256x64xf32, #tpu.memory_space<vmem>>, vector<16xf32>,
        tpu.vector_store_idx %arg13[%broadcast_in_dim3A_906, %select_n3A_974, %select_n3A_1064, %broadcast_in_dim3A_1133], %get3A_1147 : memref<2x8x8x130xf32, #tpu.memory_space<vmem>>[vector<16xi32>, vector<16xi32>, vector<16xi32>, vector<16xi32>], vector<16xf32>,
        %add3A_1148 = arith.constant 128 : i32
        %add3A_1149 = arith.addi %add3A_1148, %mul3A_1100 : i32
        %add3A_1150 = arith.constant 1 : i32
        %add3A_1151 = arith.addi %add3A_1149, %add3A_1150 : i32
        %get3A_1152 = arith.index_cast %add3A_1151 : i32 to index
        %get3A_1153 = arith.constant 32 : index
        %get3A_1154 = tpu.vector_load %arg11[%get3A_1152, %get3A_1153] {strides = array<i32>} : memref<256x64xf32, #tpu.memory_space<vmem>>, vector<16xf32>,
        tpu.vector_store_idx %arg13[%broadcast_in_dim3A_906, %select_n3A_1008, %select_n3A_1064, %broadcast_in_dim3A_1133], %get3A_1154 : memref<2x8x8x130xf32, #tpu.memory_space<vmem>>[vector<16xi32>, vector<16xi32>, vector<16xi32>, vector<16xi32>], vector<16xf32>,
        %add3A_1155 = arith.constant 128 : i32
        %add3A_1156 = arith.addi %add3A_1155, %mul3A_1100 : i32
        %add3A_1157 = arith.constant 1 : i32
        %add3A_1158 = arith.addi %add3A_1156, %add3A_1157 : i32
        %get3A_1159 = arith.index_cast %add3A_1158 : i32 to index
        %get3A_1160 = arith.constant 48 : index
        %get3A_1161 = tpu.vector_load %arg11[%get3A_1159, %get3A_1160] {strides = array<i32>} : memref<256x64xf32, #tpu.memory_space<vmem>>, vector<16xf32>,
        tpu.vector_store_idx %arg13[%broadcast_in_dim3A_906, %select_n3A_1042, %select_n3A_1064, %broadcast_in_dim3A_1133], %get3A_1161 : memref<2x8x8x130xf32, #tpu.memory_space<vmem>>[vector<16xi32>, vector<16xi32>, vector<16xi32>, vector<16xi32>], vector<16xf32>,
        %add3A_1162 = arith.constant 2 : i32
        %add3A_1163 = arith.addi %mul3A_1100, %add3A_1162 : i32
        %broadcast_in_dim3A_1164 = vector.broadcast %add3A_1163 : i32 to vector<16xi32>
        %add3A_1165 = arith.constant 128 : i32
        %add3A_1166 = arith.addi %add3A_1165, %mul3A_1100 : i32
        %add3A_1167 = arith.constant 2 : i32
        %add3A_1168 = arith.addi %add3A_1166, %add3A_1167 : i32
        %get3A_1169 = arith.index_cast %add3A_1168 : i32 to index
        %get3A_1170 = arith.constant 0 : index
        %get3A_1171 = tpu.vector_load %arg11[%get3A_1169, %get3A_1170] {strides = array<i32>} : memref<256x64xf32, #tpu.memory_space<vmem>>, vector<16xf32>,
        tpu.vector_store_idx %arg13[%broadcast_in_dim3A_906, %select_n3A_940, %select_n3A_1064, %broadcast_in_dim3A_1164], %get3A_1171 : memref<2x8x8x130xf32, #tpu.memory_space<vmem>>[vector<16xi32>, vector<16xi32>, vector<16xi32>, vector<16xi32>], vector<16xf32>,
        %add3A_1172 = arith.constant 128 : i32
        %add3A_1173 = arith.addi %add3A_1172, %mul3A_1100 : i32
        %add3A_1174 = arith.constant 2 : i32
        %add3A_1175 = arith.addi %add3A_1173, %add3A_1174 : i32
        %get3A_1176 = arith.index_cast %add3A_1175 : i32 to index
        %get3A_1177 = arith.constant 16 : index
        %get3A_1178 = tpu.vector_load %arg11[%get3A_1176, %get3A_1177] {strides = array<i32>} : memref<256x64xf32, #tpu.memory_space<vmem>>, vector<16xf32>,
        tpu.vector_store_idx %arg13[%broadcast_in_dim3A_906, %select_n3A_974, %select_n3A_1064, %broadcast_in_dim3A_1164], %get3A_1178 : memref<2x8x8x130xf32, #tpu.memory_space<vmem>>[vector<16xi32>, vector<16xi32>, vector<16xi32>, vector<16xi32>], vector<16xf32>,
        %add3A_1179 = arith.constant 128 : i32
        %add3A_1180 = arith.addi %add3A_1179, %mul3A_1100 : i32
        %add3A_1181 = arith.constant 2 : i32
        %add3A_1182 = arith.addi %add3A_1180, %add3A_1181 : i32
        %get3A_1183 = arith.index_cast %add3A_1182 : i32 to index
        %get3A_1184 = arith.constant 32 : index
        %get3A_1185 = tpu.vector_load %arg11[%get3A_1183, %get3A_1184] {strides = array<i32>} : memref<256x64xf32, #tpu.memory_space<vmem>>, vector<16xf32>,
        tpu.vector_store_idx %arg13[%broadcast_in_dim3A_906, %select_n3A_1008, %select_n3A_1064, %broadcast_in_dim3A_1164], %get3A_1185 : memref<2x8x8x130xf32, #tpu.memory_space<vmem>>[vector<16xi32>, vector<16xi32>, vector<16xi32>, vector<16xi32>], vector<16xf32>,
        %add3A_1186 = arith.constant 128 : i32
        %add3A_1187 = arith.addi %add3A_1186, %mul3A_1100 : i32
        %add3A_1188 = arith.constant 2 : i32
        %add3A_1189 = arith.addi %add3A_1187, %add3A_1188 : i32
        %get3A_1190 = arith.index_cast %add3A_1189 : i32 to index
        %get3A_1191 = arith.constant 48 : index
        %get3A_1192 = tpu.vector_load %arg11[%get3A_1190, %get3A_1191] {strides = array<i32>} : memref<256x64xf32, #tpu.memory_space<vmem>>, vector<16xf32>,
        tpu.vector_store_idx %arg13[%broadcast_in_dim3A_906, %select_n3A_1042, %select_n3A_1064, %broadcast_in_dim3A_1164], %get3A_1192 : memref<2x8x8x130xf32, #tpu.memory_space<vmem>>[vector<16xi32>, vector<16xi32>, vector<16xi32>, vector<16xi32>], vector<16xf32>,
        %add3A_1193 = arith.constant 3 : i32
        %add3A_1194 = arith.addi %mul3A_1100, %add3A_1193 : i32
        %broadcast_in_dim3A_1195 = vector.broadcast %add3A_1194 : i32 to vector<16xi32>
        %add3A_1196 = arith.constant 128 : i32
        %add3A_1197 = arith.addi %add3A_1196, %mul3A_1100 : i32
        %add3A_1198 = arith.constant 3 : i32
        %add3A_1199 = arith.addi %add3A_1197, %add3A_1198 : i32
        %get3A_1200 = arith.index_cast %add3A_1199 : i32 to index
        %get3A_1201 = arith.constant 0 : index
        %get3A_1202 = tpu.vector_load %arg11[%get3A_1200, %get3A_1201] {strides = array<i32>} : memref<256x64xf32, #tpu.memory_space<vmem>>, vector<16xf32>,
        tpu.vector_store_idx %arg13[%broadcast_in_dim3A_906, %select_n3A_940, %select_n3A_1064, %broadcast_in_dim3A_1195], %get3A_1202 : memref<2x8x8x130xf32, #tpu.memory_space<vmem>>[vector<16xi32>, vector<16xi32>, vector<16xi32>, vector<16xi32>], vector<16xf32>,
        %add3A_1203 = arith.constant 128 : i32
        %add3A_1204 = arith.addi %add3A_1203, %mul3A_1100 : i32
        %add3A_1205 = arith.constant 3 : i32
        %add3A_1206 = arith.addi %add3A_1204, %add3A_1205 : i32
        %get3A_1207 = arith.index_cast %add3A_1206 : i32 to index
        %get3A_1208 = arith.constant 16 : index
        %get3A_1209 = tpu.vector_load %arg11[%get3A_1207, %get3A_1208] {strides = array<i32>} : memref<256x64xf32, #tpu.memory_space<vmem>>, vector<16xf32>,
        tpu.vector_store_idx %arg13[%broadcast_in_dim3A_906, %select_n3A_974, %select_n3A_1064, %broadcast_in_dim3A_1195], %get3A_1209 : memref<2x8x8x130xf32, #tpu.memory_space<vmem>>[vector<16xi32>, vector<16xi32>, vector<16xi32>, vector<16xi32>], vector<16xf32>,
        %add3A_1210 = arith.constant 128 : i32
        %add3A_1211 = arith.addi %add3A_1210, %mul3A_1100 : i32
        %add3A_1212 = arith.constant 3 : i32
        %add3A_1213 = arith.addi %add3A_1211, %add3A_1212 : i32
        %get3A_1214 = arith.index_cast %add3A_1213 : i32 to index
        %get3A_1215 = arith.constant 32 : index
        %get3A_1216 = tpu.vector_load %arg11[%get3A_1214, %get3A_1215] {strides = array<i32>} : memref<256x64xf32, #tpu.memory_space<vmem>>, vector<16xf32>,
        tpu.vector_store_idx %arg13[%broadcast_in_dim3A_906, %select_n3A_1008, %select_n3A_1064, %broadcast_in_dim3A_1195], %get3A_1216 : memref<2x8x8x130xf32, #tpu.memory_space<vmem>>[vector<16xi32>, vector<16xi32>, vector<16xi32>, vector<16xi32>], vector<16xf32>,
        %add3A_1217 = arith.constant 128 : i32
        %add3A_1218 = arith.addi %add3A_1217, %mul3A_1100 : i32
        %add3A_1219 = arith.constant 3 : i32
        %add3A_1220 = arith.addi %add3A_1218, %add3A_1219 : i32
        %get3A_1221 = arith.index_cast %add3A_1220 : i32 to index
        %get3A_1222 = arith.constant 48 : index
        %get3A_1223 = tpu.vector_load %arg11[%get3A_1221, %get3A_1222] {strides = array<i32>} : memref<256x64xf32, #tpu.memory_space<vmem>>, vector<16xf32>,
        tpu.vector_store_idx %arg13[%broadcast_in_dim3A_906, %select_n3A_1042, %select_n3A_1064, %broadcast_in_dim3A_1195], %get3A_1223 : memref<2x8x8x130xf32, #tpu.memory_space<vmem>>[vector<16xi32>, vector<16xi32>, vector<16xi32>, vector<16xi32>], vector<16xf32>,
      }
      %scan3A_1070 = arith.constant 32 : i32
      %dma_start3A_1071 = arith.constant 0 : i32
      %dma_start3A_1072 = arith.constant 0 : i32
      %dma_start3A_1073 = arith.constant 0 : i32
      %dma_start3A_1074 = arith.constant 0 : i32
      %dma_start3A_1075 = tpu.memref_slice %arg13[%dma_start3A_1071, %dma_start3A_1072, %dma_start3A_1073, %dma_start3A_1074] : memref<2x8x8x130xf32, #tpu.memory_space<vmem>> -> memref<2x8x8x128xf32, #tpu.memory_space<vmem>>
      %dma_start3A_1076 = arith.constant 0 : i32
      %dma_start3A_1077 = arith.constant 0 : i32
      %dma_start3A_1078 = arith.constant 0 : i32
      %dma_start3A_1079 = tpu.memref_slice %arg6[%mul3A_660, %dma_start3A_1076, %add3A_663, %dma_start3A_1077, %dma_start3A_1078] : memref<39x8x128x8x128xf32, #tpu.memory_space<hbm>> -> memref<2x8x1x8x128xf32, #tpu.memory_space<hbm>>
      %dma_start3A_1080 = tpu.memref_squeeze %dma_start3A_1079 : memref<2x8x1x8x128xf32, #tpu.memory_space<hbm>> -> memref<2x8x8x128xf32, #tpu.memory_space<hbm>>
      %dma_start3A_1081 = arith.constant 0 : i32
      %dma_start3A_1082 = arith.constant 0 : i32
      %dma_start3A_1083 = arith.constant 0 : i32
      %dma_start3A_1084 = tpu.memref_slice %arg6[%mul3A_660, %dma_start3A_1081, %add3A_663, %dma_start3A_1082, %dma_start3A_1083] : memref<39x8x128x8x128xf32, #tpu.memory_space<hbm>> -> memref<2x8x1x8x128xf32, #tpu.memory_space<hbm>>
      %dma_start3A_1085 = tpu.memref_squeeze %dma_start3A_1084 : memref<2x8x1x8x128xf32, #tpu.memory_space<hbm>> -> memref<2x8x8x128xf32, #tpu.memory_space<hbm>>
      %dma_start3A_1086 = arith.constant 0 : i32
      %dma_start3A_1087 = arith.constant 0 : i32
      %dma_start3A_1088 = arith.constant 0 : i32
      %dma_start3A_1089 = arith.constant 0 : i32
      %dma_start3A_1090 = tpu.memref_slice %arg13[%dma_start3A_1086, %dma_start3A_1087, %dma_start3A_1088, %dma_start3A_1089] : memref<2x8x8x130xf32, #tpu.memory_space<vmem>> -> memref<2x8x8x128xf32, #tpu.memory_space<vmem>>
      tpu.enqueue_dma source(%dma_start3A_1090 : memref<2x8x8x128xf32, #tpu.memory_space<vmem>>) target(%dma_start3A_1085 : memref<2x8x8x128xf32, #tpu.memory_space<hbm>>) target_semaphore(%arg17 : memref<!tpu.dma_semaphore, #tpu.memory_space<semaphore_mem>>)
      %add3A_1091 = arith.constant 2 : i32
      %add3A_1092 = arith.addi %add3A_618, %add3A_1091 : i32
      %lt3A_1093 = arith.constant 52 : i32
      %lt3A_1094 = arith.cmpi slt, %add3A_1092, %lt3A_1093 : i32
      %convert_element_type3A_1095 = arith.extui %lt3A_1094 : i1 to i32
      %cond3A_1096 = arith.constant 0 : i32
      %cond3A_1097 = arith.cmpi ne, %convert_element_type3A_1095, %cond3A_1096 : i32
      scf.if %cond3A_1097 {
        %add3A_1098 = arith.constant 2 : i32
        %add3A_1099 = arith.addi %add3A_618, %add3A_1098 : i32
        %jit3A_1100 = arith.constant 13 : i32
        %div3A_1101 = arith.divsi %add3A_1099, %jit3A_1100 : i32
        %sign3A_1102 = arith.constant 0 : i32
        %sign3A_1103 = arith.cmpi sgt, %add3A_1099, %sign3A_1102 : i32
        %sign3A_1104 = arith.extui %sign3A_1103 : i1 to i32
        %sign3A_1105 = arith.constant 0 : i32
        %sign3A_1106 = arith.cmpi slt, %add3A_1099, %sign3A_1105 : i32
        %sign3A_1107 = arith.extui %sign3A_1106 : i1 to i32
        %sign3A_1108 = arith.subi %sign3A_1104, %sign3A_1107 : i32
        %sign3A_1109 = arith.constant 0 : i32
        %sign3A_1110 = arith.cmpi sgt, %jit3A_1100, %sign3A_1109 : i32
        %sign3A_1111 = arith.extui %sign3A_1110 : i1 to i32
        %sign3A_1112 = arith.constant 0 : i32
        %sign3A_1113 = arith.cmpi slt, %jit3A_1100, %sign3A_1112 : i32
        %sign3A_1114 = arith.extui %sign3A_1113 : i1 to i32
        %sign3A_1115 = arith.subi %sign3A_1111, %sign3A_1114 : i32
        %ne3A_1116 = arith.cmpi ne, %sign3A_1108, %sign3A_1115 : i32
        %rem3A_1117 = arith.remsi %add3A_1099, %jit3A_1100 : i32
        %ne3A_1118 = arith.constant 0 : i32
        %ne3A_1119 = arith.cmpi ne, %rem3A_1117, %ne3A_1118 : i32
        %and3A_1120 = arith.andi %ne3A_1116, %ne3A_1119 : i1
        %sub3A_1121 = arith.constant 1 : i32
        %sub3A_1122 = arith.subi %div3A_1101, %sub3A_1121 : i32
        %select_n3A_1123 = arith.select %and3A_1120, %sub3A_1122, %div3A_1101 : i32
        %jit3A_1124 = arith.constant 13 : i32
        %eq3A_1125 = arith.constant 0 : i32
        %eq3A_1126 = arith.cmpi eq, %jit3A_1124, %eq3A_1125 : i32
        %jit3A_1127 = arith.constant 1 : i32
        %select_n3A_1128 = arith.select %eq3A_1126, %jit3A_1127, %jit3A_1124 : i32
        %rem3A_1129 = arith.remsi %add3A_1099, %select_n3A_1128 : i32
        %ne3A_1130 = arith.constant 0 : i32
        %ne3A_1131 = arith.cmpi ne, %rem3A_1129, %ne3A_1130 : i32
        %lt3A_1132 = arith.constant 0 : i32
        %lt3A_1133 = arith.cmpi slt, %rem3A_1129, %lt3A_1132 : i32
        %lt3A_1134 = arith.constant 0 : i32
        %lt3A_1135 = arith.cmpi slt, %select_n3A_1128, %lt3A_1134 : i32
        %ne3A_1136 = arith.xori %lt3A_1133, %lt3A_1135 : i1
        %and3A_1137 = arith.andi %ne3A_1136, %ne3A_1131 : i1
        %add3A_1138 = arith.addi %rem3A_1129, %select_n3A_1128 : i32
        %select_n3A_1139 = arith.select %and3A_1137, %add3A_1138, %rem3A_1129 : i32
        %mul3A_1140 = arith.constant 2 : i32
        %mul3A_1141 = arith.muli %select_n3A_1139, %mul3A_1140 : i32
        %add3A_1142 = arith.constant 0 : i32
        %add3A_1143 = arith.addi %mul3A_1141, %add3A_1142 : i32
        %mul3A_1144 = arith.constant 128 : i32
        %mul3A_1145 = arith.muli %select_n3A_1123, %mul3A_1144 : i32
        %mul3A_1146 = arith.constant 2 : i32
        %mul3A_1147 = arith.muli %select_n3A_1139, %mul3A_1146 : i32
        %add3A_1148 = arith.constant 1 : i32
        %add3A_1149 = arith.addi %mul3A_1147, %add3A_1148 : i32
        %mul3A_1150 = arith.constant 128 : i32
        %mul3A_1151 = arith.muli %select_n3A_1123, %mul3A_1150 : i32
        %dma_start3A_1152 = arith.constant 0 : i32
        %dma_start3A_1153 = arith.constant 0 : i32
        %dma_start3A_1154 = tpu.memref_slice %arg11[%dma_start3A_1152, %dma_start3A_1153] : memref<256x64xf32, #tpu.memory_space<vmem>> -> memref<128x64xf32, #tpu.memory_space<vmem>>
        %dma_start3A_1155 = tpu.memref_slice %arg7[%add3A_1143, %mul3A_1145] : memref<26x512xi32, #tpu.memory_space<vmem>> -> memref<1x128xi32, #tpu.memory_space<vmem>>
        %dma_start3A_1156 = tpu.memref_squeeze %dma_start3A_1155 : memref<1x128xi32, #tpu.memory_space<vmem>> -> memref<128xi32, #tpu.memory_space<vmem>>
        %dma_start3A_1157 = arith.constant 0 : i32
        %dma_start3A_1158 = arith.constant 0 : i32
        %dma_start3A_1159 = tpu.memref_slice %arg4[%dma_start3A_1157, %dma_start3A_1158] : memref<1000000x64xf32, #tpu.memory_space<hbm>> -> memref<1000000x64xf32, #tpu.memory_space<hbm>>
        tpu.enqueue_indirect_dma source(%dma_start3A_1159 : memref<1000000x64xf32, #tpu.memory_space<hbm>>) target(%dma_start3A_1154 : memref<128x64xf32, #tpu.memory_space<vmem>>) offsets(%dma_start3A_1156 : memref<128xi32, #tpu.memory_space<vmem>>) semaphore(%arg15 : memref<!tpu.dma_semaphore, #tpu.memory_space<semaphore_mem>>)
        %dma_start3A_1160 = arith.constant 128 : i32
        %dma_start3A_1161 = arith.constant 0 : i32
        %dma_start3A_1162 = tpu.memref_slice %arg11[%dma_start3A_1160, %dma_start3A_1161] : memref<256x64xf32, #tpu.memory_space<vmem>> -> memref<128x64xf32, #tpu.memory_space<vmem>>
        %dma_start3A_1163 = tpu.memref_slice %arg7[%add3A_1149, %mul3A_1151] : memref<26x512xi32, #tpu.memory_space<vmem>> -> memref<1x128xi32, #tpu.memory_space<vmem>>
        %dma_start3A_1164 = tpu.memref_squeeze %dma_start3A_1163 : memref<1x128xi32, #tpu.memory_space<vmem>> -> memref<128xi32, #tpu.memory_space<vmem>>
        %dma_start3A_1165 = arith.constant 0 : i32
        %dma_start3A_1166 = arith.constant 0 : i32
        %dma_start3A_1167 = tpu.memref_slice %arg4[%dma_start3A_1165, %dma_start3A_1166] : memref<1000000x64xf32, #tpu.memory_space<hbm>> -> memref<1000000x64xf32, #tpu.memory_space<hbm>>
        tpu.enqueue_indirect_dma source(%dma_start3A_1167 : memref<1000000x64xf32, #tpu.memory_space<hbm>>) target(%dma_start3A_1162 : memref<128x64xf32, #tpu.memory_space<vmem>>) offsets(%dma_start3A_1164 : memref<128xi32, #tpu.memory_space<vmem>>) semaphore(%arg15 : memref<!tpu.dma_semaphore, #tpu.memory_space<semaphore_mem>>)
      } else {
      }
    }
    %scan3A_48 = arith.constant 26 : i32
    %dma_wait3A = arith.constant 0 : i32
    %dma_wait3A_49 = arith.constant 0 : i32
    %dma_wait3A_50 = arith.constant 0 : i32
    %dma_wait3A_51 = arith.constant 0 : i32
    %dma_wait3A_52 = arith.constant 0 : i32
    %dma_wait3A_53 = tpu.memref_slice %arg12[%dma_wait3A_49, %dma_wait3A_50, %dma_wait3A_51, %dma_wait3A_52] : memref<2x8x8x130xf32, #tpu.memory_space<vmem>> -> memref<2x8x8x128xf32, #tpu.memory_space<vmem>>
    %dma_wait3A_54 = arith.constant 0 : i32
    %dma_wait3A_55 = arith.constant 0 : i32
    %dma_wait3A_56 = arith.constant 0 : i32
    %dma_wait3A_57 = arith.constant 0 : i32
    %dma_wait3A_58 = tpu.memref_slice %arg6[%dma_wait3A_54, %dma_wait3A_55, %dma_wait3A, %dma_wait3A_56, %dma_wait3A_57] : memref<39x8x128x8x128xf32, #tpu.memory_space<hbm>> -> memref<2x8x1x8x128xf32, #tpu.memory_space<hbm>>
    %dma_wait3A_59 = tpu.memref_squeeze %dma_wait3A_58 : memref<2x8x1x8x128xf32, #tpu.memory_space<hbm>> -> memref<2x8x8x128xf32, #tpu.memory_space<hbm>>
    %dma_wait3A_60 = arith.constant 0 : i32
    %dma_wait3A_61 = arith.constant 0 : i32
    %dma_wait3A_62 = arith.constant 0 : i32
    %dma_wait3A_63 = arith.constant 0 : i32
    %dma_wait3A_64 = tpu.memref_slice %arg12[%dma_wait3A_60, %dma_wait3A_61, %dma_wait3A_62, %dma_wait3A_63] : memref<2x8x8x130xf32, #tpu.memory_space<vmem>> -> memref<2x8x8x128xf32, #tpu.memory_space<vmem>>
    %dma_wait3A_65 = arith.constant 0 : i32
    %dma_wait3A_66 = arith.constant 0 : i32
    %dma_wait3A_67 = arith.constant 0 : i32
    %dma_wait3A_68 = arith.constant 0 : i32
    %dma_wait3A_69 = tpu.memref_slice %arg6[%dma_wait3A_65, %dma_wait3A_66, %dma_wait3A, %dma_wait3A_67, %dma_wait3A_68] : memref<39x8x128x8x128xf32, #tpu.memory_space<hbm>> -> memref<2x8x1x8x128xf32, #tpu.memory_space<hbm>>
    %dma_wait3A_70 = tpu.memref_squeeze %dma_wait3A_69 : memref<2x8x1x8x128xf32, #tpu.memory_space<hbm>> -> memref<2x8x8x128xf32, #tpu.memory_space<hbm>>
    tpu.wait_dma2 semaphore(%arg16 : memref<!tpu.dma_semaphore, #tpu.memory_space<semaphore_mem>>) src(%dma_wait3A_70 : memref<2x8x8x128xf32, #tpu.memory_space<hbm>>) dst(%dma_wait3A_64 : memref<2x8x8x128xf32, #tpu.memory_space<vmem>>)
    %dma_wait3A_71 = arith.constant 0 : i32
    %dma_wait3A_72 = arith.constant 0 : i32
    %dma_wait3A_73 = arith.constant 0 : i32
    %dma_wait3A_74 = arith.constant 0 : i32
    %dma_wait3A_75 = arith.constant 0 : i32
    %dma_wait3A_76 = tpu.memref_slice %arg13[%dma_wait3A_72, %dma_wait3A_73, %dma_wait3A_74, %dma_wait3A_75] : memref<2x8x8x130xf32, #tpu.memory_space<vmem>> -> memref<2x8x8x128xf32, #tpu.memory_space<vmem>>
    %dma_wait3A_77 = arith.constant 0 : i32
    %dma_wait3A_78 = arith.constant 0 : i32
    %dma_wait3A_79 = arith.constant 0 : i32
    %dma_wait3A_80 = arith.constant 0 : i32
    %dma_wait3A_81 = tpu.memref_slice %arg6[%dma_wait3A_77, %dma_wait3A_78, %dma_wait3A_71, %dma_wait3A_79, %dma_wait3A_80] : memref<39x8x128x8x128xf32, #tpu.memory_space<hbm>> -> memref<2x8x1x8x128xf32, #tpu.memory_space<hbm>>
    %dma_wait3A_82 = tpu.memref_squeeze %dma_wait3A_81 : memref<2x8x1x8x128xf32, #tpu.memory_space<hbm>> -> memref<2x8x8x128xf32, #tpu.memory_space<hbm>>
    %dma_wait3A_83 = arith.constant 0 : i32
    %dma_wait3A_84 = arith.constant 0 : i32
    %dma_wait3A_85 = arith.constant 0 : i32
    %dma_wait3A_86 = arith.constant 0 : i32
    %dma_wait3A_87 = tpu.memref_slice %arg13[%dma_wait3A_83, %dma_wait3A_84, %dma_wait3A_85, %dma_wait3A_86] : memref<2x8x8x130xf32, #tpu.memory_space<vmem>> -> memref<2x8x8x128xf32, #tpu.memory_space<vmem>>
    %dma_wait3A_88 = arith.constant 0 : i32
    %dma_wait3A_89 = arith.constant 0 : i32
    %dma_wait3A_90 = arith.constant 0 : i32
    %dma_wait3A_91 = arith.constant 0 : i32
    %dma_wait3A_92 = tpu.memref_slice %arg6[%dma_wait3A_88, %dma_wait3A_89, %dma_wait3A_71, %dma_wait3A_90, %dma_wait3A_91] : memref<39x8x128x8x128xf32, #tpu.memory_space<hbm>> -> memref<2x8x1x8x128xf32, #tpu.memory_space<hbm>>
    %dma_wait3A_93 = tpu.memref_squeeze %dma_wait3A_92 : memref<2x8x1x8x128xf32, #tpu.memory_space<hbm>> -> memref<2x8x8x128xf32, #tpu.memory_space<hbm>>
    tpu.wait_dma2 semaphore(%arg17 : memref<!tpu.dma_semaphore, #tpu.memory_space<semaphore_mem>>) src(%dma_wait3A_93 : memref<2x8x8x128xf32, #tpu.memory_space<hbm>>) dst(%dma_wait3A_87 : memref<2x8x8x128xf32, #tpu.memory_space<vmem>>)
    %scan3A_94 = arith.constant 0 : i32
    %scan3A_95 = arith.constant 0 : i32
    %scan3A_96 = arith.constant 26 : i32
    %scan3A_97 = arith.addi %scan3A_95, %scan3A_96 : i32
    %scan3A_98 = arith.constant 1 : i32
    scf.for %scan3A_146 = %scan3A_95 to %scan3A_97 step %scan3A_98  : i32 {
      %mul3A_147 = arith.constant 2 : i32
      %mul3A_148 = arith.muli %mul3A_147, %scan3A_146 : i32
      %add3A_149 = arith.constant 0 : i32
      %add3A_150 = arith.addi %mul3A_148, %add3A_149 : i32
      %jit3A = arith.constant 13 : i32
      %div3A = arith.divsi %add3A_150, %jit3A : i32
      %sign3A = arith.constant 0 : i32
      %sign3A_151 = arith.cmpi sgt, %add3A_150, %sign3A : i32
      %sign3A_152 = arith.extui %sign3A_151 : i1 to i32
      %sign3A_153 = arith.constant 0 : i32
      %sign3A_154 = arith.cmpi slt, %add3A_150, %sign3A_153 : i32
      %sign3A_155 = arith.extui %sign3A_154 : i1 to i32
      %sign3A_156 = arith.subi %sign3A_152, %sign3A_155 : i32
      %sign3A_157 = arith.constant 0 : i32
      %sign3A_158 = arith.cmpi sgt, %jit3A, %sign3A_157 : i32
      %sign3A_159 = arith.extui %sign3A_158 : i1 to i32
      %sign3A_160 = arith.constant 0 : i32
      %sign3A_161 = arith.cmpi slt, %jit3A, %sign3A_160 : i32
      %sign3A_162 = arith.extui %sign3A_161 : i1 to i32
      %sign3A_163 = arith.subi %sign3A_159, %sign3A_162 : i32
      %ne3A = arith.cmpi ne, %sign3A_156, %sign3A_163 : i32
      %rem3A = arith.remsi %add3A_150, %jit3A : i32
      %ne3A_164 = arith.constant 0 : i32
      %ne3A_165 = arith.cmpi ne, %rem3A, %ne3A_164 : i32
      %and3A = arith.andi %ne3A, %ne3A_165 : i1
      %sub3A = arith.constant 1 : i32
      %sub3A_166 = arith.subi %div3A, %sub3A : i32
      %select_n3A = arith.select %and3A, %sub3A_166, %div3A : i32
      %jit3A_167 = arith.constant 13 : i32
      %eq3A = arith.constant 0 : i32
      %eq3A_168 = arith.cmpi eq, %jit3A_167, %eq3A : i32
      %jit3A_169 = arith.constant 1 : i32
      %select_n3A_170 = arith.select %eq3A_168, %jit3A_169, %jit3A_167 : i32
      %rem3A_171 = arith.remsi %add3A_150, %select_n3A_170 : i32
      %ne3A_172 = arith.constant 0 : i32
      %ne3A_173 = arith.cmpi ne, %rem3A_171, %ne3A_172 : i32
      %lt3A = arith.constant 0 : i32
      %lt3A_174 = arith.cmpi slt, %rem3A_171, %lt3A : i32
      %lt3A_175 = arith.constant 0 : i32
      %lt3A_176 = arith.cmpi slt, %select_n3A_170, %lt3A_175 : i32
      %ne3A_177 = arith.xori %lt3A_174, %lt3A_176 : i1
      %and3A_178 = arith.andi %ne3A_177, %ne3A_173 : i1
      %add3A_179 = arith.addi %rem3A_171, %select_n3A_170 : i32
      %select_n3A_180 = arith.select %and3A_178, %add3A_179, %rem3A_171 : i32
      %mul3A_181 = arith.constant 4 : i32
      %mul3A_182 = arith.muli %add3A, %mul3A_181 : i32
      %add3A_183 = arith.addi %mul3A_182, %select_n3A : i32
      %ge3A = arith.constant 1 : i32
      %ge3A_184 = arith.cmpi sge, %scan3A_146, %ge3A : i32
      %convert_element_type3A = arith.extui %ge3A_184 : i1 to i32
      %cond3A = arith.constant 0 : i32
      %cond3A_185 = arith.cmpi ne, %convert_element_type3A, %cond3A : i32
      scf.if %cond3A_185 {
        %dma_wait3A_343 = arith.constant 0 : i32
        %dma_wait3A_344 = arith.constant 0 : i32
        %dma_wait3A_345 = arith.constant 0 : i32
        %dma_wait3A_346 = arith.constant 0 : i32
        %dma_wait3A_347 = arith.constant 0 : i32
        %dma_wait3A_348 = arith.constant 0 : i32
        %dma_wait3A_349 = tpu.memref_slice %arg12[%dma_wait3A_345, %dma_wait3A_346, %dma_wait3A_347, %dma_wait3A_348] : memref<2x8x8x130xf32, #tpu.memory_space<vmem>> -> memref<1x8x8x128xf32, #tpu.memory_space<vmem>>
        %dma_wait3A_350 = tpu.memref_squeeze %dma_wait3A_349 : memref<1x8x8x128xf32, #tpu.memory_space<vmem>> -> memref<8x8x128xf32, #tpu.memory_space<vmem>>
        %dma_wait3A_351 = arith.constant 0 : i32
        %dma_wait3A_352 = arith.constant 0 : i32
        %dma_wait3A_353 = arith.constant 0 : i32
        %dma_wait3A_354 = tpu.memref_slice %arg6[%dma_wait3A_343, %dma_wait3A_351, %dma_wait3A_344, %dma_wait3A_352, %dma_wait3A_353] : memref<39x8x128x8x128xf32, #tpu.memory_space<hbm>> -> memref<1x8x1x8x128xf32, #tpu.memory_space<hbm>>
        %dma_wait3A_355 = tpu.memref_squeeze %dma_wait3A_354 : memref<1x8x1x8x128xf32, #tpu.memory_space<hbm>> -> memref<8x8x128xf32, #tpu.memory_space<hbm>>
        %dma_wait3A_356 = arith.constant 0 : i32
        %dma_wait3A_357 = arith.constant 0 : i32
        %dma_wait3A_358 = arith.constant 0 : i32
        %dma_wait3A_359 = tpu.memref_slice %arg12[%dma_wait3A_345, %dma_wait3A_356, %dma_wait3A_357, %dma_wait3A_358] : memref<2x8x8x130xf32, #tpu.memory_space<vmem>> -> memref<1x8x8x128xf32, #tpu.memory_space<vmem>>
        %dma_wait3A_360 = tpu.memref_squeeze %dma_wait3A_359 : memref<1x8x8x128xf32, #tpu.memory_space<vmem>> -> memref<8x8x128xf32, #tpu.memory_space<vmem>>
        %dma_wait3A_361 = arith.constant 0 : i32
        %dma_wait3A_362 = arith.constant 0 : i32
        %dma_wait3A_363 = arith.constant 0 : i32
        %dma_wait3A_364 = tpu.memref_slice %arg6[%dma_wait3A_343, %dma_wait3A_361, %dma_wait3A_344, %dma_wait3A_362, %dma_wait3A_363] : memref<39x8x128x8x128xf32, #tpu.memory_space<hbm>> -> memref<1x8x1x8x128xf32, #tpu.memory_space<hbm>>
        %dma_wait3A_365 = tpu.memref_squeeze %dma_wait3A_364 : memref<1x8x1x8x128xf32, #tpu.memory_space<hbm>> -> memref<8x8x128xf32, #tpu.memory_space<hbm>>
        tpu.wait_dma2 semaphore(%arg16 : memref<!tpu.dma_semaphore, #tpu.memory_space<semaphore_mem>>) src(%dma_wait3A_365 : memref<8x8x128xf32, #tpu.memory_space<hbm>>) dst(%dma_wait3A_360 : memref<8x8x128xf32, #tpu.memory_space<vmem>>)
      } else {
      }
      %mul3A_186 = arith.constant 64 : i32
      %mul3A_187 = arith.muli %select_n3A_180, %mul3A_186 : i32
      %add3A_188 = arith.constant 0 : i32
      %add3A_189 = arith.addi %mul3A_187, %add3A_188 : i32
      %get3A = arith.index_cast %add3A_189 : i32 to index
      %get3A_190 = tpu.vector_load %arg9[%get3A] {strides = array<i32>} : memref<832xf32, #tpu.memory_space<vmem>>, vector<16xf32>,
      %mul3A_191 = arith.constant 64 : i32
      %mul3A_192 = arith.muli %select_n3A_180, %mul3A_191 : i32
      %add3A_193 = arith.constant 16 : i32
      %add3A_194 = arith.addi %mul3A_192, %add3A_193 : i32
      %get3A_195 = arith.index_cast %add3A_194 : i32 to index
      %get3A_196 = tpu.vector_load %arg9[%get3A_195] {strides = array<i32>} : memref<832xf32, #tpu.memory_space<vmem>>, vector<16xf32>,
      %mul3A_197 = arith.constant 64 : i32
      %mul3A_198 = arith.muli %select_n3A_180, %mul3A_197 : i32
      %add3A_199 = arith.constant 32 : i32
      %add3A_200 = arith.addi %mul3A_198, %add3A_199 : i32
      %get3A_201 = arith.index_cast %add3A_200 : i32 to index
      %get3A_202 = tpu.vector_load %arg9[%get3A_201] {strides = array<i32>} : memref<832xf32, #tpu.memory_space<vmem>>, vector<16xf32>,
      %mul3A_203 = arith.constant 64 : i32
      %mul3A_204 = arith.muli %select_n3A_180, %mul3A_203 : i32
      %add3A_205 = arith.constant 48 : i32
      %add3A_206 = arith.addi %mul3A_204, %add3A_205 : i32
      %get3A_207 = arith.index_cast %add3A_206 : i32 to index
      %get3A_208 = tpu.vector_load %arg9[%get3A_207] {strides = array<i32>} : memref<832xf32, #tpu.memory_space<vmem>>, vector<16xf32>,
      %scan3A_209 = arith.constant 0 : i32
      %scan3A_210 = arith.constant 0 : i32
      %scan3A_211 = arith.constant 8 : i32
      %scan3A_212 = arith.addi %scan3A_210, %scan3A_211 : i32
      %scan3A_213 = arith.constant 1 : i32
      scf.for %scan3A_343 = %scan3A_210 to %scan3A_212 step %scan3A_213  : i32 {
        %mul3A_344 = arith.constant 128 : i32
        %mul3A_345 = arith.muli %select_n3A, %mul3A_344 : i32
        %mul3A_346 = arith.constant 16 : i32
        %mul3A_347 = arith.muli %scan3A_343, %mul3A_346 : i32
        %add3A_348 = arith.addi %mul3A_345, %mul3A_347 : i32
        %get3A_349 = arith.index_cast %select_n3A_180 : i32 to index
        %get3A_350 = arith.index_cast %add3A_348 : i32 to index
        %get3A_351 = tpu.vector_load %arg8[%get3A_349, %get3A_350] {strides = array<i32>} : memref<13x512xf32, #tpu.memory_space<vmem>>, vector<16xf32>,
        %slice3A = vector.extract_strided_slice %get3A_190 {offsets = [0], sizes = [1], strides = [1]} : vector<16xf32> to vector<1xf32>
        %squeeze3A = vector.extract %slice3A[0] : f32 from vector<1xf32>
        %mul3A_352 = vector.broadcast %squeeze3A : f32 to vector<16xf32>
        %mul3A_353 = arith.mulf %mul3A_352, %get3A_351 : vector<16xf32>
        %mul3A_354 = arith.constant 16 : i32
        %mul3A_355 = arith.muli %scan3A_343, %mul3A_354 : i32
        %swap3A = arith.constant 0 : i32
        %swap3A_356 = arith.constant 0 : i32
        %swap3A_357 = arith.constant 0 : i32
        %swap3A_358 = arith.index_cast %swap3A : i32 to index
        %swap3A_359 = arith.index_cast %swap3A_356 : i32 to index
        %swap3A_360 = arith.index_cast %swap3A_357 : i32 to index
        %swap3A_361 = arith.index_cast %mul3A_355 : i32 to index
        %swap3A_362 = tpu.vector_load %arg12[%swap3A_358, %swap3A_359, %swap3A_360, %swap3A_361] {strides = array<i32>} : memref<2x8x8x130xf32, #tpu.memory_space<vmem>>, vector<16xf32>,
        tpu.vector_store %arg12[%swap3A_358, %swap3A_359, %swap3A_360, %swap3A_361], %mul3A_353 {strides = array<i32>} : memref<2x8x8x130xf32, #tpu.memory_space<vmem>>, vector<16xf32>,
        %slice3A_363 = vector.extract_strided_slice %get3A_190 {offsets = [1], sizes = [1], strides = [1]} : vector<16xf32> to vector<1xf32>
        %squeeze3A_364 = vector.extract %slice3A_363[0] : f32 from vector<1xf32>
        %mul3A_365 = vector.broadcast %squeeze3A_364 : f32 to vector<16xf32>
        %mul3A_366 = arith.mulf %mul3A_365, %get3A_351 : vector<16xf32>
        %mul3A_367 = arith.constant 16 : i32
        %mul3A_368 = arith.muli %scan3A_343, %mul3A_367 : i32
        %swap3A_369 = arith.constant 0 : i32
        %swap3A_370 = arith.constant 0 : i32
        %swap3A_371 = arith.constant 1 : i32
        %swap3A_372 = arith.index_cast %swap3A_369 : i32 to index
        %swap3A_373 = arith.index_cast %swap3A_370 : i32 to index
        %swap3A_374 = arith.index_cast %swap3A_371 : i32 to index
        %swap3A_375 = arith.index_cast %mul3A_368 : i32 to index
        %swap3A_376 = tpu.vector_load %arg12[%swap3A_372, %swap3A_373, %swap3A_374, %swap3A_375] {strides = array<i32>} : memref<2x8x8x130xf32, #tpu.memory_space<vmem>>, vector<16xf32>,
        tpu.vector_store %arg12[%swap3A_372, %swap3A_373, %swap3A_374, %swap3A_375], %mul3A_366 {strides = array<i32>} : memref<2x8x8x130xf32, #tpu.memory_space<vmem>>, vector<16xf32>,
        %slice3A_377 = vector.extract_strided_slice %get3A_190 {offsets = [2], sizes = [1], strides = [1]} : vector<16xf32> to vector<1xf32>
        %squeeze3A_378 = vector.extract %slice3A_377[0] : f32 from vector<1xf32>
        %mul3A_379 = vector.broadcast %squeeze3A_378 : f32 to vector<16xf32>
        %mul3A_380 = arith.mulf %mul3A_379, %get3A_351 : vector<16xf32>
        %mul3A_381 = arith.constant 16 : i32
        %mul3A_382 = arith.muli %scan3A_343, %mul3A_381 : i32
        %swap3A_383 = arith.constant 0 : i32
        %swap3A_384 = arith.constant 0 : i32
        %swap3A_385 = arith.constant 2 : i32
        %swap3A_386 = arith.index_cast %swap3A_383 : i32 to index
        %swap3A_387 = arith.index_cast %swap3A_384 : i32 to index
        %swap3A_388 = arith.index_cast %swap3A_385 : i32 to index
        %swap3A_389 = arith.index_cast %mul3A_382 : i32 to index
        %swap3A_390 = tpu.vector_load %arg12[%swap3A_386, %swap3A_387, %swap3A_388, %swap3A_389] {strides = array<i32>} : memref<2x8x8x130xf32, #tpu.memory_space<vmem>>, vector<16xf32>,
        tpu.vector_store %arg12[%swap3A_386, %swap3A_387, %swap3A_388, %swap3A_389], %mul3A_380 {strides = array<i32>} : memref<2x8x8x130xf32, #tpu.memory_space<vmem>>, vector<16xf32>,
        %slice3A_391 = vector.extract_strided_slice %get3A_190 {offsets = [3], sizes = [1], strides = [1]} : vector<16xf32> to vector<1xf32>
        %squeeze3A_392 = vector.extract %slice3A_391[0] : f32 from vector<1xf32>
        %mul3A_393 = vector.broadcast %squeeze3A_392 : f32 to vector<16xf32>
        %mul3A_394 = arith.mulf %mul3A_393, %get3A_351 : vector<16xf32>
        %mul3A_395 = arith.constant 16 : i32
        %mul3A_396 = arith.muli %scan3A_343, %mul3A_395 : i32
        %swap3A_397 = arith.constant 0 : i32
        %swap3A_398 = arith.constant 0 : i32
        %swap3A_399 = arith.constant 3 : i32
        %swap3A_400 = arith.index_cast %swap3A_397 : i32 to index
        %swap3A_401 = arith.index_cast %swap3A_398 : i32 to index
        %swap3A_402 = arith.index_cast %swap3A_399 : i32 to index
        %swap3A_403 = arith.index_cast %mul3A_396 : i32 to index
        %swap3A_404 = tpu.vector_load %arg12[%swap3A_400, %swap3A_401, %swap3A_402, %swap3A_403] {strides = array<i32>} : memref<2x8x8x130xf32, #tpu.memory_space<vmem>>, vector<16xf32>,
        tpu.vector_store %arg12[%swap3A_400, %swap3A_401, %swap3A_402, %swap3A_403], %mul3A_394 {strides = array<i32>} : memref<2x8x8x130xf32, #tpu.memory_space<vmem>>, vector<16xf32>,
        %slice3A_405 = vector.extract_strided_slice %get3A_190 {offsets = [4], sizes = [1], strides = [1]} : vector<16xf32> to vector<1xf32>
        %squeeze3A_406 = vector.extract %slice3A_405[0] : f32 from vector<1xf32>
        %mul3A_407 = vector.broadcast %squeeze3A_406 : f32 to vector<16xf32>
        %mul3A_408 = arith.mulf %mul3A_407, %get3A_351 : vector<16xf32>
        %mul3A_409 = arith.constant 16 : i32
        %mul3A_410 = arith.muli %scan3A_343, %mul3A_409 : i32
        %swap3A_411 = arith.constant 0 : i32
        %swap3A_412 = arith.constant 0 : i32
        %swap3A_413 = arith.constant 4 : i32
        %swap3A_414 = arith.index_cast %swap3A_411 : i32 to index
        %swap3A_415 = arith.index_cast %swap3A_412 : i32 to index
        %swap3A_416 = arith.index_cast %swap3A_413 : i32 to index
        %swap3A_417 = arith.index_cast %mul3A_410 : i32 to index
        %swap3A_418 = tpu.vector_load %arg12[%swap3A_414, %swap3A_415, %swap3A_416, %swap3A_417] {strides = array<i32>} : memref<2x8x8x130xf32, #tpu.memory_space<vmem>>, vector<16xf32>,
        tpu.vector_store %arg12[%swap3A_414, %swap3A_415, %swap3A_416, %swap3A_417], %mul3A_408 {strides = array<i32>} : memref<2x8x8x130xf32, #tpu.memory_space<vmem>>, vector<16xf32>,
        %slice3A_419 = vector.extract_strided_slice %get3A_190 {offsets = [5], sizes = [1], strides = [1]} : vector<16xf32> to vector<1xf32>
        %squeeze3A_420 = vector.extract %slice3A_419[0] : f32 from vector<1xf32>
        %mul3A_421 = vector.broadcast %squeeze3A_420 : f32 to vector<16xf32>
        %mul3A_422 = arith.mulf %mul3A_421, %get3A_351 : vector<16xf32>
        %mul3A_423 = arith.constant 16 : i32
        %mul3A_424 = arith.muli %scan3A_343, %mul3A_423 : i32
        %swap3A_425 = arith.constant 0 : i32
        %swap3A_426 = arith.constant 0 : i32
        %swap3A_427 = arith.constant 5 : i32
        %swap3A_428 = arith.index_cast %swap3A_425 : i32 to index
        %swap3A_429 = arith.index_cast %swap3A_426 : i32 to index
        %swap3A_430 = arith.index_cast %swap3A_427 : i32 to index
        %swap3A_431 = arith.index_cast %mul3A_424 : i32 to index
        %swap3A_432 = tpu.vector_load %arg12[%swap3A_428, %swap3A_429, %swap3A_430, %swap3A_431] {strides = array<i32>} : memref<2x8x8x130xf32, #tpu.memory_space<vmem>>, vector<16xf32>,
        tpu.vector_store %arg12[%swap3A_428, %swap3A_429, %swap3A_430, %swap3A_431], %mul3A_422 {strides = array<i32>} : memref<2x8x8x130xf32, #tpu.memory_space<vmem>>, vector<16xf32>,
        %slice3A_433 = vector.extract_strided_slice %get3A_190 {offsets = [6], sizes = [1], strides = [1]} : vector<16xf32> to vector<1xf32>
        %squeeze3A_434 = vector.extract %slice3A_433[0] : f32 from vector<1xf32>
        %mul3A_435 = vector.broadcast %squeeze3A_434 : f32 to vector<16xf32>
        %mul3A_436 = arith.mulf %mul3A_435, %get3A_351 : vector<16xf32>
        %mul3A_437 = arith.constant 16 : i32
        %mul3A_438 = arith.muli %scan3A_343, %mul3A_437 : i32
        %swap3A_439 = arith.constant 0 : i32
        %swap3A_440 = arith.constant 0 : i32
        %swap3A_441 = arith.constant 6 : i32
        %swap3A_442 = arith.index_cast %swap3A_439 : i32 to index
        %swap3A_443 = arith.index_cast %swap3A_440 : i32 to index
        %swap3A_444 = arith.index_cast %swap3A_441 : i32 to index
        %swap3A_445 = arith.index_cast %mul3A_438 : i32 to index
        %swap3A_446 = tpu.vector_load %arg12[%swap3A_442, %swap3A_443, %swap3A_444, %swap3A_445] {strides = array<i32>} : memref<2x8x8x130xf32, #tpu.memory_space<vmem>>, vector<16xf32>,
        tpu.vector_store %arg12[%swap3A_442, %swap3A_443, %swap3A_444, %swap3A_445], %mul3A_436 {strides = array<i32>} : memref<2x8x8x130xf32, #tpu.memory_space<vmem>>, vector<16xf32>,
        %slice3A_447 = vector.extract_strided_slice %get3A_190 {offsets = [7], sizes = [1], strides = [1]} : vector<16xf32> to vector<1xf32>
        %squeeze3A_448 = vector.extract %slice3A_447[0] : f32 from vector<1xf32>
        %mul3A_449 = vector.broadcast %squeeze3A_448 : f32 to vector<16xf32>
        %mul3A_450 = arith.mulf %mul3A_449, %get3A_351 : vector<16xf32>
        %mul3A_451 = arith.constant 16 : i32
        %mul3A_452 = arith.muli %scan3A_343, %mul3A_451 : i32
        %swap3A_453 = arith.constant 0 : i32
        %swap3A_454 = arith.constant 0 : i32
        %swap3A_455 = arith.constant 7 : i32
        %swap3A_456 = arith.index_cast %swap3A_453 : i32 to index
        %swap3A_457 = arith.index_cast %swap3A_454 : i32 to index
        %swap3A_458 = arith.index_cast %swap3A_455 : i32 to index
        %swap3A_459 = arith.index_cast %mul3A_452 : i32 to index
        %swap3A_460 = tpu.vector_load %arg12[%swap3A_456, %swap3A_457, %swap3A_458, %swap3A_459] {strides = array<i32>} : memref<2x8x8x130xf32, #tpu.memory_space<vmem>>, vector<16xf32>,
        tpu.vector_store %arg12[%swap3A_456, %swap3A_457, %swap3A_458, %swap3A_459], %mul3A_450 {strides = array<i32>} : memref<2x8x8x130xf32, #tpu.memory_space<vmem>>, vector<16xf32>,
        %slice3A_461 = vector.extract_strided_slice %get3A_190 {offsets = [8], sizes = [1], strides = [1]} : vector<16xf32> to vector<1xf32>
        %squeeze3A_462 = vector.extract %slice3A_461[0] : f32 from vector<1xf32>
        %mul3A_463 = vector.broadcast %squeeze3A_462 : f32 to vector<16xf32>
        %mul3A_464 = arith.mulf %mul3A_463, %get3A_351 : vector<16xf32>
        %mul3A_465 = arith.constant 16 : i32
        %mul3A_466 = arith.muli %scan3A_343, %mul3A_465 : i32
        %swap3A_467 = arith.constant 0 : i32
        %swap3A_468 = arith.constant 1 : i32
        %swap3A_469 = arith.constant 0 : i32
        %swap3A_470 = arith.index_cast %swap3A_467 : i32 to index
        %swap3A_471 = arith.index_cast %swap3A_468 : i32 to index
        %swap3A_472 = arith.index_cast %swap3A_469 : i32 to index
        %swap3A_473 = arith.index_cast %mul3A_466 : i32 to index
        %swap3A_474 = tpu.vector_load %arg12[%swap3A_470, %swap3A_471, %swap3A_472, %swap3A_473] {strides = array<i32>} : memref<2x8x8x130xf32, #tpu.memory_space<vmem>>, vector<16xf32>,
        tpu.vector_store %arg12[%swap3A_470, %swap3A_471, %swap3A_472, %swap3A_473], %mul3A_464 {strides = array<i32>} : memref<2x8x8x130xf32, #tpu.memory_space<vmem>>, vector<16xf32>,
        %slice3A_475 = vector.extract_strided_slice %get3A_190 {offsets = [9], sizes = [1], strides = [1]} : vector<16xf32> to vector<1xf32>
        %squeeze3A_476 = vector.extract %slice3A_475[0] : f32 from vector<1xf32>
        %mul3A_477 = vector.broadcast %squeeze3A_476 : f32 to vector<16xf32>
        %mul3A_478 = arith.mulf %mul3A_477, %get3A_351 : vector<16xf32>
        %mul3A_479 = arith.constant 16 : i32
        %mul3A_480 = arith.muli %scan3A_343, %mul3A_479 : i32
        %swap3A_481 = arith.constant 0 : i32
        %swap3A_482 = arith.constant 1 : i32
        %swap3A_483 = arith.constant 1 : i32
        %swap3A_484 = arith.index_cast %swap3A_481 : i32 to index
        %swap3A_485 = arith.index_cast %swap3A_482 : i32 to index
        %swap3A_486 = arith.index_cast %swap3A_483 : i32 to index
        %swap3A_487 = arith.index_cast %mul3A_480 : i32 to index
        %swap3A_488 = tpu.vector_load %arg12[%swap3A_484, %swap3A_485, %swap3A_486, %swap3A_487] {strides = array<i32>} : memref<2x8x8x130xf32, #tpu.memory_space<vmem>>, vector<16xf32>,
        tpu.vector_store %arg12[%swap3A_484, %swap3A_485, %swap3A_486, %swap3A_487], %mul3A_478 {strides = array<i32>} : memref<2x8x8x130xf32, #tpu.memory_space<vmem>>, vector<16xf32>,
        %slice3A_489 = vector.extract_strided_slice %get3A_190 {offsets = [10], sizes = [1], strides = [1]} : vector<16xf32> to vector<1xf32>
        %squeeze3A_490 = vector.extract %slice3A_489[0] : f32 from vector<1xf32>
        %mul3A_491 = vector.broadcast %squeeze3A_490 : f32 to vector<16xf32>
        %mul3A_492 = arith.mulf %mul3A_491, %get3A_351 : vector<16xf32>
        %mul3A_493 = arith.constant 16 : i32
        %mul3A_494 = arith.muli %scan3A_343, %mul3A_493 : i32
        %swap3A_495 = arith.constant 0 : i32
        %swap3A_496 = arith.constant 1 : i32
        %swap3A_497 = arith.constant 2 : i32
        %swap3A_498 = arith.index_cast %swap3A_495 : i32 to index
        %swap3A_499 = arith.index_cast %swap3A_496 : i32 to index
        %swap3A_500 = arith.index_cast %swap3A_497 : i32 to index
        %swap3A_501 = arith.index_cast %mul3A_494 : i32 to index
        %swap3A_502 = tpu.vector_load %arg12[%swap3A_498, %swap3A_499, %swap3A_500, %swap3A_501] {strides = array<i32>} : memref<2x8x8x130xf32, #tpu.memory_space<vmem>>, vector<16xf32>,
        tpu.vector_store %arg12[%swap3A_498, %swap3A_499, %swap3A_500, %swap3A_501], %mul3A_492 {strides = array<i32>} : memref<2x8x8x130xf32, #tpu.memory_space<vmem>>, vector<16xf32>,
        %slice3A_503 = vector.extract_strided_slice %get3A_190 {offsets = [11], sizes = [1], strides = [1]} : vector<16xf32> to vector<1xf32>
        %squeeze3A_504 = vector.extract %slice3A_503[0] : f32 from vector<1xf32>
        %mul3A_505 = vector.broadcast %squeeze3A_504 : f32 to vector<16xf32>
        %mul3A_506 = arith.mulf %mul3A_505, %get3A_351 : vector<16xf32>
        %mul3A_507 = arith.constant 16 : i32
        %mul3A_508 = arith.muli %scan3A_343, %mul3A_507 : i32
        %swap3A_509 = arith.constant 0 : i32
        %swap3A_510 = arith.constant 1 : i32
        %swap3A_511 = arith.constant 3 : i32
        %swap3A_512 = arith.index_cast %swap3A_509 : i32 to index
        %swap3A_513 = arith.index_cast %swap3A_510 : i32 to index
        %swap3A_514 = arith.index_cast %swap3A_511 : i32 to index
        %swap3A_515 = arith.index_cast %mul3A_508 : i32 to index
        %swap3A_516 = tpu.vector_load %arg12[%swap3A_512, %swap3A_513, %swap3A_514, %swap3A_515] {strides = array<i32>} : memref<2x8x8x130xf32, #tpu.memory_space<vmem>>, vector<16xf32>,
        tpu.vector_store %arg12[%swap3A_512, %swap3A_513, %swap3A_514, %swap3A_515], %mul3A_506 {strides = array<i32>} : memref<2x8x8x130xf32, #tpu.memory_space<vmem>>, vector<16xf32>,
        %slice3A_517 = vector.extract_strided_slice %get3A_190 {offsets = [12], sizes = [1], strides = [1]} : vector<16xf32> to vector<1xf32>
        %squeeze3A_518 = vector.extract %slice3A_517[0] : f32 from vector<1xf32>
        %mul3A_519 = vector.broadcast %squeeze3A_518 : f32 to vector<16xf32>
        %mul3A_520 = arith.mulf %mul3A_519, %get3A_351 : vector<16xf32>
        %mul3A_521 = arith.constant 16 : i32
        %mul3A_522 = arith.muli %scan3A_343, %mul3A_521 : i32
        %swap3A_523 = arith.constant 0 : i32
        %swap3A_524 = arith.constant 1 : i32
        %swap3A_525 = arith.constant 4 : i32
        %swap3A_526 = arith.index_cast %swap3A_523 : i32 to index
        %swap3A_527 = arith.index_cast %swap3A_524 : i32 to index
        %swap3A_528 = arith.index_cast %swap3A_525 : i32 to index
        %swap3A_529 = arith.index_cast %mul3A_522 : i32 to index
        %swap3A_530 = tpu.vector_load %arg12[%swap3A_526, %swap3A_527, %swap3A_528, %swap3A_529] {strides = array<i32>} : memref<2x8x8x130xf32, #tpu.memory_space<vmem>>, vector<16xf32>,
        tpu.vector_store %arg12[%swap3A_526, %swap3A_527, %swap3A_528, %swap3A_529], %mul3A_520 {strides = array<i32>} : memref<2x8x8x130xf32, #tpu.memory_space<vmem>>, vector<16xf32>,
        %slice3A_531 = vector.extract_strided_slice %get3A_190 {offsets = [13], sizes = [1], strides = [1]} : vector<16xf32> to vector<1xf32>
        %squeeze3A_532 = vector.extract %slice3A_531[0] : f32 from vector<1xf32>
        %mul3A_533 = vector.broadcast %squeeze3A_532 : f32 to vector<16xf32>
        %mul3A_534 = arith.mulf %mul3A_533, %get3A_351 : vector<16xf32>
        %mul3A_535 = arith.constant 16 : i32
        %mul3A_536 = arith.muli %scan3A_343, %mul3A_535 : i32
        %swap3A_537 = arith.constant 0 : i32
        %swap3A_538 = arith.constant 1 : i32
        %swap3A_539 = arith.constant 5 : i32
        %swap3A_540 = arith.index_cast %swap3A_537 : i32 to index
        %swap3A_541 = arith.index_cast %swap3A_538 : i32 to index
        %swap3A_542 = arith.index_cast %swap3A_539 : i32 to index
        %swap3A_543 = arith.index_cast %mul3A_536 : i32 to index
        %swap3A_544 = tpu.vector_load %arg12[%swap3A_540, %swap3A_541, %swap3A_542, %swap3A_543] {strides = array<i32>} : memref<2x8x8x130xf32, #tpu.memory_space<vmem>>, vector<16xf32>,
        tpu.vector_store %arg12[%swap3A_540, %swap3A_541, %swap3A_542, %swap3A_543], %mul3A_534 {strides = array<i32>} : memref<2x8x8x130xf32, #tpu.memory_space<vmem>>, vector<16xf32>,
        %slice3A_545 = vector.extract_strided_slice %get3A_190 {offsets = [14], sizes = [1], strides = [1]} : vector<16xf32> to vector<1xf32>
        %squeeze3A_546 = vector.extract %slice3A_545[0] : f32 from vector<1xf32>
        %mul3A_547 = vector.broadcast %squeeze3A_546 : f32 to vector<16xf32>
        %mul3A_548 = arith.mulf %mul3A_547, %get3A_351 : vector<16xf32>
        %mul3A_549 = arith.constant 16 : i32
        %mul3A_550 = arith.muli %scan3A_343, %mul3A_549 : i32
        %swap3A_551 = arith.constant 0 : i32
        %swap3A_552 = arith.constant 1 : i32
        %swap3A_553 = arith.constant 6 : i32
        %swap3A_554 = arith.index_cast %swap3A_551 : i32 to index
        %swap3A_555 = arith.index_cast %swap3A_552 : i32 to index
        %swap3A_556 = arith.index_cast %swap3A_553 : i32 to index
        %swap3A_557 = arith.index_cast %mul3A_550 : i32 to index
        %swap3A_558 = tpu.vector_load %arg12[%swap3A_554, %swap3A_555, %swap3A_556, %swap3A_557] {strides = array<i32>} : memref<2x8x8x130xf32, #tpu.memory_space<vmem>>, vector<16xf32>,
        tpu.vector_store %arg12[%swap3A_554, %swap3A_555, %swap3A_556, %swap3A_557], %mul3A_548 {strides = array<i32>} : memref<2x8x8x130xf32, #tpu.memory_space<vmem>>, vector<16xf32>,
        %slice3A_559 = vector.extract_strided_slice %get3A_190 {offsets = [15], sizes = [1], strides = [1]} : vector<16xf32> to vector<1xf32>
        %squeeze3A_560 = vector.extract %slice3A_559[0] : f32 from vector<1xf32>
        %mul3A_561 = vector.broadcast %squeeze3A_560 : f32 to vector<16xf32>
        %mul3A_562 = arith.mulf %mul3A_561, %get3A_351 : vector<16xf32>
        %mul3A_563 = arith.constant 16 : i32
        %mul3A_564 = arith.muli %scan3A_343, %mul3A_563 : i32
        %swap3A_565 = arith.constant 0 : i32
        %swap3A_566 = arith.constant 1 : i32
        %swap3A_567 = arith.constant 7 : i32
        %swap3A_568 = arith.index_cast %swap3A_565 : i32 to index
        %swap3A_569 = arith.index_cast %swap3A_566 : i32 to index
        %swap3A_570 = arith.index_cast %swap3A_567 : i32 to index
        %swap3A_571 = arith.index_cast %mul3A_564 : i32 to index
        %swap3A_572 = tpu.vector_load %arg12[%swap3A_568, %swap3A_569, %swap3A_570, %swap3A_571] {strides = array<i32>} : memref<2x8x8x130xf32, #tpu.memory_space<vmem>>, vector<16xf32>,
        tpu.vector_store %arg12[%swap3A_568, %swap3A_569, %swap3A_570, %swap3A_571], %mul3A_562 {strides = array<i32>} : memref<2x8x8x130xf32, #tpu.memory_space<vmem>>, vector<16xf32>,
        %slice3A_573 = vector.extract_strided_slice %get3A_196 {offsets = [0], sizes = [1], strides = [1]} : vector<16xf32> to vector<1xf32>
        %squeeze3A_574 = vector.extract %slice3A_573[0] : f32 from vector<1xf32>
        %mul3A_575 = vector.broadcast %squeeze3A_574 : f32 to vector<16xf32>
        %mul3A_576 = arith.mulf %mul3A_575, %get3A_351 : vector<16xf32>
        %mul3A_577 = arith.constant 16 : i32
        %mul3A_578 = arith.muli %scan3A_343, %mul3A_577 : i32
        %swap3A_579 = arith.constant 0 : i32
        %swap3A_580 = arith.constant 2 : i32
        %swap3A_581 = arith.constant 0 : i32
        %swap3A_582 = arith.index_cast %swap3A_579 : i32 to index
        %swap3A_583 = arith.index_cast %swap3A_580 : i32 to index
        %swap3A_584 = arith.index_cast %swap3A_581 : i32 to index
        %swap3A_585 = arith.index_cast %mul3A_578 : i32 to index
        %swap3A_586 = tpu.vector_load %arg12[%swap3A_582, %swap3A_583, %swap3A_584, %swap3A_585] {strides = array<i32>} : memref<2x8x8x130xf32, #tpu.memory_space<vmem>>, vector<16xf32>,
        tpu.vector_store %arg12[%swap3A_582, %swap3A_583, %swap3A_584, %swap3A_585], %mul3A_576 {strides = array<i32>} : memref<2x8x8x130xf32, #tpu.memory_space<vmem>>, vector<16xf32>,
        %slice3A_587 = vector.extract_strided_slice %get3A_196 {offsets = [1], sizes = [1], strides = [1]} : vector<16xf32> to vector<1xf32>
        %squeeze3A_588 = vector.extract %slice3A_587[0] : f32 from vector<1xf32>
        %mul3A_589 = vector.broadcast %squeeze3A_588 : f32 to vector<16xf32>
        %mul3A_590 = arith.mulf %mul3A_589, %get3A_351 : vector<16xf32>
        %mul3A_591 = arith.constant 16 : i32
        %mul3A_592 = arith.muli %scan3A_343, %mul3A_591 : i32
        %swap3A_593 = arith.constant 0 : i32
        %swap3A_594 = arith.constant 2 : i32
        %swap3A_595 = arith.constant 1 : i32
        %swap3A_596 = arith.index_cast %swap3A_593 : i32 to index
        %swap3A_597 = arith.index_cast %swap3A_594 : i32 to index
        %swap3A_598 = arith.index_cast %swap3A_595 : i32 to index
        %swap3A_599 = arith.index_cast %mul3A_592 : i32 to index
        %swap3A_600 = tpu.vector_load %arg12[%swap3A_596, %swap3A_597, %swap3A_598, %swap3A_599] {strides = array<i32>} : memref<2x8x8x130xf32, #tpu.memory_space<vmem>>, vector<16xf32>,
        tpu.vector_store %arg12[%swap3A_596, %swap3A_597, %swap3A_598, %swap3A_599], %mul3A_590 {strides = array<i32>} : memref<2x8x8x130xf32, #tpu.memory_space<vmem>>, vector<16xf32>,
        %slice3A_601 = vector.extract_strided_slice %get3A_196 {offsets = [2], sizes = [1], strides = [1]} : vector<16xf32> to vector<1xf32>
        %squeeze3A_602 = vector.extract %slice3A_601[0] : f32 from vector<1xf32>
        %mul3A_603 = vector.broadcast %squeeze3A_602 : f32 to vector<16xf32>
        %mul3A_604 = arith.mulf %mul3A_603, %get3A_351 : vector<16xf32>
        %mul3A_605 = arith.constant 16 : i32
        %mul3A_606 = arith.muli %scan3A_343, %mul3A_605 : i32
        %swap3A_607 = arith.constant 0 : i32
        %swap3A_608 = arith.constant 2 : i32
        %swap3A_609 = arith.constant 2 : i32
        %swap3A_610 = arith.index_cast %swap3A_607 : i32 to index
        %swap3A_611 = arith.index_cast %swap3A_608 : i32 to index
        %swap3A_612 = arith.index_cast %swap3A_609 : i32 to index
        %swap3A_613 = arith.index_cast %mul3A_606 : i32 to index
        %swap3A_614 = tpu.vector_load %arg12[%swap3A_610, %swap3A_611, %swap3A_612, %swap3A_613] {strides = array<i32>} : memref<2x8x8x130xf32, #tpu.memory_space<vmem>>, vector<16xf32>,
        tpu.vector_store %arg12[%swap3A_610, %swap3A_611, %swap3A_612, %swap3A_613], %mul3A_604 {strides = array<i32>} : memref<2x8x8x130xf32, #tpu.memory_space<vmem>>, vector<16xf32>,
        %slice3A_615 = vector.extract_strided_slice %get3A_196 {offsets = [3], sizes = [1], strides = [1]} : vector<16xf32> to vector<1xf32>
        %squeeze3A_616 = vector.extract %slice3A_615[0] : f32 from vector<1xf32>
        %mul3A_617 = vector.broadcast %squeeze3A_616 : f32 to vector<16xf32>
        %mul3A_618 = arith.mulf %mul3A_617, %get3A_351 : vector<16xf32>
        %mul3A_619 = arith.constant 16 : i32
        %mul3A_620 = arith.muli %scan3A_343, %mul3A_619 : i32
        %swap3A_621 = arith.constant 0 : i32
        %swap3A_622 = arith.constant 2 : i32
        %swap3A_623 = arith.constant 3 : i32
        %swap3A_624 = arith.index_cast %swap3A_621 : i32 to index
        %swap3A_625 = arith.index_cast %swap3A_622 : i32 to index
        %swap3A_626 = arith.index_cast %swap3A_623 : i32 to index
        %swap3A_627 = arith.index_cast %mul3A_620 : i32 to index
        %swap3A_628 = tpu.vector_load %arg12[%swap3A_624, %swap3A_625, %swap3A_626, %swap3A_627] {strides = array<i32>} : memref<2x8x8x130xf32, #tpu.memory_space<vmem>>, vector<16xf32>,
        tpu.vector_store %arg12[%swap3A_624, %swap3A_625, %swap3A_626, %swap3A_627], %mul3A_618 {strides = array<i32>} : memref<2x8x8x130xf32, #tpu.memory_space<vmem>>, vector<16xf32>,
        %slice3A_629 = vector.extract_strided_slice %get3A_196 {offsets = [4], sizes = [1], strides = [1]} : vector<16xf32> to vector<1xf32>
        %squeeze3A_630 = vector.extract %slice3A_629[0] : f32 from vector<1xf32>
        %mul3A_631 = vector.broadcast %squeeze3A_630 : f32 to vector<16xf32>
        %mul3A_632 = arith.mulf %mul3A_631, %get3A_351 : vector<16xf32>
        %mul3A_633 = arith.constant 16 : i32
        %mul3A_634 = arith.muli %scan3A_343, %mul3A_633 : i32
        %swap3A_635 = arith.constant 0 : i32
        %swap3A_636 = arith.constant 2 : i32
        %swap3A_637 = arith.constant 4 : i32
        %swap3A_638 = arith.index_cast %swap3A_635 : i32 to index
        %swap3A_639 = arith.index_cast %swap3A_636 : i32 to index
        %swap3A_640 = arith.index_cast %swap3A_637 : i32 to index
        %swap3A_641 = arith.index_cast %mul3A_634 : i32 to index
        %swap3A_642 = tpu.vector_load %arg12[%swap3A_638, %swap3A_639, %swap3A_640, %swap3A_641] {strides = array<i32>} : memref<2x8x8x130xf32, #tpu.memory_space<vmem>>, vector<16xf32>,
        tpu.vector_store %arg12[%swap3A_638, %swap3A_639, %swap3A_640, %swap3A_641], %mul3A_632 {strides = array<i32>} : memref<2x8x8x130xf32, #tpu.memory_space<vmem>>, vector<16xf32>,
        %slice3A_643 = vector.extract_strided_slice %get3A_196 {offsets = [5], sizes = [1], strides = [1]} : vector<16xf32> to vector<1xf32>
        %squeeze3A_644 = vector.extract %slice3A_643[0] : f32 from vector<1xf32>
        %mul3A_645 = vector.broadcast %squeeze3A_644 : f32 to vector<16xf32>
        %mul3A_646 = arith.mulf %mul3A_645, %get3A_351 : vector<16xf32>
        %mul3A_647 = arith.constant 16 : i32
        %mul3A_648 = arith.muli %scan3A_343, %mul3A_647 : i32
        %swap3A_649 = arith.constant 0 : i32
        %swap3A_650 = arith.constant 2 : i32
        %swap3A_651 = arith.constant 5 : i32
        %swap3A_652 = arith.index_cast %swap3A_649 : i32 to index
        %swap3A_653 = arith.index_cast %swap3A_650 : i32 to index
        %swap3A_654 = arith.index_cast %swap3A_651 : i32 to index
        %swap3A_655 = arith.index_cast %mul3A_648 : i32 to index
        %swap3A_656 = tpu.vector_load %arg12[%swap3A_652, %swap3A_653, %swap3A_654, %swap3A_655] {strides = array<i32>} : memref<2x8x8x130xf32, #tpu.memory_space<vmem>>, vector<16xf32>,
        tpu.vector_store %arg12[%swap3A_652, %swap3A_653, %swap3A_654, %swap3A_655], %mul3A_646 {strides = array<i32>} : memref<2x8x8x130xf32, #tpu.memory_space<vmem>>, vector<16xf32>,
        %slice3A_657 = vector.extract_strided_slice %get3A_196 {offsets = [6], sizes = [1], strides = [1]} : vector<16xf32> to vector<1xf32>
        %squeeze3A_658 = vector.extract %slice3A_657[0] : f32 from vector<1xf32>
        %mul3A_659 = vector.broadcast %squeeze3A_658 : f32 to vector<16xf32>
        %mul3A_660 = arith.mulf %mul3A_659, %get3A_351 : vector<16xf32>
        %mul3A_661 = arith.constant 16 : i32
        %mul3A_662 = arith.muli %scan3A_343, %mul3A_661 : i32
        %swap3A_663 = arith.constant 0 : i32
        %swap3A_664 = arith.constant 2 : i32
        %swap3A_665 = arith.constant 6 : i32
        %swap3A_666 = arith.index_cast %swap3A_663 : i32 to index
        %swap3A_667 = arith.index_cast %swap3A_664 : i32 to index
        %swap3A_668 = arith.index_cast %swap3A_665 : i32 to index
        %swap3A_669 = arith.index_cast %mul3A_662 : i32 to index
        %swap3A_670 = tpu.vector_load %arg12[%swap3A_666, %swap3A_667, %swap3A_668, %swap3A_669] {strides = array<i32>} : memref<2x8x8x130xf32, #tpu.memory_space<vmem>>, vector<16xf32>,
        tpu.vector_store %arg12[%swap3A_666, %swap3A_667, %swap3A_668, %swap3A_669], %mul3A_660 {strides = array<i32>} : memref<2x8x8x130xf32, #tpu.memory_space<vmem>>, vector<16xf32>,
        %slice3A_671 = vector.extract_strided_slice %get3A_196 {offsets = [7], sizes = [1], strides = [1]} : vector<16xf32> to vector<1xf32>
        %squeeze3A_672 = vector.extract %slice3A_671[0] : f32 from vector<1xf32>
        %mul3A_673 = vector.broadcast %squeeze3A_672 : f32 to vector<16xf32>
        %mul3A_674 = arith.mulf %mul3A_673, %get3A_351 : vector<16xf32>
        %mul3A_675 = arith.constant 16 : i32
        %mul3A_676 = arith.muli %scan3A_343, %mul3A_675 : i32
        %swap3A_677 = arith.constant 0 : i32
        %swap3A_678 = arith.constant 2 : i32
        %swap3A_679 = arith.constant 7 : i32
        %swap3A_680 = arith.index_cast %swap3A_677 : i32 to index
        %swap3A_681 = arith.index_cast %swap3A_678 : i32 to index
        %swap3A_682 = arith.index_cast %swap3A_679 : i32 to index
        %swap3A_683 = arith.index_cast %mul3A_676 : i32 to index
        %swap3A_684 = tpu.vector_load %arg12[%swap3A_680, %swap3A_681, %swap3A_682, %swap3A_683] {strides = array<i32>} : memref<2x8x8x130xf32, #tpu.memory_space<vmem>>, vector<16xf32>,
        tpu.vector_store %arg12[%swap3A_680, %swap3A_681, %swap3A_682, %swap3A_683], %mul3A_674 {strides = array<i32>} : memref<2x8x8x130xf32, #tpu.memory_space<vmem>>, vector<16xf32>,
        %slice3A_685 = vector.extract_strided_slice %get3A_196 {offsets = [8], sizes = [1], strides = [1]} : vector<16xf32> to vector<1xf32>
        %squeeze3A_686 = vector.extract %slice3A_685[0] : f32 from vector<1xf32>
        %mul3A_687 = vector.broadcast %squeeze3A_686 : f32 to vector<16xf32>
        %mul3A_688 = arith.mulf %mul3A_687, %get3A_351 : vector<16xf32>
        %mul3A_689 = arith.constant 16 : i32
        %mul3A_690 = arith.muli %scan3A_343, %mul3A_689 : i32
        %swap3A_691 = arith.constant 0 : i32
        %swap3A_692 = arith.constant 3 : i32
        %swap3A_693 = arith.constant 0 : i32
        %swap3A_694 = arith.index_cast %swap3A_691 : i32 to index
        %swap3A_695 = arith.index_cast %swap3A_692 : i32 to index
        %swap3A_696 = arith.index_cast %swap3A_693 : i32 to index
        %swap3A_697 = arith.index_cast %mul3A_690 : i32 to index
        %swap3A_698 = tpu.vector_load %arg12[%swap3A_694, %swap3A_695, %swap3A_696, %swap3A_697] {strides = array<i32>} : memref<2x8x8x130xf32, #tpu.memory_space<vmem>>, vector<16xf32>,
        tpu.vector_store %arg12[%swap3A_694, %swap3A_695, %swap3A_696, %swap3A_697], %mul3A_688 {strides = array<i32>} : memref<2x8x8x130xf32, #tpu.memory_space<vmem>>, vector<16xf32>,
        %slice3A_699 = vector.extract_strided_slice %get3A_196 {offsets = [9], sizes = [1], strides = [1]} : vector<16xf32> to vector<1xf32>
        %squeeze3A_700 = vector.extract %slice3A_699[0] : f32 from vector<1xf32>
        %mul3A_701 = vector.broadcast %squeeze3A_700 : f32 to vector<16xf32>
        %mul3A_702 = arith.mulf %mul3A_701, %get3A_351 : vector<16xf32>
        %mul3A_703 = arith.constant 16 : i32
        %mul3A_704 = arith.muli %scan3A_343, %mul3A_703 : i32
        %swap3A_705 = arith.constant 0 : i32
        %swap3A_706 = arith.constant 3 : i32
        %swap3A_707 = arith.constant 1 : i32
        %swap3A_708 = arith.index_cast %swap3A_705 : i32 to index
        %swap3A_709 = arith.index_cast %swap3A_706 : i32 to index
        %swap3A_710 = arith.index_cast %swap3A_707 : i32 to index
        %swap3A_711 = arith.index_cast %mul3A_704 : i32 to index
        %swap3A_712 = tpu.vector_load %arg12[%swap3A_708, %swap3A_709, %swap3A_710, %swap3A_711] {strides = array<i32>} : memref<2x8x8x130xf32, #tpu.memory_space<vmem>>, vector<16xf32>,
        tpu.vector_store %arg12[%swap3A_708, %swap3A_709, %swap3A_710, %swap3A_711], %mul3A_702 {strides = array<i32>} : memref<2x8x8x130xf32, #tpu.memory_space<vmem>>, vector<16xf32>,
        %slice3A_713 = vector.extract_strided_slice %get3A_196 {offsets = [10], sizes = [1], strides = [1]} : vector<16xf32> to vector<1xf32>
        %squeeze3A_714 = vector.extract %slice3A_713[0] : f32 from vector<1xf32>
        %mul3A_715 = vector.broadcast %squeeze3A_714 : f32 to vector<16xf32>
        %mul3A_716 = arith.mulf %mul3A_715, %get3A_351 : vector<16xf32>
        %mul3A_717 = arith.constant 16 : i32
        %mul3A_718 = arith.muli %scan3A_343, %mul3A_717 : i32
        %swap3A_719 = arith.constant 0 : i32
        %swap3A_720 = arith.constant 3 : i32
        %swap3A_721 = arith.constant 2 : i32
        %swap3A_722 = arith.index_cast %swap3A_719 : i32 to index
        %swap3A_723 = arith.index_cast %swap3A_720 : i32 to index
        %swap3A_724 = arith.index_cast %swap3A_721 : i32 to index
        %swap3A_725 = arith.index_cast %mul3A_718 : i32 to index
        %swap3A_726 = tpu.vector_load %arg12[%swap3A_722, %swap3A_723, %swap3A_724, %swap3A_725] {strides = array<i32>} : memref<2x8x8x130xf32, #tpu.memory_space<vmem>>, vector<16xf32>,
        tpu.vector_store %arg12[%swap3A_722, %swap3A_723, %swap3A_724, %swap3A_725], %mul3A_716 {strides = array<i32>} : memref<2x8x8x130xf32, #tpu.memory_space<vmem>>, vector<16xf32>,
        %slice3A_727 = vector.extract_strided_slice %get3A_196 {offsets = [11], sizes = [1], strides = [1]} : vector<16xf32> to vector<1xf32>
        %squeeze3A_728 = vector.extract %slice3A_727[0] : f32 from vector<1xf32>
        %mul3A_729 = vector.broadcast %squeeze3A_728 : f32 to vector<16xf32>
        %mul3A_730 = arith.mulf %mul3A_729, %get3A_351 : vector<16xf32>
        %mul3A_731 = arith.constant 16 : i32
        %mul3A_732 = arith.muli %scan3A_343, %mul3A_731 : i32
        %swap3A_733 = arith.constant 0 : i32
        %swap3A_734 = arith.constant 3 : i32
        %swap3A_735 = arith.constant 3 : i32
        %swap3A_736 = arith.index_cast %swap3A_733 : i32 to index
        %swap3A_737 = arith.index_cast %swap3A_734 : i32 to index
        %swap3A_738 = arith.index_cast %swap3A_735 : i32 to index
        %swap3A_739 = arith.index_cast %mul3A_732 : i32 to index
        %swap3A_740 = tpu.vector_load %arg12[%swap3A_736, %swap3A_737, %swap3A_738, %swap3A_739] {strides = array<i32>} : memref<2x8x8x130xf32, #tpu.memory_space<vmem>>, vector<16xf32>,
        tpu.vector_store %arg12[%swap3A_736, %swap3A_737, %swap3A_738, %swap3A_739], %mul3A_730 {strides = array<i32>} : memref<2x8x8x130xf32, #tpu.memory_space<vmem>>, vector<16xf32>,
        %slice3A_741 = vector.extract_strided_slice %get3A_196 {offsets = [12], sizes = [1], strides = [1]} : vector<16xf32> to vector<1xf32>
        %squeeze3A_742 = vector.extract %slice3A_741[0] : f32 from vector<1xf32>
        %mul3A_743 = vector.broadcast %squeeze3A_742 : f32 to vector<16xf32>
        %mul3A_744 = arith.mulf %mul3A_743, %get3A_351 : vector<16xf32>
        %mul3A_745 = arith.constant 16 : i32
        %mul3A_746 = arith.muli %scan3A_343, %mul3A_745 : i32
        %swap3A_747 = arith.constant 0 : i32
        %swap3A_748 = arith.constant 3 : i32
        %swap3A_749 = arith.constant 4 : i32
        %swap3A_750 = arith.index_cast %swap3A_747 : i32 to index
        %swap3A_751 = arith.index_cast %swap3A_748 : i32 to index
        %swap3A_752 = arith.index_cast %swap3A_749 : i32 to index
        %swap3A_753 = arith.index_cast %mul3A_746 : i32 to index
        %swap3A_754 = tpu.vector_load %arg12[%swap3A_750, %swap3A_751, %swap3A_752, %swap3A_753] {strides = array<i32>} : memref<2x8x8x130xf32, #tpu.memory_space<vmem>>, vector<16xf32>,
        tpu.vector_store %arg12[%swap3A_750, %swap3A_751, %swap3A_752, %swap3A_753], %mul3A_744 {strides = array<i32>} : memref<2x8x8x130xf32, #tpu.memory_space<vmem>>, vector<16xf32>,
        %slice3A_755 = vector.extract_strided_slice %get3A_196 {offsets = [13], sizes = [1], strides = [1]} : vector<16xf32> to vector<1xf32>
        %squeeze3A_756 = vector.extract %slice3A_755[0] : f32 from vector<1xf32>
        %mul3A_757 = vector.broadcast %squeeze3A_756 : f32 to vector<16xf32>
        %mul3A_758 = arith.mulf %mul3A_757, %get3A_351 : vector<16xf32>
        %mul3A_759 = arith.constant 16 : i32
        %mul3A_760 = arith.muli %scan3A_343, %mul3A_759 : i32
        %swap3A_761 = arith.constant 0 : i32
        %swap3A_762 = arith.constant 3 : i32
        %swap3A_763 = arith.constant 5 : i32
        %swap3A_764 = arith.index_cast %swap3A_761 : i32 to index
        %swap3A_765 = arith.index_cast %swap3A_762 : i32 to index
        %swap3A_766 = arith.index_cast %swap3A_763 : i32 to index
        %swap3A_767 = arith.index_cast %mul3A_760 : i32 to index
        %swap3A_768 = tpu.vector_load %arg12[%swap3A_764, %swap3A_765, %swap3A_766, %swap3A_767] {strides = array<i32>} : memref<2x8x8x130xf32, #tpu.memory_space<vmem>>, vector<16xf32>,
        tpu.vector_store %arg12[%swap3A_764, %swap3A_765, %swap3A_766, %swap3A_767], %mul3A_758 {strides = array<i32>} : memref<2x8x8x130xf32, #tpu.memory_space<vmem>>, vector<16xf32>,
        %slice3A_769 = vector.extract_strided_slice %get3A_196 {offsets = [14], sizes = [1], strides = [1]} : vector<16xf32> to vector<1xf32>
        %squeeze3A_770 = vector.extract %slice3A_769[0] : f32 from vector<1xf32>
        %mul3A_771 = vector.broadcast %squeeze3A_770 : f32 to vector<16xf32>
        %mul3A_772 = arith.mulf %mul3A_771, %get3A_351 : vector<16xf32>
        %mul3A_773 = arith.constant 16 : i32
        %mul3A_774 = arith.muli %scan3A_343, %mul3A_773 : i32
        %swap3A_775 = arith.constant 0 : i32
        %swap3A_776 = arith.constant 3 : i32
        %swap3A_777 = arith.constant 6 : i32
        %swap3A_778 = arith.index_cast %swap3A_775 : i32 to index
        %swap3A_779 = arith.index_cast %swap3A_776 : i32 to index
        %swap3A_780 = arith.index_cast %swap3A_777 : i32 to index
        %swap3A_781 = arith.index_cast %mul3A_774 : i32 to index
        %swap3A_782 = tpu.vector_load %arg12[%swap3A_778, %swap3A_779, %swap3A_780, %swap3A_781] {strides = array<i32>} : memref<2x8x8x130xf32, #tpu.memory_space<vmem>>, vector<16xf32>,
        tpu.vector_store %arg12[%swap3A_778, %swap3A_779, %swap3A_780, %swap3A_781], %mul3A_772 {strides = array<i32>} : memref<2x8x8x130xf32, #tpu.memory_space<vmem>>, vector<16xf32>,
        %slice3A_783 = vector.extract_strided_slice %get3A_196 {offsets = [15], sizes = [1], strides = [1]} : vector<16xf32> to vector<1xf32>
        %squeeze3A_784 = vector.extract %slice3A_783[0] : f32 from vector<1xf32>
        %mul3A_785 = vector.broadcast %squeeze3A_784 : f32 to vector<16xf32>
        %mul3A_786 = arith.mulf %mul3A_785, %get3A_351 : vector<16xf32>
        %mul3A_787 = arith.constant 16 : i32
        %mul3A_788 = arith.muli %scan3A_343, %mul3A_787 : i32
        %swap3A_789 = arith.constant 0 : i32
        %swap3A_790 = arith.constant 3 : i32
        %swap3A_791 = arith.constant 7 : i32
        %swap3A_792 = arith.index_cast %swap3A_789 : i32 to index
        %swap3A_793 = arith.index_cast %swap3A_790 : i32 to index
        %swap3A_794 = arith.index_cast %swap3A_791 : i32 to index
        %swap3A_795 = arith.index_cast %mul3A_788 : i32 to index
        %swap3A_796 = tpu.vector_load %arg12[%swap3A_792, %swap3A_793, %swap3A_794, %swap3A_795] {strides = array<i32>} : memref<2x8x8x130xf32, #tpu.memory_space<vmem>>, vector<16xf32>,
        tpu.vector_store %arg12[%swap3A_792, %swap3A_793, %swap3A_794, %swap3A_795], %mul3A_786 {strides = array<i32>} : memref<2x8x8x130xf32, #tpu.memory_space<vmem>>, vector<16xf32>,
        %slice3A_797 = vector.extract_strided_slice %get3A_202 {offsets = [0], sizes = [1], strides = [1]} : vector<16xf32> to vector<1xf32>
        %squeeze3A_798 = vector.extract %slice3A_797[0] : f32 from vector<1xf32>
        %mul3A_799 = vector.broadcast %squeeze3A_798 : f32 to vector<16xf32>
        %mul3A_800 = arith.mulf %mul3A_799, %get3A_351 : vector<16xf32>
        %mul3A_801 = arith.constant 16 : i32
        %mul3A_802 = arith.muli %scan3A_343, %mul3A_801 : i32
        %swap3A_803 = arith.constant 0 : i32
        %swap3A_804 = arith.constant 4 : i32
        %swap3A_805 = arith.constant 0 : i32
        %swap3A_806 = arith.index_cast %swap3A_803 : i32 to index
        %swap3A_807 = arith.index_cast %swap3A_804 : i32 to index
        %swap3A_808 = arith.index_cast %swap3A_805 : i32 to index
        %swap3A_809 = arith.index_cast %mul3A_802 : i32 to index
        %swap3A_810 = tpu.vector_load %arg12[%swap3A_806, %swap3A_807, %swap3A_808, %swap3A_809] {strides = array<i32>} : memref<2x8x8x130xf32, #tpu.memory_space<vmem>>, vector<16xf32>,
        tpu.vector_store %arg12[%swap3A_806, %swap3A_807, %swap3A_808, %swap3A_809], %mul3A_800 {strides = array<i32>} : memref<2x8x8x130xf32, #tpu.memory_space<vmem>>, vector<16xf32>,
        %slice3A_811 = vector.extract_strided_slice %get3A_202 {offsets = [1], sizes = [1], strides = [1]} : vector<16xf32> to vector<1xf32>
        %squeeze3A_812 = vector.extract %slice3A_811[0] : f32 from vector<1xf32>
        %mul3A_813 = vector.broadcast %squeeze3A_812 : f32 to vector<16xf32>
        %mul3A_814 = arith.mulf %mul3A_813, %get3A_351 : vector<16xf32>
        %mul3A_815 = arith.constant 16 : i32
        %mul3A_816 = arith.muli %scan3A_343, %mul3A_815 : i32
        %swap3A_817 = arith.constant 0 : i32
        %swap3A_818 = arith.constant 4 : i32
        %swap3A_819 = arith.constant 1 : i32
        %swap3A_820 = arith.index_cast %swap3A_817 : i32 to index
        %swap3A_821 = arith.index_cast %swap3A_818 : i32 to index
        %swap3A_822 = arith.index_cast %swap3A_819 : i32 to index
        %swap3A_823 = arith.index_cast %mul3A_816 : i32 to index
        %swap3A_824 = tpu.vector_load %arg12[%swap3A_820, %swap3A_821, %swap3A_822, %swap3A_823] {strides = array<i32>} : memref<2x8x8x130xf32, #tpu.memory_space<vmem>>, vector<16xf32>,
        tpu.vector_store %arg12[%swap3A_820, %swap3A_821, %swap3A_822, %swap3A_823], %mul3A_814 {strides = array<i32>} : memref<2x8x8x130xf32, #tpu.memory_space<vmem>>, vector<16xf32>,
        %slice3A_825 = vector.extract_strided_slice %get3A_202 {offsets = [2], sizes = [1], strides = [1]} : vector<16xf32> to vector<1xf32>
        %squeeze3A_826 = vector.extract %slice3A_825[0] : f32 from vector<1xf32>
        %mul3A_827 = vector.broadcast %squeeze3A_826 : f32 to vector<16xf32>
        %mul3A_828 = arith.mulf %mul3A_827, %get3A_351 : vector<16xf32>
        %mul3A_829 = arith.constant 16 : i32
        %mul3A_830 = arith.muli %scan3A_343, %mul3A_829 : i32
        %swap3A_831 = arith.constant 0 : i32
        %swap3A_832 = arith.constant 4 : i32
        %swap3A_833 = arith.constant 2 : i32
        %swap3A_834 = arith.index_cast %swap3A_831 : i32 to index
        %swap3A_835 = arith.index_cast %swap3A_832 : i32 to index
        %swap3A_836 = arith.index_cast %swap3A_833 : i32 to index
        %swap3A_837 = arith.index_cast %mul3A_830 : i32 to index
        %swap3A_838 = tpu.vector_load %arg12[%swap3A_834, %swap3A_835, %swap3A_836, %swap3A_837] {strides = array<i32>} : memref<2x8x8x130xf32, #tpu.memory_space<vmem>>, vector<16xf32>,
        tpu.vector_store %arg12[%swap3A_834, %swap3A_835, %swap3A_836, %swap3A_837], %mul3A_828 {strides = array<i32>} : memref<2x8x8x130xf32, #tpu.memory_space<vmem>>, vector<16xf32>,
        %slice3A_839 = vector.extract_strided_slice %get3A_202 {offsets = [3], sizes = [1], strides = [1]} : vector<16xf32> to vector<1xf32>
        %squeeze3A_840 = vector.extract %slice3A_839[0] : f32 from vector<1xf32>
        %mul3A_841 = vector.broadcast %squeeze3A_840 : f32 to vector<16xf32>
        %mul3A_842 = arith.mulf %mul3A_841, %get3A_351 : vector<16xf32>
        %mul3A_843 = arith.constant 16 : i32
        %mul3A_844 = arith.muli %scan3A_343, %mul3A_843 : i32
        %swap3A_845 = arith.constant 0 : i32
        %swap3A_846 = arith.constant 4 : i32
        %swap3A_847 = arith.constant 3 : i32
        %swap3A_848 = arith.index_cast %swap3A_845 : i32 to index
        %swap3A_849 = arith.index_cast %swap3A_846 : i32 to index
        %swap3A_850 = arith.index_cast %swap3A_847 : i32 to index
        %swap3A_851 = arith.index_cast %mul3A_844 : i32 to index
        %swap3A_852 = tpu.vector_load %arg12[%swap3A_848, %swap3A_849, %swap3A_850, %swap3A_851] {strides = array<i32>} : memref<2x8x8x130xf32, #tpu.memory_space<vmem>>, vector<16xf32>,
        tpu.vector_store %arg12[%swap3A_848, %swap3A_849, %swap3A_850, %swap3A_851], %mul3A_842 {strides = array<i32>} : memref<2x8x8x130xf32, #tpu.memory_space<vmem>>, vector<16xf32>,
        %slice3A_853 = vector.extract_strided_slice %get3A_202 {offsets = [4], sizes = [1], strides = [1]} : vector<16xf32> to vector<1xf32>
        %squeeze3A_854 = vector.extract %slice3A_853[0] : f32 from vector<1xf32>
        %mul3A_855 = vector.broadcast %squeeze3A_854 : f32 to vector<16xf32>
        %mul3A_856 = arith.mulf %mul3A_855, %get3A_351 : vector<16xf32>
        %mul3A_857 = arith.constant 16 : i32
        %mul3A_858 = arith.muli %scan3A_343, %mul3A_857 : i32
        %swap3A_859 = arith.constant 0 : i32
        %swap3A_860 = arith.constant 4 : i32
        %swap3A_861 = arith.constant 4 : i32
        %swap3A_862 = arith.index_cast %swap3A_859 : i32 to index
        %swap3A_863 = arith.index_cast %swap3A_860 : i32 to index
        %swap3A_864 = arith.index_cast %swap3A_861 : i32 to index
        %swap3A_865 = arith.index_cast %mul3A_858 : i32 to index
        %swap3A_866 = tpu.vector_load %arg12[%swap3A_862, %swap3A_863, %swap3A_864, %swap3A_865] {strides = array<i32>} : memref<2x8x8x130xf32, #tpu.memory_space<vmem>>, vector<16xf32>,
        tpu.vector_store %arg12[%swap3A_862, %swap3A_863, %swap3A_864, %swap3A_865], %mul3A_856 {strides = array<i32>} : memref<2x8x8x130xf32, #tpu.memory_space<vmem>>, vector<16xf32>,
        %slice3A_867 = vector.extract_strided_slice %get3A_202 {offsets = [5], sizes = [1], strides = [1]} : vector<16xf32> to vector<1xf32>
        %squeeze3A_868 = vector.extract %slice3A_867[0] : f32 from vector<1xf32>
        %mul3A_869 = vector.broadcast %squeeze3A_868 : f32 to vector<16xf32>
        %mul3A_870 = arith.mulf %mul3A_869, %get3A_351 : vector<16xf32>
        %mul3A_871 = arith.constant 16 : i32
        %mul3A_872 = arith.muli %scan3A_343, %mul3A_871 : i32
        %swap3A_873 = arith.constant 0 : i32
        %swap3A_874 = arith.constant 4 : i32
        %swap3A_875 = arith.constant 5 : i32
        %swap3A_876 = arith.index_cast %swap3A_873 : i32 to index
        %swap3A_877 = arith.index_cast %swap3A_874 : i32 to index
        %swap3A_878 = arith.index_cast %swap3A_875 : i32 to index
        %swap3A_879 = arith.index_cast %mul3A_872 : i32 to index
        %swap3A_880 = tpu.vector_load %arg12[%swap3A_876, %swap3A_877, %swap3A_878, %swap3A_879] {strides = array<i32>} : memref<2x8x8x130xf32, #tpu.memory_space<vmem>>, vector<16xf32>,
        tpu.vector_store %arg12[%swap3A_876, %swap3A_877, %swap3A_878, %swap3A_879], %mul3A_870 {strides = array<i32>} : memref<2x8x8x130xf32, #tpu.memory_space<vmem>>, vector<16xf32>,
        %slice3A_881 = vector.extract_strided_slice %get3A_202 {offsets = [6], sizes = [1], strides = [1]} : vector<16xf32> to vector<1xf32>
        %squeeze3A_882 = vector.extract %slice3A_881[0] : f32 from vector<1xf32>
        %mul3A_883 = vector.broadcast %squeeze3A_882 : f32 to vector<16xf32>
        %mul3A_884 = arith.mulf %mul3A_883, %get3A_351 : vector<16xf32>
        %mul3A_885 = arith.constant 16 : i32
        %mul3A_886 = arith.muli %scan3A_343, %mul3A_885 : i32
        %swap3A_887 = arith.constant 0 : i32
        %swap3A_888 = arith.constant 4 : i32
        %swap3A_889 = arith.constant 6 : i32
        %swap3A_890 = arith.index_cast %swap3A_887 : i32 to index
        %swap3A_891 = arith.index_cast %swap3A_888 : i32 to index
        %swap3A_892 = arith.index_cast %swap3A_889 : i32 to index
        %swap3A_893 = arith.index_cast %mul3A_886 : i32 to index
        %swap3A_894 = tpu.vector_load %arg12[%swap3A_890, %swap3A_891, %swap3A_892, %swap3A_893] {strides = array<i32>} : memref<2x8x8x130xf32, #tpu.memory_space<vmem>>, vector<16xf32>,
        tpu.vector_store %arg12[%swap3A_890, %swap3A_891, %swap3A_892, %swap3A_893], %mul3A_884 {strides = array<i32>} : memref<2x8x8x130xf32, #tpu.memory_space<vmem>>, vector<16xf32>,
        %slice3A_895 = vector.extract_strided_slice %get3A_202 {offsets = [7], sizes = [1], strides = [1]} : vector<16xf32> to vector<1xf32>
        %squeeze3A_896 = vector.extract %slice3A_895[0] : f32 from vector<1xf32>
        %mul3A_897 = vector.broadcast %squeeze3A_896 : f32 to vector<16xf32>
        %mul3A_898 = arith.mulf %mul3A_897, %get3A_351 : vector<16xf32>
        %mul3A_899 = arith.constant 16 : i32
        %mul3A_900 = arith.muli %scan3A_343, %mul3A_899 : i32
        %swap3A_901 = arith.constant 0 : i32
        %swap3A_902 = arith.constant 4 : i32
        %swap3A_903 = arith.constant 7 : i32
        %swap3A_904 = arith.index_cast %swap3A_901 : i32 to index
        %swap3A_905 = arith.index_cast %swap3A_902 : i32 to index
        %swap3A_906 = arith.index_cast %swap3A_903 : i32 to index
        %swap3A_907 = arith.index_cast %mul3A_900 : i32 to index
        %swap3A_908 = tpu.vector_load %arg12[%swap3A_904, %swap3A_905, %swap3A_906, %swap3A_907] {strides = array<i32>} : memref<2x8x8x130xf32, #tpu.memory_space<vmem>>, vector<16xf32>,
        tpu.vector_store %arg12[%swap3A_904, %swap3A_905, %swap3A_906, %swap3A_907], %mul3A_898 {strides = array<i32>} : memref<2x8x8x130xf32, #tpu.memory_space<vmem>>, vector<16xf32>,
        %slice3A_909 = vector.extract_strided_slice %get3A_202 {offsets = [8], sizes = [1], strides = [1]} : vector<16xf32> to vector<1xf32>
        %squeeze3A_910 = vector.extract %slice3A_909[0] : f32 from vector<1xf32>
        %mul3A_911 = vector.broadcast %squeeze3A_910 : f32 to vector<16xf32>
        %mul3A_912 = arith.mulf %mul3A_911, %get3A_351 : vector<16xf32>
        %mul3A_913 = arith.constant 16 : i32
        %mul3A_914 = arith.muli %scan3A_343, %mul3A_913 : i32
        %swap3A_915 = arith.constant 0 : i32
        %swap3A_916 = arith.constant 5 : i32
        %swap3A_917 = arith.constant 0 : i32
        %swap3A_918 = arith.index_cast %swap3A_915 : i32 to index
        %swap3A_919 = arith.index_cast %swap3A_916 : i32 to index
        %swap3A_920 = arith.index_cast %swap3A_917 : i32 to index
        %swap3A_921 = arith.index_cast %mul3A_914 : i32 to index
        %swap3A_922 = tpu.vector_load %arg12[%swap3A_918, %swap3A_919, %swap3A_920, %swap3A_921] {strides = array<i32>} : memref<2x8x8x130xf32, #tpu.memory_space<vmem>>, vector<16xf32>,
        tpu.vector_store %arg12[%swap3A_918, %swap3A_919, %swap3A_920, %swap3A_921], %mul3A_912 {strides = array<i32>} : memref<2x8x8x130xf32, #tpu.memory_space<vmem>>, vector<16xf32>,
        %slice3A_923 = vector.extract_strided_slice %get3A_202 {offsets = [9], sizes = [1], strides = [1]} : vector<16xf32> to vector<1xf32>
        %squeeze3A_924 = vector.extract %slice3A_923[0] : f32 from vector<1xf32>
        %mul3A_925 = vector.broadcast %squeeze3A_924 : f32 to vector<16xf32>
        %mul3A_926 = arith.mulf %mul3A_925, %get3A_351 : vector<16xf32>
        %mul3A_927 = arith.constant 16 : i32
        %mul3A_928 = arith.muli %scan3A_343, %mul3A_927 : i32
        %swap3A_929 = arith.constant 0 : i32
        %swap3A_930 = arith.constant 5 : i32
        %swap3A_931 = arith.constant 1 : i32
        %swap3A_932 = arith.index_cast %swap3A_929 : i32 to index
        %swap3A_933 = arith.index_cast %swap3A_930 : i32 to index
        %swap3A_934 = arith.index_cast %swap3A_931 : i32 to index
        %swap3A_935 = arith.index_cast %mul3A_928 : i32 to index
        %swap3A_936 = tpu.vector_load %arg12[%swap3A_932, %swap3A_933, %swap3A_934, %swap3A_935] {strides = array<i32>} : memref<2x8x8x130xf32, #tpu.memory_space<vmem>>, vector<16xf32>,
        tpu.vector_store %arg12[%swap3A_932, %swap3A_933, %swap3A_934, %swap3A_935], %mul3A_926 {strides = array<i32>} : memref<2x8x8x130xf32, #tpu.memory_space<vmem>>, vector<16xf32>,
        %slice3A_937 = vector.extract_strided_slice %get3A_202 {offsets = [10], sizes = [1], strides = [1]} : vector<16xf32> to vector<1xf32>
        %squeeze3A_938 = vector.extract %slice3A_937[0] : f32 from vector<1xf32>
        %mul3A_939 = vector.broadcast %squeeze3A_938 : f32 to vector<16xf32>
        %mul3A_940 = arith.mulf %mul3A_939, %get3A_351 : vector<16xf32>
        %mul3A_941 = arith.constant 16 : i32
        %mul3A_942 = arith.muli %scan3A_343, %mul3A_941 : i32
        %swap3A_943 = arith.constant 0 : i32
        %swap3A_944 = arith.constant 5 : i32
        %swap3A_945 = arith.constant 2 : i32
        %swap3A_946 = arith.index_cast %swap3A_943 : i32 to index
        %swap3A_947 = arith.index_cast %swap3A_944 : i32 to index
        %swap3A_948 = arith.index_cast %swap3A_945 : i32 to index
        %swap3A_949 = arith.index_cast %mul3A_942 : i32 to index
        %swap3A_950 = tpu.vector_load %arg12[%swap3A_946, %swap3A_947, %swap3A_948, %swap3A_949] {strides = array<i32>} : memref<2x8x8x130xf32, #tpu.memory_space<vmem>>, vector<16xf32>,
        tpu.vector_store %arg12[%swap3A_946, %swap3A_947, %swap3A_948, %swap3A_949], %mul3A_940 {strides = array<i32>} : memref<2x8x8x130xf32, #tpu.memory_space<vmem>>, vector<16xf32>,
        %slice3A_951 = vector.extract_strided_slice %get3A_202 {offsets = [11], sizes = [1], strides = [1]} : vector<16xf32> to vector<1xf32>
        %squeeze3A_952 = vector.extract %slice3A_951[0] : f32 from vector<1xf32>
        %mul3A_953 = vector.broadcast %squeeze3A_952 : f32 to vector<16xf32>
        %mul3A_954 = arith.mulf %mul3A_953, %get3A_351 : vector<16xf32>
        %mul3A_955 = arith.constant 16 : i32
        %mul3A_956 = arith.muli %scan3A_343, %mul3A_955 : i32
        %swap3A_957 = arith.constant 0 : i32
        %swap3A_958 = arith.constant 5 : i32
        %swap3A_959 = arith.constant 3 : i32
        %swap3A_960 = arith.index_cast %swap3A_957 : i32 to index
        %swap3A_961 = arith.index_cast %swap3A_958 : i32 to index
        %swap3A_962 = arith.index_cast %swap3A_959 : i32 to index
        %swap3A_963 = arith.index_cast %mul3A_956 : i32 to index
        %swap3A_964 = tpu.vector_load %arg12[%swap3A_960, %swap3A_961, %swap3A_962, %swap3A_963] {strides = array<i32>} : memref<2x8x8x130xf32, #tpu.memory_space<vmem>>, vector<16xf32>,
        tpu.vector_store %arg12[%swap3A_960, %swap3A_961, %swap3A_962, %swap3A_963], %mul3A_954 {strides = array<i32>} : memref<2x8x8x130xf32, #tpu.memory_space<vmem>>, vector<16xf32>,
        %slice3A_965 = vector.extract_strided_slice %get3A_202 {offsets = [12], sizes = [1], strides = [1]} : vector<16xf32> to vector<1xf32>
        %squeeze3A_966 = vector.extract %slice3A_965[0] : f32 from vector<1xf32>
        %mul3A_967 = vector.broadcast %squeeze3A_966 : f32 to vector<16xf32>
        %mul3A_968 = arith.mulf %mul3A_967, %get3A_351 : vector<16xf32>
        %mul3A_969 = arith.constant 16 : i32
        %mul3A_970 = arith.muli %scan3A_343, %mul3A_969 : i32
        %swap3A_971 = arith.constant 0 : i32
        %swap3A_972 = arith.constant 5 : i32
        %swap3A_973 = arith.constant 4 : i32
        %swap3A_974 = arith.index_cast %swap3A_971 : i32 to index
        %swap3A_975 = arith.index_cast %swap3A_972 : i32 to index
        %swap3A_976 = arith.index_cast %swap3A_973 : i32 to index
        %swap3A_977 = arith.index_cast %mul3A_970 : i32 to index
        %swap3A_978 = tpu.vector_load %arg12[%swap3A_974, %swap3A_975, %swap3A_976, %swap3A_977] {strides = array<i32>} : memref<2x8x8x130xf32, #tpu.memory_space<vmem>>, vector<16xf32>,
        tpu.vector_store %arg12[%swap3A_974, %swap3A_975, %swap3A_976, %swap3A_977], %mul3A_968 {strides = array<i32>} : memref<2x8x8x130xf32, #tpu.memory_space<vmem>>, vector<16xf32>,
        %slice3A_979 = vector.extract_strided_slice %get3A_202 {offsets = [13], sizes = [1], strides = [1]} : vector<16xf32> to vector<1xf32>
        %squeeze3A_980 = vector.extract %slice3A_979[0] : f32 from vector<1xf32>
        %mul3A_981 = vector.broadcast %squeeze3A_980 : f32 to vector<16xf32>
        %mul3A_982 = arith.mulf %mul3A_981, %get3A_351 : vector<16xf32>
        %mul3A_983 = arith.constant 16 : i32
        %mul3A_984 = arith.muli %scan3A_343, %mul3A_983 : i32
        %swap3A_985 = arith.constant 0 : i32
        %swap3A_986 = arith.constant 5 : i32
        %swap3A_987 = arith.constant 5 : i32
        %swap3A_988 = arith.index_cast %swap3A_985 : i32 to index
        %swap3A_989 = arith.index_cast %swap3A_986 : i32 to index
        %swap3A_990 = arith.index_cast %swap3A_987 : i32 to index
        %swap3A_991 = arith.index_cast %mul3A_984 : i32 to index
        %swap3A_992 = tpu.vector_load %arg12[%swap3A_988, %swap3A_989, %swap3A_990, %swap3A_991] {strides = array<i32>} : memref<2x8x8x130xf32, #tpu.memory_space<vmem>>, vector<16xf32>,
        tpu.vector_store %arg12[%swap3A_988, %swap3A_989, %swap3A_990, %swap3A_991], %mul3A_982 {strides = array<i32>} : memref<2x8x8x130xf32, #tpu.memory_space<vmem>>, vector<16xf32>,
        %slice3A_993 = vector.extract_strided_slice %get3A_202 {offsets = [14], sizes = [1], strides = [1]} : vector<16xf32> to vector<1xf32>
        %squeeze3A_994 = vector.extract %slice3A_993[0] : f32 from vector<1xf32>
        %mul3A_995 = vector.broadcast %squeeze3A_994 : f32 to vector<16xf32>
        %mul3A_996 = arith.mulf %mul3A_995, %get3A_351 : vector<16xf32>
        %mul3A_997 = arith.constant 16 : i32
        %mul3A_998 = arith.muli %scan3A_343, %mul3A_997 : i32
        %swap3A_999 = arith.constant 0 : i32
        %swap3A_1000 = arith.constant 5 : i32
        %swap3A_1001 = arith.constant 6 : i32
        %swap3A_1002 = arith.index_cast %swap3A_999 : i32 to index
        %swap3A_1003 = arith.index_cast %swap3A_1000 : i32 to index
        %swap3A_1004 = arith.index_cast %swap3A_1001 : i32 to index
        %swap3A_1005 = arith.index_cast %mul3A_998 : i32 to index
        %swap3A_1006 = tpu.vector_load %arg12[%swap3A_1002, %swap3A_1003, %swap3A_1004, %swap3A_1005] {strides = array<i32>} : memref<2x8x8x130xf32, #tpu.memory_space<vmem>>, vector<16xf32>,
        tpu.vector_store %arg12[%swap3A_1002, %swap3A_1003, %swap3A_1004, %swap3A_1005], %mul3A_996 {strides = array<i32>} : memref<2x8x8x130xf32, #tpu.memory_space<vmem>>, vector<16xf32>,
        %slice3A_1007 = vector.extract_strided_slice %get3A_202 {offsets = [15], sizes = [1], strides = [1]} : vector<16xf32> to vector<1xf32>
        %squeeze3A_1008 = vector.extract %slice3A_1007[0] : f32 from vector<1xf32>
        %mul3A_1009 = vector.broadcast %squeeze3A_1008 : f32 to vector<16xf32>
        %mul3A_1010 = arith.mulf %mul3A_1009, %get3A_351 : vector<16xf32>
        %mul3A_1011 = arith.constant 16 : i32
        %mul3A_1012 = arith.muli %scan3A_343, %mul3A_1011 : i32
        %swap3A_1013 = arith.constant 0 : i32
        %swap3A_1014 = arith.constant 5 : i32
        %swap3A_1015 = arith.constant 7 : i32
        %swap3A_1016 = arith.index_cast %swap3A_1013 : i32 to index
        %swap3A_1017 = arith.index_cast %swap3A_1014 : i32 to index
        %swap3A_1018 = arith.index_cast %swap3A_1015 : i32 to index
        %swap3A_1019 = arith.index_cast %mul3A_1012 : i32 to index
        %swap3A_1020 = tpu.vector_load %arg12[%swap3A_1016, %swap3A_1017, %swap3A_1018, %swap3A_1019] {strides = array<i32>} : memref<2x8x8x130xf32, #tpu.memory_space<vmem>>, vector<16xf32>,
        tpu.vector_store %arg12[%swap3A_1016, %swap3A_1017, %swap3A_1018, %swap3A_1019], %mul3A_1010 {strides = array<i32>} : memref<2x8x8x130xf32, #tpu.memory_space<vmem>>, vector<16xf32>,
        %slice3A_1021 = vector.extract_strided_slice %get3A_208 {offsets = [0], sizes = [1], strides = [1]} : vector<16xf32> to vector<1xf32>
        %squeeze3A_1022 = vector.extract %slice3A_1021[0] : f32 from vector<1xf32>
        %mul3A_1023 = vector.broadcast %squeeze3A_1022 : f32 to vector<16xf32>
        %mul3A_1024 = arith.mulf %mul3A_1023, %get3A_351 : vector<16xf32>
        %mul3A_1025 = arith.constant 16 : i32
        %mul3A_1026 = arith.muli %scan3A_343, %mul3A_1025 : i32
        %swap3A_1027 = arith.constant 0 : i32
        %swap3A_1028 = arith.constant 6 : i32
        %swap3A_1029 = arith.constant 0 : i32
        %swap3A_1030 = arith.index_cast %swap3A_1027 : i32 to index
        %swap3A_1031 = arith.index_cast %swap3A_1028 : i32 to index
        %swap3A_1032 = arith.index_cast %swap3A_1029 : i32 to index
        %swap3A_1033 = arith.index_cast %mul3A_1026 : i32 to index
        %swap3A_1034 = tpu.vector_load %arg12[%swap3A_1030, %swap3A_1031, %swap3A_1032, %swap3A_1033] {strides = array<i32>} : memref<2x8x8x130xf32, #tpu.memory_space<vmem>>, vector<16xf32>,
        tpu.vector_store %arg12[%swap3A_1030, %swap3A_1031, %swap3A_1032, %swap3A_1033], %mul3A_1024 {strides = array<i32>} : memref<2x8x8x130xf32, #tpu.memory_space<vmem>>, vector<16xf32>,
        %slice3A_1035 = vector.extract_strided_slice %get3A_208 {offsets = [1], sizes = [1], strides = [1]} : vector<16xf32> to vector<1xf32>
        %squeeze3A_1036 = vector.extract %slice3A_1035[0] : f32 from vector<1xf32>
        %mul3A_1037 = vector.broadcast %squeeze3A_1036 : f32 to vector<16xf32>
        %mul3A_1038 = arith.mulf %mul3A_1037, %get3A_351 : vector<16xf32>
        %mul3A_1039 = arith.constant 16 : i32
        %mul3A_1040 = arith.muli %scan3A_343, %mul3A_1039 : i32
        %swap3A_1041 = arith.constant 0 : i32
        %swap3A_1042 = arith.constant 6 : i32
        %swap3A_1043 = arith.constant 1 : i32
        %swap3A_1044 = arith.index_cast %swap3A_1041 : i32 to index
        %swap3A_1045 = arith.index_cast %swap3A_1042 : i32 to index
        %swap3A_1046 = arith.index_cast %swap3A_1043 : i32 to index
        %swap3A_1047 = arith.index_cast %mul3A_1040 : i32 to index
        %swap3A_1048 = tpu.vector_load %arg12[%swap3A_1044, %swap3A_1045, %swap3A_1046, %swap3A_1047] {strides = array<i32>} : memref<2x8x8x130xf32, #tpu.memory_space<vmem>>, vector<16xf32>,
        tpu.vector_store %arg12[%swap3A_1044, %swap3A_1045, %swap3A_1046, %swap3A_1047], %mul3A_1038 {strides = array<i32>} : memref<2x8x8x130xf32, #tpu.memory_space<vmem>>, vector<16xf32>,
        %slice3A_1049 = vector.extract_strided_slice %get3A_208 {offsets = [2], sizes = [1], strides = [1]} : vector<16xf32> to vector<1xf32>
        %squeeze3A_1050 = vector.extract %slice3A_1049[0] : f32 from vector<1xf32>
        %mul3A_1051 = vector.broadcast %squeeze3A_1050 : f32 to vector<16xf32>
        %mul3A_1052 = arith.mulf %mul3A_1051, %get3A_351 : vector<16xf32>
        %mul3A_1053 = arith.constant 16 : i32
        %mul3A_1054 = arith.muli %scan3A_343, %mul3A_1053 : i32
        %swap3A_1055 = arith.constant 0 : i32
        %swap3A_1056 = arith.constant 6 : i32
        %swap3A_1057 = arith.constant 2 : i32
        %swap3A_1058 = arith.index_cast %swap3A_1055 : i32 to index
        %swap3A_1059 = arith.index_cast %swap3A_1056 : i32 to index
        %swap3A_1060 = arith.index_cast %swap3A_1057 : i32 to index
        %swap3A_1061 = arith.index_cast %mul3A_1054 : i32 to index
        %swap3A_1062 = tpu.vector_load %arg12[%swap3A_1058, %swap3A_1059, %swap3A_1060, %swap3A_1061] {strides = array<i32>} : memref<2x8x8x130xf32, #tpu.memory_space<vmem>>, vector<16xf32>,
        tpu.vector_store %arg12[%swap3A_1058, %swap3A_1059, %swap3A_1060, %swap3A_1061], %mul3A_1052 {strides = array<i32>} : memref<2x8x8x130xf32, #tpu.memory_space<vmem>>, vector<16xf32>,
        %slice3A_1063 = vector.extract_strided_slice %get3A_208 {offsets = [3], sizes = [1], strides = [1]} : vector<16xf32> to vector<1xf32>
        %squeeze3A_1064 = vector.extract %slice3A_1063[0] : f32 from vector<1xf32>
        %mul3A_1065 = vector.broadcast %squeeze3A_1064 : f32 to vector<16xf32>
        %mul3A_1066 = arith.mulf %mul3A_1065, %get3A_351 : vector<16xf32>
        %mul3A_1067 = arith.constant 16 : i32
        %mul3A_1068 = arith.muli %scan3A_343, %mul3A_1067 : i32
        %swap3A_1069 = arith.constant 0 : i32
        %swap3A_1070 = arith.constant 6 : i32
        %swap3A_1071 = arith.constant 3 : i32
        %swap3A_1072 = arith.index_cast %swap3A_1069 : i32 to index
        %swap3A_1073 = arith.index_cast %swap3A_1070 : i32 to index
        %swap3A_1074 = arith.index_cast %swap3A_1071 : i32 to index
        %swap3A_1075 = arith.index_cast %mul3A_1068 : i32 to index
        %swap3A_1076 = tpu.vector_load %arg12[%swap3A_1072, %swap3A_1073, %swap3A_1074, %swap3A_1075] {strides = array<i32>} : memref<2x8x8x130xf32, #tpu.memory_space<vmem>>, vector<16xf32>,
        tpu.vector_store %arg12[%swap3A_1072, %swap3A_1073, %swap3A_1074, %swap3A_1075], %mul3A_1066 {strides = array<i32>} : memref<2x8x8x130xf32, #tpu.memory_space<vmem>>, vector<16xf32>,
        %slice3A_1077 = vector.extract_strided_slice %get3A_208 {offsets = [4], sizes = [1], strides = [1]} : vector<16xf32> to vector<1xf32>
        %squeeze3A_1078 = vector.extract %slice3A_1077[0] : f32 from vector<1xf32>
        %mul3A_1079 = vector.broadcast %squeeze3A_1078 : f32 to vector<16xf32>
        %mul3A_1080 = arith.mulf %mul3A_1079, %get3A_351 : vector<16xf32>
        %mul3A_1081 = arith.constant 16 : i32
        %mul3A_1082 = arith.muli %scan3A_343, %mul3A_1081 : i32
        %swap3A_1083 = arith.constant 0 : i32
        %swap3A_1084 = arith.constant 6 : i32
        %swap3A_1085 = arith.constant 4 : i32
        %swap3A_1086 = arith.index_cast %swap3A_1083 : i32 to index
        %swap3A_1087 = arith.index_cast %swap3A_1084 : i32 to index
        %swap3A_1088 = arith.index_cast %swap3A_1085 : i32 to index
        %swap3A_1089 = arith.index_cast %mul3A_1082 : i32 to index
        %swap3A_1090 = tpu.vector_load %arg12[%swap3A_1086, %swap3A_1087, %swap3A_1088, %swap3A_1089] {strides = array<i32>} : memref<2x8x8x130xf32, #tpu.memory_space<vmem>>, vector<16xf32>,
        tpu.vector_store %arg12[%swap3A_1086, %swap3A_1087, %swap3A_1088, %swap3A_1089], %mul3A_1080 {strides = array<i32>} : memref<2x8x8x130xf32, #tpu.memory_space<vmem>>, vector<16xf32>,
        %slice3A_1091 = vector.extract_strided_slice %get3A_208 {offsets = [5], sizes = [1], strides = [1]} : vector<16xf32> to vector<1xf32>
        %squeeze3A_1092 = vector.extract %slice3A_1091[0] : f32 from vector<1xf32>
        %mul3A_1093 = vector.broadcast %squeeze3A_1092 : f32 to vector<16xf32>
        %mul3A_1094 = arith.mulf %mul3A_1093, %get3A_351 : vector<16xf32>
        %mul3A_1095 = arith.constant 16 : i32
        %mul3A_1096 = arith.muli %scan3A_343, %mul3A_1095 : i32
        %swap3A_1097 = arith.constant 0 : i32
        %swap3A_1098 = arith.constant 6 : i32
        %swap3A_1099 = arith.constant 5 : i32
        %swap3A_1100 = arith.index_cast %swap3A_1097 : i32 to index
        %swap3A_1101 = arith.index_cast %swap3A_1098 : i32 to index
        %swap3A_1102 = arith.index_cast %swap3A_1099 : i32 to index
        %swap3A_1103 = arith.index_cast %mul3A_1096 : i32 to index
        %swap3A_1104 = tpu.vector_load %arg12[%swap3A_1100, %swap3A_1101, %swap3A_1102, %swap3A_1103] {strides = array<i32>} : memref<2x8x8x130xf32, #tpu.memory_space<vmem>>, vector<16xf32>,
        tpu.vector_store %arg12[%swap3A_1100, %swap3A_1101, %swap3A_1102, %swap3A_1103], %mul3A_1094 {strides = array<i32>} : memref<2x8x8x130xf32, #tpu.memory_space<vmem>>, vector<16xf32>,
        %slice3A_1105 = vector.extract_strided_slice %get3A_208 {offsets = [6], sizes = [1], strides = [1]} : vector<16xf32> to vector<1xf32>
        %squeeze3A_1106 = vector.extract %slice3A_1105[0] : f32 from vector<1xf32>
        %mul3A_1107 = vector.broadcast %squeeze3A_1106 : f32 to vector<16xf32>
        %mul3A_1108 = arith.mulf %mul3A_1107, %get3A_351 : vector<16xf32>
        %mul3A_1109 = arith.constant 16 : i32
        %mul3A_1110 = arith.muli %scan3A_343, %mul3A_1109 : i32
        %swap3A_1111 = arith.constant 0 : i32
        %swap3A_1112 = arith.constant 6 : i32
        %swap3A_1113 = arith.constant 6 : i32
        %swap3A_1114 = arith.index_cast %swap3A_1111 : i32 to index
        %swap3A_1115 = arith.index_cast %swap3A_1112 : i32 to index
        %swap3A_1116 = arith.index_cast %swap3A_1113 : i32 to index
        %swap3A_1117 = arith.index_cast %mul3A_1110 : i32 to index
        %swap3A_1118 = tpu.vector_load %arg12[%swap3A_1114, %swap3A_1115, %swap3A_1116, %swap3A_1117] {strides = array<i32>} : memref<2x8x8x130xf32, #tpu.memory_space<vmem>>, vector<16xf32>,
        tpu.vector_store %arg12[%swap3A_1114, %swap3A_1115, %swap3A_1116, %swap3A_1117], %mul3A_1108 {strides = array<i32>} : memref<2x8x8x130xf32, #tpu.memory_space<vmem>>, vector<16xf32>,
        %slice3A_1119 = vector.extract_strided_slice %get3A_208 {offsets = [7], sizes = [1], strides = [1]} : vector<16xf32> to vector<1xf32>
        %squeeze3A_1120 = vector.extract %slice3A_1119[0] : f32 from vector<1xf32>
        %mul3A_1121 = vector.broadcast %squeeze3A_1120 : f32 to vector<16xf32>
        %mul3A_1122 = arith.mulf %mul3A_1121, %get3A_351 : vector<16xf32>
        %mul3A_1123 = arith.constant 16 : i32
        %mul3A_1124 = arith.muli %scan3A_343, %mul3A_1123 : i32
        %swap3A_1125 = arith.constant 0 : i32
        %swap3A_1126 = arith.constant 6 : i32
        %swap3A_1127 = arith.constant 7 : i32
        %swap3A_1128 = arith.index_cast %swap3A_1125 : i32 to index
        %swap3A_1129 = arith.index_cast %swap3A_1126 : i32 to index
        %swap3A_1130 = arith.index_cast %swap3A_1127 : i32 to index
        %swap3A_1131 = arith.index_cast %mul3A_1124 : i32 to index
        %swap3A_1132 = tpu.vector_load %arg12[%swap3A_1128, %swap3A_1129, %swap3A_1130, %swap3A_1131] {strides = array<i32>} : memref<2x8x8x130xf32, #tpu.memory_space<vmem>>, vector<16xf32>,
        tpu.vector_store %arg12[%swap3A_1128, %swap3A_1129, %swap3A_1130, %swap3A_1131], %mul3A_1122 {strides = array<i32>} : memref<2x8x8x130xf32, #tpu.memory_space<vmem>>, vector<16xf32>,
        %slice3A_1133 = vector.extract_strided_slice %get3A_208 {offsets = [8], sizes = [1], strides = [1]} : vector<16xf32> to vector<1xf32>
        %squeeze3A_1134 = vector.extract %slice3A_1133[0] : f32 from vector<1xf32>
        %mul3A_1135 = vector.broadcast %squeeze3A_1134 : f32 to vector<16xf32>
        %mul3A_1136 = arith.mulf %mul3A_1135, %get3A_351 : vector<16xf32>
        %mul3A_1137 = arith.constant 16 : i32
        %mul3A_1138 = arith.muli %scan3A_343, %mul3A_1137 : i32
        %swap3A_1139 = arith.constant 0 : i32
        %swap3A_1140 = arith.constant 7 : i32
        %swap3A_1141 = arith.constant 0 : i32
        %swap3A_1142 = arith.index_cast %swap3A_1139 : i32 to index
        %swap3A_1143 = arith.index_cast %swap3A_1140 : i32 to index
        %swap3A_1144 = arith.index_cast %swap3A_1141 : i32 to index
        %swap3A_1145 = arith.index_cast %mul3A_1138 : i32 to index
        %swap3A_1146 = tpu.vector_load %arg12[%swap3A_1142, %swap3A_1143, %swap3A_1144, %swap3A_1145] {strides = array<i32>} : memref<2x8x8x130xf32, #tpu.memory_space<vmem>>, vector<16xf32>,
        tpu.vector_store %arg12[%swap3A_1142, %swap3A_1143, %swap3A_1144, %swap3A_1145], %mul3A_1136 {strides = array<i32>} : memref<2x8x8x130xf32, #tpu.memory_space<vmem>>, vector<16xf32>,
        %slice3A_1147 = vector.extract_strided_slice %get3A_208 {offsets = [9], sizes = [1], strides = [1]} : vector<16xf32> to vector<1xf32>
        %squeeze3A_1148 = vector.extract %slice3A_1147[0] : f32 from vector<1xf32>
        %mul3A_1149 = vector.broadcast %squeeze3A_1148 : f32 to vector<16xf32>
        %mul3A_1150 = arith.mulf %mul3A_1149, %get3A_351 : vector<16xf32>
        %mul3A_1151 = arith.constant 16 : i32
        %mul3A_1152 = arith.muli %scan3A_343, %mul3A_1151 : i32
        %swap3A_1153 = arith.constant 0 : i32
        %swap3A_1154 = arith.constant 7 : i32
        %swap3A_1155 = arith.constant 1 : i32
        %swap3A_1156 = arith.index_cast %swap3A_1153 : i32 to index
        %swap3A_1157 = arith.index_cast %swap3A_1154 : i32 to index
        %swap3A_1158 = arith.index_cast %swap3A_1155 : i32 to index
        %swap3A_1159 = arith.index_cast %mul3A_1152 : i32 to index
        %swap3A_1160 = tpu.vector_load %arg12[%swap3A_1156, %swap3A_1157, %swap3A_1158, %swap3A_1159] {strides = array<i32>} : memref<2x8x8x130xf32, #tpu.memory_space<vmem>>, vector<16xf32>,
        tpu.vector_store %arg12[%swap3A_1156, %swap3A_1157, %swap3A_1158, %swap3A_1159], %mul3A_1150 {strides = array<i32>} : memref<2x8x8x130xf32, #tpu.memory_space<vmem>>, vector<16xf32>,
        %slice3A_1161 = vector.extract_strided_slice %get3A_208 {offsets = [10], sizes = [1], strides = [1]} : vector<16xf32> to vector<1xf32>
        %squeeze3A_1162 = vector.extract %slice3A_1161[0] : f32 from vector<1xf32>
        %mul3A_1163 = vector.broadcast %squeeze3A_1162 : f32 to vector<16xf32>
        %mul3A_1164 = arith.mulf %mul3A_1163, %get3A_351 : vector<16xf32>
        %mul3A_1165 = arith.constant 16 : i32
        %mul3A_1166 = arith.muli %scan3A_343, %mul3A_1165 : i32
        %swap3A_1167 = arith.constant 0 : i32
        %swap3A_1168 = arith.constant 7 : i32
        %swap3A_1169 = arith.constant 2 : i32
        %swap3A_1170 = arith.index_cast %swap3A_1167 : i32 to index
        %swap3A_1171 = arith.index_cast %swap3A_1168 : i32 to index
        %swap3A_1172 = arith.index_cast %swap3A_1169 : i32 to index
        %swap3A_1173 = arith.index_cast %mul3A_1166 : i32 to index
        %swap3A_1174 = tpu.vector_load %arg12[%swap3A_1170, %swap3A_1171, %swap3A_1172, %swap3A_1173] {strides = array<i32>} : memref<2x8x8x130xf32, #tpu.memory_space<vmem>>, vector<16xf32>,
        tpu.vector_store %arg12[%swap3A_1170, %swap3A_1171, %swap3A_1172, %swap3A_1173], %mul3A_1164 {strides = array<i32>} : memref<2x8x8x130xf32, #tpu.memory_space<vmem>>, vector<16xf32>,
        %slice3A_1175 = vector.extract_strided_slice %get3A_208 {offsets = [11], sizes = [1], strides = [1]} : vector<16xf32> to vector<1xf32>
        %squeeze3A_1176 = vector.extract %slice3A_1175[0] : f32 from vector<1xf32>
        %mul3A_1177 = vector.broadcast %squeeze3A_1176 : f32 to vector<16xf32>
        %mul3A_1178 = arith.mulf %mul3A_1177, %get3A_351 : vector<16xf32>
        %mul3A_1179 = arith.constant 16 : i32
        %mul3A_1180 = arith.muli %scan3A_343, %mul3A_1179 : i32
        %swap3A_1181 = arith.constant 0 : i32
        %swap3A_1182 = arith.constant 7 : i32
        %swap3A_1183 = arith.constant 3 : i32
        %swap3A_1184 = arith.index_cast %swap3A_1181 : i32 to index
        %swap3A_1185 = arith.index_cast %swap3A_1182 : i32 to index
        %swap3A_1186 = arith.index_cast %swap3A_1183 : i32 to index
        %swap3A_1187 = arith.index_cast %mul3A_1180 : i32 to index
        %swap3A_1188 = tpu.vector_load %arg12[%swap3A_1184, %swap3A_1185, %swap3A_1186, %swap3A_1187] {strides = array<i32>} : memref<2x8x8x130xf32, #tpu.memory_space<vmem>>, vector<16xf32>,
        tpu.vector_store %arg12[%swap3A_1184, %swap3A_1185, %swap3A_1186, %swap3A_1187], %mul3A_1178 {strides = array<i32>} : memref<2x8x8x130xf32, #tpu.memory_space<vmem>>, vector<16xf32>,
        %slice3A_1189 = vector.extract_strided_slice %get3A_208 {offsets = [12], sizes = [1], strides = [1]} : vector<16xf32> to vector<1xf32>
        %squeeze3A_1190 = vector.extract %slice3A_1189[0] : f32 from vector<1xf32>
        %mul3A_1191 = vector.broadcast %squeeze3A_1190 : f32 to vector<16xf32>
        %mul3A_1192 = arith.mulf %mul3A_1191, %get3A_351 : vector<16xf32>
        %mul3A_1193 = arith.constant 16 : i32
        %mul3A_1194 = arith.muli %scan3A_343, %mul3A_1193 : i32
        %swap3A_1195 = arith.constant 0 : i32
        %swap3A_1196 = arith.constant 7 : i32
        %swap3A_1197 = arith.constant 4 : i32
        %swap3A_1198 = arith.index_cast %swap3A_1195 : i32 to index
        %swap3A_1199 = arith.index_cast %swap3A_1196 : i32 to index
        %swap3A_1200 = arith.index_cast %swap3A_1197 : i32 to index
        %swap3A_1201 = arith.index_cast %mul3A_1194 : i32 to index
        %swap3A_1202 = tpu.vector_load %arg12[%swap3A_1198, %swap3A_1199, %swap3A_1200, %swap3A_1201] {strides = array<i32>} : memref<2x8x8x130xf32, #tpu.memory_space<vmem>>, vector<16xf32>,
        tpu.vector_store %arg12[%swap3A_1198, %swap3A_1199, %swap3A_1200, %swap3A_1201], %mul3A_1192 {strides = array<i32>} : memref<2x8x8x130xf32, #tpu.memory_space<vmem>>, vector<16xf32>,
        %slice3A_1203 = vector.extract_strided_slice %get3A_208 {offsets = [13], sizes = [1], strides = [1]} : vector<16xf32> to vector<1xf32>
        %squeeze3A_1204 = vector.extract %slice3A_1203[0] : f32 from vector<1xf32>
        %mul3A_1205 = vector.broadcast %squeeze3A_1204 : f32 to vector<16xf32>
        %mul3A_1206 = arith.mulf %mul3A_1205, %get3A_351 : vector<16xf32>
        %mul3A_1207 = arith.constant 16 : i32
        %mul3A_1208 = arith.muli %scan3A_343, %mul3A_1207 : i32
        %swap3A_1209 = arith.constant 0 : i32
        %swap3A_1210 = arith.constant 7 : i32
        %swap3A_1211 = arith.constant 5 : i32
        %swap3A_1212 = arith.index_cast %swap3A_1209 : i32 to index
        %swap3A_1213 = arith.index_cast %swap3A_1210 : i32 to index
        %swap3A_1214 = arith.index_cast %swap3A_1211 : i32 to index
        %swap3A_1215 = arith.index_cast %mul3A_1208 : i32 to index
        %swap3A_1216 = tpu.vector_load %arg12[%swap3A_1212, %swap3A_1213, %swap3A_1214, %swap3A_1215] {strides = array<i32>} : memref<2x8x8x130xf32, #tpu.memory_space<vmem>>, vector<16xf32>,
        tpu.vector_store %arg12[%swap3A_1212, %swap3A_1213, %swap3A_1214, %swap3A_1215], %mul3A_1206 {strides = array<i32>} : memref<2x8x8x130xf32, #tpu.memory_space<vmem>>, vector<16xf32>,
        %slice3A_1217 = vector.extract_strided_slice %get3A_208 {offsets = [14], sizes = [1], strides = [1]} : vector<16xf32> to vector<1xf32>
        %squeeze3A_1218 = vector.extract %slice3A_1217[0] : f32 from vector<1xf32>
        %mul3A_1219 = vector.broadcast %squeeze3A_1218 : f32 to vector<16xf32>
        %mul3A_1220 = arith.mulf %mul3A_1219, %get3A_351 : vector<16xf32>
        %mul3A_1221 = arith.constant 16 : i32
        %mul3A_1222 = arith.muli %scan3A_343, %mul3A_1221 : i32
        %swap3A_1223 = arith.constant 0 : i32
        %swap3A_1224 = arith.constant 7 : i32
        %swap3A_1225 = arith.constant 6 : i32
        %swap3A_1226 = arith.index_cast %swap3A_1223 : i32 to index
        %swap3A_1227 = arith.index_cast %swap3A_1224 : i32 to index
        %swap3A_1228 = arith.index_cast %swap3A_1225 : i32 to index
        %swap3A_1229 = arith.index_cast %mul3A_1222 : i32 to index
        %swap3A_1230 = tpu.vector_load %arg12[%swap3A_1226, %swap3A_1227, %swap3A_1228, %swap3A_1229] {strides = array<i32>} : memref<2x8x8x130xf32, #tpu.memory_space<vmem>>, vector<16xf32>,
        tpu.vector_store %arg12[%swap3A_1226, %swap3A_1227, %swap3A_1228, %swap3A_1229], %mul3A_1220 {strides = array<i32>} : memref<2x8x8x130xf32, #tpu.memory_space<vmem>>, vector<16xf32>,
        %slice3A_1231 = vector.extract_strided_slice %get3A_208 {offsets = [15], sizes = [1], strides = [1]} : vector<16xf32> to vector<1xf32>
        %squeeze3A_1232 = vector.extract %slice3A_1231[0] : f32 from vector<1xf32>
        %mul3A_1233 = vector.broadcast %squeeze3A_1232 : f32 to vector<16xf32>
        %mul3A_1234 = arith.mulf %mul3A_1233, %get3A_351 : vector<16xf32>
        %mul3A_1235 = arith.constant 16 : i32
        %mul3A_1236 = arith.muli %scan3A_343, %mul3A_1235 : i32
        %swap3A_1237 = arith.constant 0 : i32
        %swap3A_1238 = arith.constant 7 : i32
        %swap3A_1239 = arith.constant 7 : i32
        %swap3A_1240 = arith.index_cast %swap3A_1237 : i32 to index
        %swap3A_1241 = arith.index_cast %swap3A_1238 : i32 to index
        %swap3A_1242 = arith.index_cast %swap3A_1239 : i32 to index
        %swap3A_1243 = arith.index_cast %mul3A_1236 : i32 to index
        %swap3A_1244 = tpu.vector_load %arg12[%swap3A_1240, %swap3A_1241, %swap3A_1242, %swap3A_1243] {strides = array<i32>} : memref<2x8x8x130xf32, #tpu.memory_space<vmem>>, vector<16xf32>,
        tpu.vector_store %arg12[%swap3A_1240, %swap3A_1241, %swap3A_1242, %swap3A_1243], %mul3A_1234 {strides = array<i32>} : memref<2x8x8x130xf32, #tpu.memory_space<vmem>>, vector<16xf32>,
      }
      %scan3A_214 = arith.constant 8 : i32
      %add3A_215 = arith.constant 26 : i32
      %add3A_216 = arith.addi %add3A_215, %select_n3A_180 : i32
      %dma_start3A_217 = arith.constant 0 : i32
      %dma_start3A_218 = arith.constant 0 : i32
      %dma_start3A_219 = arith.constant 0 : i32
      %dma_start3A_220 = arith.constant 0 : i32
      %dma_start3A_221 = tpu.memref_slice %arg12[%dma_start3A_217, %dma_start3A_218, %dma_start3A_219, %dma_start3A_220] : memref<2x8x8x130xf32, #tpu.memory_space<vmem>> -> memref<1x8x8x128xf32, #tpu.memory_space<vmem>>
      %dma_start3A_222 = tpu.memref_squeeze %dma_start3A_221 : memref<1x8x8x128xf32, #tpu.memory_space<vmem>> -> memref<8x8x128xf32, #tpu.memory_space<vmem>>
      %dma_start3A_223 = arith.constant 0 : i32
      %dma_start3A_224 = arith.constant 0 : i32
      %dma_start3A_225 = arith.constant 0 : i32
      %dma_start3A_226 = tpu.memref_slice %arg6[%add3A_216, %dma_start3A_223, %add3A_183, %dma_start3A_224, %dma_start3A_225] : memref<39x8x128x8x128xf32, #tpu.memory_space<hbm>> -> memref<1x8x1x8x128xf32, #tpu.memory_space<hbm>>
      %dma_start3A_227 = tpu.memref_squeeze %dma_start3A_226 : memref<1x8x1x8x128xf32, #tpu.memory_space<hbm>> -> memref<8x8x128xf32, #tpu.memory_space<hbm>>
      %dma_start3A_228 = arith.constant 0 : i32
      %dma_start3A_229 = arith.constant 0 : i32
      %dma_start3A_230 = arith.constant 0 : i32
      %dma_start3A_231 = tpu.memref_slice %arg6[%add3A_216, %dma_start3A_228, %add3A_183, %dma_start3A_229, %dma_start3A_230] : memref<39x8x128x8x128xf32, #tpu.memory_space<hbm>> -> memref<1x8x1x8x128xf32, #tpu.memory_space<hbm>>
      %dma_start3A_232 = tpu.memref_squeeze %dma_start3A_231 : memref<1x8x1x8x128xf32, #tpu.memory_space<hbm>> -> memref<8x8x128xf32, #tpu.memory_space<hbm>>
      %dma_start3A_233 = arith.constant 0 : i32
      %dma_start3A_234 = arith.constant 0 : i32
      %dma_start3A_235 = arith.constant 0 : i32
      %dma_start3A_236 = tpu.memref_slice %arg12[%dma_start3A_217, %dma_start3A_233, %dma_start3A_234, %dma_start3A_235] : memref<2x8x8x130xf32, #tpu.memory_space<vmem>> -> memref<1x8x8x128xf32, #tpu.memory_space<vmem>>
      %dma_start3A_237 = tpu.memref_squeeze %dma_start3A_236 : memref<1x8x8x128xf32, #tpu.memory_space<vmem>> -> memref<8x8x128xf32, #tpu.memory_space<vmem>>
      tpu.enqueue_dma source(%dma_start3A_237 : memref<8x8x128xf32, #tpu.memory_space<vmem>>) target(%dma_start3A_232 : memref<8x8x128xf32, #tpu.memory_space<hbm>>) target_semaphore(%arg16 : memref<!tpu.dma_semaphore, #tpu.memory_space<semaphore_mem>>)
      %mul3A_238 = arith.constant 2 : i32
      %mul3A_239 = arith.muli %mul3A_238, %scan3A_146 : i32
      %add3A_240 = arith.constant 1 : i32
      %add3A_241 = arith.addi %mul3A_239, %add3A_240 : i32
      %jit3A_242 = arith.constant 13 : i32
      %div3A_243 = arith.divsi %add3A_241, %jit3A_242 : i32
      %sign3A_244 = arith.constant 0 : i32
      %sign3A_245 = arith.cmpi sgt, %add3A_241, %sign3A_244 : i32
      %sign3A_246 = arith.extui %sign3A_245 : i1 to i32
      %sign3A_247 = arith.constant 0 : i32
      %sign3A_248 = arith.cmpi slt, %add3A_241, %sign3A_247 : i32
      %sign3A_249 = arith.extui %sign3A_248 : i1 to i32
      %sign3A_250 = arith.subi %sign3A_246, %sign3A_249 : i32
      %sign3A_251 = arith.constant 0 : i32
      %sign3A_252 = arith.cmpi sgt, %jit3A_242, %sign3A_251 : i32
      %sign3A_253 = arith.extui %sign3A_252 : i1 to i32
      %sign3A_254 = arith.constant 0 : i32
      %sign3A_255 = arith.cmpi slt, %jit3A_242, %sign3A_254 : i32
      %sign3A_256 = arith.extui %sign3A_255 : i1 to i32
      %sign3A_257 = arith.subi %sign3A_253, %sign3A_256 : i32
      %ne3A_258 = arith.cmpi ne, %sign3A_250, %sign3A_257 : i32
      %rem3A_259 = arith.remsi %add3A_241, %jit3A_242 : i32
      %ne3A_260 = arith.constant 0 : i32
      %ne3A_261 = arith.cmpi ne, %rem3A_259, %ne3A_260 : i32
      %and3A_262 = arith.andi %ne3A_258, %ne3A_261 : i1
      %sub3A_263 = arith.constant 1 : i32
      %sub3A_264 = arith.subi %div3A_243, %sub3A_263 : i32
      %select_n3A_265 = arith.select %and3A_262, %sub3A_264, %div3A_243 : i32
      %jit3A_266 = arith.constant 13 : i32
      %eq3A_267 = arith.constant 0 : i32
      %eq3A_268 = arith.cmpi eq, %jit3A_266, %eq3A_267 : i32
      %jit3A_269 = arith.constant 1 : i32
      %select_n3A_270 = arith.select %eq3A_268, %jit3A_269, %jit3A_266 : i32
      %rem3A_271 = arith.remsi %add3A_241, %select_n3A_270 : i32
      %ne3A_272 = arith.constant 0 : i32
      %ne3A_273 = arith.cmpi ne, %rem3A_271, %ne3A_272 : i32
      %lt3A_274 = arith.constant 0 : i32
      %lt3A_275 = arith.cmpi slt, %rem3A_271, %lt3A_274 : i32
      %lt3A_276 = arith.constant 0 : i32
      %lt3A_277 = arith.cmpi slt, %select_n3A_270, %lt3A_276 : i32
      %ne3A_278 = arith.xori %lt3A_275, %lt3A_277 : i1
      %and3A_279 = arith.andi %ne3A_278, %ne3A_273 : i1
      %add3A_280 = arith.addi %rem3A_271, %select_n3A_270 : i32
      %select_n3A_281 = arith.select %and3A_279, %add3A_280, %rem3A_271 : i32
      %mul3A_282 = arith.constant 4 : i32
      %mul3A_283 = arith.muli %add3A, %mul3A_282 : i32
      %add3A_284 = arith.addi %mul3A_283, %select_n3A_265 : i32
      %ge3A_285 = arith.constant 1 : i32
      %ge3A_286 = arith.cmpi sge, %scan3A_146, %ge3A_285 : i32
      %convert_element_type3A_287 = arith.extui %ge3A_286 : i1 to i32
      %cond3A_288 = arith.constant 0 : i32
      %cond3A_289 = arith.cmpi ne, %convert_element_type3A_287, %cond3A_288 : i32
      scf.if %cond3A_289 {
        %dma_wait3A_343 = arith.constant 0 : i32
        %dma_wait3A_344 = arith.constant 0 : i32
        %dma_wait3A_345 = arith.constant 0 : i32
        %dma_wait3A_346 = arith.constant 0 : i32
        %dma_wait3A_347 = arith.constant 0 : i32
        %dma_wait3A_348 = arith.constant 0 : i32
        %dma_wait3A_349 = tpu.memref_slice %arg13[%dma_wait3A_345, %dma_wait3A_346, %dma_wait3A_347, %dma_wait3A_348] : memref<2x8x8x130xf32, #tpu.memory_space<vmem>> -> memref<1x8x8x128xf32, #tpu.memory_space<vmem>>
        %dma_wait3A_350 = tpu.memref_squeeze %dma_wait3A_349 : memref<1x8x8x128xf32, #tpu.memory_space<vmem>> -> memref<8x8x128xf32, #tpu.memory_space<vmem>>
        %dma_wait3A_351 = arith.constant 0 : i32
        %dma_wait3A_352 = arith.constant 0 : i32
        %dma_wait3A_353 = arith.constant 0 : i32
        %dma_wait3A_354 = tpu.memref_slice %arg6[%dma_wait3A_343, %dma_wait3A_351, %dma_wait3A_344, %dma_wait3A_352, %dma_wait3A_353] : memref<39x8x128x8x128xf32, #tpu.memory_space<hbm>> -> memref<1x8x1x8x128xf32, #tpu.memory_space<hbm>>
        %dma_wait3A_355 = tpu.memref_squeeze %dma_wait3A_354 : memref<1x8x1x8x128xf32, #tpu.memory_space<hbm>> -> memref<8x8x128xf32, #tpu.memory_space<hbm>>
        %dma_wait3A_356 = arith.constant 0 : i32
        %dma_wait3A_357 = arith.constant 0 : i32
        %dma_wait3A_358 = arith.constant 0 : i32
        %dma_wait3A_359 = tpu.memref_slice %arg13[%dma_wait3A_345, %dma_wait3A_356, %dma_wait3A_357, %dma_wait3A_358] : memref<2x8x8x130xf32, #tpu.memory_space<vmem>> -> memref<1x8x8x128xf32, #tpu.memory_space<vmem>>
        %dma_wait3A_360 = tpu.memref_squeeze %dma_wait3A_359 : memref<1x8x8x128xf32, #tpu.memory_space<vmem>> -> memref<8x8x128xf32, #tpu.memory_space<vmem>>
        %dma_wait3A_361 = arith.constant 0 : i32
        %dma_wait3A_362 = arith.constant 0 : i32
        %dma_wait3A_363 = arith.constant 0 : i32
        %dma_wait3A_364 = tpu.memref_slice %arg6[%dma_wait3A_343, %dma_wait3A_361, %dma_wait3A_344, %dma_wait3A_362, %dma_wait3A_363] : memref<39x8x128x8x128xf32, #tpu.memory_space<hbm>> -> memref<1x8x1x8x128xf32, #tpu.memory_space<hbm>>
        %dma_wait3A_365 = tpu.memref_squeeze %dma_wait3A_364 : memref<1x8x1x8x128xf32, #tpu.memory_space<hbm>> -> memref<8x8x128xf32, #tpu.memory_space<hbm>>
        tpu.wait_dma2 semaphore(%arg17 : memref<!tpu.dma_semaphore, #tpu.memory_space<semaphore_mem>>) src(%dma_wait3A_365 : memref<8x8x128xf32, #tpu.memory_space<hbm>>) dst(%dma_wait3A_360 : memref<8x8x128xf32, #tpu.memory_space<vmem>>)
      } else {
      }
      %mul3A_290 = arith.constant 64 : i32
      %mul3A_291 = arith.muli %select_n3A_281, %mul3A_290 : i32
      %add3A_292 = arith.constant 0 : i32
      %add3A_293 = arith.addi %mul3A_291, %add3A_292 : i32
      %get3A_294 = arith.index_cast %add3A_293 : i32 to index
      %get3A_295 = tpu.vector_load %arg9[%get3A_294] {strides = array<i32>} : memref<832xf32, #tpu.memory_space<vmem>>, vector<16xf32>,
      %mul3A_296 = arith.constant 64 : i32
      %mul3A_297 = arith.muli %select_n3A_281, %mul3A_296 : i32
      %add3A_298 = arith.constant 16 : i32
      %add3A_299 = arith.addi %mul3A_297, %add3A_298 : i32
      %get3A_300 = arith.index_cast %add3A_299 : i32 to index
      %get3A_301 = tpu.vector_load %arg9[%get3A_300] {strides = array<i32>} : memref<832xf32, #tpu.memory_space<vmem>>, vector<16xf32>,
      %mul3A_302 = arith.constant 64 : i32
      %mul3A_303 = arith.muli %select_n3A_281, %mul3A_302 : i32
      %add3A_304 = arith.constant 32 : i32
      %add3A_305 = arith.addi %mul3A_303, %add3A_304 : i32
      %get3A_306 = arith.index_cast %add3A_305 : i32 to index
      %get3A_307 = tpu.vector_load %arg9[%get3A_306] {strides = array<i32>} : memref<832xf32, #tpu.memory_space<vmem>>, vector<16xf32>,
      %mul3A_308 = arith.constant 64 : i32
      %mul3A_309 = arith.muli %select_n3A_281, %mul3A_308 : i32
      %add3A_310 = arith.constant 48 : i32
      %add3A_311 = arith.addi %mul3A_309, %add3A_310 : i32
      %get3A_312 = arith.index_cast %add3A_311 : i32 to index
      %get3A_313 = tpu.vector_load %arg9[%get3A_312] {strides = array<i32>} : memref<832xf32, #tpu.memory_space<vmem>>, vector<16xf32>,
      %scan3A_314 = arith.constant 0 : i32
      %scan3A_315 = arith.constant 0 : i32
      %scan3A_316 = arith.constant 8 : i32
      %scan3A_317 = arith.addi %scan3A_315, %scan3A_316 : i32
      %scan3A_318 = arith.constant 1 : i32
      scf.for %scan3A_343 = %scan3A_315 to %scan3A_317 step %scan3A_318  : i32 {
        %mul3A_344 = arith.constant 128 : i32
        %mul3A_345 = arith.muli %select_n3A_265, %mul3A_344 : i32
        %mul3A_346 = arith.constant 16 : i32
        %mul3A_347 = arith.muli %scan3A_343, %mul3A_346 : i32
        %add3A_348 = arith.addi %mul3A_345, %mul3A_347 : i32
        %get3A_349 = arith.index_cast %select_n3A_281 : i32 to index
        %get3A_350 = arith.index_cast %add3A_348 : i32 to index
        %get3A_351 = tpu.vector_load %arg8[%get3A_349, %get3A_350] {strides = array<i32>} : memref<13x512xf32, #tpu.memory_space<vmem>>, vector<16xf32>,
        %slice3A = vector.extract_strided_slice %get3A_295 {offsets = [0], sizes = [1], strides = [1]} : vector<16xf32> to vector<1xf32>
        %squeeze3A = vector.extract %slice3A[0] : f32 from vector<1xf32>
        %mul3A_352 = vector.broadcast %squeeze3A : f32 to vector<16xf32>
        %mul3A_353 = arith.mulf %mul3A_352, %get3A_351 : vector<16xf32>
        %mul3A_354 = arith.constant 16 : i32
        %mul3A_355 = arith.muli %scan3A_343, %mul3A_354 : i32
        %swap3A = arith.constant 0 : i32
        %swap3A_356 = arith.constant 0 : i32
        %swap3A_357 = arith.constant 0 : i32
        %swap3A_358 = arith.index_cast %swap3A : i32 to index
        %swap3A_359 = arith.index_cast %swap3A_356 : i32 to index
        %swap3A_360 = arith.index_cast %swap3A_357 : i32 to index
        %swap3A_361 = arith.index_cast %mul3A_355 : i32 to index
        %swap3A_362 = tpu.vector_load %arg13[%swap3A_358, %swap3A_359, %swap3A_360, %swap3A_361] {strides = array<i32>} : memref<2x8x8x130xf32, #tpu.memory_space<vmem>>, vector<16xf32>,
        tpu.vector_store %arg13[%swap3A_358, %swap3A_359, %swap3A_360, %swap3A_361], %mul3A_353 {strides = array<i32>} : memref<2x8x8x130xf32, #tpu.memory_space<vmem>>, vector<16xf32>,
        %slice3A_363 = vector.extract_strided_slice %get3A_295 {offsets = [1], sizes = [1], strides = [1]} : vector<16xf32> to vector<1xf32>
        %squeeze3A_364 = vector.extract %slice3A_363[0] : f32 from vector<1xf32>
        %mul3A_365 = vector.broadcast %squeeze3A_364 : f32 to vector<16xf32>
        %mul3A_366 = arith.mulf %mul3A_365, %get3A_351 : vector<16xf32>
        %mul3A_367 = arith.constant 16 : i32
        %mul3A_368 = arith.muli %scan3A_343, %mul3A_367 : i32
        %swap3A_369 = arith.constant 0 : i32
        %swap3A_370 = arith.constant 0 : i32
        %swap3A_371 = arith.constant 1 : i32
        %swap3A_372 = arith.index_cast %swap3A_369 : i32 to index
        %swap3A_373 = arith.index_cast %swap3A_370 : i32 to index
        %swap3A_374 = arith.index_cast %swap3A_371 : i32 to index
        %swap3A_375 = arith.index_cast %mul3A_368 : i32 to index
        %swap3A_376 = tpu.vector_load %arg13[%swap3A_372, %swap3A_373, %swap3A_374, %swap3A_375] {strides = array<i32>} : memref<2x8x8x130xf32, #tpu.memory_space<vmem>>, vector<16xf32>,
        tpu.vector_store %arg13[%swap3A_372, %swap3A_373, %swap3A_374, %swap3A_375], %mul3A_366 {strides = array<i32>} : memref<2x8x8x130xf32, #tpu.memory_space<vmem>>, vector<16xf32>,
        %slice3A_377 = vector.extract_strided_slice %get3A_295 {offsets = [2], sizes = [1], strides = [1]} : vector<16xf32> to vector<1xf32>
        %squeeze3A_378 = vector.extract %slice3A_377[0] : f32 from vector<1xf32>
        %mul3A_379 = vector.broadcast %squeeze3A_378 : f32 to vector<16xf32>
        %mul3A_380 = arith.mulf %mul3A_379, %get3A_351 : vector<16xf32>
        %mul3A_381 = arith.constant 16 : i32
        %mul3A_382 = arith.muli %scan3A_343, %mul3A_381 : i32
        %swap3A_383 = arith.constant 0 : i32
        %swap3A_384 = arith.constant 0 : i32
        %swap3A_385 = arith.constant 2 : i32
        %swap3A_386 = arith.index_cast %swap3A_383 : i32 to index
        %swap3A_387 = arith.index_cast %swap3A_384 : i32 to index
        %swap3A_388 = arith.index_cast %swap3A_385 : i32 to index
        %swap3A_389 = arith.index_cast %mul3A_382 : i32 to index
        %swap3A_390 = tpu.vector_load %arg13[%swap3A_386, %swap3A_387, %swap3A_388, %swap3A_389] {strides = array<i32>} : memref<2x8x8x130xf32, #tpu.memory_space<vmem>>, vector<16xf32>,
        tpu.vector_store %arg13[%swap3A_386, %swap3A_387, %swap3A_388, %swap3A_389], %mul3A_380 {strides = array<i32>} : memref<2x8x8x130xf32, #tpu.memory_space<vmem>>, vector<16xf32>,
        %slice3A_391 = vector.extract_strided_slice %get3A_295 {offsets = [3], sizes = [1], strides = [1]} : vector<16xf32> to vector<1xf32>
        %squeeze3A_392 = vector.extract %slice3A_391[0] : f32 from vector<1xf32>
        %mul3A_393 = vector.broadcast %squeeze3A_392 : f32 to vector<16xf32>
        %mul3A_394 = arith.mulf %mul3A_393, %get3A_351 : vector<16xf32>
        %mul3A_395 = arith.constant 16 : i32
        %mul3A_396 = arith.muli %scan3A_343, %mul3A_395 : i32
        %swap3A_397 = arith.constant 0 : i32
        %swap3A_398 = arith.constant 0 : i32
        %swap3A_399 = arith.constant 3 : i32
        %swap3A_400 = arith.index_cast %swap3A_397 : i32 to index
        %swap3A_401 = arith.index_cast %swap3A_398 : i32 to index
        %swap3A_402 = arith.index_cast %swap3A_399 : i32 to index
        %swap3A_403 = arith.index_cast %mul3A_396 : i32 to index
        %swap3A_404 = tpu.vector_load %arg13[%swap3A_400, %swap3A_401, %swap3A_402, %swap3A_403] {strides = array<i32>} : memref<2x8x8x130xf32, #tpu.memory_space<vmem>>, vector<16xf32>,
        tpu.vector_store %arg13[%swap3A_400, %swap3A_401, %swap3A_402, %swap3A_403], %mul3A_394 {strides = array<i32>} : memref<2x8x8x130xf32, #tpu.memory_space<vmem>>, vector<16xf32>,
        %slice3A_405 = vector.extract_strided_slice %get3A_295 {offsets = [4], sizes = [1], strides = [1]} : vector<16xf32> to vector<1xf32>
        %squeeze3A_406 = vector.extract %slice3A_405[0] : f32 from vector<1xf32>
        %mul3A_407 = vector.broadcast %squeeze3A_406 : f32 to vector<16xf32>
        %mul3A_408 = arith.mulf %mul3A_407, %get3A_351 : vector<16xf32>
        %mul3A_409 = arith.constant 16 : i32
        %mul3A_410 = arith.muli %scan3A_343, %mul3A_409 : i32
        %swap3A_411 = arith.constant 0 : i32
        %swap3A_412 = arith.constant 0 : i32
        %swap3A_413 = arith.constant 4 : i32
        %swap3A_414 = arith.index_cast %swap3A_411 : i32 to index
        %swap3A_415 = arith.index_cast %swap3A_412 : i32 to index
        %swap3A_416 = arith.index_cast %swap3A_413 : i32 to index
        %swap3A_417 = arith.index_cast %mul3A_410 : i32 to index
        %swap3A_418 = tpu.vector_load %arg13[%swap3A_414, %swap3A_415, %swap3A_416, %swap3A_417] {strides = array<i32>} : memref<2x8x8x130xf32, #tpu.memory_space<vmem>>, vector<16xf32>,
        tpu.vector_store %arg13[%swap3A_414, %swap3A_415, %swap3A_416, %swap3A_417], %mul3A_408 {strides = array<i32>} : memref<2x8x8x130xf32, #tpu.memory_space<vmem>>, vector<16xf32>,
        %slice3A_419 = vector.extract_strided_slice %get3A_295 {offsets = [5], sizes = [1], strides = [1]} : vector<16xf32> to vector<1xf32>
        %squeeze3A_420 = vector.extract %slice3A_419[0] : f32 from vector<1xf32>
        %mul3A_421 = vector.broadcast %squeeze3A_420 : f32 to vector<16xf32>
        %mul3A_422 = arith.mulf %mul3A_421, %get3A_351 : vector<16xf32>
        %mul3A_423 = arith.constant 16 : i32
        %mul3A_424 = arith.muli %scan3A_343, %mul3A_423 : i32
        %swap3A_425 = arith.constant 0 : i32
        %swap3A_426 = arith.constant 0 : i32
        %swap3A_427 = arith.constant 5 : i32
        %swap3A_428 = arith.index_cast %swap3A_425 : i32 to index
        %swap3A_429 = arith.index_cast %swap3A_426 : i32 to index
        %swap3A_430 = arith.index_cast %swap3A_427 : i32 to index
        %swap3A_431 = arith.index_cast %mul3A_424 : i32 to index
        %swap3A_432 = tpu.vector_load %arg13[%swap3A_428, %swap3A_429, %swap3A_430, %swap3A_431] {strides = array<i32>} : memref<2x8x8x130xf32, #tpu.memory_space<vmem>>, vector<16xf32>,
        tpu.vector_store %arg13[%swap3A_428, %swap3A_429, %swap3A_430, %swap3A_431], %mul3A_422 {strides = array<i32>} : memref<2x8x8x130xf32, #tpu.memory_space<vmem>>, vector<16xf32>,
        %slice3A_433 = vector.extract_strided_slice %get3A_295 {offsets = [6], sizes = [1], strides = [1]} : vector<16xf32> to vector<1xf32>
        %squeeze3A_434 = vector.extract %slice3A_433[0] : f32 from vector<1xf32>
        %mul3A_435 = vector.broadcast %squeeze3A_434 : f32 to vector<16xf32>
        %mul3A_436 = arith.mulf %mul3A_435, %get3A_351 : vector<16xf32>
        %mul3A_437 = arith.constant 16 : i32
        %mul3A_438 = arith.muli %scan3A_343, %mul3A_437 : i32
        %swap3A_439 = arith.constant 0 : i32
        %swap3A_440 = arith.constant 0 : i32
        %swap3A_441 = arith.constant 6 : i32
        %swap3A_442 = arith.index_cast %swap3A_439 : i32 to index
        %swap3A_443 = arith.index_cast %swap3A_440 : i32 to index
        %swap3A_444 = arith.index_cast %swap3A_441 : i32 to index
        %swap3A_445 = arith.index_cast %mul3A_438 : i32 to index
        %swap3A_446 = tpu.vector_load %arg13[%swap3A_442, %swap3A_443, %swap3A_444, %swap3A_445] {strides = array<i32>} : memref<2x8x8x130xf32, #tpu.memory_space<vmem>>, vector<16xf32>,
        tpu.vector_store %arg13[%swap3A_442, %swap3A_443, %swap3A_444, %swap3A_445], %mul3A_436 {strides = array<i32>} : memref<2x8x8x130xf32, #tpu.memory_space<vmem>>, vector<16xf32>,
        %slice3A_447 = vector.extract_strided_slice %get3A_295 {offsets = [7], sizes = [1], strides = [1]} : vector<16xf32> to vector<1xf32>
        %squeeze3A_448 = vector.extract %slice3A_447[0] : f32 from vector<1xf32>
        %mul3A_449 = vector.broadcast %squeeze3A_448 : f32 to vector<16xf32>
        %mul3A_450 = arith.mulf %mul3A_449, %get3A_351 : vector<16xf32>
        %mul3A_451 = arith.constant 16 : i32
        %mul3A_452 = arith.muli %scan3A_343, %mul3A_451 : i32
        %swap3A_453 = arith.constant 0 : i32
        %swap3A_454 = arith.constant 0 : i32
        %swap3A_455 = arith.constant 7 : i32
        %swap3A_456 = arith.index_cast %swap3A_453 : i32 to index
        %swap3A_457 = arith.index_cast %swap3A_454 : i32 to index
        %swap3A_458 = arith.index_cast %swap3A_455 : i32 to index
        %swap3A_459 = arith.index_cast %mul3A_452 : i32 to index
        %swap3A_460 = tpu.vector_load %arg13[%swap3A_456, %swap3A_457, %swap3A_458, %swap3A_459] {strides = array<i32>} : memref<2x8x8x130xf32, #tpu.memory_space<vmem>>, vector<16xf32>,
        tpu.vector_store %arg13[%swap3A_456, %swap3A_457, %swap3A_458, %swap3A_459], %mul3A_450 {strides = array<i32>} : memref<2x8x8x130xf32, #tpu.memory_space<vmem>>, vector<16xf32>,
        %slice3A_461 = vector.extract_strided_slice %get3A_295 {offsets = [8], sizes = [1], strides = [1]} : vector<16xf32> to vector<1xf32>
        %squeeze3A_462 = vector.extract %slice3A_461[0] : f32 from vector<1xf32>
        %mul3A_463 = vector.broadcast %squeeze3A_462 : f32 to vector<16xf32>
        %mul3A_464 = arith.mulf %mul3A_463, %get3A_351 : vector<16xf32>
        %mul3A_465 = arith.constant 16 : i32
        %mul3A_466 = arith.muli %scan3A_343, %mul3A_465 : i32
        %swap3A_467 = arith.constant 0 : i32
        %swap3A_468 = arith.constant 1 : i32
        %swap3A_469 = arith.constant 0 : i32
        %swap3A_470 = arith.index_cast %swap3A_467 : i32 to index
        %swap3A_471 = arith.index_cast %swap3A_468 : i32 to index
        %swap3A_472 = arith.index_cast %swap3A_469 : i32 to index
        %swap3A_473 = arith.index_cast %mul3A_466 : i32 to index
        %swap3A_474 = tpu.vector_load %arg13[%swap3A_470, %swap3A_471, %swap3A_472, %swap3A_473] {strides = array<i32>} : memref<2x8x8x130xf32, #tpu.memory_space<vmem>>, vector<16xf32>,
        tpu.vector_store %arg13[%swap3A_470, %swap3A_471, %swap3A_472, %swap3A_473], %mul3A_464 {strides = array<i32>} : memref<2x8x8x130xf32, #tpu.memory_space<vmem>>, vector<16xf32>,
        %slice3A_475 = vector.extract_strided_slice %get3A_295 {offsets = [9], sizes = [1], strides = [1]} : vector<16xf32> to vector<1xf32>
        %squeeze3A_476 = vector.extract %slice3A_475[0] : f32 from vector<1xf32>
        %mul3A_477 = vector.broadcast %squeeze3A_476 : f32 to vector<16xf32>
        %mul3A_478 = arith.mulf %mul3A_477, %get3A_351 : vector<16xf32>
        %mul3A_479 = arith.constant 16 : i32
        %mul3A_480 = arith.muli %scan3A_343, %mul3A_479 : i32
        %swap3A_481 = arith.constant 0 : i32
        %swap3A_482 = arith.constant 1 : i32
        %swap3A_483 = arith.constant 1 : i32
        %swap3A_484 = arith.index_cast %swap3A_481 : i32 to index
        %swap3A_485 = arith.index_cast %swap3A_482 : i32 to index
        %swap3A_486 = arith.index_cast %swap3A_483 : i32 to index
        %swap3A_487 = arith.index_cast %mul3A_480 : i32 to index
        %swap3A_488 = tpu.vector_load %arg13[%swap3A_484, %swap3A_485, %swap3A_486, %swap3A_487] {strides = array<i32>} : memref<2x8x8x130xf32, #tpu.memory_space<vmem>>, vector<16xf32>,
        tpu.vector_store %arg13[%swap3A_484, %swap3A_485, %swap3A_486, %swap3A_487], %mul3A_478 {strides = array<i32>} : memref<2x8x8x130xf32, #tpu.memory_space<vmem>>, vector<16xf32>,
        %slice3A_489 = vector.extract_strided_slice %get3A_295 {offsets = [10], sizes = [1], strides = [1]} : vector<16xf32> to vector<1xf32>
        %squeeze3A_490 = vector.extract %slice3A_489[0] : f32 from vector<1xf32>
        %mul3A_491 = vector.broadcast %squeeze3A_490 : f32 to vector<16xf32>
        %mul3A_492 = arith.mulf %mul3A_491, %get3A_351 : vector<16xf32>
        %mul3A_493 = arith.constant 16 : i32
        %mul3A_494 = arith.muli %scan3A_343, %mul3A_493 : i32
        %swap3A_495 = arith.constant 0 : i32
        %swap3A_496 = arith.constant 1 : i32
        %swap3A_497 = arith.constant 2 : i32
        %swap3A_498 = arith.index_cast %swap3A_495 : i32 to index
        %swap3A_499 = arith.index_cast %swap3A_496 : i32 to index
        %swap3A_500 = arith.index_cast %swap3A_497 : i32 to index
        %swap3A_501 = arith.index_cast %mul3A_494 : i32 to index
        %swap3A_502 = tpu.vector_load %arg13[%swap3A_498, %swap3A_499, %swap3A_500, %swap3A_501] {strides = array<i32>} : memref<2x8x8x130xf32, #tpu.memory_space<vmem>>, vector<16xf32>,
        tpu.vector_store %arg13[%swap3A_498, %swap3A_499, %swap3A_500, %swap3A_501], %mul3A_492 {strides = array<i32>} : memref<2x8x8x130xf32, #tpu.memory_space<vmem>>, vector<16xf32>,
        %slice3A_503 = vector.extract_strided_slice %get3A_295 {offsets = [11], sizes = [1], strides = [1]} : vector<16xf32> to vector<1xf32>
        %squeeze3A_504 = vector.extract %slice3A_503[0] : f32 from vector<1xf32>
        %mul3A_505 = vector.broadcast %squeeze3A_504 : f32 to vector<16xf32>
        %mul3A_506 = arith.mulf %mul3A_505, %get3A_351 : vector<16xf32>
        %mul3A_507 = arith.constant 16 : i32
        %mul3A_508 = arith.muli %scan3A_343, %mul3A_507 : i32
        %swap3A_509 = arith.constant 0 : i32
        %swap3A_510 = arith.constant 1 : i32
        %swap3A_511 = arith.constant 3 : i32
        %swap3A_512 = arith.index_cast %swap3A_509 : i32 to index
        %swap3A_513 = arith.index_cast %swap3A_510 : i32 to index
        %swap3A_514 = arith.index_cast %swap3A_511 : i32 to index
        %swap3A_515 = arith.index_cast %mul3A_508 : i32 to index
        %swap3A_516 = tpu.vector_load %arg13[%swap3A_512, %swap3A_513, %swap3A_514, %swap3A_515] {strides = array<i32>} : memref<2x8x8x130xf32, #tpu.memory_space<vmem>>, vector<16xf32>,
        tpu.vector_store %arg13[%swap3A_512, %swap3A_513, %swap3A_514, %swap3A_515], %mul3A_506 {strides = array<i32>} : memref<2x8x8x130xf32, #tpu.memory_space<vmem>>, vector<16xf32>,
        %slice3A_517 = vector.extract_strided_slice %get3A_295 {offsets = [12], sizes = [1], strides = [1]} : vector<16xf32> to vector<1xf32>
        %squeeze3A_518 = vector.extract %slice3A_517[0] : f32 from vector<1xf32>
        %mul3A_519 = vector.broadcast %squeeze3A_518 : f32 to vector<16xf32>
        %mul3A_520 = arith.mulf %mul3A_519, %get3A_351 : vector<16xf32>
        %mul3A_521 = arith.constant 16 : i32
        %mul3A_522 = arith.muli %scan3A_343, %mul3A_521 : i32
        %swap3A_523 = arith.constant 0 : i32
        %swap3A_524 = arith.constant 1 : i32
        %swap3A_525 = arith.constant 4 : i32
        %swap3A_526 = arith.index_cast %swap3A_523 : i32 to index
        %swap3A_527 = arith.index_cast %swap3A_524 : i32 to index
        %swap3A_528 = arith.index_cast %swap3A_525 : i32 to index
        %swap3A_529 = arith.index_cast %mul3A_522 : i32 to index
        %swap3A_530 = tpu.vector_load %arg13[%swap3A_526, %swap3A_527, %swap3A_528, %swap3A_529] {strides = array<i32>} : memref<2x8x8x130xf32, #tpu.memory_space<vmem>>, vector<16xf32>,
        tpu.vector_store %arg13[%swap3A_526, %swap3A_527, %swap3A_528, %swap3A_529], %mul3A_520 {strides = array<i32>} : memref<2x8x8x130xf32, #tpu.memory_space<vmem>>, vector<16xf32>,
        %slice3A_531 = vector.extract_strided_slice %get3A_295 {offsets = [13], sizes = [1], strides = [1]} : vector<16xf32> to vector<1xf32>
        %squeeze3A_532 = vector.extract %slice3A_531[0] : f32 from vector<1xf32>
        %mul3A_533 = vector.broadcast %squeeze3A_532 : f32 to vector<16xf32>
        %mul3A_534 = arith.mulf %mul3A_533, %get3A_351 : vector<16xf32>
        %mul3A_535 = arith.constant 16 : i32
        %mul3A_536 = arith.muli %scan3A_343, %mul3A_535 : i32
        %swap3A_537 = arith.constant 0 : i32
        %swap3A_538 = arith.constant 1 : i32
        %swap3A_539 = arith.constant 5 : i32
        %swap3A_540 = arith.index_cast %swap3A_537 : i32 to index
        %swap3A_541 = arith.index_cast %swap3A_538 : i32 to index
        %swap3A_542 = arith.index_cast %swap3A_539 : i32 to index
        %swap3A_543 = arith.index_cast %mul3A_536 : i32 to index
        %swap3A_544 = tpu.vector_load %arg13[%swap3A_540, %swap3A_541, %swap3A_542, %swap3A_543] {strides = array<i32>} : memref<2x8x8x130xf32, #tpu.memory_space<vmem>>, vector<16xf32>,
        tpu.vector_store %arg13[%swap3A_540, %swap3A_541, %swap3A_542, %swap3A_543], %mul3A_534 {strides = array<i32>} : memref<2x8x8x130xf32, #tpu.memory_space<vmem>>, vector<16xf32>,
        %slice3A_545 = vector.extract_strided_slice %get3A_295 {offsets = [14], sizes = [1], strides = [1]} : vector<16xf32> to vector<1xf32>
        %squeeze3A_546 = vector.extract %slice3A_545[0] : f32 from vector<1xf32>
        %mul3A_547 = vector.broadcast %squeeze3A_546 : f32 to vector<16xf32>
        %mul3A_548 = arith.mulf %mul3A_547, %get3A_351 : vector<16xf32>
        %mul3A_549 = arith.constant 16 : i32
        %mul3A_550 = arith.muli %scan3A_343, %mul3A_549 : i32
        %swap3A_551 = arith.constant 0 : i32
        %swap3A_552 = arith.constant 1 : i32
        %swap3A_553 = arith.constant 6 : i32
        %swap3A_554 = arith.index_cast %swap3A_551 : i32 to index
        %swap3A_555 = arith.index_cast %swap3A_552 : i32 to index
        %swap3A_556 = arith.index_cast %swap3A_553 : i32 to index
        %swap3A_557 = arith.index_cast %mul3A_550 : i32 to index
        %swap3A_558 = tpu.vector_load %arg13[%swap3A_554, %swap3A_555, %swap3A_556, %swap3A_557] {strides = array<i32>} : memref<2x8x8x130xf32, #tpu.memory_space<vmem>>, vector<16xf32>,
        tpu.vector_store %arg13[%swap3A_554, %swap3A_555, %swap3A_556, %swap3A_557], %mul3A_548 {strides = array<i32>} : memref<2x8x8x130xf32, #tpu.memory_space<vmem>>, vector<16xf32>,
        %slice3A_559 = vector.extract_strided_slice %get3A_295 {offsets = [15], sizes = [1], strides = [1]} : vector<16xf32> to vector<1xf32>
        %squeeze3A_560 = vector.extract %slice3A_559[0] : f32 from vector<1xf32>
        %mul3A_561 = vector.broadcast %squeeze3A_560 : f32 to vector<16xf32>
        %mul3A_562 = arith.mulf %mul3A_561, %get3A_351 : vector<16xf32>
        %mul3A_563 = arith.constant 16 : i32
        %mul3A_564 = arith.muli %scan3A_343, %mul3A_563 : i32
        %swap3A_565 = arith.constant 0 : i32
        %swap3A_566 = arith.constant 1 : i32
        %swap3A_567 = arith.constant 7 : i32
        %swap3A_568 = arith.index_cast %swap3A_565 : i32 to index
        %swap3A_569 = arith.index_cast %swap3A_566 : i32 to index
        %swap3A_570 = arith.index_cast %swap3A_567 : i32 to index
        %swap3A_571 = arith.index_cast %mul3A_564 : i32 to index
        %swap3A_572 = tpu.vector_load %arg13[%swap3A_568, %swap3A_569, %swap3A_570, %swap3A_571] {strides = array<i32>} : memref<2x8x8x130xf32, #tpu.memory_space<vmem>>, vector<16xf32>,
        tpu.vector_store %arg13[%swap3A_568, %swap3A_569, %swap3A_570, %swap3A_571], %mul3A_562 {strides = array<i32>} : memref<2x8x8x130xf32, #tpu.memory_space<vmem>>, vector<16xf32>,
        %slice3A_573 = vector.extract_strided_slice %get3A_301 {offsets = [0], sizes = [1], strides = [1]} : vector<16xf32> to vector<1xf32>
        %squeeze3A_574 = vector.extract %slice3A_573[0] : f32 from vector<1xf32>
        %mul3A_575 = vector.broadcast %squeeze3A_574 : f32 to vector<16xf32>
        %mul3A_576 = arith.mulf %mul3A_575, %get3A_351 : vector<16xf32>
        %mul3A_577 = arith.constant 16 : i32
        %mul3A_578 = arith.muli %scan3A_343, %mul3A_577 : i32
        %swap3A_579 = arith.constant 0 : i32
        %swap3A_580 = arith.constant 2 : i32
        %swap3A_581 = arith.constant 0 : i32
        %swap3A_582 = arith.index_cast %swap3A_579 : i32 to index
        %swap3A_583 = arith.index_cast %swap3A_580 : i32 to index
        %swap3A_584 = arith.index_cast %swap3A_581 : i32 to index
        %swap3A_585 = arith.index_cast %mul3A_578 : i32 to index
        %swap3A_586 = tpu.vector_load %arg13[%swap3A_582, %swap3A_583, %swap3A_584, %swap3A_585] {strides = array<i32>} : memref<2x8x8x130xf32, #tpu.memory_space<vmem>>, vector<16xf32>,
        tpu.vector_store %arg13[%swap3A_582, %swap3A_583, %swap3A_584, %swap3A_585], %mul3A_576 {strides = array<i32>} : memref<2x8x8x130xf32, #tpu.memory_space<vmem>>, vector<16xf32>,
        %slice3A_587 = vector.extract_strided_slice %get3A_301 {offsets = [1], sizes = [1], strides = [1]} : vector<16xf32> to vector<1xf32>
        %squeeze3A_588 = vector.extract %slice3A_587[0] : f32 from vector<1xf32>
        %mul3A_589 = vector.broadcast %squeeze3A_588 : f32 to vector<16xf32>
        %mul3A_590 = arith.mulf %mul3A_589, %get3A_351 : vector<16xf32>
        %mul3A_591 = arith.constant 16 : i32
        %mul3A_592 = arith.muli %scan3A_343, %mul3A_591 : i32
        %swap3A_593 = arith.constant 0 : i32
        %swap3A_594 = arith.constant 2 : i32
        %swap3A_595 = arith.constant 1 : i32
        %swap3A_596 = arith.index_cast %swap3A_593 : i32 to index
        %swap3A_597 = arith.index_cast %swap3A_594 : i32 to index
        %swap3A_598 = arith.index_cast %swap3A_595 : i32 to index
        %swap3A_599 = arith.index_cast %mul3A_592 : i32 to index
        %swap3A_600 = tpu.vector_load %arg13[%swap3A_596, %swap3A_597, %swap3A_598, %swap3A_599] {strides = array<i32>} : memref<2x8x8x130xf32, #tpu.memory_space<vmem>>, vector<16xf32>,
        tpu.vector_store %arg13[%swap3A_596, %swap3A_597, %swap3A_598, %swap3A_599], %mul3A_590 {strides = array<i32>} : memref<2x8x8x130xf32, #tpu.memory_space<vmem>>, vector<16xf32>,
        %slice3A_601 = vector.extract_strided_slice %get3A_301 {offsets = [2], sizes = [1], strides = [1]} : vector<16xf32> to vector<1xf32>
        %squeeze3A_602 = vector.extract %slice3A_601[0] : f32 from vector<1xf32>
        %mul3A_603 = vector.broadcast %squeeze3A_602 : f32 to vector<16xf32>
        %mul3A_604 = arith.mulf %mul3A_603, %get3A_351 : vector<16xf32>
        %mul3A_605 = arith.constant 16 : i32
        %mul3A_606 = arith.muli %scan3A_343, %mul3A_605 : i32
        %swap3A_607 = arith.constant 0 : i32
        %swap3A_608 = arith.constant 2 : i32
        %swap3A_609 = arith.constant 2 : i32
        %swap3A_610 = arith.index_cast %swap3A_607 : i32 to index
        %swap3A_611 = arith.index_cast %swap3A_608 : i32 to index
        %swap3A_612 = arith.index_cast %swap3A_609 : i32 to index
        %swap3A_613 = arith.index_cast %mul3A_606 : i32 to index
        %swap3A_614 = tpu.vector_load %arg13[%swap3A_610, %swap3A_611, %swap3A_612, %swap3A_613] {strides = array<i32>} : memref<2x8x8x130xf32, #tpu.memory_space<vmem>>, vector<16xf32>,
        tpu.vector_store %arg13[%swap3A_610, %swap3A_611, %swap3A_612, %swap3A_613], %mul3A_604 {strides = array<i32>} : memref<2x8x8x130xf32, #tpu.memory_space<vmem>>, vector<16xf32>,
        %slice3A_615 = vector.extract_strided_slice %get3A_301 {offsets = [3], sizes = [1], strides = [1]} : vector<16xf32> to vector<1xf32>
        %squeeze3A_616 = vector.extract %slice3A_615[0] : f32 from vector<1xf32>
        %mul3A_617 = vector.broadcast %squeeze3A_616 : f32 to vector<16xf32>
        %mul3A_618 = arith.mulf %mul3A_617, %get3A_351 : vector<16xf32>
        %mul3A_619 = arith.constant 16 : i32
        %mul3A_620 = arith.muli %scan3A_343, %mul3A_619 : i32
        %swap3A_621 = arith.constant 0 : i32
        %swap3A_622 = arith.constant 2 : i32
        %swap3A_623 = arith.constant 3 : i32
        %swap3A_624 = arith.index_cast %swap3A_621 : i32 to index
        %swap3A_625 = arith.index_cast %swap3A_622 : i32 to index
        %swap3A_626 = arith.index_cast %swap3A_623 : i32 to index
        %swap3A_627 = arith.index_cast %mul3A_620 : i32 to index
        %swap3A_628 = tpu.vector_load %arg13[%swap3A_624, %swap3A_625, %swap3A_626, %swap3A_627] {strides = array<i32>} : memref<2x8x8x130xf32, #tpu.memory_space<vmem>>, vector<16xf32>,
        tpu.vector_store %arg13[%swap3A_624, %swap3A_625, %swap3A_626, %swap3A_627], %mul3A_618 {strides = array<i32>} : memref<2x8x8x130xf32, #tpu.memory_space<vmem>>, vector<16xf32>,
        %slice3A_629 = vector.extract_strided_slice %get3A_301 {offsets = [4], sizes = [1], strides = [1]} : vector<16xf32> to vector<1xf32>
        %squeeze3A_630 = vector.extract %slice3A_629[0] : f32 from vector<1xf32>
        %mul3A_631 = vector.broadcast %squeeze3A_630 : f32 to vector<16xf32>
        %mul3A_632 = arith.mulf %mul3A_631, %get3A_351 : vector<16xf32>
        %mul3A_633 = arith.constant 16 : i32
        %mul3A_634 = arith.muli %scan3A_343, %mul3A_633 : i32
        %swap3A_635 = arith.constant 0 : i32
        %swap3A_636 = arith.constant 2 : i32
        %swap3A_637 = arith.constant 4 : i32
        %swap3A_638 = arith.index_cast %swap3A_635 : i32 to index
        %swap3A_639 = arith.index_cast %swap3A_636 : i32 to index
        %swap3A_640 = arith.index_cast %swap3A_637 : i32 to index
        %swap3A_641 = arith.index_cast %mul3A_634 : i32 to index
        %swap3A_642 = tpu.vector_load %arg13[%swap3A_638, %swap3A_639, %swap3A_640, %swap3A_641] {strides = array<i32>} : memref<2x8x8x130xf32, #tpu.memory_space<vmem>>, vector<16xf32>,
        tpu.vector_store %arg13[%swap3A_638, %swap3A_639, %swap3A_640, %swap3A_641], %mul3A_632 {strides = array<i32>} : memref<2x8x8x130xf32, #tpu.memory_space<vmem>>, vector<16xf32>,
        %slice3A_643 = vector.extract_strided_slice %get3A_301 {offsets = [5], sizes = [1], strides = [1]} : vector<16xf32> to vector<1xf32>
        %squeeze3A_644 = vector.extract %slice3A_643[0] : f32 from vector<1xf32>
        %mul3A_645 = vector.broadcast %squeeze3A_644 : f32 to vector<16xf32>
        %mul3A_646 = arith.mulf %mul3A_645, %get3A_351 : vector<16xf32>
        %mul3A_647 = arith.constant 16 : i32
        %mul3A_648 = arith.muli %scan3A_343, %mul3A_647 : i32
        %swap3A_649 = arith.constant 0 : i32
        %swap3A_650 = arith.constant 2 : i32
        %swap3A_651 = arith.constant 5 : i32
        %swap3A_652 = arith.index_cast %swap3A_649 : i32 to index
        %swap3A_653 = arith.index_cast %swap3A_650 : i32 to index
        %swap3A_654 = arith.index_cast %swap3A_651 : i32 to index
        %swap3A_655 = arith.index_cast %mul3A_648 : i32 to index
        %swap3A_656 = tpu.vector_load %arg13[%swap3A_652, %swap3A_653, %swap3A_654, %swap3A_655] {strides = array<i32>} : memref<2x8x8x130xf32, #tpu.memory_space<vmem>>, vector<16xf32>,
        tpu.vector_store %arg13[%swap3A_652, %swap3A_653, %swap3A_654, %swap3A_655], %mul3A_646 {strides = array<i32>} : memref<2x8x8x130xf32, #tpu.memory_space<vmem>>, vector<16xf32>,
        %slice3A_657 = vector.extract_strided_slice %get3A_301 {offsets = [6], sizes = [1], strides = [1]} : vector<16xf32> to vector<1xf32>
        %squeeze3A_658 = vector.extract %slice3A_657[0] : f32 from vector<1xf32>
        %mul3A_659 = vector.broadcast %squeeze3A_658 : f32 to vector<16xf32>
        %mul3A_660 = arith.mulf %mul3A_659, %get3A_351 : vector<16xf32>
        %mul3A_661 = arith.constant 16 : i32
        %mul3A_662 = arith.muli %scan3A_343, %mul3A_661 : i32
        %swap3A_663 = arith.constant 0 : i32
        %swap3A_664 = arith.constant 2 : i32
        %swap3A_665 = arith.constant 6 : i32
        %swap3A_666 = arith.index_cast %swap3A_663 : i32 to index
        %swap3A_667 = arith.index_cast %swap3A_664 : i32 to index
        %swap3A_668 = arith.index_cast %swap3A_665 : i32 to index
        %swap3A_669 = arith.index_cast %mul3A_662 : i32 to index
        %swap3A_670 = tpu.vector_load %arg13[%swap3A_666, %swap3A_667, %swap3A_668, %swap3A_669] {strides = array<i32>} : memref<2x8x8x130xf32, #tpu.memory_space<vmem>>, vector<16xf32>,
        tpu.vector_store %arg13[%swap3A_666, %swap3A_667, %swap3A_668, %swap3A_669], %mul3A_660 {strides = array<i32>} : memref<2x8x8x130xf32, #tpu.memory_space<vmem>>, vector<16xf32>,
        %slice3A_671 = vector.extract_strided_slice %get3A_301 {offsets = [7], sizes = [1], strides = [1]} : vector<16xf32> to vector<1xf32>
        %squeeze3A_672 = vector.extract %slice3A_671[0] : f32 from vector<1xf32>
        %mul3A_673 = vector.broadcast %squeeze3A_672 : f32 to vector<16xf32>
        %mul3A_674 = arith.mulf %mul3A_673, %get3A_351 : vector<16xf32>
        %mul3A_675 = arith.constant 16 : i32
        %mul3A_676 = arith.muli %scan3A_343, %mul3A_675 : i32
        %swap3A_677 = arith.constant 0 : i32
        %swap3A_678 = arith.constant 2 : i32
        %swap3A_679 = arith.constant 7 : i32
        %swap3A_680 = arith.index_cast %swap3A_677 : i32 to index
        %swap3A_681 = arith.index_cast %swap3A_678 : i32 to index
        %swap3A_682 = arith.index_cast %swap3A_679 : i32 to index
        %swap3A_683 = arith.index_cast %mul3A_676 : i32 to index
        %swap3A_684 = tpu.vector_load %arg13[%swap3A_680, %swap3A_681, %swap3A_682, %swap3A_683] {strides = array<i32>} : memref<2x8x8x130xf32, #tpu.memory_space<vmem>>, vector<16xf32>,
        tpu.vector_store %arg13[%swap3A_680, %swap3A_681, %swap3A_682, %swap3A_683], %mul3A_674 {strides = array<i32>} : memref<2x8x8x130xf32, #tpu.memory_space<vmem>>, vector<16xf32>,
        %slice3A_685 = vector.extract_strided_slice %get3A_301 {offsets = [8], sizes = [1], strides = [1]} : vector<16xf32> to vector<1xf32>
        %squeeze3A_686 = vector.extract %slice3A_685[0] : f32 from vector<1xf32>
        %mul3A_687 = vector.broadcast %squeeze3A_686 : f32 to vector<16xf32>
        %mul3A_688 = arith.mulf %mul3A_687, %get3A_351 : vector<16xf32>
        %mul3A_689 = arith.constant 16 : i32
        %mul3A_690 = arith.muli %scan3A_343, %mul3A_689 : i32
        %swap3A_691 = arith.constant 0 : i32
        %swap3A_692 = arith.constant 3 : i32
        %swap3A_693 = arith.constant 0 : i32
        %swap3A_694 = arith.index_cast %swap3A_691 : i32 to index
        %swap3A_695 = arith.index_cast %swap3A_692 : i32 to index
        %swap3A_696 = arith.index_cast %swap3A_693 : i32 to index
        %swap3A_697 = arith.index_cast %mul3A_690 : i32 to index
        %swap3A_698 = tpu.vector_load %arg13[%swap3A_694, %swap3A_695, %swap3A_696, %swap3A_697] {strides = array<i32>} : memref<2x8x8x130xf32, #tpu.memory_space<vmem>>, vector<16xf32>,
        tpu.vector_store %arg13[%swap3A_694, %swap3A_695, %swap3A_696, %swap3A_697], %mul3A_688 {strides = array<i32>} : memref<2x8x8x130xf32, #tpu.memory_space<vmem>>, vector<16xf32>,
        %slice3A_699 = vector.extract_strided_slice %get3A_301 {offsets = [9], sizes = [1], strides = [1]} : vector<16xf32> to vector<1xf32>
        %squeeze3A_700 = vector.extract %slice3A_699[0] : f32 from vector<1xf32>
        %mul3A_701 = vector.broadcast %squeeze3A_700 : f32 to vector<16xf32>
        %mul3A_702 = arith.mulf %mul3A_701, %get3A_351 : vector<16xf32>
        %mul3A_703 = arith.constant 16 : i32
        %mul3A_704 = arith.muli %scan3A_343, %mul3A_703 : i32
        %swap3A_705 = arith.constant 0 : i32
        %swap3A_706 = arith.constant 3 : i32
        %swap3A_707 = arith.constant 1 : i32
        %swap3A_708 = arith.index_cast %swap3A_705 : i32 to index
        %swap3A_709 = arith.index_cast %swap3A_706 : i32 to index
        %swap3A_710 = arith.index_cast %swap3A_707 : i32 to index
        %swap3A_711 = arith.index_cast %mul3A_704 : i32 to index
        %swap3A_712 = tpu.vector_load %arg13[%swap3A_708, %swap3A_709, %swap3A_710, %swap3A_711] {strides = array<i32>} : memref<2x8x8x130xf32, #tpu.memory_space<vmem>>, vector<16xf32>,
        tpu.vector_store %arg13[%swap3A_708, %swap3A_709, %swap3A_710, %swap3A_711], %mul3A_702 {strides = array<i32>} : memref<2x8x8x130xf32, #tpu.memory_space<vmem>>, vector<16xf32>,
        %slice3A_713 = vector.extract_strided_slice %get3A_301 {offsets = [10], sizes = [1], strides = [1]} : vector<16xf32> to vector<1xf32>
        %squeeze3A_714 = vector.extract %slice3A_713[0] : f32 from vector<1xf32>
        %mul3A_715 = vector.broadcast %squeeze3A_714 : f32 to vector<16xf32>
        %mul3A_716 = arith.mulf %mul3A_715, %get3A_351 : vector<16xf32>
        %mul3A_717 = arith.constant 16 : i32
        %mul3A_718 = arith.muli %scan3A_343, %mul3A_717 : i32
        %swap3A_719 = arith.constant 0 : i32
        %swap3A_720 = arith.constant 3 : i32
        %swap3A_721 = arith.constant 2 : i32
        %swap3A_722 = arith.index_cast %swap3A_719 : i32 to index
        %swap3A_723 = arith.index_cast %swap3A_720 : i32 to index
        %swap3A_724 = arith.index_cast %swap3A_721 : i32 to index
        %swap3A_725 = arith.index_cast %mul3A_718 : i32 to index
        %swap3A_726 = tpu.vector_load %arg13[%swap3A_722, %swap3A_723, %swap3A_724, %swap3A_725] {strides = array<i32>} : memref<2x8x8x130xf32, #tpu.memory_space<vmem>>, vector<16xf32>,
        tpu.vector_store %arg13[%swap3A_722, %swap3A_723, %swap3A_724, %swap3A_725], %mul3A_716 {strides = array<i32>} : memref<2x8x8x130xf32, #tpu.memory_space<vmem>>, vector<16xf32>,
        %slice3A_727 = vector.extract_strided_slice %get3A_301 {offsets = [11], sizes = [1], strides = [1]} : vector<16xf32> to vector<1xf32>
        %squeeze3A_728 = vector.extract %slice3A_727[0] : f32 from vector<1xf32>
        %mul3A_729 = vector.broadcast %squeeze3A_728 : f32 to vector<16xf32>
        %mul3A_730 = arith.mulf %mul3A_729, %get3A_351 : vector<16xf32>
        %mul3A_731 = arith.constant 16 : i32
        %mul3A_732 = arith.muli %scan3A_343, %mul3A_731 : i32
        %swap3A_733 = arith.constant 0 : i32
        %swap3A_734 = arith.constant 3 : i32
        %swap3A_735 = arith.constant 3 : i32
        %swap3A_736 = arith.index_cast %swap3A_733 : i32 to index
        %swap3A_737 = arith.index_cast %swap3A_734 : i32 to index
        %swap3A_738 = arith.index_cast %swap3A_735 : i32 to index
        %swap3A_739 = arith.index_cast %mul3A_732 : i32 to index
        %swap3A_740 = tpu.vector_load %arg13[%swap3A_736, %swap3A_737, %swap3A_738, %swap3A_739] {strides = array<i32>} : memref<2x8x8x130xf32, #tpu.memory_space<vmem>>, vector<16xf32>,
        tpu.vector_store %arg13[%swap3A_736, %swap3A_737, %swap3A_738, %swap3A_739], %mul3A_730 {strides = array<i32>} : memref<2x8x8x130xf32, #tpu.memory_space<vmem>>, vector<16xf32>,
        %slice3A_741 = vector.extract_strided_slice %get3A_301 {offsets = [12], sizes = [1], strides = [1]} : vector<16xf32> to vector<1xf32>
        %squeeze3A_742 = vector.extract %slice3A_741[0] : f32 from vector<1xf32>
        %mul3A_743 = vector.broadcast %squeeze3A_742 : f32 to vector<16xf32>
        %mul3A_744 = arith.mulf %mul3A_743, %get3A_351 : vector<16xf32>
        %mul3A_745 = arith.constant 16 : i32
        %mul3A_746 = arith.muli %scan3A_343, %mul3A_745 : i32
        %swap3A_747 = arith.constant 0 : i32
        %swap3A_748 = arith.constant 3 : i32
        %swap3A_749 = arith.constant 4 : i32
        %swap3A_750 = arith.index_cast %swap3A_747 : i32 to index
        %swap3A_751 = arith.index_cast %swap3A_748 : i32 to index
        %swap3A_752 = arith.index_cast %swap3A_749 : i32 to index
        %swap3A_753 = arith.index_cast %mul3A_746 : i32 to index
        %swap3A_754 = tpu.vector_load %arg13[%swap3A_750, %swap3A_751, %swap3A_752, %swap3A_753] {strides = array<i32>} : memref<2x8x8x130xf32, #tpu.memory_space<vmem>>, vector<16xf32>,
        tpu.vector_store %arg13[%swap3A_750, %swap3A_751, %swap3A_752, %swap3A_753], %mul3A_744 {strides = array<i32>} : memref<2x8x8x130xf32, #tpu.memory_space<vmem>>, vector<16xf32>,
        %slice3A_755 = vector.extract_strided_slice %get3A_301 {offsets = [13], sizes = [1], strides = [1]} : vector<16xf32> to vector<1xf32>
        %squeeze3A_756 = vector.extract %slice3A_755[0] : f32 from vector<1xf32>
        %mul3A_757 = vector.broadcast %squeeze3A_756 : f32 to vector<16xf32>
        %mul3A_758 = arith.mulf %mul3A_757, %get3A_351 : vector<16xf32>
        %mul3A_759 = arith.constant 16 : i32
        %mul3A_760 = arith.muli %scan3A_343, %mul3A_759 : i32
        %swap3A_761 = arith.constant 0 : i32
        %swap3A_762 = arith.constant 3 : i32
        %swap3A_763 = arith.constant 5 : i32
        %swap3A_764 = arith.index_cast %swap3A_761 : i32 to index
        %swap3A_765 = arith.index_cast %swap3A_762 : i32 to index
        %swap3A_766 = arith.index_cast %swap3A_763 : i32 to index
        %swap3A_767 = arith.index_cast %mul3A_760 : i32 to index
        %swap3A_768 = tpu.vector_load %arg13[%swap3A_764, %swap3A_765, %swap3A_766, %swap3A_767] {strides = array<i32>} : memref<2x8x8x130xf32, #tpu.memory_space<vmem>>, vector<16xf32>,
        tpu.vector_store %arg13[%swap3A_764, %swap3A_765, %swap3A_766, %swap3A_767], %mul3A_758 {strides = array<i32>} : memref<2x8x8x130xf32, #tpu.memory_space<vmem>>, vector<16xf32>,
        %slice3A_769 = vector.extract_strided_slice %get3A_301 {offsets = [14], sizes = [1], strides = [1]} : vector<16xf32> to vector<1xf32>
        %squeeze3A_770 = vector.extract %slice3A_769[0] : f32 from vector<1xf32>
        %mul3A_771 = vector.broadcast %squeeze3A_770 : f32 to vector<16xf32>
        %mul3A_772 = arith.mulf %mul3A_771, %get3A_351 : vector<16xf32>
        %mul3A_773 = arith.constant 16 : i32
        %mul3A_774 = arith.muli %scan3A_343, %mul3A_773 : i32
        %swap3A_775 = arith.constant 0 : i32
        %swap3A_776 = arith.constant 3 : i32
        %swap3A_777 = arith.constant 6 : i32
        %swap3A_778 = arith.index_cast %swap3A_775 : i32 to index
        %swap3A_779 = arith.index_cast %swap3A_776 : i32 to index
        %swap3A_780 = arith.index_cast %swap3A_777 : i32 to index
        %swap3A_781 = arith.index_cast %mul3A_774 : i32 to index
        %swap3A_782 = tpu.vector_load %arg13[%swap3A_778, %swap3A_779, %swap3A_780, %swap3A_781] {strides = array<i32>} : memref<2x8x8x130xf32, #tpu.memory_space<vmem>>, vector<16xf32>,
        tpu.vector_store %arg13[%swap3A_778, %swap3A_779, %swap3A_780, %swap3A_781], %mul3A_772 {strides = array<i32>} : memref<2x8x8x130xf32, #tpu.memory_space<vmem>>, vector<16xf32>,
        %slice3A_783 = vector.extract_strided_slice %get3A_301 {offsets = [15], sizes = [1], strides = [1]} : vector<16xf32> to vector<1xf32>
        %squeeze3A_784 = vector.extract %slice3A_783[0] : f32 from vector<1xf32>
        %mul3A_785 = vector.broadcast %squeeze3A_784 : f32 to vector<16xf32>
        %mul3A_786 = arith.mulf %mul3A_785, %get3A_351 : vector<16xf32>
        %mul3A_787 = arith.constant 16 : i32
        %mul3A_788 = arith.muli %scan3A_343, %mul3A_787 : i32
        %swap3A_789 = arith.constant 0 : i32
        %swap3A_790 = arith.constant 3 : i32
        %swap3A_791 = arith.constant 7 : i32
        %swap3A_792 = arith.index_cast %swap3A_789 : i32 to index
        %swap3A_793 = arith.index_cast %swap3A_790 : i32 to index
        %swap3A_794 = arith.index_cast %swap3A_791 : i32 to index
        %swap3A_795 = arith.index_cast %mul3A_788 : i32 to index
        %swap3A_796 = tpu.vector_load %arg13[%swap3A_792, %swap3A_793, %swap3A_794, %swap3A_795] {strides = array<i32>} : memref<2x8x8x130xf32, #tpu.memory_space<vmem>>, vector<16xf32>,
        tpu.vector_store %arg13[%swap3A_792, %swap3A_793, %swap3A_794, %swap3A_795], %mul3A_786 {strides = array<i32>} : memref<2x8x8x130xf32, #tpu.memory_space<vmem>>, vector<16xf32>,
        %slice3A_797 = vector.extract_strided_slice %get3A_307 {offsets = [0], sizes = [1], strides = [1]} : vector<16xf32> to vector<1xf32>
        %squeeze3A_798 = vector.extract %slice3A_797[0] : f32 from vector<1xf32>
        %mul3A_799 = vector.broadcast %squeeze3A_798 : f32 to vector<16xf32>
        %mul3A_800 = arith.mulf %mul3A_799, %get3A_351 : vector<16xf32>
        %mul3A_801 = arith.constant 16 : i32
        %mul3A_802 = arith.muli %scan3A_343, %mul3A_801 : i32
        %swap3A_803 = arith.constant 0 : i32
        %swap3A_804 = arith.constant 4 : i32
        %swap3A_805 = arith.constant 0 : i32
        %swap3A_806 = arith.index_cast %swap3A_803 : i32 to index
        %swap3A_807 = arith.index_cast %swap3A_804 : i32 to index
        %swap3A_808 = arith.index_cast %swap3A_805 : i32 to index
        %swap3A_809 = arith.index_cast %mul3A_802 : i32 to index
        %swap3A_810 = tpu.vector_load %arg13[%swap3A_806, %swap3A_807, %swap3A_808, %swap3A_809] {strides = array<i32>} : memref<2x8x8x130xf32, #tpu.memory_space<vmem>>, vector<16xf32>,
        tpu.vector_store %arg13[%swap3A_806, %swap3A_807, %swap3A_808, %swap3A_809], %mul3A_800 {strides = array<i32>} : memref<2x8x8x130xf32, #tpu.memory_space<vmem>>, vector<16xf32>,
        %slice3A_811 = vector.extract_strided_slice %get3A_307 {offsets = [1], sizes = [1], strides = [1]} : vector<16xf32> to vector<1xf32>
        %squeeze3A_812 = vector.extract %slice3A_811[0] : f32 from vector<1xf32>
        %mul3A_813 = vector.broadcast %squeeze3A_812 : f32 to vector<16xf32>
        %mul3A_814 = arith.mulf %mul3A_813, %get3A_351 : vector<16xf32>
        %mul3A_815 = arith.constant 16 : i32
        %mul3A_816 = arith.muli %scan3A_343, %mul3A_815 : i32
        %swap3A_817 = arith.constant 0 : i32
        %swap3A_818 = arith.constant 4 : i32
        %swap3A_819 = arith.constant 1 : i32
        %swap3A_820 = arith.index_cast %swap3A_817 : i32 to index
        %swap3A_821 = arith.index_cast %swap3A_818 : i32 to index
        %swap3A_822 = arith.index_cast %swap3A_819 : i32 to index
        %swap3A_823 = arith.index_cast %mul3A_816 : i32 to index
        %swap3A_824 = tpu.vector_load %arg13[%swap3A_820, %swap3A_821, %swap3A_822, %swap3A_823] {strides = array<i32>} : memref<2x8x8x130xf32, #tpu.memory_space<vmem>>, vector<16xf32>,
        tpu.vector_store %arg13[%swap3A_820, %swap3A_821, %swap3A_822, %swap3A_823], %mul3A_814 {strides = array<i32>} : memref<2x8x8x130xf32, #tpu.memory_space<vmem>>, vector<16xf32>,
        %slice3A_825 = vector.extract_strided_slice %get3A_307 {offsets = [2], sizes = [1], strides = [1]} : vector<16xf32> to vector<1xf32>
        %squeeze3A_826 = vector.extract %slice3A_825[0] : f32 from vector<1xf32>
        %mul3A_827 = vector.broadcast %squeeze3A_826 : f32 to vector<16xf32>
        %mul3A_828 = arith.mulf %mul3A_827, %get3A_351 : vector<16xf32>
        %mul3A_829 = arith.constant 16 : i32
        %mul3A_830 = arith.muli %scan3A_343, %mul3A_829 : i32
        %swap3A_831 = arith.constant 0 : i32
        %swap3A_832 = arith.constant 4 : i32
        %swap3A_833 = arith.constant 2 : i32
        %swap3A_834 = arith.index_cast %swap3A_831 : i32 to index
        %swap3A_835 = arith.index_cast %swap3A_832 : i32 to index
        %swap3A_836 = arith.index_cast %swap3A_833 : i32 to index
        %swap3A_837 = arith.index_cast %mul3A_830 : i32 to index
        %swap3A_838 = tpu.vector_load %arg13[%swap3A_834, %swap3A_835, %swap3A_836, %swap3A_837] {strides = array<i32>} : memref<2x8x8x130xf32, #tpu.memory_space<vmem>>, vector<16xf32>,
        tpu.vector_store %arg13[%swap3A_834, %swap3A_835, %swap3A_836, %swap3A_837], %mul3A_828 {strides = array<i32>} : memref<2x8x8x130xf32, #tpu.memory_space<vmem>>, vector<16xf32>,
        %slice3A_839 = vector.extract_strided_slice %get3A_307 {offsets = [3], sizes = [1], strides = [1]} : vector<16xf32> to vector<1xf32>
        %squeeze3A_840 = vector.extract %slice3A_839[0] : f32 from vector<1xf32>
        %mul3A_841 = vector.broadcast %squeeze3A_840 : f32 to vector<16xf32>
        %mul3A_842 = arith.mulf %mul3A_841, %get3A_351 : vector<16xf32>
        %mul3A_843 = arith.constant 16 : i32
        %mul3A_844 = arith.muli %scan3A_343, %mul3A_843 : i32
        %swap3A_845 = arith.constant 0 : i32
        %swap3A_846 = arith.constant 4 : i32
        %swap3A_847 = arith.constant 3 : i32
        %swap3A_848 = arith.index_cast %swap3A_845 : i32 to index
        %swap3A_849 = arith.index_cast %swap3A_846 : i32 to index
        %swap3A_850 = arith.index_cast %swap3A_847 : i32 to index
        %swap3A_851 = arith.index_cast %mul3A_844 : i32 to index
        %swap3A_852 = tpu.vector_load %arg13[%swap3A_848, %swap3A_849, %swap3A_850, %swap3A_851] {strides = array<i32>} : memref<2x8x8x130xf32, #tpu.memory_space<vmem>>, vector<16xf32>,
        tpu.vector_store %arg13[%swap3A_848, %swap3A_849, %swap3A_850, %swap3A_851], %mul3A_842 {strides = array<i32>} : memref<2x8x8x130xf32, #tpu.memory_space<vmem>>, vector<16xf32>,
        %slice3A_853 = vector.extract_strided_slice %get3A_307 {offsets = [4], sizes = [1], strides = [1]} : vector<16xf32> to vector<1xf32>
        %squeeze3A_854 = vector.extract %slice3A_853[0] : f32 from vector<1xf32>
        %mul3A_855 = vector.broadcast %squeeze3A_854 : f32 to vector<16xf32>
        %mul3A_856 = arith.mulf %mul3A_855, %get3A_351 : vector<16xf32>
        %mul3A_857 = arith.constant 16 : i32
        %mul3A_858 = arith.muli %scan3A_343, %mul3A_857 : i32
        %swap3A_859 = arith.constant 0 : i32
        %swap3A_860 = arith.constant 4 : i32
        %swap3A_861 = arith.constant 4 : i32
        %swap3A_862 = arith.index_cast %swap3A_859 : i32 to index
        %swap3A_863 = arith.index_cast %swap3A_860 : i32 to index
        %swap3A_864 = arith.index_cast %swap3A_861 : i32 to index
        %swap3A_865 = arith.index_cast %mul3A_858 : i32 to index
        %swap3A_866 = tpu.vector_load %arg13[%swap3A_862, %swap3A_863, %swap3A_864, %swap3A_865] {strides = array<i32>} : memref<2x8x8x130xf32, #tpu.memory_space<vmem>>, vector<16xf32>,
        tpu.vector_store %arg13[%swap3A_862, %swap3A_863, %swap3A_864, %swap3A_865], %mul3A_856 {strides = array<i32>} : memref<2x8x8x130xf32, #tpu.memory_space<vmem>>, vector<16xf32>,
        %slice3A_867 = vector.extract_strided_slice %get3A_307 {offsets = [5], sizes = [1], strides = [1]} : vector<16xf32> to vector<1xf32>
        %squeeze3A_868 = vector.extract %slice3A_867[0] : f32 from vector<1xf32>
        %mul3A_869 = vector.broadcast %squeeze3A_868 : f32 to vector<16xf32>
        %mul3A_870 = arith.mulf %mul3A_869, %get3A_351 : vector<16xf32>
        %mul3A_871 = arith.constant 16 : i32
        %mul3A_872 = arith.muli %scan3A_343, %mul3A_871 : i32
        %swap3A_873 = arith.constant 0 : i32
        %swap3A_874 = arith.constant 4 : i32
        %swap3A_875 = arith.constant 5 : i32
        %swap3A_876 = arith.index_cast %swap3A_873 : i32 to index
        %swap3A_877 = arith.index_cast %swap3A_874 : i32 to index
        %swap3A_878 = arith.index_cast %swap3A_875 : i32 to index
        %swap3A_879 = arith.index_cast %mul3A_872 : i32 to index
        %swap3A_880 = tpu.vector_load %arg13[%swap3A_876, %swap3A_877, %swap3A_878, %swap3A_879] {strides = array<i32>} : memref<2x8x8x130xf32, #tpu.memory_space<vmem>>, vector<16xf32>,
        tpu.vector_store %arg13[%swap3A_876, %swap3A_877, %swap3A_878, %swap3A_879], %mul3A_870 {strides = array<i32>} : memref<2x8x8x130xf32, #tpu.memory_space<vmem>>, vector<16xf32>,
        %slice3A_881 = vector.extract_strided_slice %get3A_307 {offsets = [6], sizes = [1], strides = [1]} : vector<16xf32> to vector<1xf32>
        %squeeze3A_882 = vector.extract %slice3A_881[0] : f32 from vector<1xf32>
        %mul3A_883 = vector.broadcast %squeeze3A_882 : f32 to vector<16xf32>
        %mul3A_884 = arith.mulf %mul3A_883, %get3A_351 : vector<16xf32>
        %mul3A_885 = arith.constant 16 : i32
        %mul3A_886 = arith.muli %scan3A_343, %mul3A_885 : i32
        %swap3A_887 = arith.constant 0 : i32
        %swap3A_888 = arith.constant 4 : i32
        %swap3A_889 = arith.constant 6 : i32
        %swap3A_890 = arith.index_cast %swap3A_887 : i32 to index
        %swap3A_891 = arith.index_cast %swap3A_888 : i32 to index
        %swap3A_892 = arith.index_cast %swap3A_889 : i32 to index
        %swap3A_893 = arith.index_cast %mul3A_886 : i32 to index
        %swap3A_894 = tpu.vector_load %arg13[%swap3A_890, %swap3A_891, %swap3A_892, %swap3A_893] {strides = array<i32>} : memref<2x8x8x130xf32, #tpu.memory_space<vmem>>, vector<16xf32>,
        tpu.vector_store %arg13[%swap3A_890, %swap3A_891, %swap3A_892, %swap3A_893], %mul3A_884 {strides = array<i32>} : memref<2x8x8x130xf32, #tpu.memory_space<vmem>>, vector<16xf32>,
        %slice3A_895 = vector.extract_strided_slice %get3A_307 {offsets = [7], sizes = [1], strides = [1]} : vector<16xf32> to vector<1xf32>
        %squeeze3A_896 = vector.extract %slice3A_895[0] : f32 from vector<1xf32>
        %mul3A_897 = vector.broadcast %squeeze3A_896 : f32 to vector<16xf32>
        %mul3A_898 = arith.mulf %mul3A_897, %get3A_351 : vector<16xf32>
        %mul3A_899 = arith.constant 16 : i32
        %mul3A_900 = arith.muli %scan3A_343, %mul3A_899 : i32
        %swap3A_901 = arith.constant 0 : i32
        %swap3A_902 = arith.constant 4 : i32
        %swap3A_903 = arith.constant 7 : i32
        %swap3A_904 = arith.index_cast %swap3A_901 : i32 to index
        %swap3A_905 = arith.index_cast %swap3A_902 : i32 to index
        %swap3A_906 = arith.index_cast %swap3A_903 : i32 to index
        %swap3A_907 = arith.index_cast %mul3A_900 : i32 to index
        %swap3A_908 = tpu.vector_load %arg13[%swap3A_904, %swap3A_905, %swap3A_906, %swap3A_907] {strides = array<i32>} : memref<2x8x8x130xf32, #tpu.memory_space<vmem>>, vector<16xf32>,
        tpu.vector_store %arg13[%swap3A_904, %swap3A_905, %swap3A_906, %swap3A_907], %mul3A_898 {strides = array<i32>} : memref<2x8x8x130xf32, #tpu.memory_space<vmem>>, vector<16xf32>,
        %slice3A_909 = vector.extract_strided_slice %get3A_307 {offsets = [8], sizes = [1], strides = [1]} : vector<16xf32> to vector<1xf32>
        %squeeze3A_910 = vector.extract %slice3A_909[0] : f32 from vector<1xf32>
        %mul3A_911 = vector.broadcast %squeeze3A_910 : f32 to vector<16xf32>
        %mul3A_912 = arith.mulf %mul3A_911, %get3A_351 : vector<16xf32>
        %mul3A_913 = arith.constant 16 : i32
        %mul3A_914 = arith.muli %scan3A_343, %mul3A_913 : i32
        %swap3A_915 = arith.constant 0 : i32
        %swap3A_916 = arith.constant 5 : i32
        %swap3A_917 = arith.constant 0 : i32
        %swap3A_918 = arith.index_cast %swap3A_915 : i32 to index
        %swap3A_919 = arith.index_cast %swap3A_916 : i32 to index
        %swap3A_920 = arith.index_cast %swap3A_917 : i32 to index
        %swap3A_921 = arith.index_cast %mul3A_914 : i32 to index
        %swap3A_922 = tpu.vector_load %arg13[%swap3A_918, %swap3A_919, %swap3A_920, %swap3A_921] {strides = array<i32>} : memref<2x8x8x130xf32, #tpu.memory_space<vmem>>, vector<16xf32>,
        tpu.vector_store %arg13[%swap3A_918, %swap3A_919, %swap3A_920, %swap3A_921], %mul3A_912 {strides = array<i32>} : memref<2x8x8x130xf32, #tpu.memory_space<vmem>>, vector<16xf32>,
        %slice3A_923 = vector.extract_strided_slice %get3A_307 {offsets = [9], sizes = [1], strides = [1]} : vector<16xf32> to vector<1xf32>
        %squeeze3A_924 = vector.extract %slice3A_923[0] : f32 from vector<1xf32>
        %mul3A_925 = vector.broadcast %squeeze3A_924 : f32 to vector<16xf32>
        %mul3A_926 = arith.mulf %mul3A_925, %get3A_351 : vector<16xf32>
        %mul3A_927 = arith.constant 16 : i32
        %mul3A_928 = arith.muli %scan3A_343, %mul3A_927 : i32
        %swap3A_929 = arith.constant 0 : i32
        %swap3A_930 = arith.constant 5 : i32
        %swap3A_931 = arith.constant 1 : i32
        %swap3A_932 = arith.index_cast %swap3A_929 : i32 to index
        %swap3A_933 = arith.index_cast %swap3A_930 : i32 to index
        %swap3A_934 = arith.index_cast %swap3A_931 : i32 to index
        %swap3A_935 = arith.index_cast %mul3A_928 : i32 to index
        %swap3A_936 = tpu.vector_load %arg13[%swap3A_932, %swap3A_933, %swap3A_934, %swap3A_935] {strides = array<i32>} : memref<2x8x8x130xf32, #tpu.memory_space<vmem>>, vector<16xf32>,
        tpu.vector_store %arg13[%swap3A_932, %swap3A_933, %swap3A_934, %swap3A_935], %mul3A_926 {strides = array<i32>} : memref<2x8x8x130xf32, #tpu.memory_space<vmem>>, vector<16xf32>,
        %slice3A_937 = vector.extract_strided_slice %get3A_307 {offsets = [10], sizes = [1], strides = [1]} : vector<16xf32> to vector<1xf32>
        %squeeze3A_938 = vector.extract %slice3A_937[0] : f32 from vector<1xf32>
        %mul3A_939 = vector.broadcast %squeeze3A_938 : f32 to vector<16xf32>
        %mul3A_940 = arith.mulf %mul3A_939, %get3A_351 : vector<16xf32>
        %mul3A_941 = arith.constant 16 : i32
        %mul3A_942 = arith.muli %scan3A_343, %mul3A_941 : i32
        %swap3A_943 = arith.constant 0 : i32
        %swap3A_944 = arith.constant 5 : i32
        %swap3A_945 = arith.constant 2 : i32
        %swap3A_946 = arith.index_cast %swap3A_943 : i32 to index
        %swap3A_947 = arith.index_cast %swap3A_944 : i32 to index
        %swap3A_948 = arith.index_cast %swap3A_945 : i32 to index
        %swap3A_949 = arith.index_cast %mul3A_942 : i32 to index
        %swap3A_950 = tpu.vector_load %arg13[%swap3A_946, %swap3A_947, %swap3A_948, %swap3A_949] {strides = array<i32>} : memref<2x8x8x130xf32, #tpu.memory_space<vmem>>, vector<16xf32>,
        tpu.vector_store %arg13[%swap3A_946, %swap3A_947, %swap3A_948, %swap3A_949], %mul3A_940 {strides = array<i32>} : memref<2x8x8x130xf32, #tpu.memory_space<vmem>>, vector<16xf32>,
        %slice3A_951 = vector.extract_strided_slice %get3A_307 {offsets = [11], sizes = [1], strides = [1]} : vector<16xf32> to vector<1xf32>
        %squeeze3A_952 = vector.extract %slice3A_951[0] : f32 from vector<1xf32>
        %mul3A_953 = vector.broadcast %squeeze3A_952 : f32 to vector<16xf32>
        %mul3A_954 = arith.mulf %mul3A_953, %get3A_351 : vector<16xf32>
        %mul3A_955 = arith.constant 16 : i32
        %mul3A_956 = arith.muli %scan3A_343, %mul3A_955 : i32
        %swap3A_957 = arith.constant 0 : i32
        %swap3A_958 = arith.constant 5 : i32
        %swap3A_959 = arith.constant 3 : i32
        %swap3A_960 = arith.index_cast %swap3A_957 : i32 to index
        %swap3A_961 = arith.index_cast %swap3A_958 : i32 to index
        %swap3A_962 = arith.index_cast %swap3A_959 : i32 to index
        %swap3A_963 = arith.index_cast %mul3A_956 : i32 to index
        %swap3A_964 = tpu.vector_load %arg13[%swap3A_960, %swap3A_961, %swap3A_962, %swap3A_963] {strides = array<i32>} : memref<2x8x8x130xf32, #tpu.memory_space<vmem>>, vector<16xf32>,
        tpu.vector_store %arg13[%swap3A_960, %swap3A_961, %swap3A_962, %swap3A_963], %mul3A_954 {strides = array<i32>} : memref<2x8x8x130xf32, #tpu.memory_space<vmem>>, vector<16xf32>,
        %slice3A_965 = vector.extract_strided_slice %get3A_307 {offsets = [12], sizes = [1], strides = [1]} : vector<16xf32> to vector<1xf32>
        %squeeze3A_966 = vector.extract %slice3A_965[0] : f32 from vector<1xf32>
        %mul3A_967 = vector.broadcast %squeeze3A_966 : f32 to vector<16xf32>
        %mul3A_968 = arith.mulf %mul3A_967, %get3A_351 : vector<16xf32>
        %mul3A_969 = arith.constant 16 : i32
        %mul3A_970 = arith.muli %scan3A_343, %mul3A_969 : i32
        %swap3A_971 = arith.constant 0 : i32
        %swap3A_972 = arith.constant 5 : i32
        %swap3A_973 = arith.constant 4 : i32
        %swap3A_974 = arith.index_cast %swap3A_971 : i32 to index
        %swap3A_975 = arith.index_cast %swap3A_972 : i32 to index
        %swap3A_976 = arith.index_cast %swap3A_973 : i32 to index
        %swap3A_977 = arith.index_cast %mul3A_970 : i32 to index
        %swap3A_978 = tpu.vector_load %arg13[%swap3A_974, %swap3A_975, %swap3A_976, %swap3A_977] {strides = array<i32>} : memref<2x8x8x130xf32, #tpu.memory_space<vmem>>, vector<16xf32>,
        tpu.vector_store %arg13[%swap3A_974, %swap3A_975, %swap3A_976, %swap3A_977], %mul3A_968 {strides = array<i32>} : memref<2x8x8x130xf32, #tpu.memory_space<vmem>>, vector<16xf32>,
        %slice3A_979 = vector.extract_strided_slice %get3A_307 {offsets = [13], sizes = [1], strides = [1]} : vector<16xf32> to vector<1xf32>
        %squeeze3A_980 = vector.extract %slice3A_979[0] : f32 from vector<1xf32>
        %mul3A_981 = vector.broadcast %squeeze3A_980 : f32 to vector<16xf32>
        %mul3A_982 = arith.mulf %mul3A_981, %get3A_351 : vector<16xf32>
        %mul3A_983 = arith.constant 16 : i32
        %mul3A_984 = arith.muli %scan3A_343, %mul3A_983 : i32
        %swap3A_985 = arith.constant 0 : i32
        %swap3A_986 = arith.constant 5 : i32
        %swap3A_987 = arith.constant 5 : i32
        %swap3A_988 = arith.index_cast %swap3A_985 : i32 to index
        %swap3A_989 = arith.index_cast %swap3A_986 : i32 to index
        %swap3A_990 = arith.index_cast %swap3A_987 : i32 to index
        %swap3A_991 = arith.index_cast %mul3A_984 : i32 to index
        %swap3A_992 = tpu.vector_load %arg13[%swap3A_988, %swap3A_989, %swap3A_990, %swap3A_991] {strides = array<i32>} : memref<2x8x8x130xf32, #tpu.memory_space<vmem>>, vector<16xf32>,
        tpu.vector_store %arg13[%swap3A_988, %swap3A_989, %swap3A_990, %swap3A_991], %mul3A_982 {strides = array<i32>} : memref<2x8x8x130xf32, #tpu.memory_space<vmem>>, vector<16xf32>,
        %slice3A_993 = vector.extract_strided_slice %get3A_307 {offsets = [14], sizes = [1], strides = [1]} : vector<16xf32> to vector<1xf32>
        %squeeze3A_994 = vector.extract %slice3A_993[0] : f32 from vector<1xf32>
        %mul3A_995 = vector.broadcast %squeeze3A_994 : f32 to vector<16xf32>
        %mul3A_996 = arith.mulf %mul3A_995, %get3A_351 : vector<16xf32>
        %mul3A_997 = arith.constant 16 : i32
        %mul3A_998 = arith.muli %scan3A_343, %mul3A_997 : i32
        %swap3A_999 = arith.constant 0 : i32
        %swap3A_1000 = arith.constant 5 : i32
        %swap3A_1001 = arith.constant 6 : i32
        %swap3A_1002 = arith.index_cast %swap3A_999 : i32 to index
        %swap3A_1003 = arith.index_cast %swap3A_1000 : i32 to index
        %swap3A_1004 = arith.index_cast %swap3A_1001 : i32 to index
        %swap3A_1005 = arith.index_cast %mul3A_998 : i32 to index
        %swap3A_1006 = tpu.vector_load %arg13[%swap3A_1002, %swap3A_1003, %swap3A_1004, %swap3A_1005] {strides = array<i32>} : memref<2x8x8x130xf32, #tpu.memory_space<vmem>>, vector<16xf32>,
        tpu.vector_store %arg13[%swap3A_1002, %swap3A_1003, %swap3A_1004, %swap3A_1005], %mul3A_996 {strides = array<i32>} : memref<2x8x8x130xf32, #tpu.memory_space<vmem>>, vector<16xf32>,
        %slice3A_1007 = vector.extract_strided_slice %get3A_307 {offsets = [15], sizes = [1], strides = [1]} : vector<16xf32> to vector<1xf32>
        %squeeze3A_1008 = vector.extract %slice3A_1007[0] : f32 from vector<1xf32>
        %mul3A_1009 = vector.broadcast %squeeze3A_1008 : f32 to vector<16xf32>
        %mul3A_1010 = arith.mulf %mul3A_1009, %get3A_351 : vector<16xf32>
        %mul3A_1011 = arith.constant 16 : i32
        %mul3A_1012 = arith.muli %scan3A_343, %mul3A_1011 : i32
        %swap3A_1013 = arith.constant 0 : i32
        %swap3A_1014 = arith.constant 5 : i32
        %swap3A_1015 = arith.constant 7 : i32
        %swap3A_1016 = arith.index_cast %swap3A_1013 : i32 to index
        %swap3A_1017 = arith.index_cast %swap3A_1014 : i32 to index
        %swap3A_1018 = arith.index_cast %swap3A_1015 : i32 to index
        %swap3A_1019 = arith.index_cast %mul3A_1012 : i32 to index
        %swap3A_1020 = tpu.vector_load %arg13[%swap3A_1016, %swap3A_1017, %swap3A_1018, %swap3A_1019] {strides = array<i32>} : memref<2x8x8x130xf32, #tpu.memory_space<vmem>>, vector<16xf32>,
        tpu.vector_store %arg13[%swap3A_1016, %swap3A_1017, %swap3A_1018, %swap3A_1019], %mul3A_1010 {strides = array<i32>} : memref<2x8x8x130xf32, #tpu.memory_space<vmem>>, vector<16xf32>,
        %slice3A_1021 = vector.extract_strided_slice %get3A_313 {offsets = [0], sizes = [1], strides = [1]} : vector<16xf32> to vector<1xf32>
        %squeeze3A_1022 = vector.extract %slice3A_1021[0] : f32 from vector<1xf32>
        %mul3A_1023 = vector.broadcast %squeeze3A_1022 : f32 to vector<16xf32>
        %mul3A_1024 = arith.mulf %mul3A_1023, %get3A_351 : vector<16xf32>
        %mul3A_1025 = arith.constant 16 : i32
        %mul3A_1026 = arith.muli %scan3A_343, %mul3A_1025 : i32
        %swap3A_1027 = arith.constant 0 : i32
        %swap3A_1028 = arith.constant 6 : i32
        %swap3A_1029 = arith.constant 0 : i32
        %swap3A_1030 = arith.index_cast %swap3A_1027 : i32 to index
        %swap3A_1031 = arith.index_cast %swap3A_1028 : i32 to index
        %swap3A_1032 = arith.index_cast %swap3A_1029 : i32 to index
        %swap3A_1033 = arith.index_cast %mul3A_1026 : i32 to index
        %swap3A_1034 = tpu.vector_load %arg13[%swap3A_1030, %swap3A_1031, %swap3A_1032, %swap3A_1033] {strides = array<i32>} : memref<2x8x8x130xf32, #tpu.memory_space<vmem>>, vector<16xf32>,
        tpu.vector_store %arg13[%swap3A_1030, %swap3A_1031, %swap3A_1032, %swap3A_1033], %mul3A_1024 {strides = array<i32>} : memref<2x8x8x130xf32, #tpu.memory_space<vmem>>, vector<16xf32>,
        %slice3A_1035 = vector.extract_strided_slice %get3A_313 {offsets = [1], sizes = [1], strides = [1]} : vector<16xf32> to vector<1xf32>
        %squeeze3A_1036 = vector.extract %slice3A_1035[0] : f32 from vector<1xf32>
        %mul3A_1037 = vector.broadcast %squeeze3A_1036 : f32 to vector<16xf32>
        %mul3A_1038 = arith.mulf %mul3A_1037, %get3A_351 : vector<16xf32>
        %mul3A_1039 = arith.constant 16 : i32
        %mul3A_1040 = arith.muli %scan3A_343, %mul3A_1039 : i32
        %swap3A_1041 = arith.constant 0 : i32
        %swap3A_1042 = arith.constant 6 : i32
        %swap3A_1043 = arith.constant 1 : i32
        %swap3A_1044 = arith.index_cast %swap3A_1041 : i32 to index
        %swap3A_1045 = arith.index_cast %swap3A_1042 : i32 to index
        %swap3A_1046 = arith.index_cast %swap3A_1043 : i32 to index
        %swap3A_1047 = arith.index_cast %mul3A_1040 : i32 to index
        %swap3A_1048 = tpu.vector_load %arg13[%swap3A_1044, %swap3A_1045, %swap3A_1046, %swap3A_1047] {strides = array<i32>} : memref<2x8x8x130xf32, #tpu.memory_space<vmem>>, vector<16xf32>,
        tpu.vector_store %arg13[%swap3A_1044, %swap3A_1045, %swap3A_1046, %swap3A_1047], %mul3A_1038 {strides = array<i32>} : memref<2x8x8x130xf32, #tpu.memory_space<vmem>>, vector<16xf32>,
        %slice3A_1049 = vector.extract_strided_slice %get3A_313 {offsets = [2], sizes = [1], strides = [1]} : vector<16xf32> to vector<1xf32>
        %squeeze3A_1050 = vector.extract %slice3A_1049[0] : f32 from vector<1xf32>
        %mul3A_1051 = vector.broadcast %squeeze3A_1050 : f32 to vector<16xf32>
        %mul3A_1052 = arith.mulf %mul3A_1051, %get3A_351 : vector<16xf32>
        %mul3A_1053 = arith.constant 16 : i32
        %mul3A_1054 = arith.muli %scan3A_343, %mul3A_1053 : i32
        %swap3A_1055 = arith.constant 0 : i32
        %swap3A_1056 = arith.constant 6 : i32
        %swap3A_1057 = arith.constant 2 : i32
        %swap3A_1058 = arith.index_cast %swap3A_1055 : i32 to index
        %swap3A_1059 = arith.index_cast %swap3A_1056 : i32 to index
        %swap3A_1060 = arith.index_cast %swap3A_1057 : i32 to index
        %swap3A_1061 = arith.index_cast %mul3A_1054 : i32 to index
        %swap3A_1062 = tpu.vector_load %arg13[%swap3A_1058, %swap3A_1059, %swap3A_1060, %swap3A_1061] {strides = array<i32>} : memref<2x8x8x130xf32, #tpu.memory_space<vmem>>, vector<16xf32>,
        tpu.vector_store %arg13[%swap3A_1058, %swap3A_1059, %swap3A_1060, %swap3A_1061], %mul3A_1052 {strides = array<i32>} : memref<2x8x8x130xf32, #tpu.memory_space<vmem>>, vector<16xf32>,
        %slice3A_1063 = vector.extract_strided_slice %get3A_313 {offsets = [3], sizes = [1], strides = [1]} : vector<16xf32> to vector<1xf32>
        %squeeze3A_1064 = vector.extract %slice3A_1063[0] : f32 from vector<1xf32>
        %mul3A_1065 = vector.broadcast %squeeze3A_1064 : f32 to vector<16xf32>
        %mul3A_1066 = arith.mulf %mul3A_1065, %get3A_351 : vector<16xf32>
        %mul3A_1067 = arith.constant 16 : i32
        %mul3A_1068 = arith.muli %scan3A_343, %mul3A_1067 : i32
        %swap3A_1069 = arith.constant 0 : i32
        %swap3A_1070 = arith.constant 6 : i32
        %swap3A_1071 = arith.constant 3 : i32
        %swap3A_1072 = arith.index_cast %swap3A_1069 : i32 to index
        %swap3A_1073 = arith.index_cast %swap3A_1070 : i32 to index
        %swap3A_1074 = arith.index_cast %swap3A_1071 : i32 to index
        %swap3A_1075 = arith.index_cast %mul3A_1068 : i32 to index
        %swap3A_1076 = tpu.vector_load %arg13[%swap3A_1072, %swap3A_1073, %swap3A_1074, %swap3A_1075] {strides = array<i32>} : memref<2x8x8x130xf32, #tpu.memory_space<vmem>>, vector<16xf32>,
        tpu.vector_store %arg13[%swap3A_1072, %swap3A_1073, %swap3A_1074, %swap3A_1075], %mul3A_1066 {strides = array<i32>} : memref<2x8x8x130xf32, #tpu.memory_space<vmem>>, vector<16xf32>,
        %slice3A_1077 = vector.extract_strided_slice %get3A_313 {offsets = [4], sizes = [1], strides = [1]} : vector<16xf32> to vector<1xf32>
        %squeeze3A_1078 = vector.extract %slice3A_1077[0] : f32 from vector<1xf32>
        %mul3A_1079 = vector.broadcast %squeeze3A_1078 : f32 to vector<16xf32>
        %mul3A_1080 = arith.mulf %mul3A_1079, %get3A_351 : vector<16xf32>
        %mul3A_1081 = arith.constant 16 : i32
        %mul3A_1082 = arith.muli %scan3A_343, %mul3A_1081 : i32
        %swap3A_1083 = arith.constant 0 : i32
        %swap3A_1084 = arith.constant 6 : i32
        %swap3A_1085 = arith.constant 4 : i32
        %swap3A_1086 = arith.index_cast %swap3A_1083 : i32 to index
        %swap3A_1087 = arith.index_cast %swap3A_1084 : i32 to index
        %swap3A_1088 = arith.index_cast %swap3A_1085 : i32 to index
        %swap3A_1089 = arith.index_cast %mul3A_1082 : i32 to index
        %swap3A_1090 = tpu.vector_load %arg13[%swap3A_1086, %swap3A_1087, %swap3A_1088, %swap3A_1089] {strides = array<i32>} : memref<2x8x8x130xf32, #tpu.memory_space<vmem>>, vector<16xf32>,
        tpu.vector_store %arg13[%swap3A_1086, %swap3A_1087, %swap3A_1088, %swap3A_1089], %mul3A_1080 {strides = array<i32>} : memref<2x8x8x130xf32, #tpu.memory_space<vmem>>, vector<16xf32>,
        %slice3A_1091 = vector.extract_strided_slice %get3A_313 {offsets = [5], sizes = [1], strides = [1]} : vector<16xf32> to vector<1xf32>
        %squeeze3A_1092 = vector.extract %slice3A_1091[0] : f32 from vector<1xf32>
        %mul3A_1093 = vector.broadcast %squeeze3A_1092 : f32 to vector<16xf32>
        %mul3A_1094 = arith.mulf %mul3A_1093, %get3A_351 : vector<16xf32>
        %mul3A_1095 = arith.constant 16 : i32
        %mul3A_1096 = arith.muli %scan3A_343, %mul3A_1095 : i32
        %swap3A_1097 = arith.constant 0 : i32
        %swap3A_1098 = arith.constant 6 : i32
        %swap3A_1099 = arith.constant 5 : i32
        %swap3A_1100 = arith.index_cast %swap3A_1097 : i32 to index
        %swap3A_1101 = arith.index_cast %swap3A_1098 : i32 to index
        %swap3A_1102 = arith.index_cast %swap3A_1099 : i32 to index
        %swap3A_1103 = arith.index_cast %mul3A_1096 : i32 to index
        %swap3A_1104 = tpu.vector_load %arg13[%swap3A_1100, %swap3A_1101, %swap3A_1102, %swap3A_1103] {strides = array<i32>} : memref<2x8x8x130xf32, #tpu.memory_space<vmem>>, vector<16xf32>,
        tpu.vector_store %arg13[%swap3A_1100, %swap3A_1101, %swap3A_1102, %swap3A_1103], %mul3A_1094 {strides = array<i32>} : memref<2x8x8x130xf32, #tpu.memory_space<vmem>>, vector<16xf32>,
        %slice3A_1105 = vector.extract_strided_slice %get3A_313 {offsets = [6], sizes = [1], strides = [1]} : vector<16xf32> to vector<1xf32>
        %squeeze3A_1106 = vector.extract %slice3A_1105[0] : f32 from vector<1xf32>
        %mul3A_1107 = vector.broadcast %squeeze3A_1106 : f32 to vector<16xf32>
        %mul3A_1108 = arith.mulf %mul3A_1107, %get3A_351 : vector<16xf32>
        %mul3A_1109 = arith.constant 16 : i32
        %mul3A_1110 = arith.muli %scan3A_343, %mul3A_1109 : i32
        %swap3A_1111 = arith.constant 0 : i32
        %swap3A_1112 = arith.constant 6 : i32
        %swap3A_1113 = arith.constant 6 : i32
        %swap3A_1114 = arith.index_cast %swap3A_1111 : i32 to index
        %swap3A_1115 = arith.index_cast %swap3A_1112 : i32 to index
        %swap3A_1116 = arith.index_cast %swap3A_1113 : i32 to index
        %swap3A_1117 = arith.index_cast %mul3A_1110 : i32 to index
        %swap3A_1118 = tpu.vector_load %arg13[%swap3A_1114, %swap3A_1115, %swap3A_1116, %swap3A_1117] {strides = array<i32>} : memref<2x8x8x130xf32, #tpu.memory_space<vmem>>, vector<16xf32>,
        tpu.vector_store %arg13[%swap3A_1114, %swap3A_1115, %swap3A_1116, %swap3A_1117], %mul3A_1108 {strides = array<i32>} : memref<2x8x8x130xf32, #tpu.memory_space<vmem>>, vector<16xf32>,
        %slice3A_1119 = vector.extract_strided_slice %get3A_313 {offsets = [7], sizes = [1], strides = [1]} : vector<16xf32> to vector<1xf32>
        %squeeze3A_1120 = vector.extract %slice3A_1119[0] : f32 from vector<1xf32>
        %mul3A_1121 = vector.broadcast %squeeze3A_1120 : f32 to vector<16xf32>
        %mul3A_1122 = arith.mulf %mul3A_1121, %get3A_351 : vector<16xf32>
        %mul3A_1123 = arith.constant 16 : i32
        %mul3A_1124 = arith.muli %scan3A_343, %mul3A_1123 : i32
        %swap3A_1125 = arith.constant 0 : i32
        %swap3A_1126 = arith.constant 6 : i32
        %swap3A_1127 = arith.constant 7 : i32
        %swap3A_1128 = arith.index_cast %swap3A_1125 : i32 to index
        %swap3A_1129 = arith.index_cast %swap3A_1126 : i32 to index
        %swap3A_1130 = arith.index_cast %swap3A_1127 : i32 to index
        %swap3A_1131 = arith.index_cast %mul3A_1124 : i32 to index
        %swap3A_1132 = tpu.vector_load %arg13[%swap3A_1128, %swap3A_1129, %swap3A_1130, %swap3A_1131] {strides = array<i32>} : memref<2x8x8x130xf32, #tpu.memory_space<vmem>>, vector<16xf32>,
        tpu.vector_store %arg13[%swap3A_1128, %swap3A_1129, %swap3A_1130, %swap3A_1131], %mul3A_1122 {strides = array<i32>} : memref<2x8x8x130xf32, #tpu.memory_space<vmem>>, vector<16xf32>,
        %slice3A_1133 = vector.extract_strided_slice %get3A_313 {offsets = [8], sizes = [1], strides = [1]} : vector<16xf32> to vector<1xf32>
        %squeeze3A_1134 = vector.extract %slice3A_1133[0] : f32 from vector<1xf32>
        %mul3A_1135 = vector.broadcast %squeeze3A_1134 : f32 to vector<16xf32>
        %mul3A_1136 = arith.mulf %mul3A_1135, %get3A_351 : vector<16xf32>
        %mul3A_1137 = arith.constant 16 : i32
        %mul3A_1138 = arith.muli %scan3A_343, %mul3A_1137 : i32
        %swap3A_1139 = arith.constant 0 : i32
        %swap3A_1140 = arith.constant 7 : i32
        %swap3A_1141 = arith.constant 0 : i32
        %swap3A_1142 = arith.index_cast %swap3A_1139 : i32 to index
        %swap3A_1143 = arith.index_cast %swap3A_1140 : i32 to index
        %swap3A_1144 = arith.index_cast %swap3A_1141 : i32 to index
        %swap3A_1145 = arith.index_cast %mul3A_1138 : i32 to index
        %swap3A_1146 = tpu.vector_load %arg13[%swap3A_1142, %swap3A_1143, %swap3A_1144, %swap3A_1145] {strides = array<i32>} : memref<2x8x8x130xf32, #tpu.memory_space<vmem>>, vector<16xf32>,
        tpu.vector_store %arg13[%swap3A_1142, %swap3A_1143, %swap3A_1144, %swap3A_1145], %mul3A_1136 {strides = array<i32>} : memref<2x8x8x130xf32, #tpu.memory_space<vmem>>, vector<16xf32>,
        %slice3A_1147 = vector.extract_strided_slice %get3A_313 {offsets = [9], sizes = [1], strides = [1]} : vector<16xf32> to vector<1xf32>
        %squeeze3A_1148 = vector.extract %slice3A_1147[0] : f32 from vector<1xf32>
        %mul3A_1149 = vector.broadcast %squeeze3A_1148 : f32 to vector<16xf32>
        %mul3A_1150 = arith.mulf %mul3A_1149, %get3A_351 : vector<16xf32>
        %mul3A_1151 = arith.constant 16 : i32
        %mul3A_1152 = arith.muli %scan3A_343, %mul3A_1151 : i32
        %swap3A_1153 = arith.constant 0 : i32
        %swap3A_1154 = arith.constant 7 : i32
        %swap3A_1155 = arith.constant 1 : i32
        %swap3A_1156 = arith.index_cast %swap3A_1153 : i32 to index
        %swap3A_1157 = arith.index_cast %swap3A_1154 : i32 to index
        %swap3A_1158 = arith.index_cast %swap3A_1155 : i32 to index
        %swap3A_1159 = arith.index_cast %mul3A_1152 : i32 to index
        %swap3A_1160 = tpu.vector_load %arg13[%swap3A_1156, %swap3A_1157, %swap3A_1158, %swap3A_1159] {strides = array<i32>} : memref<2x8x8x130xf32, #tpu.memory_space<vmem>>, vector<16xf32>,
        tpu.vector_store %arg13[%swap3A_1156, %swap3A_1157, %swap3A_1158, %swap3A_1159], %mul3A_1150 {strides = array<i32>} : memref<2x8x8x130xf32, #tpu.memory_space<vmem>>, vector<16xf32>,
        %slice3A_1161 = vector.extract_strided_slice %get3A_313 {offsets = [10], sizes = [1], strides = [1]} : vector<16xf32> to vector<1xf32>
        %squeeze3A_1162 = vector.extract %slice3A_1161[0] : f32 from vector<1xf32>
        %mul3A_1163 = vector.broadcast %squeeze3A_1162 : f32 to vector<16xf32>
        %mul3A_1164 = arith.mulf %mul3A_1163, %get3A_351 : vector<16xf32>
        %mul3A_1165 = arith.constant 16 : i32
        %mul3A_1166 = arith.muli %scan3A_343, %mul3A_1165 : i32
        %swap3A_1167 = arith.constant 0 : i32
        %swap3A_1168 = arith.constant 7 : i32
        %swap3A_1169 = arith.constant 2 : i32
        %swap3A_1170 = arith.index_cast %swap3A_1167 : i32 to index
        %swap3A_1171 = arith.index_cast %swap3A_1168 : i32 to index
        %swap3A_1172 = arith.index_cast %swap3A_1169 : i32 to index
        %swap3A_1173 = arith.index_cast %mul3A_1166 : i32 to index
        %swap3A_1174 = tpu.vector_load %arg13[%swap3A_1170, %swap3A_1171, %swap3A_1172, %swap3A_1173] {strides = array<i32>} : memref<2x8x8x130xf32, #tpu.memory_space<vmem>>, vector<16xf32>,
        tpu.vector_store %arg13[%swap3A_1170, %swap3A_1171, %swap3A_1172, %swap3A_1173], %mul3A_1164 {strides = array<i32>} : memref<2x8x8x130xf32, #tpu.memory_space<vmem>>, vector<16xf32>,
        %slice3A_1175 = vector.extract_strided_slice %get3A_313 {offsets = [11], sizes = [1], strides = [1]} : vector<16xf32> to vector<1xf32>
        %squeeze3A_1176 = vector.extract %slice3A_1175[0] : f32 from vector<1xf32>
        %mul3A_1177 = vector.broadcast %squeeze3A_1176 : f32 to vector<16xf32>
        %mul3A_1178 = arith.mulf %mul3A_1177, %get3A_351 : vector<16xf32>
        %mul3A_1179 = arith.constant 16 : i32
        %mul3A_1180 = arith.muli %scan3A_343, %mul3A_1179 : i32
        %swap3A_1181 = arith.constant 0 : i32
        %swap3A_1182 = arith.constant 7 : i32
        %swap3A_1183 = arith.constant 3 : i32
        %swap3A_1184 = arith.index_cast %swap3A_1181 : i32 to index
        %swap3A_1185 = arith.index_cast %swap3A_1182 : i32 to index
        %swap3A_1186 = arith.index_cast %swap3A_1183 : i32 to index
        %swap3A_1187 = arith.index_cast %mul3A_1180 : i32 to index
        %swap3A_1188 = tpu.vector_load %arg13[%swap3A_1184, %swap3A_1185, %swap3A_1186, %swap3A_1187] {strides = array<i32>} : memref<2x8x8x130xf32, #tpu.memory_space<vmem>>, vector<16xf32>,
        tpu.vector_store %arg13[%swap3A_1184, %swap3A_1185, %swap3A_1186, %swap3A_1187], %mul3A_1178 {strides = array<i32>} : memref<2x8x8x130xf32, #tpu.memory_space<vmem>>, vector<16xf32>,
        %slice3A_1189 = vector.extract_strided_slice %get3A_313 {offsets = [12], sizes = [1], strides = [1]} : vector<16xf32> to vector<1xf32>
        %squeeze3A_1190 = vector.extract %slice3A_1189[0] : f32 from vector<1xf32>
        %mul3A_1191 = vector.broadcast %squeeze3A_1190 : f32 to vector<16xf32>
        %mul3A_1192 = arith.mulf %mul3A_1191, %get3A_351 : vector<16xf32>
        %mul3A_1193 = arith.constant 16 : i32
        %mul3A_1194 = arith.muli %scan3A_343, %mul3A_1193 : i32
        %swap3A_1195 = arith.constant 0 : i32
        %swap3A_1196 = arith.constant 7 : i32
        %swap3A_1197 = arith.constant 4 : i32
        %swap3A_1198 = arith.index_cast %swap3A_1195 : i32 to index
        %swap3A_1199 = arith.index_cast %swap3A_1196 : i32 to index
        %swap3A_1200 = arith.index_cast %swap3A_1197 : i32 to index
        %swap3A_1201 = arith.index_cast %mul3A_1194 : i32 to index
        %swap3A_1202 = tpu.vector_load %arg13[%swap3A_1198, %swap3A_1199, %swap3A_1200, %swap3A_1201] {strides = array<i32>} : memref<2x8x8x130xf32, #tpu.memory_space<vmem>>, vector<16xf32>,
        tpu.vector_store %arg13[%swap3A_1198, %swap3A_1199, %swap3A_1200, %swap3A_1201], %mul3A_1192 {strides = array<i32>} : memref<2x8x8x130xf32, #tpu.memory_space<vmem>>, vector<16xf32>,
        %slice3A_1203 = vector.extract_strided_slice %get3A_313 {offsets = [13], sizes = [1], strides = [1]} : vector<16xf32> to vector<1xf32>
        %squeeze3A_1204 = vector.extract %slice3A_1203[0] : f32 from vector<1xf32>
        %mul3A_1205 = vector.broadcast %squeeze3A_1204 : f32 to vector<16xf32>
        %mul3A_1206 = arith.mulf %mul3A_1205, %get3A_351 : vector<16xf32>
        %mul3A_1207 = arith.constant 16 : i32
        %mul3A_1208 = arith.muli %scan3A_343, %mul3A_1207 : i32
        %swap3A_1209 = arith.constant 0 : i32
        %swap3A_1210 = arith.constant 7 : i32
        %swap3A_1211 = arith.constant 5 : i32
        %swap3A_1212 = arith.index_cast %swap3A_1209 : i32 to index
        %swap3A_1213 = arith.index_cast %swap3A_1210 : i32 to index
        %swap3A_1214 = arith.index_cast %swap3A_1211 : i32 to index
        %swap3A_1215 = arith.index_cast %mul3A_1208 : i32 to index
        %swap3A_1216 = tpu.vector_load %arg13[%swap3A_1212, %swap3A_1213, %swap3A_1214, %swap3A_1215] {strides = array<i32>} : memref<2x8x8x130xf32, #tpu.memory_space<vmem>>, vector<16xf32>,
        tpu.vector_store %arg13[%swap3A_1212, %swap3A_1213, %swap3A_1214, %swap3A_1215], %mul3A_1206 {strides = array<i32>} : memref<2x8x8x130xf32, #tpu.memory_space<vmem>>, vector<16xf32>,
        %slice3A_1217 = vector.extract_strided_slice %get3A_313 {offsets = [14], sizes = [1], strides = [1]} : vector<16xf32> to vector<1xf32>
        %squeeze3A_1218 = vector.extract %slice3A_1217[0] : f32 from vector<1xf32>
        %mul3A_1219 = vector.broadcast %squeeze3A_1218 : f32 to vector<16xf32>
        %mul3A_1220 = arith.mulf %mul3A_1219, %get3A_351 : vector<16xf32>
        %mul3A_1221 = arith.constant 16 : i32
        %mul3A_1222 = arith.muli %scan3A_343, %mul3A_1221 : i32
        %swap3A_1223 = arith.constant 0 : i32
        %swap3A_1224 = arith.constant 7 : i32
        %swap3A_1225 = arith.constant 6 : i32
        %swap3A_1226 = arith.index_cast %swap3A_1223 : i32 to index
        %swap3A_1227 = arith.index_cast %swap3A_1224 : i32 to index
        %swap3A_1228 = arith.index_cast %swap3A_1225 : i32 to index
        %swap3A_1229 = arith.index_cast %mul3A_1222 : i32 to index
        %swap3A_1230 = tpu.vector_load %arg13[%swap3A_1226, %swap3A_1227, %swap3A_1228, %swap3A_1229] {strides = array<i32>} : memref<2x8x8x130xf32, #tpu.memory_space<vmem>>, vector<16xf32>,
        tpu.vector_store %arg13[%swap3A_1226, %swap3A_1227, %swap3A_1228, %swap3A_1229], %mul3A_1220 {strides = array<i32>} : memref<2x8x8x130xf32, #tpu.memory_space<vmem>>, vector<16xf32>,
        %slice3A_1231 = vector.extract_strided_slice %get3A_313 {offsets = [15], sizes = [1], strides = [1]} : vector<16xf32> to vector<1xf32>
        %squeeze3A_1232 = vector.extract %slice3A_1231[0] : f32 from vector<1xf32>
        %mul3A_1233 = vector.broadcast %squeeze3A_1232 : f32 to vector<16xf32>
        %mul3A_1234 = arith.mulf %mul3A_1233, %get3A_351 : vector<16xf32>
        %mul3A_1235 = arith.constant 16 : i32
        %mul3A_1236 = arith.muli %scan3A_343, %mul3A_1235 : i32
        %swap3A_1237 = arith.constant 0 : i32
        %swap3A_1238 = arith.constant 7 : i32
        %swap3A_1239 = arith.constant 7 : i32
        %swap3A_1240 = arith.index_cast %swap3A_1237 : i32 to index
        %swap3A_1241 = arith.index_cast %swap3A_1238 : i32 to index
        %swap3A_1242 = arith.index_cast %swap3A_1239 : i32 to index
        %swap3A_1243 = arith.index_cast %mul3A_1236 : i32 to index
        %swap3A_1244 = tpu.vector_load %arg13[%swap3A_1240, %swap3A_1241, %swap3A_1242, %swap3A_1243] {strides = array<i32>} : memref<2x8x8x130xf32, #tpu.memory_space<vmem>>, vector<16xf32>,
        tpu.vector_store %arg13[%swap3A_1240, %swap3A_1241, %swap3A_1242, %swap3A_1243], %mul3A_1234 {strides = array<i32>} : memref<2x8x8x130xf32, #tpu.memory_space<vmem>>, vector<16xf32>,
      }
      %scan3A_319 = arith.constant 8 : i32
      %add3A_320 = arith.constant 26 : i32
      %add3A_321 = arith.addi %add3A_320, %select_n3A_281 : i32
      %dma_start3A_322 = arith.constant 0 : i32
      %dma_start3A_323 = arith.constant 0 : i32
      %dma_start3A_324 = arith.constant 0 : i32
      %dma_start3A_325 = arith.constant 0 : i32
      %dma_start3A_326 = tpu.memref_slice %arg13[%dma_start3A_322, %dma_start3A_323, %dma_start3A_324, %dma_start3A_325] : memref<2x8x8x130xf32, #tpu.memory_space<vmem>> -> memref<1x8x8x128xf32, #tpu.memory_space<vmem>>
      %dma_start3A_327 = tpu.memref_squeeze %dma_start3A_326 : memref<1x8x8x128xf32, #tpu.memory_space<vmem>> -> memref<8x8x128xf32, #tpu.memory_space<vmem>>
      %dma_start3A_328 = arith.constant 0 : i32
      %dma_start3A_329 = arith.constant 0 : i32
      %dma_start3A_330 = arith.constant 0 : i32
      %dma_start3A_331 = tpu.memref_slice %arg6[%add3A_321, %dma_start3A_328, %add3A_284, %dma_start3A_329, %dma_start3A_330] : memref<39x8x128x8x128xf32, #tpu.memory_space<hbm>> -> memref<1x8x1x8x128xf32, #tpu.memory_space<hbm>>
      %dma_start3A_332 = tpu.memref_squeeze %dma_start3A_331 : memref<1x8x1x8x128xf32, #tpu.memory_space<hbm>> -> memref<8x8x128xf32, #tpu.memory_space<hbm>>
      %dma_start3A_333 = arith.constant 0 : i32
      %dma_start3A_334 = arith.constant 0 : i32
      %dma_start3A_335 = arith.constant 0 : i32
      %dma_start3A_336 = tpu.memref_slice %arg6[%add3A_321, %dma_start3A_333, %add3A_284, %dma_start3A_334, %dma_start3A_335] : memref<39x8x128x8x128xf32, #tpu.memory_space<hbm>> -> memref<1x8x1x8x128xf32, #tpu.memory_space<hbm>>
      %dma_start3A_337 = tpu.memref_squeeze %dma_start3A_336 : memref<1x8x1x8x128xf32, #tpu.memory_space<hbm>> -> memref<8x8x128xf32, #tpu.memory_space<hbm>>
      %dma_start3A_338 = arith.constant 0 : i32
      %dma_start3A_339 = arith.constant 0 : i32
      %dma_start3A_340 = arith.constant 0 : i32
      %dma_start3A_341 = tpu.memref_slice %arg13[%dma_start3A_322, %dma_start3A_338, %dma_start3A_339, %dma_start3A_340] : memref<2x8x8x130xf32, #tpu.memory_space<vmem>> -> memref<1x8x8x128xf32, #tpu.memory_space<vmem>>
      %dma_start3A_342 = tpu.memref_squeeze %dma_start3A_341 : memref<1x8x8x128xf32, #tpu.memory_space<vmem>> -> memref<8x8x128xf32, #tpu.memory_space<vmem>>
      tpu.enqueue_dma source(%dma_start3A_342 : memref<8x8x128xf32, #tpu.memory_space<vmem>>) target(%dma_start3A_337 : memref<8x8x128xf32, #tpu.memory_space<hbm>>) target_semaphore(%arg17 : memref<!tpu.dma_semaphore, #tpu.memory_space<semaphore_mem>>)
    }
    %scan3A_99 = arith.constant 26 : i32
    %dma_wait3A_100 = arith.constant 0 : i32
    %dma_wait3A_101 = arith.constant 0 : i32
    %dma_wait3A_102 = arith.constant 0 : i32
    %dma_wait3A_103 = arith.constant 0 : i32
    %dma_wait3A_104 = arith.constant 0 : i32
    %dma_wait3A_105 = arith.constant 0 : i32
    %dma_wait3A_106 = tpu.memref_slice %arg12[%dma_wait3A_102, %dma_wait3A_103, %dma_wait3A_104, %dma_wait3A_105] : memref<2x8x8x130xf32, #tpu.memory_space<vmem>> -> memref<1x8x8x128xf32, #tpu.memory_space<vmem>>
    %dma_wait3A_107 = tpu.memref_squeeze %dma_wait3A_106 : memref<1x8x8x128xf32, #tpu.memory_space<vmem>> -> memref<8x8x128xf32, #tpu.memory_space<vmem>>
    %dma_wait3A_108 = arith.constant 0 : i32
    %dma_wait3A_109 = arith.constant 0 : i32
    %dma_wait3A_110 = arith.constant 0 : i32
    %dma_wait3A_111 = tpu.memref_slice %arg6[%dma_wait3A_100, %dma_wait3A_108, %dma_wait3A_101, %dma_wait3A_109, %dma_wait3A_110] : memref<39x8x128x8x128xf32, #tpu.memory_space<hbm>> -> memref<1x8x1x8x128xf32, #tpu.memory_space<hbm>>
    %dma_wait3A_112 = tpu.memref_squeeze %dma_wait3A_111 : memref<1x8x1x8x128xf32, #tpu.memory_space<hbm>> -> memref<8x8x128xf32, #tpu.memory_space<hbm>>
    %dma_wait3A_113 = arith.constant 0 : i32
    %dma_wait3A_114 = arith.constant 0 : i32
    %dma_wait3A_115 = arith.constant 0 : i32
    %dma_wait3A_116 = tpu.memref_slice %arg12[%dma_wait3A_102, %dma_wait3A_113, %dma_wait3A_114, %dma_wait3A_115] : memref<2x8x8x130xf32, #tpu.memory_space<vmem>> -> memref<1x8x8x128xf32, #tpu.memory_space<vmem>>
    %dma_wait3A_117 = tpu.memref_squeeze %dma_wait3A_116 : memref<1x8x8x128xf32, #tpu.memory_space<vmem>> -> memref<8x8x128xf32, #tpu.memory_space<vmem>>
    %dma_wait3A_118 = arith.constant 0 : i32
    %dma_wait3A_119 = arith.constant 0 : i32
    %dma_wait3A_120 = arith.constant 0 : i32
    %dma_wait3A_121 = tpu.memref_slice %arg6[%dma_wait3A_100, %dma_wait3A_118, %dma_wait3A_101, %dma_wait3A_119, %dma_wait3A_120] : memref<39x8x128x8x128xf32, #tpu.memory_space<hbm>> -> memref<1x8x1x8x128xf32, #tpu.memory_space<hbm>>
    %dma_wait3A_122 = tpu.memref_squeeze %dma_wait3A_121 : memref<1x8x1x8x128xf32, #tpu.memory_space<hbm>> -> memref<8x8x128xf32, #tpu.memory_space<hbm>>
    tpu.wait_dma2 semaphore(%arg16 : memref<!tpu.dma_semaphore, #tpu.memory_space<semaphore_mem>>) src(%dma_wait3A_122 : memref<8x8x128xf32, #tpu.memory_space<hbm>>) dst(%dma_wait3A_117 : memref<8x8x128xf32, #tpu.memory_space<vmem>>)
    %dma_wait3A_123 = arith.constant 0 : i32
    %dma_wait3A_124 = arith.constant 0 : i32
    %dma_wait3A_125 = arith.constant 0 : i32
    %dma_wait3A_126 = arith.constant 0 : i32
    %dma_wait3A_127 = arith.constant 0 : i32
    %dma_wait3A_128 = arith.constant 0 : i32
    %dma_wait3A_129 = tpu.memref_slice %arg13[%dma_wait3A_125, %dma_wait3A_126, %dma_wait3A_127, %dma_wait3A_128] : memref<2x8x8x130xf32, #tpu.memory_space<vmem>> -> memref<1x8x8x128xf32, #tpu.memory_space<vmem>>
    %dma_wait3A_130 = tpu.memref_squeeze %dma_wait3A_129 : memref<1x8x8x128xf32, #tpu.memory_space<vmem>> -> memref<8x8x128xf32, #tpu.memory_space<vmem>>
    %dma_wait3A_131 = arith.constant 0 : i32
    %dma_wait3A_132 = arith.constant 0 : i32
    %dma_wait3A_133 = arith.constant 0 : i32
    %dma_wait3A_134 = tpu.memref_slice %arg6[%dma_wait3A_123, %dma_wait3A_131, %dma_wait3A_124, %dma_wait3A_132, %dma_wait3A_133] : memref<39x8x128x8x128xf32, #tpu.memory_space<hbm>> -> memref<1x8x1x8x128xf32, #tpu.memory_space<hbm>>
    %dma_wait3A_135 = tpu.memref_squeeze %dma_wait3A_134 : memref<1x8x1x8x128xf32, #tpu.memory_space<hbm>> -> memref<8x8x128xf32, #tpu.memory_space<hbm>>
    %dma_wait3A_136 = arith.constant 0 : i32
    %dma_wait3A_137 = arith.constant 0 : i32
    %dma_wait3A_138 = arith.constant 0 : i32
    %dma_wait3A_139 = tpu.memref_slice %arg13[%dma_wait3A_125, %dma_wait3A_136, %dma_wait3A_137, %dma_wait3A_138] : memref<2x8x8x130xf32, #tpu.memory_space<vmem>> -> memref<1x8x8x128xf32, #tpu.memory_space<vmem>>
    %dma_wait3A_140 = tpu.memref_squeeze %dma_wait3A_139 : memref<1x8x8x128xf32, #tpu.memory_space<vmem>> -> memref<8x8x128xf32, #tpu.memory_space<vmem>>
    %dma_wait3A_141 = arith.constant 0 : i32
    %dma_wait3A_142 = arith.constant 0 : i32
    %dma_wait3A_143 = arith.constant 0 : i32
    %dma_wait3A_144 = tpu.memref_slice %arg6[%dma_wait3A_123, %dma_wait3A_141, %dma_wait3A_124, %dma_wait3A_142, %dma_wait3A_143] : memref<39x8x128x8x128xf32, #tpu.memory_space<hbm>> -> memref<1x8x1x8x128xf32, #tpu.memory_space<hbm>>
    %dma_wait3A_145 = tpu.memref_squeeze %dma_wait3A_144 : memref<1x8x1x8x128xf32, #tpu.memory_space<hbm>> -> memref<8x8x128xf32, #tpu.memory_space<hbm>>
    tpu.wait_dma2 semaphore(%arg17 : memref<!tpu.dma_semaphore, #tpu.memory_space<semaphore_mem>>) src(%dma_wait3A_145 : memref<8x8x128xf32, #tpu.memory_space<hbm>>) dst(%dma_wait3A_140 : memref<8x8x128xf32, #tpu.memory_space<vmem>>)
    return
  }
}

</mosaic_0001>

<sc_bundles>
// kernel: kernel.3.cloned.1.call-start
scs
__scs_entry_jumppad:
0x0: {  	(pc) =	sbr.rel $0x88, $3  }
0x1: {  	(tag) =	ssettag $0x0;
	lr =	simm.s32 $0x1  }
0x2: {  	[smem:$0x3F9D] =	sst lr;
	_ =	strace $0xD0000000  }
0x3: {  	_ = 	snop  }
0x4: {  	_ = 	snop  }
0x5: {  	_ = 	snop  }
0x6: {  	_ = 	snop  }
0x7: {  	_ = 	snop  }
__scs_overlays_trampoline_lowered:
0x8: {  	[smem:$0x3FAC] =	sst s0  }
0x9: {  	[smem:$0x3FAD] =	sst s1  }
0xa: {  	[smem:$0x3FAE] =	sst s2  }
0xb: {  	[smem:$0x3FAF] =	sst s3  }
0xc: {  	[smem:$0x3FB0] =	sst s4  }
0xd: {  	[smem:$0x3FB1] =	sst s5  }
0xe: {  	[smem:$0x3FB2] =	sst s6  }
0xf: {  	[smem:$0x3FB3] =	sst s7  }
0x10: {  	[smem:$0x3FB4] =	sst s8  }
0x11: {  	[smem:$0x3FB5] =	sst s9;
	s0 =	simm.s32 @!p0 $0x0  }
0x12: {  	s1 =	sld [smem:$0x3F9B];
	s0 =	simm.s32 @p0 $0x1  }
0x13: {  	[smem:$0x3FB6] =	sst s0;
	s0 =	simm.s32 @!p1 $0x0  }
0x14: {  	s2 =	sld [smem:$0x3F9A];
	s0 =	simm.s32 @p1 $0x1  }
0x15: {  	[smem:$0x3FB7] =	sst s0;
	s0 =	simm.s32 @!p2 $0x0  }
0x16: {  	s3 =	sld [smem:$0x3FDB];
	s0 =	simm.s32 @p2 $0x1  }
0x17: {  	s4 =	simm.s32 $0x1BF5;
	[smem:$0x3FB9] =	sst s0  }
0x18: {  	s0 =	sld [smem:$0x3F9C];
	_ =	swait.ge [sflag:s4], $0x0  }
0x19: {  	s7 =	sld [smem:$0x3F9D]  }
0x1a: {  	s8 =	sadd.s32 $0xFFFFE003, lr  }
0x1b: {  	s9 =	sadd.s32 $0xFFFFFEF7, lr;
	s5 =	simm.s32 $0xFFFFFFFF;
	p2 =	slt.u32 s8, $0xFFFFF086  }
0x1c: {  	p1 =	slt.u32 s9, $0xF7A;
	s5 =	simm.s32 @!p2 $0x0  }
0x1d: {  	s5 =	simm.s32 @p1 $0x1;
	p0 =	seq.s32 s7, s2  }
0x1e: {  	s7 =	smul.u32 @!p0 $0xF7A, s2;
	p2 =	seq.s32 @!p0 s5, $0x0  }
0x1f: {  	s9 =	smul.u32 $0xF7A, s1;
	s8 =	simm.s32 @!p0 $0x1BF5;
	p2 =	por !p2, p0  }
0x20: {  	[sflag:s8] =	ssyncset.s32 @!p0 $0xFFFFF086;
	s6 =	sadd.s32 @!p0 s3, s7;
	s7 =	simm.s32 @!p0 $0x108  }
0x21: {  	s3 =	sadd.s32 s3, s9;
	s6 =	sadd.s32 @!p0 $0x88, s6;
	s7 =	simm.s32 @p2 $0x1082  }
0x22: {  	[simem:s7], [sflag:s8] =	dma.local @!p0 [hbm:s6], $0xF7A  }
0x23: {  	s9 =	sor.u32 $0xD0000000, s2;
	s6 =	simm.s32 $0x108;
	_ =	swait.ge @!p0 [sflag:s8], $0x0  }
0x24: {  	s3 =	sadd.s32 $0x88, s3;
	s6 =	simm.s32 @!p1 $0x1082;
	[sflag:s4] =	ssyncset.s32 $0xFFFFF086  }
0x25: {  	[simem:s6], [sflag:s4] =	dma.local [hbm:s3], $0xF7A  }
0x26: {  	[smem:$0x3F9D] =	sst s1;
	(tag) =	ssettag s2;
	_ =	strace s9  }
0x27: {  	s1 =	sld [smem:$0x3FAD]  }
0x28: {  	s2 =	sld [smem:$0x3FAE]  }
0x29: {  	s4 =	sld [smem:$0x3FB0]  }
0x2a: {  	p0 =	seq.s32 s5, $0x0;
	s5 =	sld [smem:$0x3FB1]  }
0x2b: {  	s6 =	sld [smem:$0x3FB2]  }
0x2c: {  	s7 =	sld [smem:$0x3FB3]  }
0x2d: {  	s3 =	simm.s32 $0x108;
	s8 =	sld [smem:$0x3FB4]  }
0x2e: {  	s3 =	simm.s32 @!p0 $0x1082;
	s9 =	sld [smem:$0x3FB5]  }
0x2f: {  	lr =	sadd.s32 s0, s3;
	s0 =	sld [smem:$0x3FAC]  }
0x30: {  	s3 =	sld [smem:$0x3FAF]  }
0x31: {  	[smem:$0x3FB8] =	sst s10  }
0x32: {  	s10 =	sld [smem:$0x3FB6];
	_ =	sdelay $0x3  }
0x33: {  	p0 =	seq.s32 s10, $0x1;
	s10 =	sld [smem:$0x3FB8];
	_ =	sdelay $0x3  }
0x34: {  	[smem:$0x3FB8] =	sst s10  }
0x35: {  	s10 =	sld [smem:$0x3FB7];
	_ =	sdelay $0x3  }
0x36: {  	p1 =	seq.s32 s10, $0x1;
	s10 =	sld [smem:$0x3FB8];
	_ =	sdelay $0x3  }
0x37: {  	[smem:$0x3FB8] =	sst s10  }
0x38: {  	s10 =	sld [smem:$0x3FB9]  }
0x39: {  	_ = 	snop;
	(pc) =	sbr.ind lr, $3  }
0x3a: {  	_ = 	snop  }
0x3b: {  	_ = 	snop  }
0x3c: {  	p2 =	seq.s32 s10, $0x1;
	s10 =	sld [smem:$0x3FB8]  }
0x3d: {  	_ =	shalt  }
0x3e: {  	_ =	shalt  }
0x3f: {  	_ =	shalt  }
0x40: {  	_ =	shalt  }
0x41: {  	_ =	shalt  }
0x42: {  	_ =	shalt  }
0x43: {  	_ =	shalt  }
0x44: {  	_ =	shalt  }
0x45: {  	_ =	shalt  }
0x46: {  	_ =	shalt  }
0x47: {  	_ =	shalt  }
0x48: {  	_ =	shalt  }
0x49: {  	_ =	shalt  }
0x4a: {  	_ =	shalt  }
0x4b: {  	_ =	shalt  }
0x4c: {  	_ =	shalt  }
0x4d: {  	_ =	shalt  }
0x4e: {  	_ =	shalt  }
0x4f: {  	_ =	shalt  }
0x50: {  	_ =	shalt  }
0x51: {  	_ =	shalt  }
0x52: {  	_ =	shalt  }
0x53: {  	_ =	shalt  }
0x54: {  	_ =	shalt  }
0x55: {  	_ =	shalt  }
0x56: {  	_ =	shalt  }
0x57: {  	_ =	shalt  }
0x58: {  	_ =	shalt  }
0x59: {  	_ =	shalt  }
0x5a: {  	_ =	shalt  }
0x5b: {  	_ =	shalt  }
0x5c: {  	_ =	shalt  }
0x5d: {  	_ =	shalt  }
0x5e: {  	_ =	shalt  }
0x5f: {  	_ =	shalt  }
0x60: {  	_ =	shalt  }
0x61: {  	_ =	shalt  }
0x62: {  	_ =	shalt  }
0x63: {  	_ =	shalt  }
0x64: {  	_ =	shalt  }
0x65: {  	_ =	shalt  }
0x66: {  	_ =	shalt  }
0x67: {  	_ =	shalt  }
0x68: {  	_ =	shalt  }
0x69: {  	_ =	shalt  }
0x6a: {  	_ =	shalt  }
0x6b: {  	_ =	shalt  }
0x6c: {  	_ =	shalt  }
0x6d: {  	_ =	shalt  }
0x6e: {  	_ =	shalt  }
0x6f: {  	_ =	shalt  }
0x70: {  	_ =	shalt  }
0x71: {  	_ =	shalt  }
0x72: {  	_ =	shalt  }
0x73: {  	_ =	shalt  }
0x74: {  	_ =	shalt  }
0x75: {  	_ =	shalt  }
0x76: {  	_ =	shalt  }
0x77: {  	_ =	shalt  }
0x78: {  	_ =	shalt  }
0x79: {  	_ =	shalt  }
0x7a: {  	_ =	shalt  }
0x7b: {  	_ =	shalt  }
0x7c: {  	_ =	shalt  }
0x7d: {  	_ =	shalt  }
0x7e: {  	_ =	shalt  }
0x7f: {  	_ =	shalt  }
0x80: {  	_ =	shalt  }
0x81: {  	_ =	shalt  }
0x82: {  	_ =	shalt  }
0x83: {  	_ =	shalt  }
0x84: {  	_ =	shalt  }
0x85: {  	_ =	shalt  }
0x86: {  	_ =	shalt  }
0x87: {  	_ =	shalt  }
.Lfunc_end0:
.L_simem_size_0:
called_computation_lowered:
.L_overlay_start_0:
0x88: {  	s2 =	sld [smem:$0x3FD9]  }
0x89: {  	s3 =	sld [smem:$0x3FFE];
	_ =	sdelay $0x1  }
0x8a: {  	s1 =	srdreg.scid  }
0x8b: {  	s0 =	sand.u32 $0x1, s1  }
0x8c: {  	s17 =	sshll.u32 s0, $0xA;
	s2 =	sadd.s32 s3, s2  }
0x8d: {  	s2 =	sadd.s32 s2, s17  }
0x8e: {  	[smem:$0x3FC4] =	sst s2  }
0x8f: {  	_ = 	snop  }
0x90: {  	s2 =	sld [smem:$0x3FD0];
	(tm) =	ssettm $0x1  }
0x91: {  	s18 =	sld [smem:$0x3FFB];
	_ =	sdelay $0x3  }
0x92: {  	_ =	strace s18  }
0x93: {  	s3 =	sld [smem:$0x3FFC];
	_ =	sdelay $0x3  }
0x94: {  	_ =	strace s3  }
0x95: {  	s3 =	sld [smem:$0x3FFD];
	_ =	sdelay $0x3  }
0x96: {  	_ =	strace s3  }
0x97: {  	_ =	strace $0x8FFFFFFF  }
0x98: {  	s19 =	sld [smem:$0x3FDB];
	_ =	sdelay $0x1  }
0x99: {  	s4 =	simm.s32 $_scs_section_size  }
0x9a: {  	s5 =	simm.s32 $_size__tile_overlayer_lowered;
	s6 =	simm.s32 $_tile_overlayer_lowered  }
0x9b: {  	s22 =	simm.s32 $0x1BFF;
	s21 =	sshll.u32 s6, $0x1;
	s3 =	sadd.s32 s4, s19  }
0x9c: {  	s7 =	simm.s32 $0x0;
	s20 =	sshll.u32 s5, $0x1;
	s5 =	sadd.s32 s21, s3  }
0x9d: {  	[timem:s7], [sflag:s22] =	dma.local [hbm:s5], s20  }
0x9e: {  	_ =	swait.ge [sflag:s22], s20  }
0x9f: {  	s4 =	ssub.s32 $0x0, s20;
	[sflag:s22] =	ssyncset.done $0x0  }
0xa0: {  	[sflag:s22] =	ssyncadd.s32 s4;
	_ =	sdelay $0x1  }
0xa1: {  	s23 =	simm.s32 $0x1B8B  }
0xa2: {  	_ =	swait.ge [sflag:s23], $0x1  }
0xa3: {  	[sflag:s23] =	ssyncset.done $0x0  }
0xa4: {  	s25 =	simm.s32 $0x1B8E;
	s24 =	sld [smem:$0x3FFE];
	[sflag:s23] =	ssyncadd.s32 $0xFFFFFFFF  }
0xa5: {  	s26 =	simm.s32 $execute0_lowered;
	[smem:$0x3FD2] =	sst s25  }
0xa6: {  	s5 =	sshll.u32 s26, $0x1;
	_ =	strace $0x80000046;
	[dreg:$0x1] =	wrdreg $0xFFFFFFFF  }
0xa7: {  	s28 =	simm.s32 $_size_execute0_lowered;
	s3 =	sadd.s32 s3, s5;
	[dreg:$0x0] =	wrdreg $0x0  }
0xa8: {  	s5 =	sshll.u32 s28, $0x1;
	[dreg:$0x2] =	wrdreg s3  }
0xa9: {  	[dreg:$0x3] =	wrdreg s5  }
0xaa: {  	[dreg:$0x4] =	wrdreg $0xC0  }
0xab: {  	_ =	task [dreg:s7], $0x5FFFF  }
0xac: {  	[dreg:$0x1] =	wrdreg $0xFFFFFFFF  }
0xad: {  	[dreg:$0x0] =	wrdreg $0x60  }
0xae: {  	[dreg:$0x2] =	wrdreg s24  }
0xaf: {  	[dreg:$0x3] =	wrdreg s2  }
0xb0: {  	[dreg:$0x4] =	wrdreg $0x9  }
0xb1: {  	_ =	task.clear_ibuf [dreg:s7], $0x5FFFF;
	_ =	strace $0x90000046  }
0xb2: {  	s29 =	simm.s32 $0x9;
	_ =	strace $0x80000048  }
0xb3: {  	_ =	swait.ge [sflag:s29], $0x1  }
0xb4: {  	[sflag:s29] =	ssyncadd.s32 $0xFFFFFFFF  }
0xb5: {  	_ =	strace $0x90000048  }
0xb6: {  	_ =	sfence  }
0xb7: {  	s30 =	sld [smem:$0x0];
	_ =	sdelay $0x2  }
0xb8: {  	s31 =	sshll.u32 s1, $0xD;
	s1 =	sshrl.u32 s1, $0x2  }
0xb9: {  	s3 =	sand.u32 $0x4000, s31;
	s1 =	sadd.s32 s1, s30  }
0xba: {  	s0 =	sor.u32 s3, s0;
	s1 =	sshll.u32 s1, $0x11  }
0xbb: {  	s0 =	sor.u32 s1, s0  }
0xbc: {  	s0 =	sadd.s32 $0x8F2B, s0  }
0xbd: {  	[sflag:s0] =	ssyncadd.remote.s32 $0x1  }
0xbe: {  	_ =	sfence.sel $0xFFFF  }
0xbf: {  	[dreg:$0x0] =	wrdreg $0xFFFFFFFF;
	(pc) =	sbr.abs _section_cstart, $3  }
0xc0: {  	[dreg:$0x1] =	wrdreg $0xFFFFFFFF  }
0xc1: {  	_ =	task.clear_ibuf [dreg:s7], $0x2FFFF;
	_ =	strace $0x9FFFFFFF  }
0xc2: {  	(tm) =	ssettm $0x7FFFFFFF  }
0xc3: {  	_ =	shalt  }
tec
execute0_lowered:
.L_overlay_start_1:
0x0: {  	(tag) =	ssettag $0x1  }
0x1: {  	s0 =	rddreg [dreg:$0x0];
	s1 =	srdreg.scid  }
0x2: {  	s3 =	stileid.u32;
	s2 =	rddreg [dreg:$0x1]  }
0x3: {  	s12 =	simm.s32 $0x5;
	s13 =	simm.s32 $0x200;
	s16 =	simm.s32 $0x80  }
0x4: {  	s20 =	simm.s32 $0x9140;
	s22 =	simm.s32 $0xB140;
	s23 =	simm.s32 $0x1  }
0x5: {  	s24 =	simm.s32 $0xD140;
	s28 =	simm.s32 $0x3;
	s29 =	simm.s32 $0x4  }
0x6: {  	s30 =	simm.s32 $0x0;
	s1 =	sand.u32 $0x1, s1;
	s4 =	sshll.u32 s3, $0x1  }
0x7: {  	s3 =	simm.s32 $0x0;
	s9 =	sadd.s32 $0x340000, s2;
	s5 =	sor.u32 s1, s4  }
0x8: {  	v0 =	vlaneseq.u32;
	[smem:$0x7FF] =	sst s3;
	s1 =	ssub.s32 $0x2, s1;
	s4 =	sshll.u32 s5, $0x6  }
0x9: {  	v0 =	vmul.u32 $0x88, v0;
	_ =	strace $0x80000047;
	s7 =	sshrl.u32 s1, $0x1;
	s8 =	sshll.u32 s5, $0x2  }
0xa: {  	s6 =	sadd.s32 s4, s0;
	s4 =	sadd.s32 $0xF42E00, s0;
	s0 =	sadd.s32 $0x14200, s0  }
0xb: {  	v1 =	vadd.s32 $0x880, v0;
	s25 =	ssub.s32 s1, s7;
	[dreg:$0x3] =	wrdreg s0;
	s26 =	sadd.s32 $0xA00, s6  }
0xc: {  	v2 =	vadd.s32 $0x1100, v0;
	v3 =	vadd.s32 $0x1980, v0;
	v4 =	vadd.s32 $0x2200, v0;
	s31 =	sadd.s32 $0xDA00, s6;
	s10 =	smax.u32 s25, $0x1;
	[dreg:$0x4] =	wrdreg s26  }
0xd: {  	v5 =	vadd.s32 $0x2A80, v0;
	v6 =	vadd.s32 $0x3300, v0;
	v7 =	vadd.s32 $0x3B80, v0;
	s25 =	simm.s32 $0x2;
	[dreg:$0x5] =	wrdreg s31;
	s26 =	simm.s32 $0x11540  }
.LBB2_1:
0xe: {  	s0 =	rddreg [dreg:$0x3];
	s1 =	simm.s32 $0x4E00  }
0xf: {  	[tilespmem:s1], [sflag:$0x5] =	stream.linear.gather [hbm4b:s0+s3], $0x340, $0x38;
	[tilespmem:$0x15940] =	vst v63  }
0x10: {  	_ =	swait.ge [sflag:s12], $0x340  }
0x11: {  	[sflag:s12] =	ssyncset.done $0x0  }
0x12: {  	s14 =	simm.s32 $0x4000;
	s11 =	rddreg [dreg:$0x4];
	[sflag:s12] =	ssyncadd.s32 $0xFFFFFCC0  }
0x13: {  	[tilespmem:s3], [sflag:$0x5] =	stream.strided.gather [hbm4b:s11+s13], $0x3400, s14, s13, $0x38;
	[tilespmem:$0x15940] =	vst v63  }
0x14: {  	_ =	swait.ge [sflag:s12], $0x3400  }
0x15: {  	[sflag:s12] =	ssyncset.done $0x0  }
0x16: {  	s5 =	simm.s32 $0x3400;
	s15 =	rddreg [dreg:$0x5];
	[sflag:s12] =	ssyncadd.s32 $0xFFFFCC00  }
0x17: {  	[tilespmem:s5], [sflag:$0x5] =	stream.strided.gather [hbm4b:s15+s13], $0x1A00, s14, s13, $0x38;
	[tilespmem:$0x15940] =	vst v63  }
0x18: {  	_ =	swait.ge [sflag:s12], $0x1A00  }
0x19: {  	[sflag:s12] =	ssyncset.done $0x0  }
0x1a: {  	s17 =	simm.s32 $0x5140;
	[sflag:s12] =	ssyncadd.s32 $0xFFFFE600  }
0x1b: {  	[tilespmem:s17], [sflag:$0x1] =	stream.indirect.gather [hbm4b:s4+s16], $0x40, s3, s16, $0xb8;
	[tilespmem:$0x15940] =	vst v63  }
0x1c: {  	s18 =	simm.s32 $0x7140  }
0x1d: {  	[tilespmem:s18], [sflag:$0x1] =	stream.indirect.gather [hbm4b:s4+s16], $0x40, s13, s16, $0xb8;
	[tilespmem:$0x15940] =	vst v63  }
0x1e: {  	s19 =	simm.s32 $0x400  }
0x1f: {  	[tilespmem:s20], [sflag:$0x2] =	stream.indirect.gather [hbm4b:s4+s16], $0x40, s19, s16, $0xb8;
	[tilespmem:$0x15940] =	vst v63  }
0x20: {  	s21 =	simm.s32 $0x600;
	s31 =	simm.s32 $0x0  }
0x21: {  	[tilespmem:s22], [sflag:$0x2] =	stream.indirect.gather [hbm4b:s4+s16], $0x40, s21, s16, $0xb8;
	[tilespmem:$0x15940] =	vst v63  }
.LBB2_2:
0x22: {  	_ =	swait.ge [sflag:s23], $0x2000  }
0x23: {  	[sflag:s23] =	ssyncset.done $0x0  }
0x24: {  	[sflag:s23] =	ssyncadd.s32 $0xFFFFE000  }
0x25: {  	_ =	swait.ge [sflag:s23], $0x2000  }
0x26: {  	p0 =	seq.s32 s31, $0x0;
	[sflag:s23] =	ssyncset.done $0x0  }
0x27: {  	s0 =	simm.s32 @!p0 $0x3;
	[sflag:s23] =	ssyncadd.s32 $0xFFFFE000  }
0x28: {  	s1 =	simm.s32 $0x0;
	_ =	swait.ge @!p0 [sflag:s0], $0x4000  }
0x29: {  	v8 =	vmov s1;
	[sflag:s0] =	ssyncset.done @!p0 $0x0  }
0x2a: {  	s14 =	simm.s32 $0x51C0;
	v8 =	vand.u32 $0x7C, v8;
	[sflag:s0] =	ssyncadd.s32 @!p0 $0xFFFFC000  }
0x2b: {  	v10 =	vadd.s32 v0, v8;
	v9 =	vld [tilespmem:s14+$0xFFFFFF80];
	_ =	sdelay $0x4  }
0x2c: {  	[tilespmem:v10+s24+$0x0] =	vst.idx.msk $0xffff, v9  }
0x2d: {  	v10 =	vadd.s32 v1, v8;
	v9 =	vld [tilespmem:s14+$0xFFFFFF90];
	_ =	sdelay $0x4  }
0x2e: {  	[tilespmem:v10+s24+$0x0] =	vst.idx.msk $0xffff, v9  }
0x2f: {  	v10 =	vadd.s32 v2, v8;
	v9 =	vld [tilespmem:s14+$0xFFFFFFA0];
	_ =	sdelay $0x4  }
0x30: {  	[tilespmem:v10+s24+$0x0] =	vst.idx.msk $0xffff, v9  }
0x31: {  	v10 =	vadd.s32 v3, v8;
	v9 =	vld [tilespmem:s14+$0xFFFFFFB0];
	_ =	sdelay $0x2  }
0x32: {  	s17 =	simm.s32 $0x1  }
0x33: {  	v11 =	vmov s17  }
0x34: {  	[tilespmem:v10+s24+$0x0] =	vst.idx.msk $0xffff, v9;
	v9 =	vand.u32 $0x7D, v11  }
0x35: {  	v10 =	vld [tilespmem:s14+$0xFFFFFFC0];
	v11 =	vadd.s32 v0, v9;
	_ =	sdelay $0x4  }
0x36: {  	[tilespmem:v11+s24+$0x0] =	vst.idx.msk $0xffff, v10  }
0x37: {  	v11 =	vadd.s32 v1, v9;
	v10 =	vld [tilespmem:s14+$0xFFFFFFD0];
	_ =	sdelay $0x4  }
0x38: {  	[tilespmem:v11+s24+$0x0] =	vst.idx.msk $0xffff, v10  }
0x39: {  	v11 =	vadd.s32 v2, v9;
	v10 =	vld [tilespmem:s14+$0xFFFFFFE0];
	_ =	sdelay $0x4  }
0x3a: {  	[tilespmem:v11+s24+$0x0] =	vst.idx.msk $0xffff, v10  }
0x3b: {  	v11 =	vadd.s32 v3, v9;
	v10 =	vld [tilespmem:s14+$0xFFFFFFF0];
	_ =	sdelay $0x2  }
0x3c: {  	s18 =	simm.s32 $0x2  }
0x3d: {  	v12 =	vmov s18  }
0x3e: {  	[tilespmem:v11+s24+$0x0] =	vst.idx.msk $0xffff, v10;
	v10 =	vand.u32 $0x7E, v12  }
0x3f: {  	v11 =	vld [tilespmem:s14+$0x0];
	v12 =	vadd.s32 v0, v10;
	_ =	sdelay $0x4  }
0x40: {  	[tilespmem:v12+s24+$0x0] =	vst.idx.msk $0xffff, v11  }
0x41: {  	v12 =	vadd.s32 v1, v10;
	v11 =	vld [tilespmem:s14+$0x10];
	_ =	sdelay $0x4  }
0x42: {  	[tilespmem:v12+s24+$0x0] =	vst.idx.msk $0xffff, v11  }
0x43: {  	v12 =	vadd.s32 v2, v10;
	v11 =	vld [tilespmem:s14+$0x20];
	_ =	sdelay $0x4  }
0x44: {  	[tilespmem:v12+s24+$0x0] =	vst.idx.msk $0xffff, v11  }
0x45: {  	v12 =	vadd.s32 v3, v10;
	v11 =	vld [tilespmem:s14+$0x30];
	_ =	sdelay $0x2  }
0x46: {  	s19 =	simm.s32 $0x3  }
0x47: {  	v13 =	vmov s19  }
0x48: {  	[tilespmem:v12+s24+$0x0] =	vst.idx.msk $0xffff, v11;
	v11 =	vand.u32 $0x7F, v13  }
0x49: {  	v12 =	vld [tilespmem:s14+$0x40];
	v13 =	vadd.s32 v0, v11;
	_ =	sdelay $0x4  }
0x4a: {  	[tilespmem:v13+s24+$0x0] =	vst.idx.msk $0xffff, v12  }
0x4b: {  	v13 =	vadd.s32 v1, v11;
	v12 =	vld [tilespmem:s14+$0x50];
	_ =	sdelay $0x4  }
0x4c: {  	[tilespmem:v13+s24+$0x0] =	vst.idx.msk $0xffff, v12  }
0x4d: {  	v13 =	vadd.s32 v2, v11;
	v12 =	vld [tilespmem:s14+$0x60];
	_ =	sdelay $0x1  }
0x4e: {  	s21 =	smul.u32 $0x9E, s31;
	_ =	sdelay $0x1  }
0x4f: {  	s0 =	sshrl.u32 s21, $0xA  }
0x50: {  	s5 =	sand.u32 $0x3F, s0;
	[tilespmem:v13+s24+$0x0] =	vst.idx.msk $0xffff, v12  }
0x51: {  	s0 =	smul.u32 $0xD, s5;
	v13 =	vadd.s32 v3, v11;
	v12 =	vld [tilespmem:s14+$0x70]  }
0x52: {  	s1 =	sshll.u32 s31, $0x1  }
0x53: {  	s0 =	ssub.s32 s1, s0  }
0x54: {  	s15 =	simm.s32 $0x4;
	s17 =	simm.s32 $0x8;
	s0 =	sand.u32 $0xFF, s0  }
0x55: {  	v14 =	vmov s15;
	s11 =	sadd.s32 s5, s8;
	s5 =	simm.s32 $0x4;
	s0 =	sshll.u32 s0, $0x12  }
.LBB2_3:
0x56: {  	p1 =	sne.s32 s17, $0x7C;
	v14 =	vand.u32 $0x7C, v14;
	[tilespmem:v13+s24+$0x0] =	vst.idx.msk $0xffff, v12;
	s14 =	sadd.s32 $0x100, s14  }
0x57: {  	v12 =	vld [tilespmem:s14+$0xFFFFFF80];
	v13 =	vadd.s32 v0, v14;
	_ =	sdelay $0x4  }
0x58: {  	[tilespmem:v13+s24+$0x0] =	vst.idx.msk $0xffff, v12  }
0x59: {  	v13 =	vadd.s32 v1, v14;
	v12 =	vld [tilespmem:s14+$0xFFFFFF90];
	_ =	sdelay $0x4  }
0x5a: {  	[tilespmem:v13+s24+$0x0] =	vst.idx.msk $0xffff, v12  }
0x5b: {  	v13 =	vadd.s32 v2, v14;
	v12 =	vld [tilespmem:s14+$0xFFFFFFA0];
	_ =	sdelay $0x4  }
0x5c: {  	[tilespmem:v13+s24+$0x0] =	vst.idx.msk $0xffff, v12  }
0x5d: {  	v13 =	vadd.s32 v3, v14;
	v12 =	vld [tilespmem:s14+$0xFFFFFFB0];
	_ =	sdelay $0x2  }
0x5e: {  	s6 =	sadd.s32 $0x1, s5  }
0x5f: {  	v14 =	vmov s6  }
0x60: {  	[tilespmem:v13+s24+$0x0] =	vst.idx.msk $0xffff, v12;
	v12 =	vand.u32 $0x7D, v14  }
0x61: {  	v13 =	vld [tilespmem:s14+$0xFFFFFFC0];
	v14 =	vadd.s32 v0, v12;
	_ =	sdelay $0x4  }
0x62: {  	[tilespmem:v14+s24+$0x0] =	vst.idx.msk $0xffff, v13  }
0x63: {  	v14 =	vadd.s32 v1, v12;
	v13 =	vld [tilespmem:s14+$0xFFFFFFD0];
	_ =	sdelay $0x4  }
0x64: {  	[tilespmem:v14+s24+$0x0] =	vst.idx.msk $0xffff, v13  }
0x65: {  	v14 =	vadd.s32 v2, v12;
	v13 =	vld [tilespmem:s14+$0xFFFFFFE0];
	_ =	sdelay $0x4  }
0x66: {  	[tilespmem:v14+s24+$0x0] =	vst.idx.msk $0xffff, v13  }
0x67: {  	v12 =	vadd.s32 v3, v12;
	v13 =	vld [tilespmem:s14+$0xFFFFFFF0];
	_ =	sdelay $0x2  }
0x68: {  	s6 =	sadd.s32 $0x2, s5  }
0x69: {  	v14 =	vmov s6  }
0x6a: {  	[tilespmem:v12+s24+$0x0] =	vst.idx.msk $0xffff, v13;
	v12 =	vand.u32 $0x7E, v14  }
0x6b: {  	v13 =	vld [tilespmem:s14+$0x0];
	v14 =	vadd.s32 v0, v12;
	_ =	sdelay $0x4  }
0x6c: {  	[tilespmem:v14+s24+$0x0] =	vst.idx.msk $0xffff, v13  }
0x6d: {  	v14 =	vadd.s32 v1, v12;
	v13 =	vld [tilespmem:s14+$0x10];
	_ =	sdelay $0x4  }
0x6e: {  	[tilespmem:v14+s24+$0x0] =	vst.idx.msk $0xffff, v13  }
0x6f: {  	v14 =	vadd.s32 v2, v12;
	v13 =	vld [tilespmem:s14+$0x20];
	_ =	sdelay $0x4  }
0x70: {  	[tilespmem:v14+s24+$0x0] =	vst.idx.msk $0xffff, v13  }
0x71: {  	v12 =	vadd.s32 v3, v12;
	v13 =	vld [tilespmem:s14+$0x30];
	_ =	sdelay $0x2  }
0x72: {  	s6 =	sadd.s32 $0x3, s5;
	s5 =	smov.u32 s17  }
0x73: {  	v14 =	vmov s6  }
0x74: {  	[tilespmem:v12+s24+$0x0] =	vst.idx.msk $0xffff, v13;
	v13 =	vand.u32 $0x7F, v14  }
0x75: {  	v12 =	vld [tilespmem:s14+$0x40];
	v14 =	vadd.s32 v0, v13;
	_ =	sdelay $0x4  }
0x76: {  	[tilespmem:v14+s24+$0x0] =	vst.idx.msk $0xffff, v12  }
0x77: {  	v14 =	vadd.s32 v1, v13;
	v12 =	vld [tilespmem:s14+$0x50];
	_ =	sdelay $0x4  }
0x78: {  	[tilespmem:v14+s24+$0x0] =	vst.idx.msk $0xffff, v12  }
0x79: {  	v14 =	vadd.s32 v2, v13;
	v12 =	vld [tilespmem:s14+$0x60];
	_ =	sdelay $0x4  }
0x7a: {  	[tilespmem:v14+s24+$0x0] =	vst.idx.msk $0xffff, v12  }
.Ltmp0:
0x7b: {  	v13 =	vadd.s32 v3, v13;
	v12 =	vld [tilespmem:s14+$0x70];
	(pc) =	sbr.rel @p1 .LBB2_3-.Ltmp0, $2  }
0x7c: {  	_ =	sdelay $0x2  }
0x7d: {  	s17 =	sadd.s32 $0x4, s17;
	v14 =	vmov s5  }
0x7e: {  	_ =	sdelay $0x3  }
0x7f: {  	v14 =	vand.u32 $0x7C, v14;
	[tilespmem:v13+s24+$0x0] =	vst.idx.msk $0xffff, v12;
	s6 =	sadd.s32 $0x100, s14  }
0x80: {  	v12 =	vld [tilespmem:s6+$0xFFFFFF80];
	v42 =	vadd.s32 v0, v14;
	_ =	sdelay $0x4  }
0x81: {  	[tilespmem:v42+s24+$0x0] =	vst.idx.msk $0xffff, v12  }
0x82: {  	v43 =	vadd.s32 v1, v14;
	v12 =	vld [tilespmem:s6+$0xFFFFFF90];
	_ =	sdelay $0x4  }
0x83: {  	[tilespmem:v43+s24+$0x0] =	vst.idx.msk $0xffff, v12  }
0x84: {  	v44 =	vadd.s32 v2, v14;
	v12 =	vld [tilespmem:s6+$0xFFFFFFA0];
	_ =	sdelay $0x4  }
0x85: {  	[tilespmem:v44+s24+$0x0] =	vst.idx.msk $0xffff, v12  }
0x86: {  	v45 =	vadd.s32 v3, v14;
	v12 =	vld [tilespmem:s6+$0xFFFFFFB0];
	_ =	sdelay $0x2  }
0x87: {  	s18 =	sadd.s32 $0x1, s5  }
0x88: {  	v46 =	vmov s18  }
0x89: {  	v47 =	vand.u32 $0x7D, v46;
	[tilespmem:v45+s24+$0x0] =	vst.idx.msk $0xffff, v12  }
0x8a: {  	v14 =	vadd.s32 v0, v47;
	v13 =	vld [tilespmem:s6+$0xFFFFFFC0];
	_ =	sdelay $0x4  }
0x8b: {  	[tilespmem:v14+s24+$0x0] =	vst.idx.msk $0xffff, v13  }
0x8c: {  	v48 =	vadd.s32 v1, v47;
	v13 =	vld [tilespmem:s6+$0xFFFFFFD0];
	_ =	sdelay $0x4  }
0x8d: {  	[tilespmem:v48+s24+$0x0] =	vst.idx.msk $0xffff, v13  }
0x8e: {  	v49 =	vadd.s32 v2, v47;
	v13 =	vld [tilespmem:s6+$0xFFFFFFE0];
	_ =	sdelay $0x4  }
0x8f: {  	[tilespmem:v49+s24+$0x0] =	vst.idx.msk $0xffff, v13  }
0x90: {  	v12 =	vadd.s32 v3, v47;
	v13 =	vld [tilespmem:s6+$0xFFFFFFF0];
	_ =	sdelay $0x2  }
0x91: {  	s19 =	sadd.s32 $0x2, s5  }
0x92: {  	v50 =	vmov s19  }
0x93: {  	v51 =	vand.u32 $0x7E, v50;
	[tilespmem:v12+s24+$0x0] =	vst.idx.msk $0xffff, v13  }
0x94: {  	v14 =	vadd.s32 v0, v51;
	v13 =	vld [tilespmem:s6+$0x0];
	_ =	sdelay $0x4  }
0x95: {  	[tilespmem:v14+s24+$0x0] =	vst.idx.msk $0xffff, v13  }
0x96: {  	v52 =	vadd.s32 v1, v51;
	v13 =	vld [tilespmem:s6+$0x10];
	_ =	sdelay $0x4  }
0x97: {  	[tilespmem:v52+s24+$0x0] =	vst.idx.msk $0xffff, v13  }
0x98: {  	v53 =	vadd.s32 v2, v51;
	v13 =	vld [tilespmem:s6+$0x20];
	_ =	sdelay $0x4  }
0x99: {  	[tilespmem:v53+s24+$0x0] =	vst.idx.msk $0xffff, v13  }
0x9a: {  	v12 =	vadd.s32 v3, v51;
	v13 =	vld [tilespmem:s6+$0x30];
	_ =	sdelay $0x2  }
0x9b: {  	s21 =	sadd.s32 $0x3, s5  }
0x9c: {  	v54 =	vmov s21  }
0x9d: {  	v55 =	vand.u32 $0x7F, v54;
	[tilespmem:v12+s24+$0x0] =	vst.idx.msk $0xffff, v13  }
0x9e: {  	v14 =	vadd.s32 v0, v55;
	v13 =	vld [tilespmem:s6+$0x40];
	_ =	sdelay $0x4  }
0x9f: {  	[tilespmem:v14+s24+$0x0] =	vst.idx.msk $0xffff, v13  }
0xa0: {  	v56 =	vadd.s32 v1, v55;
	v13 =	vld [tilespmem:s6+$0x50];
	_ =	sdelay $0x4  }
0xa1: {  	[tilespmem:v56+s24+$0x0] =	vst.idx.msk $0xffff, v13  }
0xa2: {  	v57 =	vadd.s32 v2, v55;
	v13 =	vld [tilespmem:s6+$0x60];
	_ =	sdelay $0x4  }
0xa3: {  	[tilespmem:v57+s24+$0x0] =	vst.idx.msk $0xffff, v13  }
0xa4: {  	v12 =	vadd.s32 v3, v55;
	v13 =	vld [tilespmem:s6+$0x70];
	_ =	sdelay $0x4  }
0xa5: {  	s14 =	simm.s32 $0x7230;
	[tilespmem:v12+s24+$0x0] =	vst.idx.msk $0xffff, v13  }
0xa6: {  	v58 =	vadd.s32 v4, v8;
	v12 =	vld [tilespmem:s14+$0xFFFFFF10];
	_ =	sdelay $0x4  }
0xa7: {  	[tilespmem:v58+s24+$0x0] =	vst.idx.msk $0xffff, v12  }
0xa8: {  	v59 =	vadd.s32 v5, v8;
	v12 =	vld [tilespmem:s14+$0xFFFFFF20];
	_ =	sdelay $0x4  }
0xa9: {  	[tilespmem:v59+s24+$0x0] =	vst.idx.msk $0xffff, v12  }
0xaa: {  	v60 =	vadd.s32 v6, v8;
	v12 =	vld [tilespmem:s14+$0xFFFFFF30];
	_ =	sdelay $0x4  }
0xab: {  	[tilespmem:v60+s24+$0x0] =	vst.idx.msk $0xffff, v12  }
0xac: {  	v8 =	vadd.s32 v7, v8;
	v12 =	vld [tilespmem:s14+$0xFFFFFF40];
	_ =	sdelay $0x4  }
0xad: {  	[tilespmem:v8+s24+$0x0] =	vst.idx.msk $0xffff, v12  }
0xae: {  	v61 =	vadd.s32 v4, v9;
	v8 =	vld [tilespmem:s14+$0xFFFFFF50];
	_ =	sdelay $0x4  }
0xaf: {  	[tilespmem:v61+s24+$0x0] =	vst.idx.msk $0xffff, v8  }
0xb0: {  	v62 =	vadd.s32 v5, v9;
	v8 =	vld [tilespmem:s14+$0xFFFFFF60];
	_ =	sdelay $0x4  }
0xb1: {  	[tilespmem:v62+s24+$0x0] =	vst.idx.msk $0xffff, v8  }
0xb2: {  	v63 =	vadd.s32 v6, v9;
	v8 =	vld [tilespmem:s14+$0xFFFFFF70];
	_ =	sdelay $0x4  }
0xb3: {  	[tilespmem:v63+s24+$0x0] =	vst.idx.msk $0xffff, v8  }
0xb4: {  	v9 =	vadd.s32 v7, v9;
	v8 =	vld [tilespmem:s14+$0xFFFFFF80];
	_ =	sdelay $0x4  }
0xb5: {  	[tilespmem:v9+s24+$0x0] =	vst.idx.msk $0xffff, v8  }
0xb6: {  	v9 =	vadd.s32 v4, v10;
	v8 =	vld [tilespmem:s14+$0xFFFFFF90];
	_ =	sdelay $0x4  }
0xb7: {  	[tilespmem:v9+s24+$0x0] =	vst.idx.msk $0xffff, v8  }
0xb8: {  	v9 =	vadd.s32 v5, v10;
	v8 =	vld [tilespmem:s14+$0xFFFFFFA0];
	_ =	sdelay $0x4  }
0xb9: {  	[tilespmem:v9+s24+$0x0] =	vst.idx.msk $0xffff, v8  }
0xba: {  	v9 =	vadd.s32 v6, v10;
	v8 =	vld [tilespmem:s14+$0xFFFFFFB0];
	_ =	sdelay $0x4  }
0xbb: {  	[tilespmem:v9+s24+$0x0] =	vst.idx.msk $0xffff, v8  }
0xbc: {  	v9 =	vadd.s32 v7, v10;
	v8 =	vld [tilespmem:s14+$0xFFFFFFC0];
	_ =	sdelay $0x4  }
0xbd: {  	[tilespmem:v9+s24+$0x0] =	vst.idx.msk $0xffff, v8  }
0xbe: {  	v9 =	vadd.s32 v4, v11;
	v8 =	vld [tilespmem:s14+$0xFFFFFFD0];
	_ =	sdelay $0x4  }
0xbf: {  	[tilespmem:v9+s24+$0x0] =	vst.idx.msk $0xffff, v8  }
0xc0: {  	v9 =	vadd.s32 v5, v11;
	v8 =	vld [tilespmem:s14+$0xFFFFFFE0];
	_ =	sdelay $0x4  }
0xc1: {  	[tilespmem:v9+s24+$0x0] =	vst.idx.msk $0xffff, v8  }
0xc2: {  	v9 =	vadd.s32 v6, v11;
	v8 =	vld [tilespmem:s14+$0xFFFFFFF0];
	_ =	sdelay $0x4  }
0xc3: {  	[tilespmem:v9+s24+$0x0] =	vst.idx.msk $0xffff, v8  }
0xc4: {  	v9 =	vadd.s32 v7, v11;
	v8 =	vld [tilespmem:s14+$0x0];
	_ =	sdelay $0x3  }
0xc5: {  	s5 =	simm.s32 $0x8;
	v10 =	vmov s15  }
.LBB2_5:
0xc6: {  	p1 =	sne.s32 s5, $0x7C;
	v10 =	vand.u32 $0x7C, v10;
	[tilespmem:v9+s24+$0x0] =	vst.idx.msk $0xffff, v8;
	s14 =	sadd.s32 $0x100, s14  }
0xc7: {  	v8 =	vld [tilespmem:s14+$0xFFFFFF10];
	v9 =	vadd.s32 v4, v10;
	_ =	sdelay $0x4  }
0xc8: {  	[tilespmem:v9+s24+$0x0] =	vst.idx.msk $0xffff, v8  }
0xc9: {  	v9 =	vadd.s32 v5, v10;
	v8 =	vld [tilespmem:s14+$0xFFFFFF20];
	_ =	sdelay $0x4  }
0xca: {  	[tilespmem:v9+s24+$0x0] =	vst.idx.msk $0xffff, v8  }
0xcb: {  	v9 =	vadd.s32 v6, v10;
	v8 =	vld [tilespmem:s14+$0xFFFFFF30];
	_ =	sdelay $0x4  }
0xcc: {  	[tilespmem:v9+s24+$0x0] =	vst.idx.msk $0xffff, v8  }
0xcd: {  	v9 =	vadd.s32 v7, v10;
	v8 =	vld [tilespmem:s14+$0xFFFFFF40];
	_ =	sdelay $0x2  }
0xce: {  	s6 =	sadd.s32 $0x1, s15  }
0xcf: {  	v10 =	vmov s6  }
0xd0: {  	[tilespmem:v9+s24+$0x0] =	vst.idx.msk $0xffff, v8;
	v8 =	vand.u32 $0x7D, v10  }
0xd1: {  	v9 =	vld [tilespmem:s14+$0xFFFFFF50];
	v10 =	vadd.s32 v4, v8;
	_ =	sdelay $0x4  }
0xd2: {  	[tilespmem:v10+s24+$0x0] =	vst.idx.msk $0xffff, v9  }
0xd3: {  	v10 =	vadd.s32 v5, v8;
	v9 =	vld [tilespmem:s14+$0xFFFFFF60];
	_ =	sdelay $0x4  }
0xd4: {  	[tilespmem:v10+s24+$0x0] =	vst.idx.msk $0xffff, v9  }
0xd5: {  	v10 =	vadd.s32 v6, v8;
	v9 =	vld [tilespmem:s14+$0xFFFFFF70];
	_ =	sdelay $0x4  }
0xd6: {  	[tilespmem:v10+s24+$0x0] =	vst.idx.msk $0xffff, v9  }
0xd7: {  	v8 =	vadd.s32 v7, v8;
	v9 =	vld [tilespmem:s14+$0xFFFFFF80];
	_ =	sdelay $0x2  }
0xd8: {  	s6 =	sadd.s32 $0x2, s15  }
0xd9: {  	v10 =	vmov s6  }
0xda: {  	[tilespmem:v8+s24+$0x0] =	vst.idx.msk $0xffff, v9;
	v8 =	vand.u32 $0x7E, v10  }
0xdb: {  	v9 =	vld [tilespmem:s14+$0xFFFFFF90];
	v10 =	vadd.s32 v4, v8;
	_ =	sdelay $0x4  }
0xdc: {  	[tilespmem:v10+s24+$0x0] =	vst.idx.msk $0xffff, v9  }
0xdd: {  	v10 =	vadd.s32 v5, v8;
	v9 =	vld [tilespmem:s14+$0xFFFFFFA0];
	_ =	sdelay $0x4  }
0xde: {  	[tilespmem:v10+s24+$0x0] =	vst.idx.msk $0xffff, v9  }
0xdf: {  	v10 =	vadd.s32 v6, v8;
	v9 =	vld [tilespmem:s14+$0xFFFFFFB0];
	_ =	sdelay $0x4  }
0xe0: {  	[tilespmem:v10+s24+$0x0] =	vst.idx.msk $0xffff, v9  }
0xe1: {  	v8 =	vadd.s32 v7, v8;
	v9 =	vld [tilespmem:s14+$0xFFFFFFC0];
	_ =	sdelay $0x2  }
0xe2: {  	s6 =	sadd.s32 $0x3, s15;
	s15 =	smov.u32 s5  }
0xe3: {  	v10 =	vmov s6  }
0xe4: {  	[tilespmem:v8+s24+$0x0] =	vst.idx.msk $0xffff, v9;
	v9 =	vand.u32 $0x7F, v10  }
0xe5: {  	v8 =	vld [tilespmem:s14+$0xFFFFFFD0];
	v10 =	vadd.s32 v4, v9;
	_ =	sdelay $0x4  }
0xe6: {  	[tilespmem:v10+s24+$0x0] =	vst.idx.msk $0xffff, v8  }
0xe7: {  	v10 =	vadd.s32 v5, v9;
	v8 =	vld [tilespmem:s14+$0xFFFFFFE0];
	_ =	sdelay $0x4  }
0xe8: {  	[tilespmem:v10+s24+$0x0] =	vst.idx.msk $0xffff, v8  }
0xe9: {  	v10 =	vadd.s32 v6, v9;
	v8 =	vld [tilespmem:s14+$0xFFFFFFF0];
	_ =	sdelay $0x4  }
0xea: {  	[tilespmem:v10+s24+$0x0] =	vst.idx.msk $0xffff, v8  }
.Ltmp1:
0xeb: {  	v9 =	vadd.s32 v7, v9;
	v8 =	vld [tilespmem:s14+$0x0];
	(pc) =	sbr.rel @p1 .LBB2_5-.Ltmp1, $2  }
0xec: {  	_ =	sdelay $0x2  }
0xed: {  	s5 =	sadd.s32 $0x4, s5;
	v10 =	vmov s15  }
0xee: {  	_ =	sdelay $0x3  }
0xef: {  	v10 =	vand.u32 $0x7C, v10;
	[tilespmem:v9+s24+$0x0] =	vst.idx.msk $0xffff, v8;
	s5 =	sadd.s32 $0x100, s14  }
0xf0: {  	v8 =	vld [tilespmem:s5+$0xFFFFFF10];
	v51 =	vadd.s32 v4, v10;
	_ =	sdelay $0x4  }
0xf1: {  	[tilespmem:v51+s24+$0x0] =	vst.idx.msk $0xffff, v8  }
0xf2: {  	v52 =	vadd.s32 v5, v10;
	v8 =	vld [tilespmem:s5+$0xFFFFFF20];
	_ =	sdelay $0x4  }
0xf3: {  	[tilespmem:v52+s24+$0x0] =	vst.idx.msk $0xffff, v8  }
0xf4: {  	v53 =	vadd.s32 v6, v10;
	v8 =	vld [tilespmem:s5+$0xFFFFFF30];
	_ =	sdelay $0x4  }
0xf5: {  	[tilespmem:v53+s24+$0x0] =	vst.idx.msk $0xffff, v8  }
0xf6: {  	v54 =	vadd.s32 v7, v10;
	v8 =	vld [tilespmem:s5+$0xFFFFFF40];
	_ =	sdelay $0x2  }
0xf7: {  	s6 =	sadd.s32 $0x1, s15  }
0xf8: {  	v55 =	vmov s6  }
0xf9: {  	[tilespmem:v54+s24+$0x0] =	vst.idx.msk $0xffff, v8;
	v8 =	vand.u32 $0x7D, v55  }
0xfa: {  	v9 =	vld [tilespmem:s5+$0xFFFFFF50];
	v10 =	vadd.s32 v4, v8;
	_ =	sdelay $0x4  }
0xfb: {  	[tilespmem:v10+s24+$0x0] =	vst.idx.msk $0xffff, v9  }
0xfc: {  	v56 =	vadd.s32 v5, v8;
	v9 =	vld [tilespmem:s5+$0xFFFFFF60];
	_ =	sdelay $0x4  }
0xfd: {  	[tilespmem:v56+s24+$0x0] =	vst.idx.msk $0xffff, v9  }
0xfe: {  	v57 =	vadd.s32 v6, v8;
	v9 =	vld [tilespmem:s5+$0xFFFFFF70];
	_ =	sdelay $0x4  }
0xff: {  	[tilespmem:v57+s24+$0x0] =	vst.idx.msk $0xffff, v9  }
0x100: {  	v8 =	vadd.s32 v7, v8;
	v9 =	vld [tilespmem:s5+$0xFFFFFF80];
	_ =	sdelay $0x2  }
0x101: {  	s21 =	sadd.s32 $0x2, s15  }
0x102: {  	v58 =	vmov s21  }
0x103: {  	[tilespmem:v8+s24+$0x0] =	vst.idx.msk $0xffff, v9;
	v8 =	vand.u32 $0x7E, v58  }
0x104: {  	v9 =	vld [tilespmem:s5+$0xFFFFFF90];
	v10 =	vadd.s32 v4, v8;
	_ =	sdelay $0x4  }
0x105: {  	[tilespmem:v10+s24+$0x0] =	vst.idx.msk $0xffff, v9  }
0x106: {  	v59 =	vadd.s32 v5, v8;
	v9 =	vld [tilespmem:s5+$0xFFFFFFA0];
	_ =	sdelay $0x4  }
0x107: {  	[tilespmem:v59+s24+$0x0] =	vst.idx.msk $0xffff, v9  }
0x108: {  	v60 =	vadd.s32 v6, v8;
	v9 =	vld [tilespmem:s5+$0xFFFFFFB0];
	_ =	sdelay $0x4  }
0x109: {  	[tilespmem:v60+s24+$0x0] =	vst.idx.msk $0xffff, v9  }
0x10a: {  	v8 =	vadd.s32 v7, v8;
	v9 =	vld [tilespmem:s5+$0xFFFFFFC0];
	_ =	sdelay $0x2  }
0x10b: {  	s7 =	sadd.s32 $0x3, s15  }
0x10c: {  	v61 =	vmov s7  }
0x10d: {  	[tilespmem:v8+s24+$0x0] =	vst.idx.msk $0xffff, v9;
	v8 =	vand.u32 $0x7F, v61  }
0x10e: {  	v9 =	vld [tilespmem:s5+$0xFFFFFFD0];
	v10 =	vadd.s32 v4, v8;
	_ =	sdelay $0x4  }
0x10f: {  	[tilespmem:v10+s24+$0x0] =	vst.idx.msk $0xffff, v9  }
0x110: {  	v62 =	vadd.s32 v5, v8;
	v9 =	vld [tilespmem:s5+$0xFFFFFFE0];
	_ =	sdelay $0x4  }
0x111: {  	[tilespmem:v62+s24+$0x0] =	vst.idx.msk $0xffff, v9  }
0x112: {  	v63 =	vadd.s32 v6, v8;
	v9 =	vld [tilespmem:s5+$0xFFFFFFF0];
	_ =	sdelay $0x4  }
0x113: {  	[tilespmem:v63+s24+$0x0] =	vst.idx.msk $0xffff, v9  }
0x114: {  	v8 =	vadd.s32 v7, v8;
	v9 =	vld [tilespmem:s5+$0x0];
	_ =	sdelay $0x3  }
0x115: {  	s14 =	sshll.u32 s11, $0x7;
	s0 =	sadd.s32 s2, s0  }
0x116: {  	s15 =	simm.s32 $0xD140;
	s5 =	sadd.s32 s14, s0;
	[tilespmem:v8+s24+$0x0] =	vst.idx.msk $0xffff, v9  }
0x117: {  	[hbm4b:s5+s3] =	stream.linear.scatter [tilespmem:s15], [sflag:$0x3], $0x80, $0x38;
	[tilespmem:$0x15940] =	vst v63  }
0x118: {  	s17 =	simm.s32 $0xD1C8;
	s18 =	sadd.s32 $0x10, s5  }
0x119: {  	[hbm4b:s18+s3] =	stream.linear.scatter [tilespmem:s17], [sflag:$0x3], $0x80, $0x38;
	[tilespmem:$0x15940] =	vst v63  }
0x11a: {  	s19 =	simm.s32 $0xD250;
	s7 =	simm.s32 $0xD2D8;
	s21 =	sadd.s32 $0x20, s5  }
0x11b: {  	[hbm4b:s21+s3] =	stream.linear.scatter [tilespmem:s19], [sflag:$0x3], $0x80, $0x38;
	[tilespmem:$0x15940] =	vst v63  }
0x11c: {  	s14 =	simm.s32 $0xD360;
	s0 =	simm.s32 $0x440;
	s11 =	sadd.s32 $0x30, s5  }
0x11d: {  	[hbm4b:s11+s3] =	stream.linear.scatter [tilespmem:s7], [sflag:$0x3], $0x80, $0x38;
	[tilespmem:$0x15940] =	vst v63  }
0x11e: {  	s15 =	sadd.s32 $0x40, s5;
	s17 =	simm.s32 $0xD3E8;
	s18 =	sadd.s32 $0x50, s5  }
0x11f: {  	[hbm4b:s15+s3] =	stream.linear.scatter [tilespmem:s14], [sflag:$0x3], $0x80, $0x38;
	[tilespmem:$0x15940] =	vst v63  }
0x120: {  	s19 =	simm.s32 $0xD470;
	s21 =	sadd.s32 $0x60, s5;
	s11 =	simm.s32 $0x2200  }
0x121: {  	[hbm4b:s18+s3] =	stream.linear.scatter [tilespmem:s17], [sflag:$0x3], $0x80, $0x38;
	[tilespmem:$0x15940] =	vst v63  }
0x122: {  	s14 =	simm.s32 $0xD4F8;
	s15 =	sadd.s32 $0x70, s5;
	s5 =	sadd.s32 $0x4000, s5  }
0x123: {  	[hbm4b:s21+s3] =	stream.linear.scatter [tilespmem:s19], [sflag:$0x3], $0x80, $0x38;
	[tilespmem:$0x15940] =	vst v63  }
.LBB2_7:
0x124: {  	[hbm4b:s15+s3] =	stream.linear.scatter [tilespmem:s14], [sflag:$0x3], $0x80, $0x38;
	[tilespmem:$0x15940] =	vst v63  }
0x125: {  	s6 =	smov.u32 s0;
	s0 =	smov.u32 s11  }
0x126: {  	s17 =	sadd.s32 $0x1100, s11;
	s0 =	sshra.s32 s0, $0x2;
	s14 =	sadd.s32 $0xD140, s6  }
0x127: {  	[hbm4b:s5+s3] =	stream.linear.scatter [tilespmem:s14], [sflag:$0x3], $0x80, $0x38;
	[tilespmem:$0x15940] =	vst v63  }
0x128: {  	p1 =	sne.s32 s11, $0xFF00;
	s11 =	sadd.s32 $0xD1C8, s6;
	s14 =	sadd.s32 $0x10, s5  }
0x129: {  	[hbm4b:s14+s3] =	stream.linear.scatter [tilespmem:s11], [sflag:$0x3], $0x80, $0x38;
	[tilespmem:$0x15940] =	vst v63  }
0x12a: {  	s11 =	sadd.s32 $0xD250, s6;
	s14 =	sadd.s32 $0x20, s5  }
0x12b: {  	[hbm4b:s14+s3] =	stream.linear.scatter [tilespmem:s11], [sflag:$0x3], $0x80, $0x38;
	[tilespmem:$0x15940] =	vst v63  }
0x12c: {  	s11 =	sadd.s32 $0xD2D8, s6;
	s14 =	sadd.s32 $0x30, s5  }
0x12d: {  	[hbm4b:s14+s3] =	stream.linear.scatter [tilespmem:s11], [sflag:$0x3], $0x80, $0x38;
	[tilespmem:$0x15940] =	vst v63  }
0x12e: {  	s11 =	sadd.s32 $0xD360, s6;
	s14 =	sadd.s32 $0x40, s5  }
0x12f: {  	[hbm4b:s14+s3] =	stream.linear.scatter [tilespmem:s11], [sflag:$0x3], $0x80, $0x38;
	[tilespmem:$0x15940] =	vst v63  }
.Ltmp2:
0x130: {  	s11 =	sadd.s32 $0xD3E8, s6;
	s14 =	sadd.s32 $0x50, s5;
	(pc) =	sbr.rel @p1 .LBB2_7-.Ltmp2, $4  }
0x131: {  	[hbm4b:s14+s3] =	stream.linear.scatter [tilespmem:s11], [sflag:$0x3], $0x80, $0x38;
	[tilespmem:$0x15940] =	vst v63  }
0x132: {  	s15 =	sadd.s32 $0x70, s5;
	s11 =	sadd.s32 $0xD470, s6;
	s14 =	sadd.s32 $0x60, s5  }
0x133: {  	[hbm4b:s14+s3] =	stream.linear.scatter [tilespmem:s11], [sflag:$0x3], $0x80, $0x38;
	[tilespmem:$0x15940] =	vst v63  }
0x134: {  	s5 =	sadd.s32 $0x4000, s5;
	s14 =	sadd.s32 $0xD4F8, s6;
	s11 =	smov.u32 s17  }
0x135: {  	[hbm4b:s15+s3] =	stream.linear.scatter [tilespmem:s14], [sflag:$0x3], $0x80, $0x38;
	[tilespmem:$0x15940] =	vst v63  }
0x136: {  	s6 =	sadd.s32 $0xD140, s0  }
0x137: {  	[hbm4b:s5+s3] =	stream.linear.scatter [tilespmem:s6], [sflag:$0x3], $0x80, $0x38;
	[tilespmem:$0x15940] =	vst v63  }
0x138: {  	s14 =	sadd.s32 $0xD1C8, s0;
	s11 =	sadd.s32 $0x10, s5  }
0x139: {  	[hbm4b:s11+s3] =	stream.linear.scatter [tilespmem:s14], [sflag:$0x3], $0x80, $0x38;
	[tilespmem:$0x15940] =	vst v63  }
0x13a: {  	s15 =	sadd.s32 $0xD250, s0;
	s17 =	sadd.s32 $0x20, s5  }
0x13b: {  	[hbm4b:s17+s3] =	stream.linear.scatter [tilespmem:s15], [sflag:$0x3], $0x80, $0x38;
	[tilespmem:$0x15940] =	vst v63  }
0x13c: {  	s18 =	sadd.s32 $0xD2D8, s0;
	s19 =	sadd.s32 $0x30, s5  }
0x13d: {  	[hbm4b:s19+s3] =	stream.linear.scatter [tilespmem:s18], [sflag:$0x3], $0x80, $0x38;
	[tilespmem:$0x15940] =	vst v63  }
0x13e: {  	s21 =	sadd.s32 $0xD360, s0;
	s7 =	sadd.s32 $0x40, s5;
	p1 =	seq.s32 s31, $0x19  }
0x13f: {  	[hbm4b:s7+s3] =	stream.linear.scatter [tilespmem:s21], [sflag:$0x3], $0x80, $0x38;
	[tilespmem:$0x15940] =	vst v63  }
0x140: {  	s6 =	sadd.s32 @!p1 $0x2, s1;
	s14 =	sadd.s32 $0xD3E8, s0;
	s15 =	sadd.s32 $0x50, s5  }
0x141: {  	[hbm4b:s15+s3] =	stream.linear.scatter [tilespmem:s14], [sflag:$0x3], $0x80, $0x38;
	[tilespmem:$0x15940] =	vst v63  }
0x142: {  	s17 =	sadd.s32 $0xD470, s0;
	s18 =	sadd.s32 $0x60, s5;
	s15 =	smulhi.u32 @!p1 $0x4EC4EC4F, s6  }
0x143: {  	[hbm4b:s18+s3] =	stream.linear.scatter [tilespmem:s17], [sflag:$0x3], $0x80, $0x38;
	[tilespmem:$0x15940] =	vst v63  }
0x144: {  	s11 =	sshrl.u32 @!p1 s15, $0x2  }
0x145: {  	s19 =	sadd.s32 $0xD4F8, s0;
	s21 =	sadd.s32 $0x70, s5;
	s14 =	smul.u32 @!p1 $0xD, s11  }
0x146: {  	[hbm4b:s21+s3] =	stream.linear.scatter [tilespmem:s19], [sflag:$0x3], $0x80, $0x38;
	[tilespmem:$0x15940] =	vst v63  }
0x147: {  	s0 =	ssub.s32 @!p1 s6, s14  }
0x148: {  	s5 =	sshll.u32 @!p1 s11, $0x7;
	s0 =	sshll.u32 @!p1 s0, $0xA  }
0x149: {  	s6 =	simm.s32 @!p1 $0x5140;
	s0 =	sadd.s32 @!p1 s5, s0;
	s5 =	simm.s32 @!p1 $0x80  }
0x14a: {  	[tilespmem:s6], [sflag:$0x1] =	stream.indirect.gather @!p1 [hbm4b:s4+s5], $0x40, s0, s5, $0xb8;
	[tilespmem:$0x15940] =	vst v63  }
0x14b: {  	s0 =	sadd.s32 @!p1 $0x200, s0;
	s6 =	simm.s32 @!p1 $0x7140  }
0x14c: {  	[tilespmem:s6], [sflag:$0x1] =	stream.indirect.gather @!p1 [hbm4b:s4+s5], $0x40, s0, s5, $0xb8;
	[tilespmem:$0x15940] =	vst v63  }
0x14d: {  	_ =	swait.ge [sflag:s25], $0x2000  }
0x14e: {  	[sflag:s25] =	ssyncset.done $0x0  }
0x14f: {  	[sflag:s25] =	ssyncadd.s32 $0xFFFFE000  }
0x150: {  	_ =	swait.ge [sflag:s25], $0x2000  }
0x151: {  	[sflag:s25] =	ssyncset.done $0x0  }
0x152: {  	s0 =	simm.s32 @!p0 $0x4;
	[sflag:s25] =	ssyncadd.s32 $0xFFFFE000  }
0x153: {  	s7 =	simm.s32 $0x0;
	_ =	swait.ge @!p0 [sflag:s0], $0x4000  }
0x154: {  	v8 =	vmov s7;
	[sflag:s0] =	ssyncset.done @!p0 $0x0  }
0x155: {  	v8 =	vand.u32 $0x7C, v8;
	s14 =	simm.s32 $0x91C0;
	[sflag:s0] =	ssyncadd.s32 @!p0 $0xFFFFC000  }
0x156: {  	v10 =	vadd.s32 v0, v8;
	v9 =	vld [tilespmem:s14+$0xFFFFFF80];
	_ =	sdelay $0x4  }
0x157: {  	[tilespmem:v10+s26+$0x0] =	vst.idx.msk $0xffff, v9  }
0x158: {  	v10 =	vadd.s32 v1, v8;
	v9 =	vld [tilespmem:s14+$0xFFFFFF90];
	_ =	sdelay $0x4  }
0x159: {  	[tilespmem:v10+s26+$0x0] =	vst.idx.msk $0xffff, v9  }
0x15a: {  	v10 =	vadd.s32 v2, v8;
	v9 =	vld [tilespmem:s14+$0xFFFFFFA0];
	_ =	sdelay $0x4  }
0x15b: {  	[tilespmem:v10+s26+$0x0] =	vst.idx.msk $0xffff, v9  }
0x15c: {  	v10 =	vadd.s32 v3, v8;
	v9 =	vld [tilespmem:s14+$0xFFFFFFB0];
	_ =	sdelay $0x2  }
0x15d: {  	s11 =	simm.s32 $0x1  }
0x15e: {  	v11 =	vmov s11  }
0x15f: {  	[tilespmem:v10+s26+$0x0] =	vst.idx.msk $0xffff, v9;
	v9 =	vand.u32 $0x7D, v11  }
0x160: {  	v10 =	vld [tilespmem:s14+$0xFFFFFFC0];
	v11 =	vadd.s32 v0, v9;
	_ =	sdelay $0x4  }
0x161: {  	[tilespmem:v11+s26+$0x0] =	vst.idx.msk $0xffff, v10  }
0x162: {  	v11 =	vadd.s32 v1, v9;
	v10 =	vld [tilespmem:s14+$0xFFFFFFD0];
	_ =	sdelay $0x4  }
0x163: {  	[tilespmem:v11+s26+$0x0] =	vst.idx.msk $0xffff, v10  }
0x164: {  	v11 =	vadd.s32 v2, v9;
	v10 =	vld [tilespmem:s14+$0xFFFFFFE0];
	_ =	sdelay $0x4  }
0x165: {  	[tilespmem:v11+s26+$0x0] =	vst.idx.msk $0xffff, v10  }
0x166: {  	v11 =	vadd.s32 v3, v9;
	v10 =	vld [tilespmem:s14+$0xFFFFFFF0];
	_ =	sdelay $0x2  }
0x167: {  	s15 =	simm.s32 $0x2  }
0x168: {  	v12 =	vmov s15  }
0x169: {  	[tilespmem:v11+s26+$0x0] =	vst.idx.msk $0xffff, v10;
	v10 =	vand.u32 $0x7E, v12  }
0x16a: {  	v11 =	vld [tilespmem:s14+$0x0];
	v12 =	vadd.s32 v0, v10;
	_ =	sdelay $0x4  }
0x16b: {  	[tilespmem:v12+s26+$0x0] =	vst.idx.msk $0xffff, v11  }
0x16c: {  	v12 =	vadd.s32 v1, v10;
	v11 =	vld [tilespmem:s14+$0x10];
	_ =	sdelay $0x4  }
0x16d: {  	[tilespmem:v12+s26+$0x0] =	vst.idx.msk $0xffff, v11  }
0x16e: {  	v12 =	vadd.s32 v2, v10;
	v11 =	vld [tilespmem:s14+$0x20];
	_ =	sdelay $0x4  }
0x16f: {  	[tilespmem:v12+s26+$0x0] =	vst.idx.msk $0xffff, v11  }
0x170: {  	v12 =	vadd.s32 v3, v10;
	v11 =	vld [tilespmem:s14+$0x30];
	_ =	sdelay $0x2  }
0x171: {  	s17 =	simm.s32 $0x3  }
0x172: {  	v13 =	vmov s17  }
0x173: {  	[tilespmem:v12+s26+$0x0] =	vst.idx.msk $0xffff, v11;
	v11 =	vand.u32 $0x7F, v13  }
0x174: {  	v12 =	vld [tilespmem:s14+$0x40];
	v13 =	vadd.s32 v0, v11;
	_ =	sdelay $0x4  }
0x175: {  	[tilespmem:v13+s26+$0x0] =	vst.idx.msk $0xffff, v12  }
0x176: {  	v13 =	vadd.s32 v1, v11;
	v12 =	vld [tilespmem:s14+$0x50];
	_ =	sdelay $0x4  }
0x177: {  	[tilespmem:v13+s26+$0x0] =	vst.idx.msk $0xffff, v12  }
0x178: {  	v13 =	vadd.s32 v2, v11;
	v12 =	vld [tilespmem:s14+$0x60];
	_ =	sdelay $0x2  }
0x179: {  	s18 =	sor.u32 $0x1, s1  }
0x17a: {  	s19 =	smulhi.u32 $0x4EC4EC4F, s18  }
0x17b: {  	[tilespmem:v13+s26+$0x0] =	vst.idx.msk $0xffff, v12  }
0x17c: {  	s5 =	sshrl.u32 s19, $0x2;
	v13 =	vadd.s32 v3, v11;
	v12 =	vld [tilespmem:s14+$0x70]  }
0x17d: {  	s21 =	smul.u32 $0xD, s5;
	_ =	sdelay $0x1  }
0x17e: {  	s15 =	simm.s32 $0x4;
	s17 =	simm.s32 $0x8;
	s0 =	ssub.s32 s18, s21  }
0x17f: {  	v14 =	vmov s15;
	s11 =	sadd.s32 s8, s5;
	s5 =	simm.s32 $0x4;
	s0 =	sshll.u32 s0, $0x12  }
.LBB2_9:
0x180: {  	p0 =	sne.s32 s17, $0x7C;
	v14 =	vand.u32 $0x7C, v14;
	[tilespmem:v13+s26+$0x0] =	vst.idx.msk $0xffff, v12;
	s14 =	sadd.s32 $0x100, s14  }
0x181: {  	v12 =	vld [tilespmem:s14+$0xFFFFFF80];
	v13 =	vadd.s32 v0, v14;
	_ =	sdelay $0x4  }
0x182: {  	[tilespmem:v13+s26+$0x0] =	vst.idx.msk $0xffff, v12  }
0x183: {  	v13 =	vadd.s32 v1, v14;
	v12 =	vld [tilespmem:s14+$0xFFFFFF90];
	_ =	sdelay $0x4  }
0x184: {  	[tilespmem:v13+s26+$0x0] =	vst.idx.msk $0xffff, v12  }
0x185: {  	v13 =	vadd.s32 v2, v14;
	v12 =	vld [tilespmem:s14+$0xFFFFFFA0];
	_ =	sdelay $0x4  }
0x186: {  	[tilespmem:v13+s26+$0x0] =	vst.idx.msk $0xffff, v12  }
0x187: {  	v13 =	vadd.s32 v3, v14;
	v12 =	vld [tilespmem:s14+$0xFFFFFFB0];
	_ =	sdelay $0x2  }
0x188: {  	s6 =	sadd.s32 $0x1, s5  }
0x189: {  	v14 =	vmov s6  }
0x18a: {  	[tilespmem:v13+s26+$0x0] =	vst.idx.msk $0xffff, v12;
	v12 =	vand.u32 $0x7D, v14  }
0x18b: {  	v13 =	vld [tilespmem:s14+$0xFFFFFFC0];
	v14 =	vadd.s32 v0, v12;
	_ =	sdelay $0x4  }
0x18c: {  	[tilespmem:v14+s26+$0x0] =	vst.idx.msk $0xffff, v13  }
0x18d: {  	v14 =	vadd.s32 v1, v12;
	v13 =	vld [tilespmem:s14+$0xFFFFFFD0];
	_ =	sdelay $0x4  }
0x18e: {  	[tilespmem:v14+s26+$0x0] =	vst.idx.msk $0xffff, v13  }
0x18f: {  	v14 =	vadd.s32 v2, v12;
	v13 =	vld [tilespmem:s14+$0xFFFFFFE0];
	_ =	sdelay $0x4  }
0x190: {  	[tilespmem:v14+s26+$0x0] =	vst.idx.msk $0xffff, v13  }
0x191: {  	v12 =	vadd.s32 v3, v12;
	v13 =	vld [tilespmem:s14+$0xFFFFFFF0];
	_ =	sdelay $0x2  }
0x192: {  	s6 =	sadd.s32 $0x2, s5  }
0x193: {  	v14 =	vmov s6  }
0x194: {  	[tilespmem:v12+s26+$0x0] =	vst.idx.msk $0xffff, v13;
	v12 =	vand.u32 $0x7E, v14  }
0x195: {  	v13 =	vld [tilespmem:s14+$0x0];
	v14 =	vadd.s32 v0, v12;
	_ =	sdelay $0x4  }
0x196: {  	[tilespmem:v14+s26+$0x0] =	vst.idx.msk $0xffff, v13  }
0x197: {  	v14 =	vadd.s32 v1, v12;
	v13 =	vld [tilespmem:s14+$0x10];
	_ =	sdelay $0x4  }
0x198: {  	[tilespmem:v14+s26+$0x0] =	vst.idx.msk $0xffff, v13  }
0x199: {  	v14 =	vadd.s32 v2, v12;
	v13 =	vld [tilespmem:s14+$0x20];
	_ =	sdelay $0x4  }
0x19a: {  	[tilespmem:v14+s26+$0x0] =	vst.idx.msk $0xffff, v13  }
0x19b: {  	v12 =	vadd.s32 v3, v12;
	v13 =	vld [tilespmem:s14+$0x30];
	_ =	sdelay $0x2  }
0x19c: {  	s6 =	sadd.s32 $0x3, s5;
	s5 =	smov.u32 s17  }
0x19d: {  	v14 =	vmov s6  }
0x19e: {  	[tilespmem:v12+s26+$0x0] =	vst.idx.msk $0xffff, v13;
	v13 =	vand.u32 $0x7F, v14  }
0x19f: {  	v12 =	vld [tilespmem:s14+$0x40];
	v14 =	vadd.s32 v0, v13;
	_ =	sdelay $0x4  }
0x1a0: {  	[tilespmem:v14+s26+$0x0] =	vst.idx.msk $0xffff, v12  }
0x1a1: {  	v14 =	vadd.s32 v1, v13;
	v12 =	vld [tilespmem:s14+$0x50];
	_ =	sdelay $0x4  }
0x1a2: {  	[tilespmem:v14+s26+$0x0] =	vst.idx.msk $0xffff, v12  }
0x1a3: {  	v14 =	vadd.s32 v2, v13;
	v12 =	vld [tilespmem:s14+$0x60];
	_ =	sdelay $0x4  }
0x1a4: {  	[tilespmem:v14+s26+$0x0] =	vst.idx.msk $0xffff, v12  }
.Ltmp3:
0x1a5: {  	v13 =	vadd.s32 v3, v13;
	v12 =	vld [tilespmem:s14+$0x70];
	(pc) =	sbr.rel @p0 .LBB2_9-.Ltmp3, $2  }
0x1a6: {  	_ =	sdelay $0x2  }
0x1a7: {  	s17 =	sadd.s32 $0x4, s17;
	v14 =	vmov s5  }
0x1a8: {  	_ =	sdelay $0x3  }
0x1a9: {  	v14 =	vand.u32 $0x7C, v14;
	[tilespmem:v13+s26+$0x0] =	vst.idx.msk $0xffff, v12;
	s6 =	sadd.s32 $0x100, s14  }
0x1aa: {  	v12 =	vld [tilespmem:s6+$0xFFFFFF80];
	v42 =	vadd.s32 v0, v14;
	_ =	sdelay $0x4  }
0x1ab: {  	[tilespmem:v42+s26+$0x0] =	vst.idx.msk $0xffff, v12  }
0x1ac: {  	v43 =	vadd.s32 v1, v14;
	v12 =	vld [tilespmem:s6+$0xFFFFFF90];
	_ =	sdelay $0x4  }
0x1ad: {  	[tilespmem:v43+s26+$0x0] =	vst.idx.msk $0xffff, v12  }
0x1ae: {  	v44 =	vadd.s32 v2, v14;
	v12 =	vld [tilespmem:s6+$0xFFFFFFA0];
	_ =	sdelay $0x4  }
0x1af: {  	[tilespmem:v44+s26+$0x0] =	vst.idx.msk $0xffff, v12  }
0x1b0: {  	v45 =	vadd.s32 v3, v14;
	v12 =	vld [tilespmem:s6+$0xFFFFFFB0];
	_ =	sdelay $0x2  }
0x1b1: {  	s18 =	sadd.s32 $0x1, s5  }
0x1b2: {  	v46 =	vmov s18  }
0x1b3: {  	v47 =	vand.u32 $0x7D, v46;
	[tilespmem:v45+s26+$0x0] =	vst.idx.msk $0xffff, v12  }
0x1b4: {  	v14 =	vadd.s32 v0, v47;
	v13 =	vld [tilespmem:s6+$0xFFFFFFC0];
	_ =	sdelay $0x4  }
0x1b5: {  	[tilespmem:v14+s26+$0x0] =	vst.idx.msk $0xffff, v13  }
0x1b6: {  	v48 =	vadd.s32 v1, v47;
	v13 =	vld [tilespmem:s6+$0xFFFFFFD0];
	_ =	sdelay $0x4  }
0x1b7: {  	[tilespmem:v48+s26+$0x0] =	vst.idx.msk $0xffff, v13  }
0x1b8: {  	v49 =	vadd.s32 v2, v47;
	v13 =	vld [tilespmem:s6+$0xFFFFFFE0];
	_ =	sdelay $0x4  }
0x1b9: {  	[tilespmem:v49+s26+$0x0] =	vst.idx.msk $0xffff, v13  }
0x1ba: {  	v12 =	vadd.s32 v3, v47;
	v13 =	vld [tilespmem:s6+$0xFFFFFFF0];
	_ =	sdelay $0x2  }
0x1bb: {  	s19 =	sadd.s32 $0x2, s5  }
0x1bc: {  	v50 =	vmov s19  }
0x1bd: {  	v51 =	vand.u32 $0x7E, v50;
	[tilespmem:v12+s26+$0x0] =	vst.idx.msk $0xffff, v13  }
0x1be: {  	v14 =	vadd.s32 v0, v51;
	v13 =	vld [tilespmem:s6+$0x0];
	_ =	sdelay $0x4  }
0x1bf: {  	[tilespmem:v14+s26+$0x0] =	vst.idx.msk $0xffff, v13  }
0x1c0: {  	v52 =	vadd.s32 v1, v51;
	v13 =	vld [tilespmem:s6+$0x10];
	_ =	sdelay $0x4  }
0x1c1: {  	[tilespmem:v52+s26+$0x0] =	vst.idx.msk $0xffff, v13  }
0x1c2: {  	v53 =	vadd.s32 v2, v51;
	v13 =	vld [tilespmem:s6+$0x20];
	_ =	sdelay $0x4  }
0x1c3: {  	[tilespmem:v53+s26+$0x0] =	vst.idx.msk $0xffff, v13  }
0x1c4: {  	v12 =	vadd.s32 v3, v51;
	v13 =	vld [tilespmem:s6+$0x30];
	_ =	sdelay $0x2  }
0x1c5: {  	s21 =	sadd.s32 $0x3, s5  }
0x1c6: {  	v54 =	vmov s21  }
0x1c7: {  	v55 =	vand.u32 $0x7F, v54;
	[tilespmem:v12+s26+$0x0] =	vst.idx.msk $0xffff, v13  }
0x1c8: {  	v14 =	vadd.s32 v0, v55;
	v13 =	vld [tilespmem:s6+$0x40];
	_ =	sdelay $0x4  }
0x1c9: {  	[tilespmem:v14+s26+$0x0] =	vst.idx.msk $0xffff, v13  }
0x1ca: {  	v56 =	vadd.s32 v1, v55;
	v13 =	vld [tilespmem:s6+$0x50];
	_ =	sdelay $0x4  }
0x1cb: {  	[tilespmem:v56+s26+$0x0] =	vst.idx.msk $0xffff, v13  }
0x1cc: {  	v57 =	vadd.s32 v2, v55;
	v13 =	vld [tilespmem:s6+$0x60];
	_ =	sdelay $0x4  }
0x1cd: {  	[tilespmem:v57+s26+$0x0] =	vst.idx.msk $0xffff, v13  }
0x1ce: {  	v12 =	vadd.s32 v3, v55;
	v13 =	vld [tilespmem:s6+$0x70];
	_ =	sdelay $0x4  }
0x1cf: {  	s14 =	simm.s32 $0xB230;
	[tilespmem:v12+s26+$0x0] =	vst.idx.msk $0xffff, v13  }
0x1d0: {  	v58 =	vadd.s32 v4, v8;
	v12 =	vld [tilespmem:s14+$0xFFFFFF10];
	_ =	sdelay $0x4  }
0x1d1: {  	[tilespmem:v58+s26+$0x0] =	vst.idx.msk $0xffff, v12  }
0x1d2: {  	v59 =	vadd.s32 v5, v8;
	v12 =	vld [tilespmem:s14+$0xFFFFFF20];
	_ =	sdelay $0x4  }
0x1d3: {  	[tilespmem:v59+s26+$0x0] =	vst.idx.msk $0xffff, v12  }
0x1d4: {  	v60 =	vadd.s32 v6, v8;
	v12 =	vld [tilespmem:s14+$0xFFFFFF30];
	_ =	sdelay $0x4  }
0x1d5: {  	[tilespmem:v60+s26+$0x0] =	vst.idx.msk $0xffff, v12  }
0x1d6: {  	v8 =	vadd.s32 v7, v8;
	v12 =	vld [tilespmem:s14+$0xFFFFFF40];
	_ =	sdelay $0x4  }
0x1d7: {  	[tilespmem:v8+s26+$0x0] =	vst.idx.msk $0xffff, v12  }
0x1d8: {  	v61 =	vadd.s32 v4, v9;
	v8 =	vld [tilespmem:s14+$0xFFFFFF50];
	_ =	sdelay $0x4  }
0x1d9: {  	[tilespmem:v61+s26+$0x0] =	vst.idx.msk $0xffff, v8  }
0x1da: {  	v62 =	vadd.s32 v5, v9;
	v8 =	vld [tilespmem:s14+$0xFFFFFF60];
	_ =	sdelay $0x4  }
0x1db: {  	[tilespmem:v62+s26+$0x0] =	vst.idx.msk $0xffff, v8  }
0x1dc: {  	v63 =	vadd.s32 v6, v9;
	v8 =	vld [tilespmem:s14+$0xFFFFFF70];
	_ =	sdelay $0x4  }
0x1dd: {  	[tilespmem:v63+s26+$0x0] =	vst.idx.msk $0xffff, v8  }
0x1de: {  	v9 =	vadd.s32 v7, v9;
	v8 =	vld [tilespmem:s14+$0xFFFFFF80];
	_ =	sdelay $0x4  }
0x1df: {  	[tilespmem:v9+s26+$0x0] =	vst.idx.msk $0xffff, v8  }
0x1e0: {  	v9 =	vadd.s32 v4, v10;
	v8 =	vld [tilespmem:s14+$0xFFFFFF90];
	_ =	sdelay $0x4  }
0x1e1: {  	[tilespmem:v9+s26+$0x0] =	vst.idx.msk $0xffff, v8  }
0x1e2: {  	v9 =	vadd.s32 v5, v10;
	v8 =	vld [tilespmem:s14+$0xFFFFFFA0];
	_ =	sdelay $0x4  }
0x1e3: {  	[tilespmem:v9+s26+$0x0] =	vst.idx.msk $0xffff, v8  }
0x1e4: {  	v9 =	vadd.s32 v6, v10;
	v8 =	vld [tilespmem:s14+$0xFFFFFFB0];
	_ =	sdelay $0x4  }
0x1e5: {  	[tilespmem:v9+s26+$0x0] =	vst.idx.msk $0xffff, v8  }
0x1e6: {  	v9 =	vadd.s32 v7, v10;
	v8 =	vld [tilespmem:s14+$0xFFFFFFC0];
	_ =	sdelay $0x4  }
0x1e7: {  	[tilespmem:v9+s26+$0x0] =	vst.idx.msk $0xffff, v8  }
0x1e8: {  	v9 =	vadd.s32 v4, v11;
	v8 =	vld [tilespmem:s14+$0xFFFFFFD0];
	_ =	sdelay $0x4  }
0x1e9: {  	[tilespmem:v9+s26+$0x0] =	vst.idx.msk $0xffff, v8  }
0x1ea: {  	v9 =	vadd.s32 v5, v11;
	v8 =	vld [tilespmem:s14+$0xFFFFFFE0];
	_ =	sdelay $0x4  }
0x1eb: {  	[tilespmem:v9+s26+$0x0] =	vst.idx.msk $0xffff, v8  }
0x1ec: {  	v9 =	vadd.s32 v6, v11;
	v8 =	vld [tilespmem:s14+$0xFFFFFFF0];
	_ =	sdelay $0x4  }
0x1ed: {  	[tilespmem:v9+s26+$0x0] =	vst.idx.msk $0xffff, v8  }
0x1ee: {  	v9 =	vadd.s32 v7, v11;
	v8 =	vld [tilespmem:s14+$0x0];
	_ =	sdelay $0x3  }
0x1ef: {  	s5 =	simm.s32 $0x8;
	v10 =	vmov s15  }
.LBB2_11:
0x1f0: {  	p0 =	sne.s32 s5, $0x7C;
	v10 =	vand.u32 $0x7C, v10;
	[tilespmem:v9+s26+$0x0] =	vst.idx.msk $0xffff, v8;
	s14 =	sadd.s32 $0x100, s14  }
0x1f1: {  	v8 =	vld [tilespmem:s14+$0xFFFFFF10];
	v9 =	vadd.s32 v4, v10;
	_ =	sdelay $0x4  }
0x1f2: {  	[tilespmem:v9+s26+$0x0] =	vst.idx.msk $0xffff, v8  }
0x1f3: {  	v9 =	vadd.s32 v5, v10;
	v8 =	vld [tilespmem:s14+$0xFFFFFF20];
	_ =	sdelay $0x4  }
0x1f4: {  	[tilespmem:v9+s26+$0x0] =	vst.idx.msk $0xffff, v8  }
0x1f5: {  	v9 =	vadd.s32 v6, v10;
	v8 =	vld [tilespmem:s14+$0xFFFFFF30];
	_ =	sdelay $0x4  }
0x1f6: {  	[tilespmem:v9+s26+$0x0] =	vst.idx.msk $0xffff, v8  }
0x1f7: {  	v9 =	vadd.s32 v7, v10;
	v8 =	vld [tilespmem:s14+$0xFFFFFF40];
	_ =	sdelay $0x2  }
0x1f8: {  	s6 =	sadd.s32 $0x1, s15  }
0x1f9: {  	v10 =	vmov s6  }
0x1fa: {  	[tilespmem:v9+s26+$0x0] =	vst.idx.msk $0xffff, v8;
	v8 =	vand.u32 $0x7D, v10  }
0x1fb: {  	v9 =	vld [tilespmem:s14+$0xFFFFFF50];
	v10 =	vadd.s32 v4, v8;
	_ =	sdelay $0x4  }
0x1fc: {  	[tilespmem:v10+s26+$0x0] =	vst.idx.msk $0xffff, v9  }
0x1fd: {  	v10 =	vadd.s32 v5, v8;
	v9 =	vld [tilespmem:s14+$0xFFFFFF60];
	_ =	sdelay $0x4  }
0x1fe: {  	[tilespmem:v10+s26+$0x0] =	vst.idx.msk $0xffff, v9  }
0x1ff: {  	v10 =	vadd.s32 v6, v8;
	v9 =	vld [tilespmem:s14+$0xFFFFFF70];
	_ =	sdelay $0x4  }
0x200: {  	[tilespmem:v10+s26+$0x0] =	vst.idx.msk $0xffff, v9  }
0x201: {  	v8 =	vadd.s32 v7, v8;
	v9 =	vld [tilespmem:s14+$0xFFFFFF80];
	_ =	sdelay $0x2  }
0x202: {  	s6 =	sadd.s32 $0x2, s15  }
0x203: {  	v10 =	vmov s6  }
0x204: {  	[tilespmem:v8+s26+$0x0] =	vst.idx.msk $0xffff, v9;
	v8 =	vand.u32 $0x7E, v10  }
0x205: {  	v9 =	vld [tilespmem:s14+$0xFFFFFF90];
	v10 =	vadd.s32 v4, v8;
	_ =	sdelay $0x4  }
0x206: {  	[tilespmem:v10+s26+$0x0] =	vst.idx.msk $0xffff, v9  }
0x207: {  	v10 =	vadd.s32 v5, v8;
	v9 =	vld [tilespmem:s14+$0xFFFFFFA0];
	_ =	sdelay $0x4  }
0x208: {  	[tilespmem:v10+s26+$0x0] =	vst.idx.msk $0xffff, v9  }
0x209: {  	v10 =	vadd.s32 v6, v8;
	v9 =	vld [tilespmem:s14+$0xFFFFFFB0];
	_ =	sdelay $0x4  }
0x20a: {  	[tilespmem:v10+s26+$0x0] =	vst.idx.msk $0xffff, v9  }
0x20b: {  	v8 =	vadd.s32 v7, v8;
	v9 =	vld [tilespmem:s14+$0xFFFFFFC0];
	_ =	sdelay $0x2  }
0x20c: {  	s6 =	sadd.s32 $0x3, s15;
	s15 =	smov.u32 s5  }
0x20d: {  	v10 =	vmov s6  }
0x20e: {  	[tilespmem:v8+s26+$0x0] =	vst.idx.msk $0xffff, v9;
	v9 =	vand.u32 $0x7F, v10  }
0x20f: {  	v8 =	vld [tilespmem:s14+$0xFFFFFFD0];
	v10 =	vadd.s32 v4, v9;
	_ =	sdelay $0x4  }
0x210: {  	[tilespmem:v10+s26+$0x0] =	vst.idx.msk $0xffff, v8  }
0x211: {  	v10 =	vadd.s32 v5, v9;
	v8 =	vld [tilespmem:s14+$0xFFFFFFE0];
	_ =	sdelay $0x4  }
0x212: {  	[tilespmem:v10+s26+$0x0] =	vst.idx.msk $0xffff, v8  }
0x213: {  	v10 =	vadd.s32 v6, v9;
	v8 =	vld [tilespmem:s14+$0xFFFFFFF0];
	_ =	sdelay $0x4  }
0x214: {  	[tilespmem:v10+s26+$0x0] =	vst.idx.msk $0xffff, v8  }
.Ltmp4:
0x215: {  	v9 =	vadd.s32 v7, v9;
	v8 =	vld [tilespmem:s14+$0x0];
	(pc) =	sbr.rel @p0 .LBB2_11-.Ltmp4, $2  }
0x216: {  	_ =	sdelay $0x2  }
0x217: {  	s5 =	sadd.s32 $0x4, s5;
	v10 =	vmov s15  }
0x218: {  	_ =	sdelay $0x3  }
0x219: {  	v10 =	vand.u32 $0x7C, v10;
	[tilespmem:v9+s26+$0x0] =	vst.idx.msk $0xffff, v8;
	s5 =	sadd.s32 $0x100, s14  }
0x21a: {  	v8 =	vld [tilespmem:s5+$0xFFFFFF10];
	v51 =	vadd.s32 v4, v10;
	_ =	sdelay $0x4  }
0x21b: {  	[tilespmem:v51+s26+$0x0] =	vst.idx.msk $0xffff, v8  }
0x21c: {  	v52 =	vadd.s32 v5, v10;
	v8 =	vld [tilespmem:s5+$0xFFFFFF20];
	_ =	sdelay $0x4  }
0x21d: {  	[tilespmem:v52+s26+$0x0] =	vst.idx.msk $0xffff, v8  }
0x21e: {  	v53 =	vadd.s32 v6, v10;
	v8 =	vld [tilespmem:s5+$0xFFFFFF30];
	_ =	sdelay $0x4  }
0x21f: {  	[tilespmem:v53+s26+$0x0] =	vst.idx.msk $0xffff, v8  }
0x220: {  	v54 =	vadd.s32 v7, v10;
	v8 =	vld [tilespmem:s5+$0xFFFFFF40];
	_ =	sdelay $0x2  }
0x221: {  	s6 =	sadd.s32 $0x1, s15  }
0x222: {  	v55 =	vmov s6  }
0x223: {  	[tilespmem:v54+s26+$0x0] =	vst.idx.msk $0xffff, v8;
	v8 =	vand.u32 $0x7D, v55  }
0x224: {  	v9 =	vld [tilespmem:s5+$0xFFFFFF50];
	v10 =	vadd.s32 v4, v8;
	_ =	sdelay $0x4  }
0x225: {  	[tilespmem:v10+s26+$0x0] =	vst.idx.msk $0xffff, v9  }
0x226: {  	v56 =	vadd.s32 v5, v8;
	v9 =	vld [tilespmem:s5+$0xFFFFFF60];
	_ =	sdelay $0x4  }
0x227: {  	[tilespmem:v56+s26+$0x0] =	vst.idx.msk $0xffff, v9  }
0x228: {  	v57 =	vadd.s32 v6, v8;
	v9 =	vld [tilespmem:s5+$0xFFFFFF70];
	_ =	sdelay $0x4  }
0x229: {  	[tilespmem:v57+s26+$0x0] =	vst.idx.msk $0xffff, v9  }
0x22a: {  	v8 =	vadd.s32 v7, v8;
	v9 =	vld [tilespmem:s5+$0xFFFFFF80];
	_ =	sdelay $0x2  }
0x22b: {  	s21 =	sadd.s32 $0x2, s15  }
0x22c: {  	v58 =	vmov s21  }
0x22d: {  	[tilespmem:v8+s26+$0x0] =	vst.idx.msk $0xffff, v9;
	v8 =	vand.u32 $0x7E, v58  }
0x22e: {  	v9 =	vld [tilespmem:s5+$0xFFFFFF90];
	v10 =	vadd.s32 v4, v8;
	_ =	sdelay $0x4  }
0x22f: {  	[tilespmem:v10+s26+$0x0] =	vst.idx.msk $0xffff, v9  }
0x230: {  	v59 =	vadd.s32 v5, v8;
	v9 =	vld [tilespmem:s5+$0xFFFFFFA0];
	_ =	sdelay $0x4  }
0x231: {  	[tilespmem:v59+s26+$0x0] =	vst.idx.msk $0xffff, v9  }
0x232: {  	v60 =	vadd.s32 v6, v8;
	v9 =	vld [tilespmem:s5+$0xFFFFFFB0];
	_ =	sdelay $0x4  }
0x233: {  	[tilespmem:v60+s26+$0x0] =	vst.idx.msk $0xffff, v9  }
0x234: {  	v8 =	vadd.s32 v7, v8;
	v9 =	vld [tilespmem:s5+$0xFFFFFFC0];
	_ =	sdelay $0x2  }
0x235: {  	s7 =	sadd.s32 $0x3, s15  }
0x236: {  	v61 =	vmov s7  }
0x237: {  	[tilespmem:v8+s26+$0x0] =	vst.idx.msk $0xffff, v9;
	v8 =	vand.u32 $0x7F, v61  }
0x238: {  	v9 =	vld [tilespmem:s5+$0xFFFFFFD0];
	v10 =	vadd.s32 v4, v8;
	_ =	sdelay $0x4  }
0x239: {  	[tilespmem:v10+s26+$0x0] =	vst.idx.msk $0xffff, v9  }
0x23a: {  	v62 =	vadd.s32 v5, v8;
	v9 =	vld [tilespmem:s5+$0xFFFFFFE0];
	_ =	sdelay $0x4  }
0x23b: {  	[tilespmem:v62+s26+$0x0] =	vst.idx.msk $0xffff, v9  }
0x23c: {  	v63 =	vadd.s32 v6, v8;
	v9 =	vld [tilespmem:s5+$0xFFFFFFF0];
	_ =	sdelay $0x4  }
0x23d: {  	[tilespmem:v63+s26+$0x0] =	vst.idx.msk $0xffff, v9  }
0x23e: {  	v8 =	vadd.s32 v7, v8;
	v9 =	vld [tilespmem:s5+$0x0];
	_ =	sdelay $0x3  }
0x23f: {  	s14 =	sshll.u32 s11, $0x7;
	s0 =	sadd.s32 s2, s0  }
0x240: {  	s15 =	simm.s32 $0x11540;
	s5 =	sadd.s32 s14, s0;
	[tilespmem:v8+s26+$0x0] =	vst.idx.msk $0xffff, v9  }
0x241: {  	[hbm4b:s5+s3] =	stream.linear.scatter [tilespmem:s15], [sflag:$0x4], $0x80, $0x38;
	[tilespmem:$0x15940] =	vst v63  }
0x242: {  	s17 =	simm.s32 $0x115C8;
	s18 =	sadd.s32 $0x10, s5  }
0x243: {  	[hbm4b:s18+s3] =	stream.linear.scatter [tilespmem:s17], [sflag:$0x4], $0x80, $0x38;
	[tilespmem:$0x15940] =	vst v63  }
0x244: {  	s19 =	simm.s32 $0x11650;
	s7 =	simm.s32 $0x116D8;
	s21 =	sadd.s32 $0x20, s5  }
0x245: {  	[hbm4b:s21+s3] =	stream.linear.scatter [tilespmem:s19], [sflag:$0x4], $0x80, $0x38;
	[tilespmem:$0x15940] =	vst v63  }
0x246: {  	s14 =	simm.s32 $0x11760;
	s0 =	simm.s32 $0x440;
	s11 =	sadd.s32 $0x30, s5  }
0x247: {  	[hbm4b:s11+s3] =	stream.linear.scatter [tilespmem:s7], [sflag:$0x4], $0x80, $0x38;
	[tilespmem:$0x15940] =	vst v63  }
0x248: {  	s15 =	sadd.s32 $0x40, s5;
	s17 =	simm.s32 $0x117E8;
	s18 =	sadd.s32 $0x50, s5  }
0x249: {  	[hbm4b:s15+s3] =	stream.linear.scatter [tilespmem:s14], [sflag:$0x4], $0x80, $0x38;
	[tilespmem:$0x15940] =	vst v63  }
0x24a: {  	s19 =	simm.s32 $0x11870;
	s21 =	sadd.s32 $0x60, s5;
	s11 =	simm.s32 $0x2200  }
0x24b: {  	[hbm4b:s18+s3] =	stream.linear.scatter [tilespmem:s17], [sflag:$0x4], $0x80, $0x38;
	[tilespmem:$0x15940] =	vst v63  }
0x24c: {  	s14 =	simm.s32 $0x118F8;
	s15 =	sadd.s32 $0x70, s5;
	s5 =	sadd.s32 $0x4000, s5  }
0x24d: {  	[hbm4b:s21+s3] =	stream.linear.scatter [tilespmem:s19], [sflag:$0x4], $0x80, $0x38;
	[tilespmem:$0x15940] =	vst v63  }
.LBB2_13:
0x24e: {  	[hbm4b:s15+s3] =	stream.linear.scatter [tilespmem:s14], [sflag:$0x4], $0x80, $0x38;
	[tilespmem:$0x15940] =	vst v63  }
0x24f: {  	s6 =	smov.u32 s0;
	s0 =	smov.u32 s11  }
0x250: {  	s17 =	sadd.s32 $0x1100, s11;
	s0 =	sshra.s32 s0, $0x2;
	s14 =	sadd.s32 $0x11540, s6  }
0x251: {  	[hbm4b:s5+s3] =	stream.linear.scatter [tilespmem:s14], [sflag:$0x4], $0x80, $0x38;
	[tilespmem:$0x15940] =	vst v63  }
0x252: {  	p0 =	sne.s32 s11, $0xFF00;
	s11 =	sadd.s32 $0x115C8, s6;
	s14 =	sadd.s32 $0x10, s5  }
0x253: {  	[hbm4b:s14+s3] =	stream.linear.scatter [tilespmem:s11], [sflag:$0x4], $0x80, $0x38;
	[tilespmem:$0x15940] =	vst v63  }
0x254: {  	s11 =	sadd.s32 $0x11650, s6;
	s14 =	sadd.s32 $0x20, s5  }
0x255: {  	[hbm4b:s14+s3] =	stream.linear.scatter [tilespmem:s11], [sflag:$0x4], $0x80, $0x38;
	[tilespmem:$0x15940] =	vst v63  }
0x256: {  	s11 =	sadd.s32 $0x116D8, s6;
	s14 =	sadd.s32 $0x30, s5  }
0x257: {  	[hbm4b:s14+s3] =	stream.linear.scatter [tilespmem:s11], [sflag:$0x4], $0x80, $0x38;
	[tilespmem:$0x15940] =	vst v63  }
0x258: {  	s11 =	sadd.s32 $0x11760, s6;
	s14 =	sadd.s32 $0x40, s5  }
0x259: {  	[hbm4b:s14+s3] =	stream.linear.scatter [tilespmem:s11], [sflag:$0x4], $0x80, $0x38;
	[tilespmem:$0x15940] =	vst v63  }
.Ltmp5:
0x25a: {  	s11 =	sadd.s32 $0x117E8, s6;
	s14 =	sadd.s32 $0x50, s5;
	(pc) =	sbr.rel @p0 .LBB2_13-.Ltmp5, $4  }
0x25b: {  	[hbm4b:s14+s3] =	stream.linear.scatter [tilespmem:s11], [sflag:$0x4], $0x80, $0x38;
	[tilespmem:$0x15940] =	vst v63  }
0x25c: {  	s15 =	sadd.s32 $0x70, s5;
	s11 =	sadd.s32 $0x11870, s6;
	s14 =	sadd.s32 $0x60, s5  }
0x25d: {  	[hbm4b:s14+s3] =	stream.linear.scatter [tilespmem:s11], [sflag:$0x4], $0x80, $0x38;
	[tilespmem:$0x15940] =	vst v63  }
0x25e: {  	s5 =	sadd.s32 $0x4000, s5;
	s14 =	sadd.s32 $0x118F8, s6;
	s11 =	smov.u32 s17  }
0x25f: {  	[hbm4b:s15+s3] =	stream.linear.scatter [tilespmem:s14], [sflag:$0x4], $0x80, $0x38;
	[tilespmem:$0x15940] =	vst v63  }
0x260: {  	s6 =	sadd.s32 $0x11540, s0  }
0x261: {  	[hbm4b:s5+s3] =	stream.linear.scatter [tilespmem:s6], [sflag:$0x4], $0x80, $0x38;
	[tilespmem:$0x15940] =	vst v63  }
0x262: {  	s14 =	sadd.s32 $0x115C8, s0;
	s11 =	sadd.s32 $0x10, s5  }
0x263: {  	[hbm4b:s11+s3] =	stream.linear.scatter [tilespmem:s14], [sflag:$0x4], $0x80, $0x38;
	[tilespmem:$0x15940] =	vst v63  }
0x264: {  	s15 =	sadd.s32 $0x11650, s0;
	s17 =	sadd.s32 $0x20, s5  }
0x265: {  	[hbm4b:s17+s3] =	stream.linear.scatter [tilespmem:s15], [sflag:$0x4], $0x80, $0x38;
	[tilespmem:$0x15940] =	vst v63  }
0x266: {  	s18 =	sadd.s32 $0x116D8, s0;
	s19 =	sadd.s32 $0x30, s5  }
0x267: {  	[hbm4b:s19+s3] =	stream.linear.scatter [tilespmem:s18], [sflag:$0x4], $0x80, $0x38;
	[tilespmem:$0x15940] =	vst v63  }
0x268: {  	s21 =	sadd.s32 $0x11760, s0;
	s7 =	sadd.s32 $0x40, s5  }
0x269: {  	[hbm4b:s7+s3] =	stream.linear.scatter [tilespmem:s21], [sflag:$0x4], $0x80, $0x38;
	[tilespmem:$0x15940] =	vst v63  }
0x26a: {  	s14 =	sadd.s32 $0x117E8, s0;
	s15 =	sadd.s32 $0x50, s5  }
0x26b: {  	[hbm4b:s15+s3] =	stream.linear.scatter [tilespmem:s14], [sflag:$0x4], $0x80, $0x38;
	[tilespmem:$0x15940] =	vst v63  }
.Ltmp6:
0x26c: {  	_ = 	snop;
	(pc) =	sbr.rel @p1 .LBB2_16-.Ltmp6, $4  }
0x26d: {  	s17 =	sadd.s32 $0x11870, s0;
	s18 =	sadd.s32 $0x60, s5  }
0x26e: {  	[hbm4b:s18+s3] =	stream.linear.scatter [tilespmem:s17], [sflag:$0x4], $0x80, $0x38;
	[tilespmem:$0x15940] =	vst v63  }
0x26f: {  	s19 =	sadd.s32 $0x118F8, s0;
	s21 =	sadd.s32 $0x70, s5  }
0x270: {  	[hbm4b:s21+s3] =	stream.linear.scatter [tilespmem:s19], [sflag:$0x4], $0x80, $0x38;
	[tilespmem:$0x15940] =	vst v63  }
0x271: {  	s0 =	sadd.s32 $0x3, s1  }
0x272: {  	s1 =	smulhi.u32 $0x4EC4EC4F, s0;
	_ =	sdelay $0x1  }
0x273: {  	s1 =	sshrl.u32 s1, $0x2  }
0x274: {  	s5 =	smul.u32 $0xD, s1;
	_ =	sdelay $0x1  }
0x275: {  	s0 =	ssub.s32 s0, s5  }
.Ltmp7:
0x276: {  	s1 =	sshll.u32 s1, $0x7;
	s0 =	sshll.u32 s0, $0xA;
	(pc) =	sbr.rel .LBB2_2-.Ltmp7, $4  }
0x277: {  	s0 =	sadd.s32 s1, s0  }
0x278: {  	[tilespmem:s20], [sflag:$0x2] =	stream.indirect.gather [hbm4b:s4+s16], $0x40, s0, s16, $0xb8;
	[tilespmem:$0x15940] =	vst v63  }
0x279: {  	s31 =	sadd.s32 $0x1, s31;
	s0 =	sadd.s32 $0x200, s0  }
0x27a: {  	[tilespmem:s22], [sflag:$0x2] =	stream.indirect.gather [hbm4b:s4+s16], $0x40, s0, s16, $0xb8;
	[tilespmem:$0x15940] =	vst v63  }
.LBB2_16:
0x27b: {  	_ =	swait.ge [sflag:s28], $0x4000  }
0x27c: {  	[sflag:s28] =	ssyncset.done $0x0  }
0x27d: {  	[sflag:s28] =	ssyncadd.s32 $0xFFFFC000  }
0x27e: {  	s1 =	simm.s32 $0x3400;
	_ =	swait.ge [sflag:s29], $0x4000  }
0x27f: {  	s31 =	simm.s32 $0x0;
	s0 =	simm.s32 $0x3600;
	[sflag:s29] =	ssyncset.done $0x0  }
0x280: {  	s11 =	simm.s32 $0x1;
	s15 =	simm.s32 $0x0;
	[sflag:s29] =	ssyncadd.s32 $0xFFFFC000  }
.LBB2_17:
0x281: {  	s5 =	smul.u32 $0x9E, s15;
	_ =	sdelay $0x1  }
0x282: {  	s5 =	sshrl.u32 s5, $0xA  }
0x283: {  	s5 =	sand.u32 $0x3F, s5  }
0x284: {  	p0 =	seq.s32 s15, $0x0;
	s6 =	smul.u32 $0xD, s5  }
0x285: {  	s18 =	sshll.u32 s15, $0x1;
	s14 =	simm.s32 @!p0 $0x3  }
0x286: {  	_ =	swait.ge @!p0 [sflag:s14], $0x2000;
	s6 =	ssub.s32 s18, s6  }
0x287: {  	[sflag:s14] =	ssyncset.done @!p0 $0x0;
	s19 =	sand.u32 $0xFF, s6  }
0x288: {  	[sflag:s14] =	ssyncadd.s32 @!p0 $0xFFFFE000;
	s6 =	sshll.u32 s19, $0x6  }
0x289: {  	v16 =	vld [tilespmem:s6+$0x4E00]  }
0x28a: {  	v17 =	vld [tilespmem:s6+$0x4E10];
	_ =	sdelay $0x3  }
0x28b: {  	v14 =	vbroadcast v16, $0x0;
	v15 =	vbroadcast v16, $0x1  }
0x28c: {  	v13 =	vbroadcast v16, $0x2;
	v18 =	vbroadcast v17, $0x6  }
0x28d: {  	v12 =	vbroadcast v16, $0x3;
	v11 =	vbroadcast v16, $0x4  }
0x28e: {  	v9 =	vbroadcast v16, $0x5;
	[tilespmem:$0x1FD60] =	vst v18;
	v18 =	vbroadcast v17, $0x7  }
0x28f: {  	v10 =	vbroadcast v16, $0x6;
	v8 =	vbroadcast v16, $0x7  }
0x290: {  	v63 =	vbroadcast v16, $0x8;
	[tilespmem:$0x1FD70] =	vst v18;
	v18 =	vbroadcast v17, $0x8  }
0x291: {  	v62 =	vbroadcast v16, $0x9;
	v61 =	vbroadcast v16, $0xA  }
0x292: {  	v60 =	vbroadcast v16, $0xB;
	[tilespmem:$0x1FD80] =	vst v18;
	v18 =	vbroadcast v17, $0x9  }
0x293: {  	v59 =	vbroadcast v16, $0xC;
	v58 =	vbroadcast v16, $0xD  }
0x294: {  	v57 =	vbroadcast v16, $0xE;
	[tilespmem:$0x1FD90] =	vst v18;
	v18 =	vbroadcast v17, $0xA  }
0x295: {  	v56 =	vbroadcast v16, $0xF;
	v16 =	vbroadcast v17, $0x4  }
0x296: {  	[tilespmem:$0x1FDA0] =	vst v18;
	v18 =	vbroadcast v17, $0xB  }
0x297: {  	[tilespmem:$0x1FD40] =	vst v16;
	v16 =	vbroadcast v17, $0x5  }
0x298: {  	[tilespmem:$0x1FDB0] =	vst v18;
	v18 =	vbroadcast v17, $0xC  }
0x299: {  	[tilespmem:$0x1FD50] =	vst v16;
	v16 =	vld [tilespmem:s6+$0x4E20]  }
0x29a: {  	[tilespmem:$0x1FDC0] =	vst v18;
	v18 =	vbroadcast v17, $0xD  }
0x29b: {  	v55 =	vbroadcast v17, $0x0;
	v54 =	vbroadcast v17, $0x1  }
0x29c: {  	v53 =	vbroadcast v17, $0x2;
	[tilespmem:$0x1FDD0] =	vst v18;
	v18 =	vbroadcast v17, $0xE  }
0x29d: {  	v52 =	vbroadcast v17, $0x3;
	v17 =	vbroadcast v17, $0xF  }
0x29e: {  	[tilespmem:$0x1FDE0] =	vst v18;
	v18 =	vbroadcast v16, $0x6  }
0x29f: {  	[tilespmem:$0x1FDF0] =	vst v17;
	v17 =	vbroadcast v16, $0x0  }
0x2a0: {  	[tilespmem:$0x1FE60] =	vst v18;
	v18 =	vbroadcast v16, $0x7  }
0x2a1: {  	[tilespmem:$0x1FE00] =	vst v17;
	v17 =	vbroadcast v16, $0x1  }
0x2a2: {  	[tilespmem:$0x1FE70] =	vst v18;
	v18 =	vbroadcast v16, $0x8  }
0x2a3: {  	[tilespmem:$0x1FE10] =	vst v17;
	v17 =	vbroadcast v16, $0x2  }
0x2a4: {  	[tilespmem:$0x1FE80] =	vst v18;
	v18 =	vbroadcast v16, $0x9  }
0x2a5: {  	[tilespmem:$0x1FE20] =	vst v17;
	v17 =	vbroadcast v16, $0x3  }
0x2a6: {  	[tilespmem:$0x1FE90] =	vst v18;
	v18 =	vbroadcast v16, $0xA  }
0x2a7: {  	[tilespmem:$0x1FE30] =	vst v17;
	v17 =	vbroadcast v16, $0x4  }
0x2a8: {  	[tilespmem:$0x1FEA0] =	vst v18;
	v18 =	vbroadcast v16, $0xB  }
0x2a9: {  	[tilespmem:$0x1FE40] =	vst v17;
	v17 =	vbroadcast v16, $0x5  }
0x2aa: {  	[tilespmem:$0x1FEB0] =	vst v18;
	v18 =	vbroadcast v16, $0xC  }
0x2ab: {  	[tilespmem:$0x1FE50] =	vst v17;
	v17 =	vld [tilespmem:s6+$0x4E30]  }
0x2ac: {  	[tilespmem:$0x1FEC0] =	vst v18;
	v18 =	vbroadcast v16, $0xD;
	_ =	sdelay $0x1  }
0x2ad: {  	[tilespmem:$0x1FED0] =	vst v18;
	v18 =	vbroadcast v16, $0xE;
	v16 =	vbroadcast v16, $0xF;
	_ =	sdelay $0x1  }
0x2ae: {  	[tilespmem:$0x1FEF0] =	vst v16;
	v16 =	vbroadcast v17, $0x0;
	_ =	sdelay $0x1  }
0x2af: {  	[tilespmem:$0x1FF00] =	vst v16;
	v16 =	vbroadcast v17, $0x1;
	_ =	sdelay $0x1  }
0x2b0: {  	[tilespmem:$0x1FF10] =	vst v16;
	v16 =	vbroadcast v17, $0x2;
	_ =	sdelay $0x1  }
0x2b1: {  	[tilespmem:$0x1FF20] =	vst v16;
	v16 =	vbroadcast v17, $0x3;
	_ =	sdelay $0x1  }
0x2b2: {  	[tilespmem:$0x1FF30] =	vst v16;
	v16 =	vbroadcast v17, $0x4;
	_ =	sdelay $0x1  }
0x2b3: {  	[tilespmem:$0x1FF40] =	vst v16;
	v16 =	vbroadcast v17, $0x5;
	_ =	sdelay $0x1  }
0x2b4: {  	[tilespmem:$0x1FF50] =	vst v16;
	v16 =	vbroadcast v17, $0x6;
	_ =	sdelay $0x1  }
0x2b5: {  	[tilespmem:$0x1FF60] =	vst v16;
	v16 =	vbroadcast v17, $0x7;
	_ =	sdelay $0x1  }
0x2b6: {  	[tilespmem:$0x1FF70] =	vst v16;
	v16 =	vbroadcast v17, $0x8;
	_ =	sdelay $0x1  }
0x2b7: {  	[tilespmem:$0x1FF80] =	vst v16;
	v16 =	vbroadcast v17, $0x9;
	_ =	sdelay $0x1  }
0x2b8: {  	[tilespmem:$0x1FF90] =	vst v16;
	v16 =	vbroadcast v17, $0xA;
	_ =	sdelay $0x1  }
0x2b9: {  	[tilespmem:$0x1FFA0] =	vst v16;
	v16 =	vbroadcast v17, $0xB;
	_ =	sdelay $0x1  }
0x2ba: {  	[tilespmem:$0x1FFB0] =	vst v16;
	v16 =	vbroadcast v17, $0xC  }
0x2bb: {  	s21 =	smulhi.u32 $0x4EC4EC4F, s31  }
0x2bc: {  	[tilespmem:$0x1FFC0] =	vst v16;
	v16 =	vbroadcast v17, $0xD  }
0x2bd: {  	s14 =	sshrl.u32 s21, $0x2  }
0x2be: {  	s14 =	smul.u32 $0xFFFF9A00, s14;
	[tilespmem:$0x1FFD0] =	vst v16;
	v16 =	vbroadcast v17, $0xE;
	_ =	sdelay $0x1  }
0x2bf: {  	s17 =	smulhi.u32 $0x4EC4EC4F, s11;
	s14 =	sshra.s32 s14, $0x2;
	[tilespmem:$0x1FFE0] =	vst v16;
	v16 =	vbroadcast v17, $0xF  }
0x2c0: {  	s7 =	sadd.s32 s14, s1  }
0x2c1: {  	s6 =	sshrl.u32 s17, $0x2;
	[tilespmem:$0x1FFF0] =	vst v16;
	v16 =	vmov s7  }
0x2c2: {  	s6 =	smul.u32 $0xFFFF9A00, s6;
	_ =	sdelay $0x1  }
0x2c3: {  	s21 =	sadd.s32 s5, s8;
	s6 =	sshra.s32 s6, $0x2  }
0x2c4: {  	s5 =	simm.s32 $0x40;
	s14 =	simm.s32 $0x0;
	s17 =	sadd.s32 s6, s0;
	[tilespmem:$0x1FEE0] =	vst v18  }
.LBB2_18:
0x2c5: {  	v17 =	vld.idx.msk [tilespmem:v16+s14+$0x0 ss:$0x1], $0xffff;
	_ =	sdelay $0x4  }
0x2c6: {  	v18 =	vmul.f32 v17, v14  }
0x2c7: {  	v19 =	vmul.f32 v17, v15  }
0x2c8: {  	v20 =	vmul.f32 v17, v13;
	[tilespmem:s14+$0xD140] =	vst v18  }
0x2c9: {  	v21 =	vmul.f32 v17, v12;
	[tilespmem:s14+$0xD1C8] =	vst v19  }
0x2ca: {  	v22 =	vmul.f32 v17, v9;
	[tilespmem:s14+$0xD250] =	vst v20  }
0x2cb: {  	v23 =	vmul.f32 v17, v8;
	[tilespmem:s14+$0xD2D8] =	vst v21  }
0x2cc: {  	v48 =	vmul.f32 v17, v63;
	[tilespmem:s14+$0xD3E8] =	vst v22  }
0x2cd: {  	v24 =	vmul.f32 v17, v62;
	[tilespmem:s14+$0xD4F8] =	vst v23  }
0x2ce: {  	v49 =	vmul.f32 v17, v61;
	[tilespmem:s14+$0xD580] =	vst v48  }
0x2cf: {  	v25 =	vmul.f32 v17, v60;
	[tilespmem:s14+$0xD608] =	vst v24  }
0x2d0: {  	v26 =	vmul.f32 v17, v58;
	[tilespmem:s14+$0xD690] =	vst v49  }
0x2d1: {  	v30 =	vld [tilespmem:$0x1FD50];
	v50 =	vmul.f32 v17, v57;
	[tilespmem:s14+$0xD718] =	vst v25  }
0x2d2: {  	v31 =	vld [tilespmem:$0x1FD70];
	v27 =	vmul.f32 v17, v56;
	[tilespmem:s14+$0xD828] =	vst v26  }
0x2d3: {  	v32 =	vld [tilespmem:$0x1FD90];
	v28 =	vmul.f32 v17, v54;
	[tilespmem:s14+$0xD8B0] =	vst v50  }
0x2d4: {  	v51 =	vmul.f32 v17, v53;
	[tilespmem:s14+$0xD938] =	vst v27  }
0x2d5: {  	v29 =	vmul.f32 v17, v52;
	[tilespmem:s14+$0xDA48] =	vst v28  }
0x2d6: {  	v33 =	vld [tilespmem:$0x1FD40];
	v30 =	vmul.f32 v17, v30;
	[tilespmem:s14+$0xDAD0] =	vst v51  }
0x2d7: {  	v34 =	vld [tilespmem:$0x1FD60];
	v31 =	vmul.f32 v17, v31;
	[tilespmem:s14+$0xDB58] =	vst v29  }
0x2d8: {  	v35 =	vld [tilespmem:$0x1FD80];
	v32 =	vmul.f32 v17, v32;
	[tilespmem:s14+$0xDC68] =	vst v30  }
0x2d9: {  	v36 =	vld [tilespmem:$0x1FDA0];
	v18 =	vmul.f32 v17, v11;
	[tilespmem:s14+$0xDD78] =	vst v31  }
0x2da: {  	v37 =	vld [tilespmem:$0x1FDE0];
	v19 =	vmul.f32 v17, v10;
	[tilespmem:s14+$0xDE88] =	vst v32  }
0x2db: {  	v38 =	vld [tilespmem:$0x1FE00];
	v20 =	vmul.f32 v17, v33;
	[tilespmem:s14+$0xD360] =	vst v18  }
0x2dc: {  	v39 =	vld [tilespmem:$0x1FE20];
	v24 =	vmul.f32 v17, v34;
	[tilespmem:s14+$0xD470] =	vst v19  }
0x2dd: {  	v40 =	vld [tilespmem:$0x1FE60];
	v21 =	vmul.f32 v17, v35;
	[tilespmem:s14+$0xDBE0] =	vst v20  }
0x2de: {  	v41 =	vld [tilespmem:$0x1FE80];
	v25 =	vmul.f32 v17, v36;
	[tilespmem:s14+$0xDCF0] =	vst v24  }
0x2df: {  	v42 =	vld [tilespmem:$0x1FEA0];
	v26 =	vmul.f32 v17, v37;
	[tilespmem:s14+$0xDE00] =	vst v21  }
0x2e0: {  	v44 =	vld [tilespmem:$0x1FEE0];
	v22 =	vmul.f32 v17, v38;
	[tilespmem:s14+$0xDF10] =	vst v25  }
0x2e1: {  	v46 =	vld [tilespmem:$0x1FF20];
	v27 =	vmul.f32 v17, v39;
	[tilespmem:s14+$0xE130] =	vst v26  }
0x2e2: {  	v28 =	vmul.f32 v17, v40;
	[tilespmem:s14+$0xE240] =	vst v22  }
0x2e3: {  	v23 =	vmul.f32 v17, v41;
	[tilespmem:s14+$0xE350] =	vst v27  }
0x2e4: {  	v43 =	vld [tilespmem:$0x1FEC0];
	v29 =	vmul.f32 v17, v42;
	[tilespmem:s14+$0xE570] =	vst v28  }
0x2e5: {  	v45 =	vld [tilespmem:$0x1FF00];
	v30 =	vmul.f32 v17, v44;
	[tilespmem:s14+$0xE680] =	vst v23  }
0x2e6: {  	v47 =	vld [tilespmem:$0x1FF40];
	v31 =	vmul.f32 v17, v46;
	[tilespmem:s14+$0xE790] =	vst v29  }
0x2e7: {  	v33 =	vld [tilespmem:$0x1FDB0];
	v18 =	vmul.f32 v17, v59;
	[tilespmem:s14+$0xE9B0] =	vst v30  }
0x2e8: {  	v34 =	vld [tilespmem:$0x1FDD0];
	v19 =	vmul.f32 v17, v55;
	[tilespmem:s14+$0xEBD0] =	vst v31  }
0x2e9: {  	v35 =	vld [tilespmem:$0x1FDF0];
	v20 =	vmul.f32 v17, v43;
	[tilespmem:s14+$0xD7A0] =	vst v18  }
0x2ea: {  	v36 =	vld [tilespmem:$0x1FE10];
	v24 =	vmul.f32 v17, v45;
	[tilespmem:s14+$0xD9C0] =	vst v19  }
0x2eb: {  	v37 =	vld [tilespmem:$0x1FE30];
	v21 =	vmul.f32 v17, v47;
	[tilespmem:s14+$0xE8A0] =	vst v20  }
0x2ec: {  	v38 =	vld [tilespmem:$0x1FE50];
	[tilespmem:s14+$0xEAC0] =	vst v24;
	v33 =	vmul.f32 v17, v33  }
0x2ed: {  	v39 =	vld [tilespmem:$0x1FE70];
	[tilespmem:s14+$0xECE0] =	vst v21;
	v34 =	vmul.f32 v17, v34  }
0x2ee: {  	v40 =	vld [tilespmem:$0x1FE90];
	v35 =	vmul.f32 v17, v35;
	[tilespmem:s14+$0xDF98] =	vst v33  }
0x2ef: {  	v41 =	vld [tilespmem:$0x1FEB0];
	v36 =	vmul.f32 v17, v36;
	[tilespmem:s14+$0xE0A8] =	vst v34  }
0x2f0: {  	v42 =	vld [tilespmem:$0x1FED0];
	v37 =	vmul.f32 v17, v37;
	[tilespmem:s14+$0xE1B8] =	vst v35  }
0x2f1: {  	v44 =	vld [tilespmem:$0x1FF10];
	v38 =	vmul.f32 v17, v38;
	[tilespmem:s14+$0xE2C8] =	vst v36  }
0x2f2: {  	v46 =	vld [tilespmem:$0x1FF50];
	v39 =	vmul.f32 v17, v39;
	[tilespmem:s14+$0xE3D8] =	vst v37  }
0x2f3: {  	v48 =	vld [tilespmem:$0x1FF60];
	v40 =	vmul.f32 v17, v40;
	[tilespmem:s14+$0xE4E8] =	vst v38  }
0x2f4: {  	v49 =	vld [tilespmem:$0x1FF80];
	v41 =	vmul.f32 v17, v41;
	[tilespmem:s14+$0xE5F8] =	vst v39  }
0x2f5: {  	v43 =	vld [tilespmem:$0x1FEF0];
	v42 =	vmul.f32 v17, v42;
	[tilespmem:s14+$0xE708] =	vst v40  }
0x2f6: {  	v45 =	vld [tilespmem:$0x1FF30];
	v44 =	vmul.f32 v17, v44;
	[tilespmem:s14+$0xE818] =	vst v41  }
0x2f7: {  	v47 =	vld [tilespmem:$0x1FF70];
	v46 =	vmul.f32 v17, v46;
	[tilespmem:s14+$0xE928] =	vst v42  }
0x2f8: {  	v18 =	vld [tilespmem:$0x1FDC0];
	v32 =	vmul.f32 v17, v48;
	[tilespmem:s14+$0xEB48] =	vst v44  }
0x2f9: {  	v50 =	vld [tilespmem:$0x1FFA0];
	v25 =	vmul.f32 v17, v49;
	[tilespmem:s14+$0xED68] =	vst v46  }
0x2fa: {  	v51 =	vld [tilespmem:$0x1FFE0];
	v43 =	vmul.f32 v17, v43;
	[tilespmem:s14+$0xEDF0] =	vst v32  }
0x2fb: {  	v19 =	vld [tilespmem:$0x1FE40];
	v45 =	vmul.f32 v17, v45;
	[tilespmem:s14+$0xEF00] =	vst v25  }
0x2fc: {  	v48 =	vld [tilespmem:$0x1FF90];
	v47 =	vmul.f32 v17, v47;
	[tilespmem:s14+$0xEA38] =	vst v43  }
0x2fd: {  	v49 =	vld [tilespmem:$0x1FFB0];
	v18 =	vmul.f32 v17, v18;
	[tilespmem:s14+$0xEC58] =	vst v45  }
0x2fe: {  	v33 =	vmul.f32 v17, v50;
	v50 =	vld [tilespmem:$0x1FFD0];
	[tilespmem:s14+$0xEE78] =	vst v47  }
0x2ff: {  	v34 =	vmul.f32 v17, v51;
	[tilespmem:s14+$0xE020] =	vst v18;
	v18 =	vld [tilespmem:$0x1FFC0]  }
0x300: {  	v51 =	vld [tilespmem:$0x1FFF0];
	v19 =	vmul.f32 v17, v19;
	[tilespmem:s14+$0xF010] =	vst v33  }
0x301: {  	[tilespmem:s14+$0xF230] =	vst v34;
	v48 =	vmul.f32 v17, v48  }
0x302: {  	p1 =	sne.s32 s5, $0x1C0;
	v49 =	vmul.f32 v17, v49;
	[tilespmem:s14+$0xE460] =	vst v19  }
.Ltmp8:
0x303: {  	v50 =	vmul.f32 v17, v50;
	[tilespmem:s14+$0xEF88] =	vst v48;
	(pc) =	sbr.rel @p1 .LBB2_18-.Ltmp8, $4  }
0x304: {  	[tilespmem:s14+$0xF098] =	vst v49;
	v18 =	vmul.f32 v17, v18  }
0x305: {  	[tilespmem:s14+$0xF1A8] =	vst v50;
	v17 =	vmul.f32 v17, v51  }
0x306: {  	[tilespmem:s14+$0xF120] =	vst v18  }
0x307: {  	[tilespmem:s14+$0xF2B8] =	vst v17;
	s14 =	sshra.s32 s5, $0x2;
	s5 =	sadd.s32 $0x40, s5  }
0x308: {  	_ =	sdelay $0x3  }
0x309: {  	v16 =	vld.idx.msk [tilespmem:v16+s14+$0x0 ss:$0x1], $0xffff;
	_ =	sdelay $0x4  }
0x30a: {  	v8 =	vmul.f32 v16, v8;
	_ =	sdelay $0x1  }
0x30b: {  	[tilespmem:s14+$0xD4F8] =	vst v8;
	v8 =	vmul.f32 v16, v62;
	_ =	sdelay $0x1  }
0x30c: {  	[tilespmem:s14+$0xD608] =	vst v8;
	v8 =	vmul.f32 v16, v60;
	_ =	sdelay $0x1  }
0x30d: {  	[tilespmem:s14+$0xD718] =	vst v8;
	v8 =	vmul.f32 v16, v58;
	_ =	sdelay $0x1  }
0x30e: {  	[tilespmem:s14+$0xD828] =	vst v8;
	v8 =	vmul.f32 v16, v56;
	_ =	sdelay $0x1  }
0x30f: {  	[tilespmem:s14+$0xD938] =	vst v8;
	v8 =	vmul.f32 v16, v54;
	_ =	sdelay $0x1  }
0x310: {  	[tilespmem:s14+$0xDA48] =	vst v8;
	v8 =	vmul.f32 v16, v52;
	_ =	sdelay $0x1  }
0x311: {  	[tilespmem:s14+$0xDB58] =	vst v8;
	v8 =	vld [tilespmem:$0x1FD50];
	_ =	sdelay $0x4  }
0x312: {  	v8 =	vmul.f32 v16, v8;
	_ =	sdelay $0x1  }
0x313: {  	[tilespmem:s14+$0xDC68] =	vst v8;
	v8 =	vld [tilespmem:$0x1FD70];
	_ =	sdelay $0x4  }
0x314: {  	v8 =	vmul.f32 v16, v8;
	_ =	sdelay $0x1  }
0x315: {  	[tilespmem:s14+$0xDD78] =	vst v8;
	v8 =	vld [tilespmem:$0x1FD90];
	_ =	sdelay $0x4  }
0x316: {  	v8 =	vmul.f32 v16, v8;
	_ =	sdelay $0x1  }
0x317: {  	[tilespmem:s14+$0xDE88] =	vst v8;
	v8 =	vld [tilespmem:$0x1FDB0];
	_ =	sdelay $0x4  }
0x318: {  	v8 =	vmul.f32 v16, v8;
	_ =	sdelay $0x1  }
0x319: {  	[tilespmem:s14+$0xDF98] =	vst v8;
	v8 =	vld [tilespmem:$0x1FDD0];
	_ =	sdelay $0x4  }
0x31a: {  	v8 =	vmul.f32 v16, v8;
	_ =	sdelay $0x1  }
0x31b: {  	[tilespmem:s14+$0xE0A8] =	vst v8;
	v8 =	vld [tilespmem:$0x1FDF0];
	_ =	sdelay $0x4  }
0x31c: {  	v8 =	vmul.f32 v16, v8;
	_ =	sdelay $0x1  }
0x31d: {  	[tilespmem:s14+$0xE1B8] =	vst v8;
	v8 =	vld [tilespmem:$0x1FE10];
	_ =	sdelay $0x4  }
0x31e: {  	v8 =	vmul.f32 v16, v8;
	_ =	sdelay $0x1  }
0x31f: {  	[tilespmem:s14+$0xE2C8] =	vst v8;
	v8 =	vld [tilespmem:$0x1FE30];
	_ =	sdelay $0x4  }
0x320: {  	v8 =	vmul.f32 v16, v8;
	_ =	sdelay $0x1  }
0x321: {  	[tilespmem:s14+$0xE3D8] =	vst v8;
	v8 =	vld [tilespmem:$0x1FE50];
	_ =	sdelay $0x4  }
0x322: {  	v8 =	vmul.f32 v16, v8;
	_ =	sdelay $0x1  }
0x323: {  	[tilespmem:s14+$0xE4E8] =	vst v8;
	v8 =	vld [tilespmem:$0x1FE70];
	_ =	sdelay $0x4  }
0x324: {  	v8 =	vmul.f32 v16, v8;
	_ =	sdelay $0x1  }
0x325: {  	[tilespmem:s14+$0xE5F8] =	vst v8;
	v8 =	vld [tilespmem:$0x1FE90];
	_ =	sdelay $0x4  }
0x326: {  	v8 =	vmul.f32 v16, v8;
	_ =	sdelay $0x1  }
0x327: {  	[tilespmem:s14+$0xE708] =	vst v8;
	v8 =	vld [tilespmem:$0x1FEB0];
	_ =	sdelay $0x4  }
0x328: {  	v8 =	vmul.f32 v16, v8;
	_ =	sdelay $0x1  }
0x329: {  	[tilespmem:s14+$0xE818] =	vst v8;
	v8 =	vld [tilespmem:$0x1FED0];
	_ =	sdelay $0x4  }
0x32a: {  	v8 =	vmul.f32 v16, v8  }
0x32b: {  	v41 =	vld [tilespmem:$0x1FD40]  }
0x32c: {  	[tilespmem:s14+$0xE928] =	vst v8;
	v8 =	vld [tilespmem:$0x1FEF0];
	_ =	sdelay $0x1  }
0x32d: {  	v42 =	vld [tilespmem:$0x1FD60];
	v9 =	vmul.f32 v16, v9;
	_ =	sdelay $0x1  }
0x32e: {  	v43 =	vld [tilespmem:$0x1FD80];
	[tilespmem:s14+$0xD3E8] =	vst v9;
	v9 =	vmul.f32 v16, v41  }
0x32f: {  	v8 =	vmul.f32 v16, v8  }
0x330: {  	v44 =	vld [tilespmem:$0x1FDA0];
	[tilespmem:s14+$0xDBE0] =	vst v9  }
0x331: {  	v9 =	vmul.f32 v16, v42;
	[tilespmem:s14+$0xEA38] =	vst v8;
	v8 =	vld [tilespmem:$0x1FF10];
	_ =	sdelay $0x1  }
0x332: {  	v45 =	vld [tilespmem:$0x1FDC0];
	[tilespmem:s14+$0xDCF0] =	vst v9;
	v9 =	vmul.f32 v16, v43;
	_ =	sdelay $0x1  }
0x333: {  	v46 =	vld [tilespmem:$0x1FDE0];
	[tilespmem:s14+$0xDE00] =	vst v9;
	v9 =	vmul.f32 v16, v44  }
0x334: {  	v8 =	vmul.f32 v16, v8  }
0x335: {  	v47 =	vld [tilespmem:$0x1FE00];
	[tilespmem:s14+$0xDF10] =	vst v9  }
0x336: {  	v9 =	vmul.f32 v16, v45;
	[tilespmem:s14+$0xEB48] =	vst v8;
	v8 =	vld [tilespmem:$0x1FF30];
	_ =	sdelay $0x1  }
0x337: {  	v48 =	vld [tilespmem:$0x1FE20];
	[tilespmem:s14+$0xE020] =	vst v9;
	v9 =	vmul.f32 v16, v46;
	_ =	sdelay $0x1  }
0x338: {  	v49 =	vld [tilespmem:$0x1FE40];
	[tilespmem:s14+$0xE130] =	vst v9;
	v9 =	vmul.f32 v16, v47  }
0x339: {  	v8 =	vmul.f32 v16, v8  }
0x33a: {  	v50 =	vld [tilespmem:$0x1FE60];
	[tilespmem:s14+$0xE240] =	vst v9  }
0x33b: {  	v9 =	vmul.f32 v16, v48;
	[tilespmem:s14+$0xEC58] =	vst v8;
	v8 =	vld [tilespmem:$0x1FF50];
	_ =	sdelay $0x1  }
0x33c: {  	v51 =	vld [tilespmem:$0x1FE80];
	[tilespmem:s14+$0xE350] =	vst v9;
	v9 =	vmul.f32 v16, v49  }
0x33d: {  	v14 =	vmul.f32 v16, v14  }
0x33e: {  	v52 =	vld [tilespmem:$0x1FEA0];
	[tilespmem:s14+$0xE460] =	vst v9;
	v9 =	vmul.f32 v16, v50  }
0x33f: {  	[tilespmem:s14+$0xD140] =	vst v14;
	v8 =	vmul.f32 v16, v8  }
0x340: {  	v15 =	vmul.f32 v16, v15;
	v40 =	vmul.f32 v16, v53;
	v53 =	vld [tilespmem:$0x1FEC0];
	[tilespmem:s14+$0xE570] =	vst v9  }
0x341: {  	v9 =	vmul.f32 v16, v51;
	[tilespmem:s14+$0xED68] =	vst v8;
	v8 =	vld [tilespmem:$0x1FF70]  }
0x342: {  	v13 =	vmul.f32 v16, v13;
	[tilespmem:s14+$0xD1C8] =	vst v15  }
0x343: {  	v54 =	vld [tilespmem:$0x1FEE0];
	[tilespmem:s14+$0xE680] =	vst v9;
	v9 =	vmul.f32 v16, v52  }
0x344: {  	v12 =	vmul.f32 v16, v12;
	[tilespmem:s14+$0xD250] =	vst v13  }
0x345: {  	v39 =	vmul.f32 v16, v55;
	v55 =	vld [tilespmem:$0x1FF00];
	[tilespmem:s14+$0xE790] =	vst v9;
	v9 =	vmul.f32 v16, v53  }
0x346: {  	[tilespmem:s14+$0xD2D8] =	vst v12;
	v8 =	vmul.f32 v16, v8  }
0x347: {  	v11 =	vmul.f32 v16, v11;
	v56 =	vld [tilespmem:$0x1FF20];
	[tilespmem:s14+$0xE8A0] =	vst v9  }
0x348: {  	v9 =	vmul.f32 v16, v54;
	[tilespmem:s14+$0xEE78] =	vst v8;
	v8 =	vld [tilespmem:$0x1FF90]  }
0x349: {  	v10 =	vmul.f32 v16, v10;
	[tilespmem:s14+$0xD360] =	vst v11  }
0x34a: {  	v38 =	vmul.f32 v16, v57;
	v57 =	vld [tilespmem:$0x1FF40];
	[tilespmem:s14+$0xE9B0] =	vst v9;
	v9 =	vmul.f32 v16, v55  }
0x34b: {  	v35 =	vmul.f32 v16, v63;
	[tilespmem:s14+$0xD470] =	vst v10  }
0x34c: {  	v58 =	vld [tilespmem:$0x1FF60];
	[tilespmem:s14+$0xEAC0] =	vst v9;
	v9 =	vmul.f32 v16, v56  }
0x34d: {  	[tilespmem:s14+$0xD580] =	vst v35;
	v8 =	vmul.f32 v16, v8  }
0x34e: {  	v36 =	vmul.f32 v16, v61;
	v37 =	vmul.f32 v16, v59;
	v59 =	vld [tilespmem:$0x1FF80];
	[tilespmem:s14+$0xEBD0] =	vst v9  }
0x34f: {  	v9 =	vmul.f32 v16, v57;
	[tilespmem:s14+$0xEF88] =	vst v8;
	v8 =	vld [tilespmem:$0x1FFB0]  }
0x350: {  	[tilespmem:s14+$0xD690] =	vst v36  }
0x351: {  	v60 =	vld [tilespmem:$0x1FFA0];
	[tilespmem:s14+$0xECE0] =	vst v9;
	v9 =	vmul.f32 v16, v58  }
0x352: {  	[tilespmem:s14+$0xD7A0] =	vst v37  }
0x353: {  	v61 =	vld [tilespmem:$0x1FFC0];
	[tilespmem:s14+$0xEDF0] =	vst v9;
	v9 =	vmul.f32 v16, v59  }
0x354: {  	v63 =	vld [tilespmem:$0x1FFF0];
	[tilespmem:s14+$0xD8B0] =	vst v38;
	v8 =	vmul.f32 v16, v8  }
0x355: {  	v62 =	vld [tilespmem:$0x1FFE0];
	[tilespmem:s14+$0xEF00] =	vst v9  }
0x356: {  	v9 =	vmul.f32 v16, v60;
	[tilespmem:s14+$0xF098] =	vst v8;
	v8 =	vld [tilespmem:$0x1FFD0]  }
0x357: {  	[tilespmem:s14+$0xD9C0] =	vst v39  }
0x358: {  	[tilespmem:s14+$0xF010] =	vst v9;
	v9 =	vmul.f32 v16, v61  }
0x359: {  	[tilespmem:s14+$0xDAD0] =	vst v40;
	v10 =	vmul.f32 v16, v63  }
0x35a: {  	[tilespmem:s14+$0xF120] =	vst v9;
	v9 =	vmul.f32 v16, v62  }
0x35b: {  	s5 =	sshll.u32 s19, $0x11;
	[tilespmem:s14+$0xF2B8] =	vst v10;
	v8 =	vmul.f32 v16, v8  }
0x35c: {  	s6 =	sshll.u32 s21, $0x7;
	s5 =	sadd.s32 s5, s9;
	[tilespmem:s14+$0xF230] =	vst v9  }
0x35d: {  	[tilespmem:s14+$0xF1A8] =	vst v8;
	s14 =	sadd.s32 s6, s5;
	s6 =	simm.s32 $0xD140  }
0x35e: {  	[hbm4b:s14+s3] =	stream.linear.scatter [tilespmem:s6], [sflag:$0x3], $0x80, $0x38;
	[tilespmem:$0x15940] =	vst v63  }
0x35f: {  	s7 =	simm.s32 $0xD1C8;
	s6 =	sadd.s32 $0x10, s14  }
0x360: {  	[hbm4b:s6+s3] =	stream.linear.scatter [tilespmem:s7], [sflag:$0x3], $0x80, $0x38;
	[tilespmem:$0x15940] =	vst v63  }
0x361: {  	s19 =	simm.s32 $0xD250;
	s21 =	sadd.s32 $0x20, s14  }
0x362: {  	[hbm4b:s21+s3] =	stream.linear.scatter [tilespmem:s19], [sflag:$0x3], $0x80, $0x38;
	[tilespmem:$0x15940] =	vst v63  }
0x363: {  	s6 =	simm.s32 $0xD2D8;
	s7 =	sadd.s32 $0x30, s14  }
0x364: {  	[hbm4b:s7+s3] =	stream.linear.scatter [tilespmem:s6], [sflag:$0x3], $0x80, $0x38;
	[tilespmem:$0x15940] =	vst v63  }
0x365: {  	s19 =	simm.s32 $0xD360;
	s21 =	sadd.s32 $0x40, s14  }
0x366: {  	[hbm4b:s21+s3] =	stream.linear.scatter [tilespmem:s19], [sflag:$0x3], $0x80, $0x38;
	[tilespmem:$0x15940] =	vst v63  }
0x367: {  	s5 =	simm.s32 $0x440;
	s6 =	simm.s32 $0xD3E8;
	s7 =	sadd.s32 $0x50, s14  }
0x368: {  	[hbm4b:s7+s3] =	stream.linear.scatter [tilespmem:s6], [sflag:$0x3], $0x80, $0x38;
	[tilespmem:$0x15940] =	vst v63  }
0x369: {  	s19 =	simm.s32 $0xD470;
	s21 =	sadd.s32 $0x60, s14;
	s6 =	sadd.s32 $0x70, s14  }
0x36a: {  	[hbm4b:s21+s3] =	stream.linear.scatter [tilespmem:s19], [sflag:$0x3], $0x80, $0x38;
	[tilespmem:$0x15940] =	vst v63  }
0x36b: {  	s14 =	sadd.s32 $0x4000, s14;
	s19 =	simm.s32 $0x2200;
	s21 =	simm.s32 $0xD4F8  }
.LBB2_20:
0x36c: {  	[hbm4b:s6+s3] =	stream.linear.scatter [tilespmem:s21], [sflag:$0x3], $0x80, $0x38;
	[tilespmem:$0x15940] =	vst v63  }
0x36d: {  	s6 =	smov.u32 s5;
	s5 =	smov.u32 s19  }
0x36e: {  	s7 =	sadd.s32 $0x1100, s19;
	s5 =	sshra.s32 s5, $0x2;
	s21 =	sadd.s32 $0xD140, s6  }
0x36f: {  	[hbm4b:s14+s3] =	stream.linear.scatter [tilespmem:s21], [sflag:$0x3], $0x80, $0x38;
	[tilespmem:$0x15940] =	vst v63  }
0x370: {  	p1 =	sne.s32 s19, $0x7700;
	s19 =	sadd.s32 $0xD1C8, s6;
	s21 =	sadd.s32 $0x10, s14  }
0x371: {  	[hbm4b:s21+s3] =	stream.linear.scatter [tilespmem:s19], [sflag:$0x3], $0x80, $0x38;
	[tilespmem:$0x15940] =	vst v63  }
0x372: {  	s19 =	sadd.s32 $0xD250, s6;
	s21 =	sadd.s32 $0x20, s14  }
0x373: {  	[hbm4b:s21+s3] =	stream.linear.scatter [tilespmem:s19], [sflag:$0x3], $0x80, $0x38;
	[tilespmem:$0x15940] =	vst v63  }
0x374: {  	s19 =	sadd.s32 $0xD2D8, s6;
	s21 =	sadd.s32 $0x30, s14  }
0x375: {  	[hbm4b:s21+s3] =	stream.linear.scatter [tilespmem:s19], [sflag:$0x3], $0x80, $0x38;
	[tilespmem:$0x15940] =	vst v63  }
0x376: {  	s19 =	sadd.s32 $0xD360, s6;
	s21 =	sadd.s32 $0x40, s14  }
0x377: {  	[hbm4b:s21+s3] =	stream.linear.scatter [tilespmem:s19], [sflag:$0x3], $0x80, $0x38;
	[tilespmem:$0x15940] =	vst v63  }
0x378: {  	s19 =	sadd.s32 $0xD3E8, s6;
	s21 =	sadd.s32 $0x50, s14  }
0x379: {  	[hbm4b:s21+s3] =	stream.linear.scatter [tilespmem:s19], [sflag:$0x3], $0x80, $0x38;
	[tilespmem:$0x15940] =	vst v63  }
.Ltmp9:
0x37a: {  	_ = 	snop;
	(pc) =	sbr.rel @p1 .LBB2_20-.Ltmp9, $4  }
0x37b: {  	s19 =	sadd.s32 $0xD470, s6;
	s21 =	sadd.s32 $0x60, s14  }
0x37c: {  	[hbm4b:s21+s3] =	stream.linear.scatter [tilespmem:s19], [sflag:$0x3], $0x80, $0x38;
	[tilespmem:$0x15940] =	vst v63  }
0x37d: {  	s21 =	sadd.s32 $0xD4F8, s6  }
0x37e: {  	s6 =	sadd.s32 $0x70, s14;
	s14 =	sadd.s32 $0x4000, s14;
	s19 =	smov.u32 s7  }
0x37f: {  	[hbm4b:s6+s3] =	stream.linear.scatter [tilespmem:s21], [sflag:$0x3], $0x80, $0x38;
	[tilespmem:$0x15940] =	vst v63  }
0x380: {  	s19 =	sadd.s32 $0xD140, s5  }
0x381: {  	[hbm4b:s14+s3] =	stream.linear.scatter [tilespmem:s19], [sflag:$0x3], $0x80, $0x38;
	[tilespmem:$0x15940] =	vst v63  }
0x382: {  	s21 =	sadd.s32 $0xD1C8, s5;
	s7 =	sadd.s32 $0x10, s14  }
0x383: {  	[hbm4b:s7+s3] =	stream.linear.scatter [tilespmem:s21], [sflag:$0x3], $0x80, $0x38;
	[tilespmem:$0x15940] =	vst v63  }
0x384: {  	s19 =	sadd.s32 $0xD250, s5;
	s21 =	sadd.s32 $0x20, s14  }
0x385: {  	[hbm4b:s21+s3] =	stream.linear.scatter [tilespmem:s19], [sflag:$0x3], $0x80, $0x38;
	[tilespmem:$0x15940] =	vst v63  }
0x386: {  	s19 =	sadd.s32 $0xD2D8, s5;
	s21 =	sadd.s32 $0x30, s14  }
0x387: {  	[hbm4b:s21+s3] =	stream.linear.scatter [tilespmem:s19], [sflag:$0x3], $0x80, $0x38;
	[tilespmem:$0x15940] =	vst v63  }
0x388: {  	s19 =	sadd.s32 $0xD360, s5;
	s21 =	sadd.s32 $0x40, s14  }
0x389: {  	[hbm4b:s21+s3] =	stream.linear.scatter [tilespmem:s19], [sflag:$0x3], $0x80, $0x38;
	[tilespmem:$0x15940] =	vst v63  }
0x38a: {  	s6 =	sor.u32 $0x1, s18;
	s19 =	sadd.s32 $0xD3E8, s5;
	s21 =	sadd.s32 $0x50, s14  }
0x38b: {  	[hbm4b:s21+s3] =	stream.linear.scatter [tilespmem:s19], [sflag:$0x3], $0x80, $0x38;
	[tilespmem:$0x15940] =	vst v63  }
0x38c: {  	s18 =	smulhi.u32 $0x4EC4EC4F, s6;
	s19 =	sadd.s32 $0xD470, s5;
	s21 =	sadd.s32 $0x60, s14  }
0x38d: {  	[hbm4b:s21+s3] =	stream.linear.scatter [tilespmem:s19], [sflag:$0x3], $0x80, $0x38;
	[tilespmem:$0x15940] =	vst v63  }
0x38e: {  	s19 =	sshrl.u32 s18, $0x2  }
0x38f: {  	s7 =	sadd.s32 $0xD4F8, s5;
	s14 =	sadd.s32 $0x70, s14;
	s21 =	smul.u32 $0xD, s19  }
0x390: {  	[hbm4b:s14+s3] =	stream.linear.scatter [tilespmem:s7], [sflag:$0x3], $0x80, $0x38;
	[tilespmem:$0x15940] =	vst v63  }
0x391: {  	s14 =	simm.s32 @!p0 $0x4  }
0x392: {  	s18 =	ssub.s32 s6, s21;
	_ =	swait.ge @!p0 [sflag:s14], $0x2000  }
0x393: {  	[sflag:s14] =	ssyncset.done @!p0 $0x0;
	s6 =	sshll.u32 s18, $0x6  }
0x394: {  	[sflag:s14] =	ssyncadd.s32 @!p0 $0xFFFFE000;
	s6 =	sand.u32 $0x3FFFFFC0, s6  }
0x395: {  	v16 =	vld [tilespmem:s6+$0x4E00]  }
0x396: {  	v17 =	vld [tilespmem:s6+$0x4E10];
	_ =	sdelay $0x3  }
0x397: {  	v14 =	vbroadcast v16, $0x0;
	v15 =	vbroadcast v16, $0x1  }
0x398: {  	v13 =	vbroadcast v16, $0x2;
	v18 =	vbroadcast v17, $0x6  }
0x399: {  	v12 =	vbroadcast v16, $0x3;
	v11 =	vbroadcast v16, $0x4  }
0x39a: {  	v9 =	vbroadcast v16, $0x5;
	[tilespmem:$0x1FAA0] =	vst v18;
	v18 =	vbroadcast v17, $0x7  }
0x39b: {  	v10 =	vbroadcast v16, $0x6;
	v8 =	vbroadcast v16, $0x7  }
0x39c: {  	v63 =	vbroadcast v16, $0x8;
	[tilespmem:$0x1FAB0] =	vst v18;
	v18 =	vbroadcast v17, $0x8  }
0x39d: {  	v62 =	vbroadcast v16, $0x9;
	v61 =	vbroadcast v16, $0xA  }
0x39e: {  	v60 =	vbroadcast v16, $0xB;
	[tilespmem:$0x1FAC0] =	vst v18;
	v18 =	vbroadcast v17, $0x9  }
0x39f: {  	v59 =	vbroadcast v16, $0xC;
	v58 =	vbroadcast v16, $0xD  }
0x3a0: {  	v57 =	vbroadcast v16, $0xE;
	[tilespmem:$0x1FAD0] =	vst v18;
	v18 =	vbroadcast v17, $0xA  }
0x3a1: {  	v56 =	vbroadcast v16, $0xF;
	v16 =	vbroadcast v17, $0x4  }
0x3a2: {  	[tilespmem:$0x1FAE0] =	vst v18;
	v18 =	vbroadcast v17, $0xB  }
0x3a3: {  	[tilespmem:$0x1FA80] =	vst v16;
	v16 =	vbroadcast v17, $0x5  }
0x3a4: {  	[tilespmem:$0x1FAF0] =	vst v18;
	v18 =	vbroadcast v17, $0xC  }
0x3a5: {  	[tilespmem:$0x1FA90] =	vst v16;
	v16 =	vld [tilespmem:s6+$0x4E20]  }
0x3a6: {  	[tilespmem:$0x1FB00] =	vst v18;
	v18 =	vbroadcast v17, $0xD  }
0x3a7: {  	v55 =	vbroadcast v17, $0x0;
	v54 =	vbroadcast v17, $0x1  }
0x3a8: {  	v53 =	vbroadcast v17, $0x2;
	[tilespmem:$0x1FB10] =	vst v18;
	v18 =	vbroadcast v17, $0xE  }
0x3a9: {  	v52 =	vbroadcast v17, $0x3;
	v17 =	vbroadcast v17, $0xF  }
0x3aa: {  	[tilespmem:$0x1FB20] =	vst v18;
	v18 =	vbroadcast v16, $0x6  }
0x3ab: {  	[tilespmem:$0x1FB30] =	vst v17;
	v17 =	vbroadcast v16, $0x0  }
0x3ac: {  	[tilespmem:$0x1FBA0] =	vst v18;
	v18 =	vbroadcast v16, $0x7  }
0x3ad: {  	[tilespmem:$0x1FB40] =	vst v17;
	v17 =	vbroadcast v16, $0x1  }
0x3ae: {  	[tilespmem:$0x1FBB0] =	vst v18;
	v18 =	vbroadcast v16, $0x8  }
0x3af: {  	[tilespmem:$0x1FB50] =	vst v17;
	v17 =	vbroadcast v16, $0x2  }
0x3b0: {  	[tilespmem:$0x1FBC0] =	vst v18;
	v18 =	vbroadcast v16, $0x9  }
0x3b1: {  	[tilespmem:$0x1FB60] =	vst v17;
	v17 =	vbroadcast v16, $0x3  }
0x3b2: {  	[tilespmem:$0x1FBD0] =	vst v18;
	v18 =	vbroadcast v16, $0xA  }
0x3b3: {  	[tilespmem:$0x1FB70] =	vst v17;
	v17 =	vbroadcast v16, $0x4  }
0x3b4: {  	[tilespmem:$0x1FBE0] =	vst v18;
	v18 =	vbroadcast v16, $0xB  }
0x3b5: {  	[tilespmem:$0x1FB80] =	vst v17;
	v17 =	vbroadcast v16, $0x5  }
0x3b6: {  	[tilespmem:$0x1FBF0] =	vst v18;
	v18 =	vbroadcast v16, $0xC  }
0x3b7: {  	[tilespmem:$0x1FB90] =	vst v17;
	v17 =	vld [tilespmem:s6+$0x4E30]  }
0x3b8: {  	[tilespmem:$0x1FC00] =	vst v18;
	v18 =	vbroadcast v16, $0xD;
	_ =	sdelay $0x1  }
0x3b9: {  	[tilespmem:$0x1FC10] =	vst v18;
	v18 =	vbroadcast v16, $0xE;
	v16 =	vbroadcast v16, $0xF;
	_ =	sdelay $0x1  }
0x3ba: {  	[tilespmem:$0x1FC30] =	vst v16;
	v16 =	vbroadcast v17, $0x0;
	_ =	sdelay $0x1  }
0x3bb: {  	[tilespmem:$0x1FC40] =	vst v16;
	v16 =	vbroadcast v17, $0x1;
	_ =	sdelay $0x1  }
0x3bc: {  	[tilespmem:$0x1FC50] =	vst v16;
	v16 =	vbroadcast v17, $0x2;
	_ =	sdelay $0x1  }
0x3bd: {  	[tilespmem:$0x1FC60] =	vst v16;
	v16 =	vbroadcast v17, $0x3;
	_ =	sdelay $0x1  }
0x3be: {  	[tilespmem:$0x1FC70] =	vst v16;
	v16 =	vbroadcast v17, $0x4;
	_ =	sdelay $0x1  }
0x3bf: {  	[tilespmem:$0x1FC80] =	vst v16;
	v16 =	vbroadcast v17, $0x5;
	_ =	sdelay $0x1  }
0x3c0: {  	[tilespmem:$0x1FC90] =	vst v16;
	v16 =	vbroadcast v17, $0x6;
	_ =	sdelay $0x1  }
0x3c1: {  	[tilespmem:$0x1FCA0] =	vst v16;
	v16 =	vbroadcast v17, $0x7;
	_ =	sdelay $0x1  }
0x3c2: {  	[tilespmem:$0x1FCB0] =	vst v16;
	v16 =	vbroadcast v17, $0x8;
	_ =	sdelay $0x1  }
0x3c3: {  	[tilespmem:$0x1FCC0] =	vst v16;
	v16 =	vbroadcast v17, $0x9;
	_ =	sdelay $0x1  }
0x3c4: {  	[tilespmem:$0x1FCD0] =	vst v16;
	v16 =	vbroadcast v17, $0xA;
	_ =	sdelay $0x1  }
0x3c5: {  	[tilespmem:$0x1FCE0] =	vst v16;
	v16 =	vbroadcast v17, $0xB;
	_ =	sdelay $0x1  }
0x3c6: {  	[tilespmem:$0x1FCF0] =	vst v16;
	v16 =	vbroadcast v17, $0xC;
	_ =	sdelay $0x1  }
0x3c7: {  	[tilespmem:$0x1FD00] =	vst v16;
	v16 =	vbroadcast v17, $0xD;
	_ =	sdelay $0x1  }
0x3c8: {  	[tilespmem:$0x1FD10] =	vst v16;
	v16 =	vbroadcast v17, $0xE;
	_ =	sdelay $0x1  }
0x3c9: {  	[tilespmem:$0x1FD20] =	vst v16;
	v16 =	vbroadcast v17, $0xF;
	_ =	sdelay $0x1  }
0x3ca: {  	[tilespmem:$0x1FD30] =	vst v16;
	v16 =	vmov s17;
	_ =	sdelay $0x3  }
0x3cb: {  	s5 =	simm.s32 $0x40;
	s19 =	sadd.s32 s8, s19;
	s14 =	simm.s32 $0x0;
	[tilespmem:$0x1FC20] =	vst v18  }
.LBB2_22:
0x3cc: {  	v17 =	vld.idx.msk [tilespmem:v16+s14+$0x0 ss:$0x1], $0xffff;
	_ =	sdelay $0x4  }
0x3cd: {  	v18 =	vmul.f32 v17, v14  }
0x3ce: {  	v19 =	vmul.f32 v17, v15  }
0x3cf: {  	v20 =	vmul.f32 v17, v13;
	[tilespmem:s14+$0x11540] =	vst v18  }
0x3d0: {  	v21 =	vmul.f32 v17, v12;
	[tilespmem:s14+$0x115C8] =	vst v19  }
0x3d1: {  	v22 =	vmul.f32 v17, v9;
	[tilespmem:s14+$0x11650] =	vst v20  }
0x3d2: {  	v23 =	vmul.f32 v17, v8;
	[tilespmem:s14+$0x116D8] =	vst v21  }
0x3d3: {  	v48 =	vmul.f32 v17, v63;
	[tilespmem:s14+$0x117E8] =	vst v22  }
0x3d4: {  	v24 =	vmul.f32 v17, v62;
	[tilespmem:s14+$0x118F8] =	vst v23  }
0x3d5: {  	v49 =	vmul.f32 v17, v61;
	[tilespmem:s14+$0x11980] =	vst v48  }
0x3d6: {  	v25 =	vmul.f32 v17, v60;
	[tilespmem:s14+$0x11A08] =	vst v24  }
0x3d7: {  	v26 =	vmul.f32 v17, v58;
	[tilespmem:s14+$0x11A90] =	vst v49  }
0x3d8: {  	v30 =	vld [tilespmem:$0x1FA90];
	v50 =	vmul.f32 v17, v57;
	[tilespmem:s14+$0x11B18] =	vst v25  }
0x3d9: {  	v31 =	vld [tilespmem:$0x1FAB0];
	v27 =	vmul.f32 v17, v56;
	[tilespmem:s14+$0x11C28] =	vst v26  }
0x3da: {  	v32 =	vld [tilespmem:$0x1FAD0];
	v28 =	vmul.f32 v17, v54;
	[tilespmem:s14+$0x11CB0] =	vst v50  }
0x3db: {  	v51 =	vmul.f32 v17, v53;
	[tilespmem:s14+$0x11D38] =	vst v27  }
0x3dc: {  	v29 =	vmul.f32 v17, v52;
	[tilespmem:s14+$0x11E48] =	vst v28  }
0x3dd: {  	v33 =	vld [tilespmem:$0x1FA80];
	v30 =	vmul.f32 v17, v30;
	[tilespmem:s14+$0x11ED0] =	vst v51  }
0x3de: {  	v34 =	vld [tilespmem:$0x1FAA0];
	v31 =	vmul.f32 v17, v31;
	[tilespmem:s14+$0x11F58] =	vst v29  }
0x3df: {  	v35 =	vld [tilespmem:$0x1FAC0];
	v32 =	vmul.f32 v17, v32;
	[tilespmem:s14+$0x12068] =	vst v30  }
0x3e0: {  	v36 =	vld [tilespmem:$0x1FAE0];
	v18 =	vmul.f32 v17, v11;
	[tilespmem:s14+$0x12178] =	vst v31  }
0x3e1: {  	v37 =	vld [tilespmem:$0x1FB20];
	v19 =	vmul.f32 v17, v10;
	[tilespmem:s14+$0x12288] =	vst v32  }
0x3e2: {  	v38 =	vld [tilespmem:$0x1FB40];
	v20 =	vmul.f32 v17, v33;
	[tilespmem:s14+$0x11760] =	vst v18  }
0x3e3: {  	v39 =	vld [tilespmem:$0x1FB60];
	v24 =	vmul.f32 v17, v34;
	[tilespmem:s14+$0x11870] =	vst v19  }
0x3e4: {  	v40 =	vld [tilespmem:$0x1FBA0];
	v21 =	vmul.f32 v17, v35;
	[tilespmem:s14+$0x11FE0] =	vst v20  }
0x3e5: {  	v41 =	vld [tilespmem:$0x1FBC0];
	v25 =	vmul.f32 v17, v36;
	[tilespmem:s14+$0x120F0] =	vst v24  }
0x3e6: {  	v42 =	vld [tilespmem:$0x1FBE0];
	v26 =	vmul.f32 v17, v37;
	[tilespmem:s14+$0x12200] =	vst v21  }
0x3e7: {  	v44 =	vld [tilespmem:$0x1FC20];
	v22 =	vmul.f32 v17, v38;
	[tilespmem:s14+$0x12310] =	vst v25  }
0x3e8: {  	v46 =	vld [tilespmem:$0x1FC60];
	v27 =	vmul.f32 v17, v39;
	[tilespmem:s14+$0x12530] =	vst v26  }
0x3e9: {  	v28 =	vmul.f32 v17, v40;
	[tilespmem:s14+$0x12640] =	vst v22  }
0x3ea: {  	v23 =	vmul.f32 v17, v41;
	[tilespmem:s14+$0x12750] =	vst v27  }
0x3eb: {  	v43 =	vld [tilespmem:$0x1FC00];
	v29 =	vmul.f32 v17, v42;
	[tilespmem:s14+$0x12970] =	vst v28  }
0x3ec: {  	v45 =	vld [tilespmem:$0x1FC40];
	v30 =	vmul.f32 v17, v44;
	[tilespmem:s14+$0x12A80] =	vst v23  }
0x3ed: {  	v47 =	vld [tilespmem:$0x1FC80];
	v31 =	vmul.f32 v17, v46;
	[tilespmem:s14+$0x12B90] =	vst v29  }
0x3ee: {  	v33 =	vld [tilespmem:$0x1FAF0];
	v18 =	vmul.f32 v17, v59;
	[tilespmem:s14+$0x12DB0] =	vst v30  }
0x3ef: {  	v34 =	vld [tilespmem:$0x1FB10];
	v19 =	vmul.f32 v17, v55;
	[tilespmem:s14+$0x12FD0] =	vst v31  }
0x3f0: {  	v35 =	vld [tilespmem:$0x1FB30];
	v20 =	vmul.f32 v17, v43;
	[tilespmem:s14+$0x11BA0] =	vst v18  }
0x3f1: {  	v36 =	vld [tilespmem:$0x1FB50];
	v24 =	vmul.f32 v17, v45;
	[tilespmem:s14+$0x11DC0] =	vst v19  }
0x3f2: {  	v37 =	vld [tilespmem:$0x1FB70];
	v21 =	vmul.f32 v17, v47;
	[tilespmem:s14+$0x12CA0] =	vst v20  }
0x3f3: {  	v38 =	vld [tilespmem:$0x1FB90];
	[tilespmem:s14+$0x12EC0] =	vst v24;
	v33 =	vmul.f32 v17, v33  }
0x3f4: {  	v39 =	vld [tilespmem:$0x1FBB0];
	[tilespmem:s14+$0x130E0] =	vst v21;
	v34 =	vmul.f32 v17, v34  }
0x3f5: {  	v40 =	vld [tilespmem:$0x1FBD0];
	v35 =	vmul.f32 v17, v35;
	[tilespmem:s14+$0x12398] =	vst v33  }
0x3f6: {  	v41 =	vld [tilespmem:$0x1FBF0];
	v36 =	vmul.f32 v17, v36;
	[tilespmem:s14+$0x124A8] =	vst v34  }
0x3f7: {  	v42 =	vld [tilespmem:$0x1FC10];
	v37 =	vmul.f32 v17, v37;
	[tilespmem:s14+$0x125B8] =	vst v35  }
0x3f8: {  	v44 =	vld [tilespmem:$0x1FC50];
	v38 =	vmul.f32 v17, v38;
	[tilespmem:s14+$0x126C8] =	vst v36  }
0x3f9: {  	v46 =	vld [tilespmem:$0x1FC90];
	v39 =	vmul.f32 v17, v39;
	[tilespmem:s14+$0x127D8] =	vst v37  }
0x3fa: {  	v48 =	vld [tilespmem:$0x1FCA0];
	v40 =	vmul.f32 v17, v40;
	[tilespmem:s14+$0x128E8] =	vst v38  }
0x3fb: {  	v49 =	vld [tilespmem:$0x1FCC0];
	v41 =	vmul.f32 v17, v41;
	[tilespmem:s14+$0x129F8] =	vst v39  }
0x3fc: {  	v43 =	vld [tilespmem:$0x1FC30];
	v42 =	vmul.f32 v17, v42;
	[tilespmem:s14+$0x12B08] =	vst v40  }
0x3fd: {  	v45 =	vld [tilespmem:$0x1FC70];
	v44 =	vmul.f32 v17, v44;
	[tilespmem:s14+$0x12C18] =	vst v41  }
0x3fe: {  	v47 =	vld [tilespmem:$0x1FCB0];
	v46 =	vmul.f32 v17, v46;
	[tilespmem:s14+$0x12D28] =	vst v42  }
0x3ff: {  	v18 =	vld [tilespmem:$0x1FB00];
	v32 =	vmul.f32 v17, v48;
	[tilespmem:s14+$0x12F48] =	vst v44  }
0x400: {  	v50 =	vld [tilespmem:$0x1FCE0];
	v25 =	vmul.f32 v17, v49;
	[tilespmem:s14+$0x13168] =	vst v46  }
0x401: {  	v51 =	vld [tilespmem:$0x1FD20];
	v43 =	vmul.f32 v17, v43;
	[tilespmem:s14+$0x131F0] =	vst v32  }
0x402: {  	v19 =	vld [tilespmem:$0x1FB80];
	v45 =	vmul.f32 v17, v45;
	[tilespmem:s14+$0x13300] =	vst v25  }
0x403: {  	v48 =	vld [tilespmem:$0x1FCD0];
	v47 =	vmul.f32 v17, v47;
	[tilespmem:s14+$0x12E38] =	vst v43  }
0x404: {  	v49 =	vld [tilespmem:$0x1FCF0];
	v18 =	vmul.f32 v17, v18;
	[tilespmem:s14+$0x13058] =	vst v45  }
0x405: {  	v33 =	vmul.f32 v17, v50;
	v50 =	vld [tilespmem:$0x1FD10];
	[tilespmem:s14+$0x13278] =	vst v47  }
0x406: {  	v34 =	vmul.f32 v17, v51;
	[tilespmem:s14+$0x12420] =	vst v18;
	v18 =	vld [tilespmem:$0x1FD00]  }
0x407: {  	v51 =	vld [tilespmem:$0x1FD30];
	v19 =	vmul.f32 v17, v19;
	[tilespmem:s14+$0x13410] =	vst v33  }
0x408: {  	[tilespmem:s14+$0x13630] =	vst v34;
	v48 =	vmul.f32 v17, v48  }
0x409: {  	p0 =	sne.s32 s5, $0x1C0;
	v49 =	vmul.f32 v17, v49;
	[tilespmem:s14+$0x12860] =	vst v19  }
.Ltmp10:
0x40a: {  	v50 =	vmul.f32 v17, v50;
	[tilespmem:s14+$0x13388] =	vst v48;
	(pc) =	sbr.rel @p0 .LBB2_22-.Ltmp10, $4  }
0x40b: {  	[tilespmem:s14+$0x13498] =	vst v49;
	v18 =	vmul.f32 v17, v18  }
0x40c: {  	[tilespmem:s14+$0x135A8] =	vst v50;
	v17 =	vmul.f32 v17, v51  }
0x40d: {  	[tilespmem:s14+$0x13520] =	vst v18  }
0x40e: {  	[tilespmem:s14+$0x136B8] =	vst v17;
	s14 =	sshra.s32 s5, $0x2;
	s5 =	sadd.s32 $0x40, s5  }
0x40f: {  	_ =	sdelay $0x3  }
0x410: {  	v16 =	vld.idx.msk [tilespmem:v16+s14+$0x0 ss:$0x1], $0xffff;
	_ =	sdelay $0x4  }
0x411: {  	v8 =	vmul.f32 v16, v8;
	_ =	sdelay $0x1  }
0x412: {  	[tilespmem:s14+$0x118F8] =	vst v8;
	v8 =	vmul.f32 v16, v62;
	_ =	sdelay $0x1  }
0x413: {  	[tilespmem:s14+$0x11A08] =	vst v8;
	v8 =	vmul.f32 v16, v60;
	_ =	sdelay $0x1  }
0x414: {  	[tilespmem:s14+$0x11B18] =	vst v8;
	v8 =	vmul.f32 v16, v58;
	_ =	sdelay $0x1  }
0x415: {  	[tilespmem:s14+$0x11C28] =	vst v8;
	v8 =	vmul.f32 v16, v56;
	_ =	sdelay $0x1  }
0x416: {  	[tilespmem:s14+$0x11D38] =	vst v8;
	v8 =	vmul.f32 v16, v54;
	_ =	sdelay $0x1  }
0x417: {  	[tilespmem:s14+$0x11E48] =	vst v8;
	v8 =	vmul.f32 v16, v52;
	_ =	sdelay $0x1  }
0x418: {  	[tilespmem:s14+$0x11F58] =	vst v8;
	v8 =	vld [tilespmem:$0x1FA90];
	_ =	sdelay $0x4  }
0x419: {  	v8 =	vmul.f32 v16, v8;
	_ =	sdelay $0x1  }
0x41a: {  	[tilespmem:s14+$0x12068] =	vst v8;
	v8 =	vld [tilespmem:$0x1FAB0];
	_ =	sdelay $0x4  }
0x41b: {  	v8 =	vmul.f32 v16, v8;
	_ =	sdelay $0x1  }
0x41c: {  	[tilespmem:s14+$0x12178] =	vst v8;
	v8 =	vld [tilespmem:$0x1FAD0];
	_ =	sdelay $0x4  }
0x41d: {  	v8 =	vmul.f32 v16, v8;
	_ =	sdelay $0x1  }
0x41e: {  	[tilespmem:s14+$0x12288] =	vst v8;
	v8 =	vld [tilespmem:$0x1FAF0];
	_ =	sdelay $0x4  }
0x41f: {  	v8 =	vmul.f32 v16, v8;
	_ =	sdelay $0x1  }
0x420: {  	[tilespmem:s14+$0x12398] =	vst v8;
	v8 =	vld [tilespmem:$0x1FB10];
	_ =	sdelay $0x4  }
0x421: {  	v8 =	vmul.f32 v16, v8;
	_ =	sdelay $0x1  }
0x422: {  	[tilespmem:s14+$0x124A8] =	vst v8;
	v8 =	vld [tilespmem:$0x1FB30];
	_ =	sdelay $0x4  }
0x423: {  	v8 =	vmul.f32 v16, v8;
	_ =	sdelay $0x1  }
0x424: {  	[tilespmem:s14+$0x125B8] =	vst v8;
	v8 =	vld [tilespmem:$0x1FB50];
	_ =	sdelay $0x4  }
0x425: {  	v8 =	vmul.f32 v16, v8;
	_ =	sdelay $0x1  }
0x426: {  	[tilespmem:s14+$0x126C8] =	vst v8;
	v8 =	vld [tilespmem:$0x1FB70];
	_ =	sdelay $0x4  }
0x427: {  	v8 =	vmul.f32 v16, v8;
	_ =	sdelay $0x1  }
0x428: {  	[tilespmem:s14+$0x127D8] =	vst v8;
	v8 =	vld [tilespmem:$0x1FB90];
	_ =	sdelay $0x4  }
0x429: {  	v8 =	vmul.f32 v16, v8;
	_ =	sdelay $0x1  }
0x42a: {  	[tilespmem:s14+$0x128E8] =	vst v8;
	v8 =	vld [tilespmem:$0x1FBB0];
	_ =	sdelay $0x4  }
0x42b: {  	v8 =	vmul.f32 v16, v8;
	_ =	sdelay $0x1  }
0x42c: {  	[tilespmem:s14+$0x129F8] =	vst v8;
	v8 =	vld [tilespmem:$0x1FBD0];
	_ =	sdelay $0x4  }
0x42d: {  	v8 =	vmul.f32 v16, v8;
	_ =	sdelay $0x1  }
0x42e: {  	[tilespmem:s14+$0x12B08] =	vst v8;
	v8 =	vld [tilespmem:$0x1FBF0];
	_ =	sdelay $0x4  }
0x42f: {  	v8 =	vmul.f32 v16, v8;
	_ =	sdelay $0x1  }
0x430: {  	[tilespmem:s14+$0x12C18] =	vst v8;
	v8 =	vld [tilespmem:$0x1FC10];
	_ =	sdelay $0x4  }
0x431: {  	v8 =	vmul.f32 v16, v8  }
0x432: {  	v41 =	vld [tilespmem:$0x1FA80]  }
0x433: {  	[tilespmem:s14+$0x12D28] =	vst v8;
	v8 =	vld [tilespmem:$0x1FC30];
	_ =	sdelay $0x1  }
0x434: {  	v42 =	vld [tilespmem:$0x1FAA0];
	v9 =	vmul.f32 v16, v9;
	_ =	sdelay $0x1  }
0x435: {  	v43 =	vld [tilespmem:$0x1FAC0];
	[tilespmem:s14+$0x117E8] =	vst v9;
	v9 =	vmul.f32 v16, v41  }
0x436: {  	v8 =	vmul.f32 v16, v8  }
0x437: {  	v44 =	vld [tilespmem:$0x1FAE0];
	[tilespmem:s14+$0x11FE0] =	vst v9  }
0x438: {  	v9 =	vmul.f32 v16, v42;
	[tilespmem:s14+$0x12E38] =	vst v8;
	v8 =	vld [tilespmem:$0x1FC50];
	_ =	sdelay $0x1  }
0x439: {  	v45 =	vld [tilespmem:$0x1FB00];
	[tilespmem:s14+$0x120F0] =	vst v9;
	v9 =	vmul.f32 v16, v43;
	_ =	sdelay $0x1  }
0x43a: {  	v46 =	vld [tilespmem:$0x1FB20];
	[tilespmem:s14+$0x12200] =	vst v9;
	v9 =	vmul.f32 v16, v44  }
0x43b: {  	v8 =	vmul.f32 v16, v8  }
0x43c: {  	v47 =	vld [tilespmem:$0x1FB40];
	[tilespmem:s14+$0x12310] =	vst v9  }
0x43d: {  	v9 =	vmul.f32 v16, v45;
	[tilespmem:s14+$0x12F48] =	vst v8;
	v8 =	vld [tilespmem:$0x1FC70];
	_ =	sdelay $0x1  }
0x43e: {  	v48 =	vld [tilespmem:$0x1FB60];
	[tilespmem:s14+$0x12420] =	vst v9;
	v9 =	vmul.f32 v16, v46;
	_ =	sdelay $0x1  }
0x43f: {  	v49 =	vld [tilespmem:$0x1FB80];
	[tilespmem:s14+$0x12530] =	vst v9;
	v9 =	vmul.f32 v16, v47  }
0x440: {  	v8 =	vmul.f32 v16, v8  }
0x441: {  	v50 =	vld [tilespmem:$0x1FBA0];
	[tilespmem:s14+$0x12640] =	vst v9  }
0x442: {  	v9 =	vmul.f32 v16, v48;
	[tilespmem:s14+$0x13058] =	vst v8;
	v8 =	vld [tilespmem:$0x1FC90];
	_ =	sdelay $0x1  }
0x443: {  	v51 =	vld [tilespmem:$0x1FBC0];
	[tilespmem:s14+$0x12750] =	vst v9;
	v9 =	vmul.f32 v16, v49  }
0x444: {  	v14 =	vmul.f32 v16, v14  }
0x445: {  	v52 =	vld [tilespmem:$0x1FBE0];
	[tilespmem:s14+$0x12860] =	vst v9;
	v9 =	vmul.f32 v16, v50  }
0x446: {  	[tilespmem:s14+$0x11540] =	vst v14;
	v8 =	vmul.f32 v16, v8  }
0x447: {  	v15 =	vmul.f32 v16, v15;
	v40 =	vmul.f32 v16, v53;
	v53 =	vld [tilespmem:$0x1FC00];
	[tilespmem:s14+$0x12970] =	vst v9  }
0x448: {  	v9 =	vmul.f32 v16, v51;
	[tilespmem:s14+$0x13168] =	vst v8;
	v8 =	vld [tilespmem:$0x1FCB0]  }
0x449: {  	v13 =	vmul.f32 v16, v13;
	[tilespmem:s14+$0x115C8] =	vst v15  }
0x44a: {  	v54 =	vld [tilespmem:$0x1FC20];
	[tilespmem:s14+$0x12A80] =	vst v9;
	v9 =	vmul.f32 v16, v52  }
0x44b: {  	v12 =	vmul.f32 v16, v12;
	[tilespmem:s14+$0x11650] =	vst v13  }
0x44c: {  	v39 =	vmul.f32 v16, v55;
	v55 =	vld [tilespmem:$0x1FC40];
	[tilespmem:s14+$0x12B90] =	vst v9;
	v9 =	vmul.f32 v16, v53  }
0x44d: {  	[tilespmem:s14+$0x116D8] =	vst v12;
	v8 =	vmul.f32 v16, v8  }
0x44e: {  	v11 =	vmul.f32 v16, v11;
	v56 =	vld [tilespmem:$0x1FC60];
	[tilespmem:s14+$0x12CA0] =	vst v9  }
0x44f: {  	v9 =	vmul.f32 v16, v54;
	[tilespmem:s14+$0x13278] =	vst v8;
	v8 =	vld [tilespmem:$0x1FCD0]  }
0x450: {  	v10 =	vmul.f32 v16, v10;
	[tilespmem:s14+$0x11760] =	vst v11  }
0x451: {  	v38 =	vmul.f32 v16, v57;
	v57 =	vld [tilespmem:$0x1FC80];
	[tilespmem:s14+$0x12DB0] =	vst v9;
	v9 =	vmul.f32 v16, v55  }
0x452: {  	v35 =	vmul.f32 v16, v63;
	[tilespmem:s14+$0x11870] =	vst v10  }
0x453: {  	v58 =	vld [tilespmem:$0x1FCA0];
	[tilespmem:s14+$0x12EC0] =	vst v9;
	v9 =	vmul.f32 v16, v56  }
0x454: {  	[tilespmem:s14+$0x11980] =	vst v35;
	v8 =	vmul.f32 v16, v8  }
0x455: {  	v36 =	vmul.f32 v16, v61;
	v37 =	vmul.f32 v16, v59;
	v59 =	vld [tilespmem:$0x1FCC0];
	[tilespmem:s14+$0x12FD0] =	vst v9  }
0x456: {  	v9 =	vmul.f32 v16, v57;
	[tilespmem:s14+$0x13388] =	vst v8;
	v8 =	vld [tilespmem:$0x1FCF0]  }
0x457: {  	[tilespmem:s14+$0x11A90] =	vst v36  }
0x458: {  	v60 =	vld [tilespmem:$0x1FCE0];
	[tilespmem:s14+$0x130E0] =	vst v9;
	v9 =	vmul.f32 v16, v58  }
0x459: {  	[tilespmem:s14+$0x11BA0] =	vst v37  }
0x45a: {  	v61 =	vld [tilespmem:$0x1FD00];
	[tilespmem:s14+$0x131F0] =	vst v9;
	v9 =	vmul.f32 v16, v59  }
0x45b: {  	v63 =	vld [tilespmem:$0x1FD30];
	[tilespmem:s14+$0x11CB0] =	vst v38;
	v8 =	vmul.f32 v16, v8  }
0x45c: {  	v62 =	vld [tilespmem:$0x1FD20];
	[tilespmem:s14+$0x13300] =	vst v9  }
0x45d: {  	v9 =	vmul.f32 v16, v60;
	[tilespmem:s14+$0x13498] =	vst v8;
	v8 =	vld [tilespmem:$0x1FD10]  }
0x45e: {  	[tilespmem:s14+$0x11DC0] =	vst v39  }
0x45f: {  	[tilespmem:s14+$0x13410] =	vst v9;
	v9 =	vmul.f32 v16, v61  }
0x460: {  	[tilespmem:s14+$0x11ED0] =	vst v40;
	v10 =	vmul.f32 v16, v63  }
0x461: {  	[tilespmem:s14+$0x13520] =	vst v9;
	v9 =	vmul.f32 v16, v62  }
0x462: {  	s5 =	sshll.u32 s18, $0x11;
	[tilespmem:s14+$0x136B8] =	vst v10;
	v8 =	vmul.f32 v16, v8  }
0x463: {  	s6 =	sshll.u32 s19, $0x7;
	s5 =	sadd.s32 s5, s9;
	[tilespmem:s14+$0x13630] =	vst v9  }
0x464: {  	s7 =	sadd.s32 s6, s5;
	s6 =	simm.s32 $0x11540;
	[tilespmem:s14+$0x135A8] =	vst v8  }
0x465: {  	[hbm4b:s7+s3] =	stream.linear.scatter [tilespmem:s6], [sflag:$0x4], $0x80, $0x38;
	[tilespmem:$0x15940] =	vst v63  }
0x466: {  	s14 =	simm.s32 $0x115C8;
	s6 =	sadd.s32 $0x10, s7  }
0x467: {  	[hbm4b:s6+s3] =	stream.linear.scatter [tilespmem:s14], [sflag:$0x4], $0x80, $0x38;
	[tilespmem:$0x15940] =	vst v63  }
0x468: {  	s17 =	simm.s32 $0x11650;
	s19 =	simm.s32 $0x116D8;
	s18 =	sadd.s32 $0x20, s7  }
0x469: {  	[hbm4b:s18+s3] =	stream.linear.scatter [tilespmem:s17], [sflag:$0x4], $0x80, $0x38;
	[tilespmem:$0x15940] =	vst v63  }
0x46a: {  	s5 =	simm.s32 $0x440;
	s21 =	sadd.s32 $0x30, s7;
	s6 =	simm.s32 $0x11760  }
0x46b: {  	[hbm4b:s21+s3] =	stream.linear.scatter [tilespmem:s19], [sflag:$0x4], $0x80, $0x38;
	[tilespmem:$0x15940] =	vst v63  }
0x46c: {  	s14 =	sadd.s32 $0x40, s7;
	s17 =	simm.s32 $0x117E8;
	s18 =	sadd.s32 $0x50, s7  }
0x46d: {  	[hbm4b:s14+s3] =	stream.linear.scatter [tilespmem:s6], [sflag:$0x4], $0x80, $0x38;
	[tilespmem:$0x15940] =	vst v63  }
0x46e: {  	s19 =	simm.s32 $0x11870;
	s21 =	sadd.s32 $0x60, s7;
	s6 =	sadd.s32 $0x70, s7  }
0x46f: {  	[hbm4b:s18+s3] =	stream.linear.scatter [tilespmem:s17], [sflag:$0x4], $0x80, $0x38;
	[tilespmem:$0x15940] =	vst v63  }
0x470: {  	s14 =	sadd.s32 $0x4000, s7;
	s17 =	simm.s32 $0x2200;
	s18 =	simm.s32 $0x118F8  }
0x471: {  	[hbm4b:s21+s3] =	stream.linear.scatter [tilespmem:s19], [sflag:$0x4], $0x80, $0x38;
	[tilespmem:$0x15940] =	vst v63  }
.LBB2_24:
0x472: {  	[hbm4b:s6+s3] =	stream.linear.scatter [tilespmem:s18], [sflag:$0x4], $0x80, $0x38;
	[tilespmem:$0x15940] =	vst v63  }
0x473: {  	s6 =	smov.u32 s5;
	s5 =	smov.u32 s17  }
0x474: {  	s7 =	sadd.s32 $0x1100, s17;
	s5 =	sshra.s32 s5, $0x2;
	s18 =	sadd.s32 $0x11540, s6  }
0x475: {  	[hbm4b:s14+s3] =	stream.linear.scatter [tilespmem:s18], [sflag:$0x4], $0x80, $0x38;
	[tilespmem:$0x15940] =	vst v63  }
0x476: {  	p0 =	sne.s32 s17, $0x7700;
	s17 =	sadd.s32 $0x115C8, s6;
	s18 =	sadd.s32 $0x10, s14  }
0x477: {  	[hbm4b:s18+s3] =	stream.linear.scatter [tilespmem:s17], [sflag:$0x4], $0x80, $0x38;
	[tilespmem:$0x15940] =	vst v63  }
0x478: {  	s17 =	sadd.s32 $0x11650, s6;
	s18 =	sadd.s32 $0x20, s14  }
0x479: {  	[hbm4b:s18+s3] =	stream.linear.scatter [tilespmem:s17], [sflag:$0x4], $0x80, $0x38;
	[tilespmem:$0x15940] =	vst v63  }
0x47a: {  	s17 =	sadd.s32 $0x116D8, s6;
	s18 =	sadd.s32 $0x30, s14  }
0x47b: {  	[hbm4b:s18+s3] =	stream.linear.scatter [tilespmem:s17], [sflag:$0x4], $0x80, $0x38;
	[tilespmem:$0x15940] =	vst v63  }
0x47c: {  	s17 =	sadd.s32 $0x11760, s6;
	s18 =	sadd.s32 $0x40, s14  }
0x47d: {  	[hbm4b:s18+s3] =	stream.linear.scatter [tilespmem:s17], [sflag:$0x4], $0x80, $0x38;
	[tilespmem:$0x15940] =	vst v63  }
0x47e: {  	s17 =	sadd.s32 $0x117E8, s6;
	s18 =	sadd.s32 $0x50, s14  }
0x47f: {  	[hbm4b:s18+s3] =	stream.linear.scatter [tilespmem:s17], [sflag:$0x4], $0x80, $0x38;
	[tilespmem:$0x15940] =	vst v63  }
.Ltmp11:
0x480: {  	_ = 	snop;
	(pc) =	sbr.rel @p0 .LBB2_24-.Ltmp11, $4  }
0x481: {  	s17 =	sadd.s32 $0x11870, s6;
	s18 =	sadd.s32 $0x60, s14  }
0x482: {  	[hbm4b:s18+s3] =	stream.linear.scatter [tilespmem:s17], [sflag:$0x4], $0x80, $0x38;
	[tilespmem:$0x15940] =	vst v63  }
0x483: {  	s18 =	sadd.s32 $0x118F8, s6  }
0x484: {  	s6 =	sadd.s32 $0x70, s14;
	s14 =	sadd.s32 $0x4000, s14;
	s17 =	smov.u32 s7  }
0x485: {  	[hbm4b:s6+s3] =	stream.linear.scatter [tilespmem:s18], [sflag:$0x4], $0x80, $0x38;
	[tilespmem:$0x15940] =	vst v63  }
0x486: {  	s19 =	sadd.s32 $0x11540, s5  }
0x487: {  	[hbm4b:s14+s3] =	stream.linear.scatter [tilespmem:s19], [sflag:$0x4], $0x80, $0x38;
	[tilespmem:$0x15940] =	vst v63  }
0x488: {  	s21 =	sadd.s32 $0x115C8, s5;
	s7 =	sadd.s32 $0x10, s14  }
0x489: {  	[hbm4b:s7+s3] =	stream.linear.scatter [tilespmem:s21], [sflag:$0x4], $0x80, $0x38;
	[tilespmem:$0x15940] =	vst v63  }
0x48a: {  	s17 =	sadd.s32 $0x11650, s5;
	s18 =	sadd.s32 $0x20, s14  }
0x48b: {  	[hbm4b:s18+s3] =	stream.linear.scatter [tilespmem:s17], [sflag:$0x4], $0x80, $0x38;
	[tilespmem:$0x15940] =	vst v63  }
0x48c: {  	s19 =	sadd.s32 $0x116D8, s5;
	s21 =	sadd.s32 $0x30, s14  }
0x48d: {  	[hbm4b:s21+s3] =	stream.linear.scatter [tilespmem:s19], [sflag:$0x4], $0x80, $0x38;
	[tilespmem:$0x15940] =	vst v63  }
0x48e: {  	s15 =	sadd.s32 $0x1, s15;
	s17 =	sadd.s32 $0x11760, s5;
	s18 =	sadd.s32 $0x40, s14  }
0x48f: {  	[hbm4b:s18+s3] =	stream.linear.scatter [tilespmem:s17], [sflag:$0x4], $0x80, $0x38;
	[tilespmem:$0x15940] =	vst v63  }
0x490: {  	p0 =	sne.s32 s15, $0x1A;
	s19 =	sadd.s32 $0x117E8, s5;
	s21 =	sadd.s32 $0x50, s14  }
0x491: {  	[hbm4b:s21+s3] =	stream.linear.scatter [tilespmem:s19], [sflag:$0x4], $0x80, $0x38;
	[tilespmem:$0x15940] =	vst v63  }
.Ltmp12:
0x492: {  	s1 =	sadd.s32 $0x400, s1;
	s31 =	sadd.s32 $0x2, s31;
	(pc) =	sbr.rel @p0 .LBB2_17-.Ltmp12, $4  }
0x493: {  	s0 =	sadd.s32 $0x400, s0;
	s17 =	sadd.s32 $0x11870, s5;
	s18 =	sadd.s32 $0x60, s14  }
0x494: {  	[hbm4b:s18+s3] =	stream.linear.scatter [tilespmem:s17], [sflag:$0x4], $0x80, $0x38;
	[tilespmem:$0x15940] =	vst v63  }
0x495: {  	s11 =	sadd.s32 $0x2, s11;
	s19 =	sadd.s32 $0x118F8, s5;
	s21 =	sadd.s32 $0x70, s14  }
0x496: {  	[hbm4b:s21+s3] =	stream.linear.scatter [tilespmem:s19], [sflag:$0x4], $0x80, $0x38;
	[tilespmem:$0x15940] =	vst v63  }
0x497: {  	s30 =	sadd.s32 $0x1, s30  }
0x498: {  	_ =	swait.ge [sflag:s28], $0x2000;
	p0 =	sne.s32 s30, s10  }
.Ltmp13:
0x499: {  	[sflag:s28] =	ssyncset.done $0x0;
	(pc) =	sbr.rel @p0 .LBB2_1-.Ltmp13, $4  }
0x49a: {  	[sflag:s28] =	ssyncadd.s32 $0xFFFFE000  }
0x49b: {  	_ =	swait.ge [sflag:s29], $0x2000  }
0x49c: {  	[sflag:s29] =	ssyncset.done $0x0  }
0x49d: {  	[sflag:s29] =	ssyncadd.s32 $0xFFFFE000  }
0x49e: {  	_ =	sfence.sel $0x180000  }
0x49f: {  	[bflag:$0x0] =	sbarrier.arrive $0xFFFF  }
0x4a0: {  	_ =	strace $0x90000047  }
0x4a1: {  	s0 =	stileid.u32;
	[bflag:$0x2] =	sbarrier.arrive $0xFFFF  }
0x4a2: {  	p0 =	sne.s32 s0, $0x0;
	s0 =	rddreg [dreg:$0x2]  }
0x4a3: {  	s0 =	sadd.s32 @!p0 $0x100000, s0  }
0x4a4: {  	[sflag:s0] =	ssyncadd.tile.s32 @!p0 $0x1;
	_ =	shalt  }
.Lfunc_end2:
_tile_overlayer_lowered:
.L_overlay_start_2:
0x4a5: {  	(tag) =	ssettag $0x2  }
0x4a6: {  	s0 =	rddreg [dreg:$0x0];
	s2 =	stileid.u32  }
0x4a7: {  	s1 =	rddreg [dreg:$0x1];
	p0 =	sne.s32 s2, $0x0  }
0x4a8: {  	s3 =	rddreg [dreg:$0x2];
	[bflag:$0x3] =	sbarrier.arrive $0xFFFF;
	s2 =	simm.s32 @!p0 $0x1C05  }
0x4a9: {  	[timem:s3], [sflag:s2] =	dma.local @!p0 [hbm:s0], s1  }
0x4aa: {  	s0 =	simm.s32 @!p0 $0x5  }
0x4ab: {  	_ =	swait.ge @!p0 [sflag:s0], s1  }
0x4ac: {  	s1 =	ssub.s32 @!p0 $0x0, s1;
	[sflag:s0] =	ssyncset.done @!p0 $0x0  }
0x4ad: {  	[sflag:s0] =	ssyncadd.s32 @!p0 s1  }
0x4ae: {  	[bflag:$0x3] =	sbarrier.arrive $0xFFFF  }
0x4af: {  	_ =	shalt  }

</sc_bundles>
